<compile_context>
chip_gen: v7x
topology: tpu7x:2x2x1
jax: 0.10.2.dev20260603
libtpu: 0.0.44.dev20260713+nightly
codegen_flags: <defaults>
</compile_context>

<pallas_src>
import functools

import jax
import jax.numpy as jnp
from jax import lax
from jax.experimental import pallas as pl
from jax.experimental.pallas import tpu as pltpu
from jax.experimental.pallas import tpu_sc as plsc

_VOCAB = 150528
_D = 1024
_B = 4
_S = 2048
_MASK_TOKEN = 150001
_BOS_TOKEN = 150004

_NC, _NS = 2, 16
_NW = _NC * _NS
_BS = _B * _S
_RPW = _BS // _NW
_CH = 16
_NBUF = 6
_NCHUNK = _RPW // _CH


_SPW = _S // _NW
_CHS = _CH // _B


def _sc_gather_body(table_hbm, idx_hbm, out_hbm, idx_v, rows_v,
                    sem0, sem1, sem2, sem3, sem4, sem5):
    wid = lax.axis_index("s") * _NC + lax.axis_index("c")
    base = wid * _RPW
    s_base = wid * _SPW
    pltpu.sync_copy(idx_hbm.at[pl.ds(base, _RPW)], idx_v)
    sems = (sem0, sem1, sem2, sem3, sem4, sem5)
    gat = [None] * _NBUF

    def start(c):
        gat[c % _NBUF] = pltpu.async_copy(
            table_hbm.at[idx_v.at[pl.ds(c * _CH, _CH)]],
            rows_v.at[c % _NBUF], sems[c % _NBUF])

    for c in range(_NBUF - 1):
        start(c)
    for c in range(_NCHUNK):
        nxt = c + _NBUF - 1
        if nxt < _NCHUNK:
            start(nxt)
        gat[c % _NBUF].wait()
        for k in range(_CHS):
            pltpu.sync_copy(rows_v.at[c % _NBUF, pl.ds(k * _B, _B)],
                            out_hbm.at[s_base + c * _CHS + k])


@functools.cache
def _sc_gather():
    return pl.kernel(
        _sc_gather_body,
        mesh=plsc.VectorSubcoreMesh(core_axis_name="c", subcore_axis_name="s"),
        out_type=jax.ShapeDtypeStruct((_S, _B, _D), jnp.float32),
        scratch_types=[
            pltpu.VMEM((_RPW,), jnp.int32),
            pltpu.VMEM((_NBUF, _CH, _D), jnp.float32),
            pltpu.SemaphoreType.DMA,
            pltpu.SemaphoreType.DMA,
            pltpu.SemaphoreType.DMA,
            pltpu.SemaphoreType.DMA,
            pltpu.SemaphoreType.DMA,
            pltpu.SemaphoreType.DMA,
        ],
    )


_TI = 512


def _mask_body(ids_ref, pos_ref, mask_ref):
    it = pl.program_id(1)
    ids2 = ids_ref[0]
    ar2 = lax.broadcasted_iota(jnp.int32, (1, _S), 1)
    ctx = jnp.min(jnp.where(ids2 == _BOS_TOKEN, ar2, _S))
    mpos = jnp.min(jnp.where(ids2 == _MASK_TOKEN, ar2, _S))
    i0 = it * _TI
    row1 = lax.broadcasted_iota(jnp.int32, (_TI, 1), 0) + (i0 + 1)
    t16 = jnp.maximum(row1, ctx).astype(jnp.int16)
    col = lax.broadcasted_iota(jnp.int16, (_TI, _S), 1)
    mask_ref[0, 0, :, :] = (col >= t16).astype(jnp.int8)
    pos = jnp.where(ar2 >= ctx, mpos, ar2)
    bpos = jnp.where(ar2 < ctx, 0, ar2 - ctx + 1)
    pos_ref[0, :, :] = jnp.concatenate([pos, bpos], axis=0)


def _mask_call(input_ids):
    return pl.pallas_call(
        _mask_body,
        grid=(_B, _S // _TI),
        in_specs=[pl.BlockSpec((1, 1, _S), lambda b, i: (b, 0, 0))],
        out_specs=[
            pl.BlockSpec((1, 2, _S), lambda b, i: (b, 0, 0)),
            pl.BlockSpec((1, 1, _TI, _S), lambda b, i: (b, 0, i, 0)),
        ],
        out_shape=[
            jax.ShapeDtypeStruct((_B, 2, _S), jnp.int32),
            jax.ShapeDtypeStruct((_B, 1, _S, _S), jnp.int8),
        ],
    )(input_ids.reshape(_B, 1, _S))


def kernel(input_ids, labels, weight):
    ids_flat = input_ids.T.reshape(-1)
    hidden_states = _sc_gather()(weight, ids_flat)
    position_ids, mask_i8 = _mask_call(input_ids)
    attention_mask = mask_i8.astype(jnp.bool_)
    return hidden_states, position_ids, attention_mask, labels

# --- scband reference (transcript-rebuilt; emitter-appended) ---
"""Pipeline reference for scband-embedding-pipe-layer-32452772889198 (READ-ONLY COPY).

The authoritative reference and input builder live on the scoring server;
editing this copy changes nothing except your own understanding.
"""

import jax, jax.numpy as jnp
import numpy as np

VOCAB = 150528
D = 1024
B = 4
S = 2048
MASK_TOKEN = 150001
BOS_TOKEN = 150004


def setup_inputs(seed: int = 0) -> dict:
    key = jax.random.key(seed)
    k1, k2, k3 = jax.random.split(key, 3)
    # random ids strictly below 150000 so the planted sentinels are the ONLY occurrences
    input_ids = jax.random.randint(k1, (B, S), 0, 150000, dtype=jnp.int32)
    # plant MASK (150001) followed by gMASK/BOS (150004) per row, mimicking ChatGLM prompts
    ctx = jnp.array([512, 700, 900, 1100], dtype=jnp.int32)
    rows = jnp.arange(B)
    input_ids = input_ids.at[rows, ctx - 1].set(MASK_TOKEN)
    input_ids = input_ids.at[rows, ctx].set(BOS_TOKEN)
    labels = jax.random.randint(k2, (B, S), 0, VOCAB, dtype=jnp.int32)
    weight = jax.random.normal(k3, (VOCAB, D), dtype=jnp.float32) * 0.02
    return {"input_ids": input_ids, "labels": labels, "weight": weight}


def reference(input_ids, labels, weight):
    Bsz, Slen = input_ids.shape
    # embedding lookup (word_embeddings)
    hidden_states = jnp.take(weight, input_ids, axis=0)  # [B, S, D]
    # context_lengths = first index of BOS token 150004 per row
    ctx = jnp.argmax((input_ids == BOS_TOKEN).astype(jnp.int32), axis=1)  # [B]
    # mask_positions = first index of MASK token 150001 per row
    mask_pos = jnp.argmax((input_ids == MASK_TOKEN).astype(jnp.int32), axis=1)  # [B]
    ar = jnp.arange(Slen)
    # get_masks: ones tril, then columns < context_length forced to 1, then invert (<0.5)
    tril = ar[None, :] <= ar[:, None]  # [S, S] lower-triangular True
    attn = tril[None, :, :] | (ar[None, None, :] < ctx[:, None, None])  # [B, S, S]
    attention_mask = (~attn)[:, None, :, :]  # [B, 1, S, S] bool
    # get_position_ids
    position_ids = jnp.where(ar[None, :] >= ctx[:, None], mask_pos[:, None], ar[None, :])  # [B, S]
    block_position_ids = jnp.where(ar[None, :] < ctx[:, None], 0, ar[None, :] - ctx[:, None] + 1)  # [B, S]
    position_ids = jnp.stack([position_ids, block_position_ids], axis=1)  # [B, 2, S]
    # transpose(0, 1) -> sequence-major
    hidden_states = jnp.transpose(hidden_states, (1, 0, 2))  # [S, B, D]
    return hidden_states, position_ids, attention_mask, labels

if __name__ == "__main__":
    import jax
    _d = setup_inputs()
    print(jax.jit(kernel)(*tuple(_d.values())))

</pallas_src>

<mosaic_0001>
#map = affine_map<(d0, d1) -> (0, 0)>
#map1 = affine_map<(d0, d1) -> (0)>
#map2 = affine_map<(d0, d1) -> (0, 0, 0)>
module attributes {stable_mosaic.version = 14 : i64} {
  func.func @_sc_gather_body(%arg0: i32, %arg1: i32, %arg2: memref<150528x1024xf32, #tpu.memory_space<hbm>>, %arg3: memref<8192xi32, #tpu.memory_space<hbm>>, %arg4: memref<2048x4x1024xf32, #tpu.memory_space<hbm>>, %arg5: memref<256xi32, #tpu.memory_space<vmem>>, %arg6: memref<6x16x1024xf32, #tpu.memory_space<vmem>>, %arg7: memref<!tpu.dma_semaphore, #tpu.memory_space<semaphore_mem>>, %arg8: memref<!tpu.dma_semaphore, #tpu.memory_space<semaphore_mem>>, %arg9: memref<!tpu.dma_semaphore, #tpu.memory_space<semaphore_mem>>, %arg10: memref<!tpu.dma_semaphore, #tpu.memory_space<semaphore_mem>>, %arg11: memref<!tpu.dma_semaphore, #tpu.memory_space<semaphore_mem>>, %arg12: memref<!tpu.dma_semaphore, #tpu.memory_space<semaphore_mem>>) attributes {dimension_semantics = [#tpu.dimension_semantics<core_parallel>, #tpu.dimension_semantics<subcore_parallel>], iteration_bounds = array<i64: 2, 16>, scalar_prefetch = 0 : i64, scratch_operands = 8 : i64, tpu.core_type = #tpu.core_type<sc_vector_subcore>, window_params = [{transform_indices = #map}, {transform_indices = #map1}, {transform_indices = #map2}]} {
    %mul3A = arith.constant 2 : i32
    %mul3A_0 = arith.muli %arg1, %mul3A : i32
    %add3A = arith.addi %mul3A_0, %arg0 : i32
    %mul3A_1 = arith.constant 256 : i32
    %mul3A_2 = arith.muli %add3A, %mul3A_1 : i32
    %mul3A_3 = arith.constant 64 : i32
    %mul3A_4 = arith.muli %add3A, %mul3A_3 : i32
    "tpu.region"() ({
      %run_scoped3A_642 = tpu.sem_alloc : memref<!tpu.dma_semaphore, #tpu.memory_space<semaphore_mem>>
      %dma_start3A_643 = tpu.memref_slice %arg3[%mul3A_2] : memref<8192xi32, #tpu.memory_space<hbm>> -> memref<256xi32, #tpu.memory_space<hbm>>
      %dma_start3A_644 = tpu.memref_slice %arg3[%mul3A_2] : memref<8192xi32, #tpu.memory_space<hbm>> -> memref<256xi32, #tpu.memory_space<hbm>>
      tpu.enqueue_dma source(%dma_start3A_644 : memref<256xi32, #tpu.memory_space<hbm>>) target(%arg5 : memref<256xi32, #tpu.memory_space<vmem>>) target_semaphore(%run_scoped3A_642 : memref<!tpu.dma_semaphore, #tpu.memory_space<semaphore_mem>>)
      %dma_wait3A_645 = tpu.memref_slice %arg3[%mul3A_2] : memref<8192xi32, #tpu.memory_space<hbm>> -> memref<256xi32, #tpu.memory_space<hbm>>
      %dma_wait3A_646 = tpu.memref_slice %arg3[%mul3A_2] : memref<8192xi32, #tpu.memory_space<hbm>> -> memref<256xi32, #tpu.memory_space<hbm>>
      tpu.wait_dma2 semaphore(%run_scoped3A_642 : memref<!tpu.dma_semaphore, #tpu.memory_space<semaphore_mem>>) src(%dma_wait3A_646 : memref<256xi32, #tpu.memory_space<hbm>>) dst(%arg5 : memref<256xi32, #tpu.memory_space<vmem>>)
      tpu.yield
    }) : () -> ()
    %dma_start3A = arith.constant 0 : i32
    %dma_start3A_5 = arith.constant 0 : i32
    %dma_start3A_6 = arith.constant 0 : i32
    %dma_start3A_7 = tpu.memref_slice %arg6[%dma_start3A, %dma_start3A_5, %dma_start3A_6] : memref<6x16x1024xf32, #tpu.memory_space<vmem>> -> memref<1x16x1024xf32, #tpu.memory_space<vmem>>
    %dma_start3A_8 = tpu.memref_squeeze %dma_start3A_7 : memref<1x16x1024xf32, #tpu.memory_space<vmem>> -> memref<16x1024xf32, #tpu.memory_space<vmem>>
    %dma_start3A_9 = arith.constant 0 : i32
    %dma_start3A_10 = tpu.memref_slice %arg5[%dma_start3A_9] : memref<256xi32, #tpu.memory_space<vmem>> -> memref<16xi32, #tpu.memory_space<vmem>>
    %dma_start3A_11 = arith.constant 0 : i32
    %dma_start3A_12 = arith.constant 0 : i32
    %dma_start3A_13 = tpu.memref_slice %arg2[%dma_start3A_11, %dma_start3A_12] : memref<150528x1024xf32, #tpu.memory_space<hbm>> -> memref<150528x1024xf32, #tpu.memory_space<hbm>>
    tpu.enqueue_indirect_dma source(%dma_start3A_13 : memref<150528x1024xf32, #tpu.memory_space<hbm>>) target(%dma_start3A_8 : memref<16x1024xf32, #tpu.memory_space<vmem>>) offsets(%dma_start3A_10 : memref<16xi32, #tpu.memory_space<vmem>>) semaphore(%arg7 : memref<!tpu.dma_semaphore, #tpu.memory_space<semaphore_mem>>)
    %dma_start3A_14 = arith.constant 1 : i32
    %dma_start3A_15 = arith.constant 0 : i32
    %dma_start3A_16 = arith.constant 0 : i32
    %dma_start3A_17 = tpu.memref_slice %arg6[%dma_start3A_14, %dma_start3A_15, %dma_start3A_16] : memref<6x16x1024xf32, #tpu.memory_space<vmem>> -> memref<1x16x1024xf32, #tpu.memory_space<vmem>>
    %dma_start3A_18 = tpu.memref_squeeze %dma_start3A_17 : memref<1x16x1024xf32, #tpu.memory_space<vmem>> -> memref<16x1024xf32, #tpu.memory_space<vmem>>
    %dma_start3A_19 = arith.constant 16 : i32
    %dma_start3A_20 = tpu.memref_slice %arg5[%dma_start3A_19] : memref<256xi32, #tpu.memory_space<vmem>> -> memref<16xi32, #tpu.memory_space<vmem>>
    %dma_start3A_21 = arith.constant 0 : i32
    %dma_start3A_22 = arith.constant 0 : i32
    %dma_start3A_23 = tpu.memref_slice %arg2[%dma_start3A_21, %dma_start3A_22] : memref<150528x1024xf32, #tpu.memory_space<hbm>> -> memref<150528x1024xf32, #tpu.memory_space<hbm>>
    tpu.enqueue_indirect_dma source(%dma_start3A_23 : memref<150528x1024xf32, #tpu.memory_space<hbm>>) target(%dma_start3A_18 : memref<16x1024xf32, #tpu.memory_space<vmem>>) offsets(%dma_start3A_20 : memref<16xi32, #tpu.memory_space<vmem>>) semaphore(%arg8 : memref<!tpu.dma_semaphore, #tpu.memory_space<semaphore_mem>>)
    %dma_start3A_24 = arith.constant 2 : i32
    %dma_start3A_25 = arith.constant 0 : i32
    %dma_start3A_26 = arith.constant 0 : i32
    %dma_start3A_27 = tpu.memref_slice %arg6[%dma_start3A_24, %dma_start3A_25, %dma_start3A_26] : memref<6x16x1024xf32, #tpu.memory_space<vmem>> -> memref<1x16x1024xf32, #tpu.memory_space<vmem>>
    %dma_start3A_28 = tpu.memref_squeeze %dma_start3A_27 : memref<1x16x1024xf32, #tpu.memory_space<vmem>> -> memref<16x1024xf32, #tpu.memory_space<vmem>>
    %dma_start3A_29 = arith.constant 32 : i32
    %dma_start3A_30 = tpu.memref_slice %arg5[%dma_start3A_29] : memref<256xi32, #tpu.memory_space<vmem>> -> memref<16xi32, #tpu.memory_space<vmem>>
    %dma_start3A_31 = arith.constant 0 : i32
    %dma_start3A_32 = arith.constant 0 : i32
    %dma_start3A_33 = tpu.memref_slice %arg2[%dma_start3A_31, %dma_start3A_32] : memref<150528x1024xf32, #tpu.memory_space<hbm>> -> memref<150528x1024xf32, #tpu.memory_space<hbm>>
    tpu.enqueue_indirect_dma source(%dma_start3A_33 : memref<150528x1024xf32, #tpu.memory_space<hbm>>) target(%dma_start3A_28 : memref<16x1024xf32, #tpu.memory_space<vmem>>) offsets(%dma_start3A_30 : memref<16xi32, #tpu.memory_space<vmem>>) semaphore(%arg9 : memref<!tpu.dma_semaphore, #tpu.memory_space<semaphore_mem>>)
    %dma_start3A_34 = arith.constant 3 : i32
    %dma_start3A_35 = arith.constant 0 : i32
    %dma_start3A_36 = arith.constant 0 : i32
    %dma_start3A_37 = tpu.memref_slice %arg6[%dma_start3A_34, %dma_start3A_35, %dma_start3A_36] : memref<6x16x1024xf32, #tpu.memory_space<vmem>> -> memref<1x16x1024xf32, #tpu.memory_space<vmem>>
    %dma_start3A_38 = tpu.memref_squeeze %dma_start3A_37 : memref<1x16x1024xf32, #tpu.memory_space<vmem>> -> memref<16x1024xf32, #tpu.memory_space<vmem>>
    %dma_start3A_39 = arith.constant 48 : i32
    %dma_start3A_40 = tpu.memref_slice %arg5[%dma_start3A_39] : memref<256xi32, #tpu.memory_space<vmem>> -> memref<16xi32, #tpu.memory_space<vmem>>
    %dma_start3A_41 = arith.constant 0 : i32
    %dma_start3A_42 = arith.constant 0 : i32
    %dma_start3A_43 = tpu.memref_slice %arg2[%dma_start3A_41, %dma_start3A_42] : memref<150528x1024xf32, #tpu.memory_space<hbm>> -> memref<150528x1024xf32, #tpu.memory_space<hbm>>
    tpu.enqueue_indirect_dma source(%dma_start3A_43 : memref<150528x1024xf32, #tpu.memory_space<hbm>>) target(%dma_start3A_38 : memref<16x1024xf32, #tpu.memory_space<vmem>>) offsets(%dma_start3A_40 : memref<16xi32, #tpu.memory_space<vmem>>) semaphore(%arg10 : memref<!tpu.dma_semaphore, #tpu.memory_space<semaphore_mem>>)
    %dma_start3A_44 = arith.constant 4 : i32
    %dma_start3A_45 = arith.constant 0 : i32
    %dma_start3A_46 = arith.constant 0 : i32
    %dma_start3A_47 = tpu.memref_slice %arg6[%dma_start3A_44, %dma_start3A_45, %dma_start3A_46] : memref<6x16x1024xf32, #tpu.memory_space<vmem>> -> memref<1x16x1024xf32, #tpu.memory_space<vmem>>
    %dma_start3A_48 = tpu.memref_squeeze %dma_start3A_47 : memref<1x16x1024xf32, #tpu.memory_space<vmem>> -> memref<16x1024xf32, #tpu.memory_space<vmem>>
    %dma_start3A_49 = arith.constant 64 : i32
    %dma_start3A_50 = tpu.memref_slice %arg5[%dma_start3A_49] : memref<256xi32, #tpu.memory_space<vmem>> -> memref<16xi32, #tpu.memory_space<vmem>>
    %dma_start3A_51 = arith.constant 0 : i32
    %dma_start3A_52 = arith.constant 0 : i32
    %dma_start3A_53 = tpu.memref_slice %arg2[%dma_start3A_51, %dma_start3A_52] : memref<150528x1024xf32, #tpu.memory_space<hbm>> -> memref<150528x1024xf32, #tpu.memory_space<hbm>>
    tpu.enqueue_indirect_dma source(%dma_start3A_53 : memref<150528x1024xf32, #tpu.memory_space<hbm>>) target(%dma_start3A_48 : memref<16x1024xf32, #tpu.memory_space<vmem>>) offsets(%dma_start3A_50 : memref<16xi32, #tpu.memory_space<vmem>>) semaphore(%arg11 : memref<!tpu.dma_semaphore, #tpu.memory_space<semaphore_mem>>)
    %dma_start3A_54 = arith.constant 5 : i32
    %dma_start3A_55 = arith.constant 0 : i32
    %dma_start3A_56 = arith.constant 0 : i32
    %dma_start3A_57 = tpu.memref_slice %arg6[%dma_start3A_54, %dma_start3A_55, %dma_start3A_56] : memref<6x16x1024xf32, #tpu.memory_space<vmem>> -> memref<1x16x1024xf32, #tpu.memory_space<vmem>>
    %dma_start3A_58 = tpu.memref_squeeze %dma_start3A_57 : memref<1x16x1024xf32, #tpu.memory_space<vmem>> -> memref<16x1024xf32, #tpu.memory_space<vmem>>
    %dma_start3A_59 = arith.constant 80 : i32
    %dma_start3A_60 = tpu.memref_slice %arg5[%dma_start3A_59] : memref<256xi32, #tpu.memory_space<vmem>> -> memref<16xi32, #tpu.memory_space<vmem>>
    %dma_start3A_61 = arith.constant 0 : i32
    %dma_start3A_62 = arith.constant 0 : i32
    %dma_start3A_63 = tpu.memref_slice %arg2[%dma_start3A_61, %dma_start3A_62] : memref<150528x1024xf32, #tpu.memory_space<hbm>> -> memref<150528x1024xf32, #tpu.memory_space<hbm>>
    tpu.enqueue_indirect_dma source(%dma_start3A_63 : memref<150528x1024xf32, #tpu.memory_space<hbm>>) target(%dma_start3A_58 : memref<16x1024xf32, #tpu.memory_space<vmem>>) offsets(%dma_start3A_60 : memref<16xi32, #tpu.memory_space<vmem>>) semaphore(%arg12 : memref<!tpu.dma_semaphore, #tpu.memory_space<semaphore_mem>>)
    %dma_wait3A = arith.constant 0 : i32
    %dma_wait3A_64 = arith.constant 0 : i32
    %dma_wait3A_65 = arith.constant 0 : i32
    %dma_wait3A_66 = tpu.memref_slice %arg6[%dma_wait3A, %dma_wait3A_64, %dma_wait3A_65] : memref<6x16x1024xf32, #tpu.memory_space<vmem>> -> memref<1x16x1024xf32, #tpu.memory_space<vmem>>
    %dma_wait3A_67 = tpu.memref_squeeze %dma_wait3A_66 : memref<1x16x1024xf32, #tpu.memory_space<vmem>> -> memref<16x1024xf32, #tpu.memory_space<vmem>>
    %dma_wait3A_68 = arith.constant 0 : i32
    %dma_wait3A_69 = tpu.memref_slice %arg5[%dma_wait3A_68] : memref<256xi32, #tpu.memory_space<vmem>> -> memref<16xi32, #tpu.memory_space<vmem>>
    %dma_wait3A_70 = arith.constant 0 : i32
    %dma_wait3A_71 = arith.constant 0 : i32
    %dma_wait3A_72 = tpu.memref_slice %arg2[%dma_wait3A_70, %dma_wait3A_71] : memref<150528x1024xf32, #tpu.memory_space<hbm>> -> memref<150528x1024xf32, #tpu.memory_space<hbm>>
    tpu.wait_indirect_dma semaphore(%arg7 : memref<!tpu.dma_semaphore, #tpu.memory_space<semaphore_mem>>) src(%dma_wait3A_72 : memref<150528x1024xf32, #tpu.memory_space<hbm>>) dst(%dma_wait3A_67 : memref<16x1024xf32, #tpu.memory_space<vmem>>)
    %add3A_73 = arith.constant 0 : i32
    %add3A_74 = arith.addi %mul3A_4, %add3A_73 : i32
    %add3A_75 = arith.constant 0 : i32
    %add3A_76 = arith.addi %add3A_74, %add3A_75 : i32
    %run_scoped3A = arith.constant 0 : i32
    "tpu.region"() ({
      %run_scoped3A_642 = tpu.sem_alloc : memref<!tpu.dma_semaphore, #tpu.memory_space<semaphore_mem>>
      %dma_start3A_643 = arith.constant 0 : i32
      %dma_start3A_644 = arith.constant 0 : i32
      %dma_start3A_645 = tpu.memref_slice %arg6[%run_scoped3A, %dma_start3A_643, %dma_start3A_644] : memref<6x16x1024xf32, #tpu.memory_space<vmem>> -> memref<1x4x1024xf32, #tpu.memory_space<vmem>>
      %dma_start3A_646 = tpu.memref_squeeze %dma_start3A_645 : memref<1x4x1024xf32, #tpu.memory_space<vmem>> -> memref<4x1024xf32, #tpu.memory_space<vmem>>
      %dma_start3A_647 = arith.constant 0 : i32
      %dma_start3A_648 = arith.constant 0 : i32
      %dma_start3A_649 = tpu.memref_slice %arg4[%add3A_76, %dma_start3A_647, %dma_start3A_648] : memref<2048x4x1024xf32, #tpu.memory_space<hbm>> -> memref<1x4x1024xf32, #tpu.memory_space<hbm>>
      %dma_start3A_650 = tpu.memref_squeeze %dma_start3A_649 : memref<1x4x1024xf32, #tpu.memory_space<hbm>> -> memref<4x1024xf32, #tpu.memory_space<hbm>>
      %dma_start3A_651 = arith.constant 0 : i32
      %dma_start3A_652 = arith.constant 0 : i32
      %dma_start3A_653 = tpu.memref_slice %arg4[%add3A_76, %dma_start3A_651, %dma_start3A_652] : memref<2048x4x1024xf32, #tpu.memory_space<hbm>> -> memref<1x4x1024xf32, #tpu.memory_space<hbm>>
      %dma_start3A_654 = tpu.memref_squeeze %dma_start3A_653 : memref<1x4x1024xf32, #tpu.memory_space<hbm>> -> memref<4x1024xf32, #tpu.memory_space<hbm>>
      %dma_start3A_655 = arith.constant 0 : i32
      %dma_start3A_656 = arith.constant 0 : i32
      %dma_start3A_657 = tpu.memref_slice %arg6[%run_scoped3A, %dma_start3A_655, %dma_start3A_656] : memref<6x16x1024xf32, #tpu.memory_space<vmem>> -> memref<1x4x1024xf32, #tpu.memory_space<vmem>>
      %dma_start3A_658 = tpu.memref_squeeze %dma_start3A_657 : memref<1x4x1024xf32, #tpu.memory_space<vmem>> -> memref<4x1024xf32, #tpu.memory_space<vmem>>
      tpu.enqueue_dma source(%dma_start3A_658 : memref<4x1024xf32, #tpu.memory_space<vmem>>) target(%dma_start3A_654 : memref<4x1024xf32, #tpu.memory_space<hbm>>) target_semaphore(%run_scoped3A_642 : memref<!tpu.dma_semaphore, #tpu.memory_space<semaphore_mem>>)
      %dma_wait3A_659 = arith.constant 0 : i32
      %dma_wait3A_660 = arith.constant 0 : i32
      %dma_wait3A_661 = tpu.memref_slice %arg6[%run_scoped3A, %dma_wait3A_659, %dma_wait3A_660] : memref<6x16x1024xf32, #tpu.memory_space<vmem>> -> memref<1x4x1024xf32, #tpu.memory_space<vmem>>
      %dma_wait3A_662 = tpu.memref_squeeze %dma_wait3A_661 : memref<1x4x1024xf32, #tpu.memory_space<vmem>> -> memref<4x1024xf32, #tpu.memory_space<vmem>>
      %dma_wait3A_663 = arith.constant 0 : i32
      %dma_wait3A_664 = arith.constant 0 : i32
      %dma_wait3A_665 = tpu.memref_slice %arg4[%add3A_76, %dma_wait3A_663, %dma_wait3A_664] : memref<2048x4x1024xf32, #tpu.memory_space<hbm>> -> memref<1x4x1024xf32, #tpu.memory_space<hbm>>
      %dma_wait3A_666 = tpu.memref_squeeze %dma_wait3A_665 : memref<1x4x1024xf32, #tpu.memory_space<hbm>> -> memref<4x1024xf32, #tpu.memory_space<hbm>>
      %dma_wait3A_667 = arith.constant 0 : i32
      %dma_wait3A_668 = arith.constant 0 : i32
      %dma_wait3A_669 = tpu.memref_slice %arg4[%add3A_76, %dma_wait3A_667, %dma_wait3A_668] : memref<2048x4x1024xf32, #tpu.memory_space<hbm>> -> memref<1x4x1024xf32, #tpu.memory_space<hbm>>
      %dma_wait3A_670 = tpu.memref_squeeze %dma_wait3A_669 : memref<1x4x1024xf32, #tpu.memory_space<hbm>> -> memref<4x1024xf32, #tpu.memory_space<hbm>>
      %dma_wait3A_671 = arith.constant 0 : i32
      %dma_wait3A_672 = arith.constant 0 : i32
      %dma_wait3A_673 = tpu.memref_slice %arg6[%run_scoped3A, %dma_wait3A_671, %dma_wait3A_672] : memref<6x16x1024xf32, #tpu.memory_space<vmem>> -> memref<1x4x1024xf32, #tpu.memory_space<vmem>>
      %dma_wait3A_674 = tpu.memref_squeeze %dma_wait3A_673 : memref<1x4x1024xf32, #tpu.memory_space<vmem>> -> memref<4x1024xf32, #tpu.memory_space<vmem>>
      tpu.wait_dma2 semaphore(%run_scoped3A_642 : memref<!tpu.dma_semaphore, #tpu.memory_space<semaphore_mem>>) src(%dma_wait3A_674 : memref<4x1024xf32, #tpu.memory_space<vmem>>) dst(%dma_wait3A_670 : memref<4x1024xf32, #tpu.memory_space<hbm>>)
      tpu.yield
    }) : () -> ()
    %add3A_77 = arith.constant 0 : i32
    %add3A_78 = arith.addi %mul3A_4, %add3A_77 : i32
    %add3A_79 = arith.constant 1 : i32
    %add3A_80 = arith.addi %add3A_78, %add3A_79 : i32
    %run_scoped3A_81 = arith.constant 0 : i32
    "tpu.region"() ({
      %run_scoped3A_642 = tpu.sem_alloc : memref<!tpu.dma_semaphore, #tpu.memory_space<semaphore_mem>>
      %dma_start3A_643 = arith.constant 4 : i32
      %dma_start3A_644 = arith.constant 0 : i32
      %dma_start3A_645 = tpu.memref_slice %arg6[%run_scoped3A_81, %dma_start3A_643, %dma_start3A_644] : memref<6x16x1024xf32, #tpu.memory_space<vmem>> -> memref<1x4x1024xf32, #tpu.memory_space<vmem>>
      %dma_start3A_646 = tpu.memref_squeeze %dma_start3A_645 : memref<1x4x1024xf32, #tpu.memory_space<vmem>> -> memref<4x1024xf32, #tpu.memory_space<vmem>>
      %dma_start3A_647 = arith.constant 0 : i32
      %dma_start3A_648 = arith.constant 0 : i32
      %dma_start3A_649 = tpu.memref_slice %arg4[%add3A_80, %dma_start3A_647, %dma_start3A_648] : memref<2048x4x1024xf32, #tpu.memory_space<hbm>> -> memref<1x4x1024xf32, #tpu.memory_space<hbm>>
      %dma_start3A_650 = tpu.memref_squeeze %dma_start3A_649 : memref<1x4x1024xf32, #tpu.memory_space<hbm>> -> memref<4x1024xf32, #tpu.memory_space<hbm>>
      %dma_start3A_651 = arith.constant 0 : i32
      %dma_start3A_652 = arith.constant 0 : i32
      %dma_start3A_653 = tpu.memref_slice %arg4[%add3A_80, %dma_start3A_651, %dma_start3A_652] : memref<2048x4x1024xf32, #tpu.memory_space<hbm>> -> memref<1x4x1024xf32, #tpu.memory_space<hbm>>
      %dma_start3A_654 = tpu.memref_squeeze %dma_start3A_653 : memref<1x4x1024xf32, #tpu.memory_space<hbm>> -> memref<4x1024xf32, #tpu.memory_space<hbm>>
      %dma_start3A_655 = arith.constant 4 : i32
      %dma_start3A_656 = arith.constant 0 : i32
      %dma_start3A_657 = tpu.memref_slice %arg6[%run_scoped3A_81, %dma_start3A_655, %dma_start3A_656] : memref<6x16x1024xf32, #tpu.memory_space<vmem>> -> memref<1x4x1024xf32, #tpu.memory_space<vmem>>
      %dma_start3A_658 = tpu.memref_squeeze %dma_start3A_657 : memref<1x4x1024xf32, #tpu.memory_space<vmem>> -> memref<4x1024xf32, #tpu.memory_space<vmem>>
      tpu.enqueue_dma source(%dma_start3A_658 : memref<4x1024xf32, #tpu.memory_space<vmem>>) target(%dma_start3A_654 : memref<4x1024xf32, #tpu.memory_space<hbm>>) target_semaphore(%run_scoped3A_642 : memref<!tpu.dma_semaphore, #tpu.memory_space<semaphore_mem>>)
      %dma_wait3A_659 = arith.constant 4 : i32
      %dma_wait3A_660 = arith.constant 0 : i32
      %dma_wait3A_661 = tpu.memref_slice %arg6[%run_scoped3A_81, %dma_wait3A_659, %dma_wait3A_660] : memref<6x16x1024xf32, #tpu.memory_space<vmem>> -> memref<1x4x1024xf32, #tpu.memory_space<vmem>>
      %dma_wait3A_662 = tpu.memref_squeeze %dma_wait3A_661 : memref<1x4x1024xf32, #tpu.memory_space<vmem>> -> memref<4x1024xf32, #tpu.memory_space<vmem>>
      %dma_wait3A_663 = arith.constant 0 : i32
      %dma_wait3A_664 = arith.constant 0 : i32
      %dma_wait3A_665 = tpu.memref_slice %arg4[%add3A_80, %dma_wait3A_663, %dma_wait3A_664] : memref<2048x4x1024xf32, #tpu.memory_space<hbm>> -> memref<1x4x1024xf32, #tpu.memory_space<hbm>>
      %dma_wait3A_666 = tpu.memref_squeeze %dma_wait3A_665 : memref<1x4x1024xf32, #tpu.memory_space<hbm>> -> memref<4x1024xf32, #tpu.memory_space<hbm>>
      %dma_wait3A_667 = arith.constant 0 : i32
      %dma_wait3A_668 = arith.constant 0 : i32
      %dma_wait3A_669 = tpu.memref_slice %arg4[%add3A_80, %dma_wait3A_667, %dma_wait3A_668] : memref<2048x4x1024xf32, #tpu.memory_space<hbm>> -> memref<1x4x1024xf32, #tpu.memory_space<hbm>>
      %dma_wait3A_670 = tpu.memref_squeeze %dma_wait3A_669 : memref<1x4x1024xf32, #tpu.memory_space<hbm>> -> memref<4x1024xf32, #tpu.memory_space<hbm>>
      %dma_wait3A_671 = arith.constant 4 : i32
      %dma_wait3A_672 = arith.constant 0 : i32
      %dma_wait3A_673 = tpu.memref_slice %arg6[%run_scoped3A_81, %dma_wait3A_671, %dma_wait3A_672] : memref<6x16x1024xf32, #tpu.memory_space<vmem>> -> memref<1x4x1024xf32, #tpu.memory_space<vmem>>
      %dma_wait3A_674 = tpu.memref_squeeze %dma_wait3A_673 : memref<1x4x1024xf32, #tpu.memory_space<vmem>> -> memref<4x1024xf32, #tpu.memory_space<vmem>>
      tpu.wait_dma2 semaphore(%run_scoped3A_642 : memref<!tpu.dma_semaphore, #tpu.memory_space<semaphore_mem>>) src(%dma_wait3A_674 : memref<4x1024xf32, #tpu.memory_space<vmem>>) dst(%dma_wait3A_670 : memref<4x1024xf32, #tpu.memory_space<hbm>>)
      tpu.yield
    }) : () -> ()
    %add3A_82 = arith.constant 0 : i32
    %add3A_83 = arith.addi %mul3A_4, %add3A_82 : i32
    %add3A_84 = arith.constant 2 : i32
    %add3A_85 = arith.addi %add3A_83, %add3A_84 : i32
    %run_scoped3A_86 = arith.constant 0 : i32
    "tpu.region"() ({
      %run_scoped3A_642 = tpu.sem_alloc : memref<!tpu.dma_semaphore, #tpu.memory_space<semaphore_mem>>
      %dma_start3A_643 = arith.constant 8 : i32
      %dma_start3A_644 = arith.constant 0 : i32
      %dma_start3A_645 = tpu.memref_slice %arg6[%run_scoped3A_86, %dma_start3A_643, %dma_start3A_644] : memref<6x16x1024xf32, #tpu.memory_space<vmem>> -> memref<1x4x1024xf32, #tpu.memory_space<vmem>>
      %dma_start3A_646 = tpu.memref_squeeze %dma_start3A_645 : memref<1x4x1024xf32, #tpu.memory_space<vmem>> -> memref<4x1024xf32, #tpu.memory_space<vmem>>
      %dma_start3A_647 = arith.constant 0 : i32
      %dma_start3A_648 = arith.constant 0 : i32
      %dma_start3A_649 = tpu.memref_slice %arg4[%add3A_85, %dma_start3A_647, %dma_start3A_648] : memref<2048x4x1024xf32, #tpu.memory_space<hbm>> -> memref<1x4x1024xf32, #tpu.memory_space<hbm>>
      %dma_start3A_650 = tpu.memref_squeeze %dma_start3A_649 : memref<1x4x1024xf32, #tpu.memory_space<hbm>> -> memref<4x1024xf32, #tpu.memory_space<hbm>>
      %dma_start3A_651 = arith.constant 0 : i32
      %dma_start3A_652 = arith.constant 0 : i32
      %dma_start3A_653 = tpu.memref_slice %arg4[%add3A_85, %dma_start3A_651, %dma_start3A_652] : memref<2048x4x1024xf32, #tpu.memory_space<hbm>> -> memref<1x4x1024xf32, #tpu.memory_space<hbm>>
      %dma_start3A_654 = tpu.memref_squeeze %dma_start3A_653 : memref<1x4x1024xf32, #tpu.memory_space<hbm>> -> memref<4x1024xf32, #tpu.memory_space<hbm>>
      %dma_start3A_655 = arith.constant 8 : i32
      %dma_start3A_656 = arith.constant 0 : i32
      %dma_start3A_657 = tpu.memref_slice %arg6[%run_scoped3A_86, %dma_start3A_655, %dma_start3A_656] : memref<6x16x1024xf32, #tpu.memory_space<vmem>> -> memref<1x4x1024xf32, #tpu.memory_space<vmem>>
      %dma_start3A_658 = tpu.memref_squeeze %dma_start3A_657 : memref<1x4x1024xf32, #tpu.memory_space<vmem>> -> memref<4x1024xf32, #tpu.memory_space<vmem>>
      tpu.enqueue_dma source(%dma_start3A_658 : memref<4x1024xf32, #tpu.memory_space<vmem>>) target(%dma_start3A_654 : memref<4x1024xf32, #tpu.memory_space<hbm>>) target_semaphore(%run_scoped3A_642 : memref<!tpu.dma_semaphore, #tpu.memory_space<semaphore_mem>>)
      %dma_wait3A_659 = arith.constant 8 : i32
      %dma_wait3A_660 = arith.constant 0 : i32
      %dma_wait3A_661 = tpu.memref_slice %arg6[%run_scoped3A_86, %dma_wait3A_659, %dma_wait3A_660] : memref<6x16x1024xf32, #tpu.memory_space<vmem>> -> memref<1x4x1024xf32, #tpu.memory_space<vmem>>
      %dma_wait3A_662 = tpu.memref_squeeze %dma_wait3A_661 : memref<1x4x1024xf32, #tpu.memory_space<vmem>> -> memref<4x1024xf32, #tpu.memory_space<vmem>>
      %dma_wait3A_663 = arith.constant 0 : i32
      %dma_wait3A_664 = arith.constant 0 : i32
      %dma_wait3A_665 = tpu.memref_slice %arg4[%add3A_85, %dma_wait3A_663, %dma_wait3A_664] : memref<2048x4x1024xf32, #tpu.memory_space<hbm>> -> memref<1x4x1024xf32, #tpu.memory_space<hbm>>
      %dma_wait3A_666 = tpu.memref_squeeze %dma_wait3A_665 : memref<1x4x1024xf32, #tpu.memory_space<hbm>> -> memref<4x1024xf32, #tpu.memory_space<hbm>>
      %dma_wait3A_667 = arith.constant 0 : i32
      %dma_wait3A_668 = arith.constant 0 : i32
      %dma_wait3A_669 = tpu.memref_slice %arg4[%add3A_85, %dma_wait3A_667, %dma_wait3A_668] : memref<2048x4x1024xf32, #tpu.memory_space<hbm>> -> memref<1x4x1024xf32, #tpu.memory_space<hbm>>
      %dma_wait3A_670 = tpu.memref_squeeze %dma_wait3A_669 : memref<1x4x1024xf32, #tpu.memory_space<hbm>> -> memref<4x1024xf32, #tpu.memory_space<hbm>>
      %dma_wait3A_671 = arith.constant 8 : i32
      %dma_wait3A_672 = arith.constant 0 : i32
      %dma_wait3A_673 = tpu.memref_slice %arg6[%run_scoped3A_86, %dma_wait3A_671, %dma_wait3A_672] : memref<6x16x1024xf32, #tpu.memory_space<vmem>> -> memref<1x4x1024xf32, #tpu.memory_space<vmem>>
      %dma_wait3A_674 = tpu.memref_squeeze %dma_wait3A_673 : memref<1x4x1024xf32, #tpu.memory_space<vmem>> -> memref<4x1024xf32, #tpu.memory_space<vmem>>
      tpu.wait_dma2 semaphore(%run_scoped3A_642 : memref<!tpu.dma_semaphore, #tpu.memory_space<semaphore_mem>>) src(%dma_wait3A_674 : memref<4x1024xf32, #tpu.memory_space<vmem>>) dst(%dma_wait3A_670 : memref<4x1024xf32, #tpu.memory_space<hbm>>)
      tpu.yield
    }) : () -> ()
    %add3A_87 = arith.constant 0 : i32
    %add3A_88 = arith.addi %mul3A_4, %add3A_87 : i32
    %add3A_89 = arith.constant 3 : i32
    %add3A_90 = arith.addi %add3A_88, %add3A_89 : i32
    %run_scoped3A_91 = arith.constant 0 : i32
    "tpu.region"() ({
      %run_scoped3A_642 = tpu.sem_alloc : memref<!tpu.dma_semaphore, #tpu.memory_space<semaphore_mem>>
      %dma_start3A_643 = arith.constant 12 : i32
      %dma_start3A_644 = arith.constant 0 : i32
      %dma_start3A_645 = tpu.memref_slice %arg6[%run_scoped3A_91, %dma_start3A_643, %dma_start3A_644] : memref<6x16x1024xf32, #tpu.memory_space<vmem>> -> memref<1x4x1024xf32, #tpu.memory_space<vmem>>
      %dma_start3A_646 = tpu.memref_squeeze %dma_start3A_645 : memref<1x4x1024xf32, #tpu.memory_space<vmem>> -> memref<4x1024xf32, #tpu.memory_space<vmem>>
      %dma_start3A_647 = arith.constant 0 : i32
      %dma_start3A_648 = arith.constant 0 : i32
      %dma_start3A_649 = tpu.memref_slice %arg4[%add3A_90, %dma_start3A_647, %dma_start3A_648] : memref<2048x4x1024xf32, #tpu.memory_space<hbm>> -> memref<1x4x1024xf32, #tpu.memory_space<hbm>>
      %dma_start3A_650 = tpu.memref_squeeze %dma_start3A_649 : memref<1x4x1024xf32, #tpu.memory_space<hbm>> -> memref<4x1024xf32, #tpu.memory_space<hbm>>
      %dma_start3A_651 = arith.constant 0 : i32
      %dma_start3A_652 = arith.constant 0 : i32
      %dma_start3A_653 = tpu.memref_slice %arg4[%add3A_90, %dma_start3A_651, %dma_start3A_652] : memref<2048x4x1024xf32, #tpu.memory_space<hbm>> -> memref<1x4x1024xf32, #tpu.memory_space<hbm>>
      %dma_start3A_654 = tpu.memref_squeeze %dma_start3A_653 : memref<1x4x1024xf32, #tpu.memory_space<hbm>> -> memref<4x1024xf32, #tpu.memory_space<hbm>>
      %dma_start3A_655 = arith.constant 12 : i32
      %dma_start3A_656 = arith.constant 0 : i32
      %dma_start3A_657 = tpu.memref_slice %arg6[%run_scoped3A_91, %dma_start3A_655, %dma_start3A_656] : memref<6x16x1024xf32, #tpu.memory_space<vmem>> -> memref<1x4x1024xf32, #tpu.memory_space<vmem>>
      %dma_start3A_658 = tpu.memref_squeeze %dma_start3A_657 : memref<1x4x1024xf32, #tpu.memory_space<vmem>> -> memref<4x1024xf32, #tpu.memory_space<vmem>>
      tpu.enqueue_dma source(%dma_start3A_658 : memref<4x1024xf32, #tpu.memory_space<vmem>>) target(%dma_start3A_654 : memref<4x1024xf32, #tpu.memory_space<hbm>>) target_semaphore(%run_scoped3A_642 : memref<!tpu.dma_semaphore, #tpu.memory_space<semaphore_mem>>)
      %dma_wait3A_659 = arith.constant 12 : i32
      %dma_wait3A_660 = arith.constant 0 : i32
      %dma_wait3A_661 = tpu.memref_slice %arg6[%run_scoped3A_91, %dma_wait3A_659, %dma_wait3A_660] : memref<6x16x1024xf32, #tpu.memory_space<vmem>> -> memref<1x4x1024xf32, #tpu.memory_space<vmem>>
      %dma_wait3A_662 = tpu.memref_squeeze %dma_wait3A_661 : memref<1x4x1024xf32, #tpu.memory_space<vmem>> -> memref<4x1024xf32, #tpu.memory_space<vmem>>
      %dma_wait3A_663 = arith.constant 0 : i32
      %dma_wait3A_664 = arith.constant 0 : i32
      %dma_wait3A_665 = tpu.memref_slice %arg4[%add3A_90, %dma_wait3A_663, %dma_wait3A_664] : memref<2048x4x1024xf32, #tpu.memory_space<hbm>> -> memref<1x4x1024xf32, #tpu.memory_space<hbm>>
      %dma_wait3A_666 = tpu.memref_squeeze %dma_wait3A_665 : memref<1x4x1024xf32, #tpu.memory_space<hbm>> -> memref<4x1024xf32, #tpu.memory_space<hbm>>
      %dma_wait3A_667 = arith.constant 0 : i32
      %dma_wait3A_668 = arith.constant 0 : i32
      %dma_wait3A_669 = tpu.memref_slice %arg4[%add3A_90, %dma_wait3A_667, %dma_wait3A_668] : memref<2048x4x1024xf32, #tpu.memory_space<hbm>> -> memref<1x4x1024xf32, #tpu.memory_space<hbm>>
      %dma_wait3A_670 = tpu.memref_squeeze %dma_wait3A_669 : memref<1x4x1024xf32, #tpu.memory_space<hbm>> -> memref<4x1024xf32, #tpu.memory_space<hbm>>
      %dma_wait3A_671 = arith.constant 12 : i32
      %dma_wait3A_672 = arith.constant 0 : i32
      %dma_wait3A_673 = tpu.memref_slice %arg6[%run_scoped3A_91, %dma_wait3A_671, %dma_wait3A_672] : memref<6x16x1024xf32, #tpu.memory_space<vmem>> -> memref<1x4x1024xf32, #tpu.memory_space<vmem>>
      %dma_wait3A_674 = tpu.memref_squeeze %dma_wait3A_673 : memref<1x4x1024xf32, #tpu.memory_space<vmem>> -> memref<4x1024xf32, #tpu.memory_space<vmem>>
      tpu.wait_dma2 semaphore(%run_scoped3A_642 : memref<!tpu.dma_semaphore, #tpu.memory_space<semaphore_mem>>) src(%dma_wait3A_674 : memref<4x1024xf32, #tpu.memory_space<vmem>>) dst(%dma_wait3A_670 : memref<4x1024xf32, #tpu.memory_space<hbm>>)
      tpu.yield
    }) : () -> ()
    %dma_start3A_92 = arith.constant 0 : i32
    %dma_start3A_93 = arith.constant 0 : i32
    %dma_start3A_94 = arith.constant 0 : i32
    %dma_start3A_95 = tpu.memref_slice %arg6[%dma_start3A_92, %dma_start3A_93, %dma_start3A_94] : memref<6x16x1024xf32, #tpu.memory_space<vmem>> -> memref<1x16x1024xf32, #tpu.memory_space<vmem>>
    %dma_start3A_96 = tpu.memref_squeeze %dma_start3A_95 : memref<1x16x1024xf32, #tpu.memory_space<vmem>> -> memref<16x1024xf32, #tpu.memory_space<vmem>>
    %dma_start3A_97 = arith.constant 96 : i32
    %dma_start3A_98 = tpu.memref_slice %arg5[%dma_start3A_97] : memref<256xi32, #tpu.memory_space<vmem>> -> memref<16xi32, #tpu.memory_space<vmem>>
    %dma_start3A_99 = arith.constant 0 : i32
    %dma_start3A_100 = arith.constant 0 : i32
    %dma_start3A_101 = tpu.memref_slice %arg2[%dma_start3A_99, %dma_start3A_100] : memref<150528x1024xf32, #tpu.memory_space<hbm>> -> memref<150528x1024xf32, #tpu.memory_space<hbm>>
    tpu.enqueue_indirect_dma source(%dma_start3A_101 : memref<150528x1024xf32, #tpu.memory_space<hbm>>) target(%dma_start3A_96 : memref<16x1024xf32, #tpu.memory_space<vmem>>) offsets(%dma_start3A_98 : memref<16xi32, #tpu.memory_space<vmem>>) semaphore(%arg7 : memref<!tpu.dma_semaphore, #tpu.memory_space<semaphore_mem>>)
    %dma_wait3A_102 = arith.constant 1 : i32
    %dma_wait3A_103 = arith.constant 0 : i32
    %dma_wait3A_104 = arith.constant 0 : i32
    %dma_wait3A_105 = tpu.memref_slice %arg6[%dma_wait3A_102, %dma_wait3A_103, %dma_wait3A_104] : memref<6x16x1024xf32, #tpu.memory_space<vmem>> -> memref<1x16x1024xf32, #tpu.memory_space<vmem>>
    %dma_wait3A_106 = tpu.memref_squeeze %dma_wait3A_105 : memref<1x16x1024xf32, #tpu.memory_space<vmem>> -> memref<16x1024xf32, #tpu.memory_space<vmem>>
    %dma_wait3A_107 = arith.constant 16 : i32
    %dma_wait3A_108 = tpu.memref_slice %arg5[%dma_wait3A_107] : memref<256xi32, #tpu.memory_space<vmem>> -> memref<16xi32, #tpu.memory_space<vmem>>
    %dma_wait3A_109 = arith.constant 0 : i32
    %dma_wait3A_110 = arith.constant 0 : i32
    %dma_wait3A_111 = tpu.memref_slice %arg2[%dma_wait3A_109, %dma_wait3A_110] : memref<150528x1024xf32, #tpu.memory_space<hbm>> -> memref<150528x1024xf32, #tpu.memory_space<hbm>>
    tpu.wait_indirect_dma semaphore(%arg8 : memref<!tpu.dma_semaphore, #tpu.memory_space<semaphore_mem>>) src(%dma_wait3A_111 : memref<150528x1024xf32, #tpu.memory_space<hbm>>) dst(%dma_wait3A_106 : memref<16x1024xf32, #tpu.memory_space<vmem>>)
    %add3A_112 = arith.constant 4 : i32
    %add3A_113 = arith.addi %mul3A_4, %add3A_112 : i32
    %add3A_114 = arith.constant 0 : i32
    %add3A_115 = arith.addi %add3A_113, %add3A_114 : i32
    %run_scoped3A_116 = arith.constant 1 : i32
    "tpu.region"() ({
      %run_scoped3A_642 = tpu.sem_alloc : memref<!tpu.dma_semaphore, #tpu.memory_space<semaphore_mem>>
      %dma_start3A_643 = arith.constant 0 : i32
      %dma_start3A_644 = arith.constant 0 : i32
      %dma_start3A_645 = tpu.memref_slice %arg6[%run_scoped3A_116, %dma_start3A_643, %dma_start3A_644] : memref<6x16x1024xf32, #tpu.memory_space<vmem>> -> memref<1x4x1024xf32, #tpu.memory_space<vmem>>
      %dma_start3A_646 = tpu.memref_squeeze %dma_start3A_645 : memref<1x4x1024xf32, #tpu.memory_space<vmem>> -> memref<4x1024xf32, #tpu.memory_space<vmem>>
      %dma_start3A_647 = arith.constant 0 : i32
      %dma_start3A_648 = arith.constant 0 : i32
      %dma_start3A_649 = tpu.memref_slice %arg4[%add3A_115, %dma_start3A_647, %dma_start3A_648] : memref<2048x4x1024xf32, #tpu.memory_space<hbm>> -> memref<1x4x1024xf32, #tpu.memory_space<hbm>>
      %dma_start3A_650 = tpu.memref_squeeze %dma_start3A_649 : memref<1x4x1024xf32, #tpu.memory_space<hbm>> -> memref<4x1024xf32, #tpu.memory_space<hbm>>
      %dma_start3A_651 = arith.constant 0 : i32
      %dma_start3A_652 = arith.constant 0 : i32
      %dma_start3A_653 = tpu.memref_slice %arg4[%add3A_115, %dma_start3A_651, %dma_start3A_652] : memref<2048x4x1024xf32, #tpu.memory_space<hbm>> -> memref<1x4x1024xf32, #tpu.memory_space<hbm>>
      %dma_start3A_654 = tpu.memref_squeeze %dma_start3A_653 : memref<1x4x1024xf32, #tpu.memory_space<hbm>> -> memref<4x1024xf32, #tpu.memory_space<hbm>>
      %dma_start3A_655 = arith.constant 0 : i32
      %dma_start3A_656 = arith.constant 0 : i32
      %dma_start3A_657 = tpu.memref_slice %arg6[%run_scoped3A_116, %dma_start3A_655, %dma_start3A_656] : memref<6x16x1024xf32, #tpu.memory_space<vmem>> -> memref<1x4x1024xf32, #tpu.memory_space<vmem>>
      %dma_start3A_658 = tpu.memref_squeeze %dma_start3A_657 : memref<1x4x1024xf32, #tpu.memory_space<vmem>> -> memref<4x1024xf32, #tpu.memory_space<vmem>>
      tpu.enqueue_dma source(%dma_start3A_658 : memref<4x1024xf32, #tpu.memory_space<vmem>>) target(%dma_start3A_654 : memref<4x1024xf32, #tpu.memory_space<hbm>>) target_semaphore(%run_scoped3A_642 : memref<!tpu.dma_semaphore, #tpu.memory_space<semaphore_mem>>)
      %dma_wait3A_659 = arith.constant 0 : i32
      %dma_wait3A_660 = arith.constant 0 : i32
      %dma_wait3A_661 = tpu.memref_slice %arg6[%run_scoped3A_116, %dma_wait3A_659, %dma_wait3A_660] : memref<6x16x1024xf32, #tpu.memory_space<vmem>> -> memref<1x4x1024xf32, #tpu.memory_space<vmem>>
      %dma_wait3A_662 = tpu.memref_squeeze %dma_wait3A_661 : memref<1x4x1024xf32, #tpu.memory_space<vmem>> -> memref<4x1024xf32, #tpu.memory_space<vmem>>
      %dma_wait3A_663 = arith.constant 0 : i32
      %dma_wait3A_664 = arith.constant 0 : i32
      %dma_wait3A_665 = tpu.memref_slice %arg4[%add3A_115, %dma_wait3A_663, %dma_wait3A_664] : memref<2048x4x1024xf32, #tpu.memory_space<hbm>> -> memref<1x4x1024xf32, #tpu.memory_space<hbm>>
      %dma_wait3A_666 = tpu.memref_squeeze %dma_wait3A_665 : memref<1x4x1024xf32, #tpu.memory_space<hbm>> -> memref<4x1024xf32, #tpu.memory_space<hbm>>
      %dma_wait3A_667 = arith.constant 0 : i32
      %dma_wait3A_668 = arith.constant 0 : i32
      %dma_wait3A_669 = tpu.memref_slice %arg4[%add3A_115, %dma_wait3A_667, %dma_wait3A_668] : memref<2048x4x1024xf32, #tpu.memory_space<hbm>> -> memref<1x4x1024xf32, #tpu.memory_space<hbm>>
      %dma_wait3A_670 = tpu.memref_squeeze %dma_wait3A_669 : memref<1x4x1024xf32, #tpu.memory_space<hbm>> -> memref<4x1024xf32, #tpu.memory_space<hbm>>
      %dma_wait3A_671 = arith.constant 0 : i32
      %dma_wait3A_672 = arith.constant 0 : i32
      %dma_wait3A_673 = tpu.memref_slice %arg6[%run_scoped3A_116, %dma_wait3A_671, %dma_wait3A_672] : memref<6x16x1024xf32, #tpu.memory_space<vmem>> -> memref<1x4x1024xf32, #tpu.memory_space<vmem>>
      %dma_wait3A_674 = tpu.memref_squeeze %dma_wait3A_673 : memref<1x4x1024xf32, #tpu.memory_space<vmem>> -> memref<4x1024xf32, #tpu.memory_space<vmem>>
      tpu.wait_dma2 semaphore(%run_scoped3A_642 : memref<!tpu.dma_semaphore, #tpu.memory_space<semaphore_mem>>) src(%dma_wait3A_674 : memref<4x1024xf32, #tpu.memory_space<vmem>>) dst(%dma_wait3A_670 : memref<4x1024xf32, #tpu.memory_space<hbm>>)
      tpu.yield
    }) : () -> ()
    %add3A_117 = arith.constant 4 : i32
    %add3A_118 = arith.addi %mul3A_4, %add3A_117 : i32
    %add3A_119 = arith.constant 1 : i32
    %add3A_120 = arith.addi %add3A_118, %add3A_119 : i32
    %run_scoped3A_121 = arith.constant 1 : i32
    "tpu.region"() ({
      %run_scoped3A_642 = tpu.sem_alloc : memref<!tpu.dma_semaphore, #tpu.memory_space<semaphore_mem>>
      %dma_start3A_643 = arith.constant 4 : i32
      %dma_start3A_644 = arith.constant 0 : i32
      %dma_start3A_645 = tpu.memref_slice %arg6[%run_scoped3A_121, %dma_start3A_643, %dma_start3A_644] : memref<6x16x1024xf32, #tpu.memory_space<vmem>> -> memref<1x4x1024xf32, #tpu.memory_space<vmem>>
      %dma_start3A_646 = tpu.memref_squeeze %dma_start3A_645 : memref<1x4x1024xf32, #tpu.memory_space<vmem>> -> memref<4x1024xf32, #tpu.memory_space<vmem>>
      %dma_start3A_647 = arith.constant 0 : i32
      %dma_start3A_648 = arith.constant 0 : i32
      %dma_start3A_649 = tpu.memref_slice %arg4[%add3A_120, %dma_start3A_647, %dma_start3A_648] : memref<2048x4x1024xf32, #tpu.memory_space<hbm>> -> memref<1x4x1024xf32, #tpu.memory_space<hbm>>
      %dma_start3A_650 = tpu.memref_squeeze %dma_start3A_649 : memref<1x4x1024xf32, #tpu.memory_space<hbm>> -> memref<4x1024xf32, #tpu.memory_space<hbm>>
      %dma_start3A_651 = arith.constant 0 : i32
      %dma_start3A_652 = arith.constant 0 : i32
      %dma_start3A_653 = tpu.memref_slice %arg4[%add3A_120, %dma_start3A_651, %dma_start3A_652] : memref<2048x4x1024xf32, #tpu.memory_space<hbm>> -> memref<1x4x1024xf32, #tpu.memory_space<hbm>>
      %dma_start3A_654 = tpu.memref_squeeze %dma_start3A_653 : memref<1x4x1024xf32, #tpu.memory_space<hbm>> -> memref<4x1024xf32, #tpu.memory_space<hbm>>
      %dma_start3A_655 = arith.constant 4 : i32
      %dma_start3A_656 = arith.constant 0 : i32
      %dma_start3A_657 = tpu.memref_slice %arg6[%run_scoped3A_121, %dma_start3A_655, %dma_start3A_656] : memref<6x16x1024xf32, #tpu.memory_space<vmem>> -> memref<1x4x1024xf32, #tpu.memory_space<vmem>>
      %dma_start3A_658 = tpu.memref_squeeze %dma_start3A_657 : memref<1x4x1024xf32, #tpu.memory_space<vmem>> -> memref<4x1024xf32, #tpu.memory_space<vmem>>
      tpu.enqueue_dma source(%dma_start3A_658 : memref<4x1024xf32, #tpu.memory_space<vmem>>) target(%dma_start3A_654 : memref<4x1024xf32, #tpu.memory_space<hbm>>) target_semaphore(%run_scoped3A_642 : memref<!tpu.dma_semaphore, #tpu.memory_space<semaphore_mem>>)
      %dma_wait3A_659 = arith.constant 4 : i32
      %dma_wait3A_660 = arith.constant 0 : i32
      %dma_wait3A_661 = tpu.memref_slice %arg6[%run_scoped3A_121, %dma_wait3A_659, %dma_wait3A_660] : memref<6x16x1024xf32, #tpu.memory_space<vmem>> -> memref<1x4x1024xf32, #tpu.memory_space<vmem>>
      %dma_wait3A_662 = tpu.memref_squeeze %dma_wait3A_661 : memref<1x4x1024xf32, #tpu.memory_space<vmem>> -> memref<4x1024xf32, #tpu.memory_space<vmem>>
      %dma_wait3A_663 = arith.constant 0 : i32
      %dma_wait3A_664 = arith.constant 0 : i32
      %dma_wait3A_665 = tpu.memref_slice %arg4[%add3A_120, %dma_wait3A_663, %dma_wait3A_664] : memref<2048x4x1024xf32, #tpu.memory_space<hbm>> -> memref<1x4x1024xf32, #tpu.memory_space<hbm>>
      %dma_wait3A_666 = tpu.memref_squeeze %dma_wait3A_665 : memref<1x4x1024xf32, #tpu.memory_space<hbm>> -> memref<4x1024xf32, #tpu.memory_space<hbm>>
      %dma_wait3A_667 = arith.constant 0 : i32
      %dma_wait3A_668 = arith.constant 0 : i32
      %dma_wait3A_669 = tpu.memref_slice %arg4[%add3A_120, %dma_wait3A_667, %dma_wait3A_668] : memref<2048x4x1024xf32, #tpu.memory_space<hbm>> -> memref<1x4x1024xf32, #tpu.memory_space<hbm>>
      %dma_wait3A_670 = tpu.memref_squeeze %dma_wait3A_669 : memref<1x4x1024xf32, #tpu.memory_space<hbm>> -> memref<4x1024xf32, #tpu.memory_space<hbm>>
      %dma_wait3A_671 = arith.constant 4 : i32
      %dma_wait3A_672 = arith.constant 0 : i32
      %dma_wait3A_673 = tpu.memref_slice %arg6[%run_scoped3A_121, %dma_wait3A_671, %dma_wait3A_672] : memref<6x16x1024xf32, #tpu.memory_space<vmem>> -> memref<1x4x1024xf32, #tpu.memory_space<vmem>>
      %dma_wait3A_674 = tpu.memref_squeeze %dma_wait3A_673 : memref<1x4x1024xf32, #tpu.memory_space<vmem>> -> memref<4x1024xf32, #tpu.memory_space<vmem>>
      tpu.wait_dma2 semaphore(%run_scoped3A_642 : memref<!tpu.dma_semaphore, #tpu.memory_space<semaphore_mem>>) src(%dma_wait3A_674 : memref<4x1024xf32, #tpu.memory_space<vmem>>) dst(%dma_wait3A_670 : memref<4x1024xf32, #tpu.memory_space<hbm>>)
      tpu.yield
    }) : () -> ()
    %add3A_122 = arith.constant 4 : i32
    %add3A_123 = arith.addi %mul3A_4, %add3A_122 : i32
    %add3A_124 = arith.constant 2 : i32
    %add3A_125 = arith.addi %add3A_123, %add3A_124 : i32
    %run_scoped3A_126 = arith.constant 1 : i32
    "tpu.region"() ({
      %run_scoped3A_642 = tpu.sem_alloc : memref<!tpu.dma_semaphore, #tpu.memory_space<semaphore_mem>>
      %dma_start3A_643 = arith.constant 8 : i32
      %dma_start3A_644 = arith.constant 0 : i32
      %dma_start3A_645 = tpu.memref_slice %arg6[%run_scoped3A_126, %dma_start3A_643, %dma_start3A_644] : memref<6x16x1024xf32, #tpu.memory_space<vmem>> -> memref<1x4x1024xf32, #tpu.memory_space<vmem>>
      %dma_start3A_646 = tpu.memref_squeeze %dma_start3A_645 : memref<1x4x1024xf32, #tpu.memory_space<vmem>> -> memref<4x1024xf32, #tpu.memory_space<vmem>>
      %dma_start3A_647 = arith.constant 0 : i32
      %dma_start3A_648 = arith.constant 0 : i32
      %dma_start3A_649 = tpu.memref_slice %arg4[%add3A_125, %dma_start3A_647, %dma_start3A_648] : memref<2048x4x1024xf32, #tpu.memory_space<hbm>> -> memref<1x4x1024xf32, #tpu.memory_space<hbm>>
      %dma_start3A_650 = tpu.memref_squeeze %dma_start3A_649 : memref<1x4x1024xf32, #tpu.memory_space<hbm>> -> memref<4x1024xf32, #tpu.memory_space<hbm>>
      %dma_start3A_651 = arith.constant 0 : i32
      %dma_start3A_652 = arith.constant 0 : i32
      %dma_start3A_653 = tpu.memref_slice %arg4[%add3A_125, %dma_start3A_651, %dma_start3A_652] : memref<2048x4x1024xf32, #tpu.memory_space<hbm>> -> memref<1x4x1024xf32, #tpu.memory_space<hbm>>
      %dma_start3A_654 = tpu.memref_squeeze %dma_start3A_653 : memref<1x4x1024xf32, #tpu.memory_space<hbm>> -> memref<4x1024xf32, #tpu.memory_space<hbm>>
      %dma_start3A_655 = arith.constant 8 : i32
      %dma_start3A_656 = arith.constant 0 : i32
      %dma_start3A_657 = tpu.memref_slice %arg6[%run_scoped3A_126, %dma_start3A_655, %dma_start3A_656] : memref<6x16x1024xf32, #tpu.memory_space<vmem>> -> memref<1x4x1024xf32, #tpu.memory_space<vmem>>
      %dma_start3A_658 = tpu.memref_squeeze %dma_start3A_657 : memref<1x4x1024xf32, #tpu.memory_space<vmem>> -> memref<4x1024xf32, #tpu.memory_space<vmem>>
      tpu.enqueue_dma source(%dma_start3A_658 : memref<4x1024xf32, #tpu.memory_space<vmem>>) target(%dma_start3A_654 : memref<4x1024xf32, #tpu.memory_space<hbm>>) target_semaphore(%run_scoped3A_642 : memref<!tpu.dma_semaphore, #tpu.memory_space<semaphore_mem>>)
      %dma_wait3A_659 = arith.constant 8 : i32
      %dma_wait3A_660 = arith.constant 0 : i32
      %dma_wait3A_661 = tpu.memref_slice %arg6[%run_scoped3A_126, %dma_wait3A_659, %dma_wait3A_660] : memref<6x16x1024xf32, #tpu.memory_space<vmem>> -> memref<1x4x1024xf32, #tpu.memory_space<vmem>>
      %dma_wait3A_662 = tpu.memref_squeeze %dma_wait3A_661 : memref<1x4x1024xf32, #tpu.memory_space<vmem>> -> memref<4x1024xf32, #tpu.memory_space<vmem>>
      %dma_wait3A_663 = arith.constant 0 : i32
      %dma_wait3A_664 = arith.constant 0 : i32
      %dma_wait3A_665 = tpu.memref_slice %arg4[%add3A_125, %dma_wait3A_663, %dma_wait3A_664] : memref<2048x4x1024xf32, #tpu.memory_space<hbm>> -> memref<1x4x1024xf32, #tpu.memory_space<hbm>>
      %dma_wait3A_666 = tpu.memref_squeeze %dma_wait3A_665 : memref<1x4x1024xf32, #tpu.memory_space<hbm>> -> memref<4x1024xf32, #tpu.memory_space<hbm>>
      %dma_wait3A_667 = arith.constant 0 : i32
      %dma_wait3A_668 = arith.constant 0 : i32
      %dma_wait3A_669 = tpu.memref_slice %arg4[%add3A_125, %dma_wait3A_667, %dma_wait3A_668] : memref<2048x4x1024xf32, #tpu.memory_space<hbm>> -> memref<1x4x1024xf32, #tpu.memory_space<hbm>>
      %dma_wait3A_670 = tpu.memref_squeeze %dma_wait3A_669 : memref<1x4x1024xf32, #tpu.memory_space<hbm>> -> memref<4x1024xf32, #tpu.memory_space<hbm>>
      %dma_wait3A_671 = arith.constant 8 : i32
      %dma_wait3A_672 = arith.constant 0 : i32
      %dma_wait3A_673 = tpu.memref_slice %arg6[%run_scoped3A_126, %dma_wait3A_671, %dma_wait3A_672] : memref<6x16x1024xf32, #tpu.memory_space<vmem>> -> memref<1x4x1024xf32, #tpu.memory_space<vmem>>
      %dma_wait3A_674 = tpu.memref_squeeze %dma_wait3A_673 : memref<1x4x1024xf32, #tpu.memory_space<vmem>> -> memref<4x1024xf32, #tpu.memory_space<vmem>>
      tpu.wait_dma2 semaphore(%run_scoped3A_642 : memref<!tpu.dma_semaphore, #tpu.memory_space<semaphore_mem>>) src(%dma_wait3A_674 : memref<4x1024xf32, #tpu.memory_space<vmem>>) dst(%dma_wait3A_670 : memref<4x1024xf32, #tpu.memory_space<hbm>>)
      tpu.yield
    }) : () -> ()
    %add3A_127 = arith.constant 4 : i32
    %add3A_128 = arith.addi %mul3A_4, %add3A_127 : i32
    %add3A_129 = arith.constant 3 : i32
    %add3A_130 = arith.addi %add3A_128, %add3A_129 : i32
    %run_scoped3A_131 = arith.constant 1 : i32
    "tpu.region"() ({
      %run_scoped3A_642 = tpu.sem_alloc : memref<!tpu.dma_semaphore, #tpu.memory_space<semaphore_mem>>
      %dma_start3A_643 = arith.constant 12 : i32
      %dma_start3A_644 = arith.constant 0 : i32
      %dma_start3A_645 = tpu.memref_slice %arg6[%run_scoped3A_131, %dma_start3A_643, %dma_start3A_644] : memref<6x16x1024xf32, #tpu.memory_space<vmem>> -> memref<1x4x1024xf32, #tpu.memory_space<vmem>>
      %dma_start3A_646 = tpu.memref_squeeze %dma_start3A_645 : memref<1x4x1024xf32, #tpu.memory_space<vmem>> -> memref<4x1024xf32, #tpu.memory_space<vmem>>
      %dma_start3A_647 = arith.constant 0 : i32
      %dma_start3A_648 = arith.constant 0 : i32
      %dma_start3A_649 = tpu.memref_slice %arg4[%add3A_130, %dma_start3A_647, %dma_start3A_648] : memref<2048x4x1024xf32, #tpu.memory_space<hbm>> -> memref<1x4x1024xf32, #tpu.memory_space<hbm>>
      %dma_start3A_650 = tpu.memref_squeeze %dma_start3A_649 : memref<1x4x1024xf32, #tpu.memory_space<hbm>> -> memref<4x1024xf32, #tpu.memory_space<hbm>>
      %dma_start3A_651 = arith.constant 0 : i32
      %dma_start3A_652 = arith.constant 0 : i32
      %dma_start3A_653 = tpu.memref_slice %arg4[%add3A_130, %dma_start3A_651, %dma_start3A_652] : memref<2048x4x1024xf32, #tpu.memory_space<hbm>> -> memref<1x4x1024xf32, #tpu.memory_space<hbm>>
      %dma_start3A_654 = tpu.memref_squeeze %dma_start3A_653 : memref<1x4x1024xf32, #tpu.memory_space<hbm>> -> memref<4x1024xf32, #tpu.memory_space<hbm>>
      %dma_start3A_655 = arith.constant 12 : i32
      %dma_start3A_656 = arith.constant 0 : i32
      %dma_start3A_657 = tpu.memref_slice %arg6[%run_scoped3A_131, %dma_start3A_655, %dma_start3A_656] : memref<6x16x1024xf32, #tpu.memory_space<vmem>> -> memref<1x4x1024xf32, #tpu.memory_space<vmem>>
      %dma_start3A_658 = tpu.memref_squeeze %dma_start3A_657 : memref<1x4x1024xf32, #tpu.memory_space<vmem>> -> memref<4x1024xf32, #tpu.memory_space<vmem>>
      tpu.enqueue_dma source(%dma_start3A_658 : memref<4x1024xf32, #tpu.memory_space<vmem>>) target(%dma_start3A_654 : memref<4x1024xf32, #tpu.memory_space<hbm>>) target_semaphore(%run_scoped3A_642 : memref<!tpu.dma_semaphore, #tpu.memory_space<semaphore_mem>>)
      %dma_wait3A_659 = arith.constant 12 : i32
      %dma_wait3A_660 = arith.constant 0 : i32
      %dma_wait3A_661 = tpu.memref_slice %arg6[%run_scoped3A_131, %dma_wait3A_659, %dma_wait3A_660] : memref<6x16x1024xf32, #tpu.memory_space<vmem>> -> memref<1x4x1024xf32, #tpu.memory_space<vmem>>
      %dma_wait3A_662 = tpu.memref_squeeze %dma_wait3A_661 : memref<1x4x1024xf32, #tpu.memory_space<vmem>> -> memref<4x1024xf32, #tpu.memory_space<vmem>>
      %dma_wait3A_663 = arith.constant 0 : i32
      %dma_wait3A_664 = arith.constant 0 : i32
      %dma_wait3A_665 = tpu.memref_slice %arg4[%add3A_130, %dma_wait3A_663, %dma_wait3A_664] : memref<2048x4x1024xf32, #tpu.memory_space<hbm>> -> memref<1x4x1024xf32, #tpu.memory_space<hbm>>
      %dma_wait3A_666 = tpu.memref_squeeze %dma_wait3A_665 : memref<1x4x1024xf32, #tpu.memory_space<hbm>> -> memref<4x1024xf32, #tpu.memory_space<hbm>>
      %dma_wait3A_667 = arith.constant 0 : i32
      %dma_wait3A_668 = arith.constant 0 : i32
      %dma_wait3A_669 = tpu.memref_slice %arg4[%add3A_130, %dma_wait3A_667, %dma_wait3A_668] : memref<2048x4x1024xf32, #tpu.memory_space<hbm>> -> memref<1x4x1024xf32, #tpu.memory_space<hbm>>
      %dma_wait3A_670 = tpu.memref_squeeze %dma_wait3A_669 : memref<1x4x1024xf32, #tpu.memory_space<hbm>> -> memref<4x1024xf32, #tpu.memory_space<hbm>>
      %dma_wait3A_671 = arith.constant 12 : i32
      %dma_wait3A_672 = arith.constant 0 : i32
      %dma_wait3A_673 = tpu.memref_slice %arg6[%run_scoped3A_131, %dma_wait3A_671, %dma_wait3A_672] : memref<6x16x1024xf32, #tpu.memory_space<vmem>> -> memref<1x4x1024xf32, #tpu.memory_space<vmem>>
      %dma_wait3A_674 = tpu.memref_squeeze %dma_wait3A_673 : memref<1x4x1024xf32, #tpu.memory_space<vmem>> -> memref<4x1024xf32, #tpu.memory_space<vmem>>
      tpu.wait_dma2 semaphore(%run_scoped3A_642 : memref<!tpu.dma_semaphore, #tpu.memory_space<semaphore_mem>>) src(%dma_wait3A_674 : memref<4x1024xf32, #tpu.memory_space<vmem>>) dst(%dma_wait3A_670 : memref<4x1024xf32, #tpu.memory_space<hbm>>)
      tpu.yield
    }) : () -> ()
    %dma_start3A_132 = arith.constant 1 : i32
    %dma_start3A_133 = arith.constant 0 : i32
    %dma_start3A_134 = arith.constant 0 : i32
    %dma_start3A_135 = tpu.memref_slice %arg6[%dma_start3A_132, %dma_start3A_133, %dma_start3A_134] : memref<6x16x1024xf32, #tpu.memory_space<vmem>> -> memref<1x16x1024xf32, #tpu.memory_space<vmem>>
    %dma_start3A_136 = tpu.memref_squeeze %dma_start3A_135 : memref<1x16x1024xf32, #tpu.memory_space<vmem>> -> memref<16x1024xf32, #tpu.memory_space<vmem>>
    %dma_start3A_137 = arith.constant 112 : i32
    %dma_start3A_138 = tpu.memref_slice %arg5[%dma_start3A_137] : memref<256xi32, #tpu.memory_space<vmem>> -> memref<16xi32, #tpu.memory_space<vmem>>
    %dma_start3A_139 = arith.constant 0 : i32
    %dma_start3A_140 = arith.constant 0 : i32
    %dma_start3A_141 = tpu.memref_slice %arg2[%dma_start3A_139, %dma_start3A_140] : memref<150528x1024xf32, #tpu.memory_space<hbm>> -> memref<150528x1024xf32, #tpu.memory_space<hbm>>
    tpu.enqueue_indirect_dma source(%dma_start3A_141 : memref<150528x1024xf32, #tpu.memory_space<hbm>>) target(%dma_start3A_136 : memref<16x1024xf32, #tpu.memory_space<vmem>>) offsets(%dma_start3A_138 : memref<16xi32, #tpu.memory_space<vmem>>) semaphore(%arg8 : memref<!tpu.dma_semaphore, #tpu.memory_space<semaphore_mem>>)
    %dma_wait3A_142 = arith.constant 2 : i32
    %dma_wait3A_143 = arith.constant 0 : i32
    %dma_wait3A_144 = arith.constant 0 : i32
    %dma_wait3A_145 = tpu.memref_slice %arg6[%dma_wait3A_142, %dma_wait3A_143, %dma_wait3A_144] : memref<6x16x1024xf32, #tpu.memory_space<vmem>> -> memref<1x16x1024xf32, #tpu.memory_space<vmem>>
    %dma_wait3A_146 = tpu.memref_squeeze %dma_wait3A_145 : memref<1x16x1024xf32, #tpu.memory_space<vmem>> -> memref<16x1024xf32, #tpu.memory_space<vmem>>
    %dma_wait3A_147 = arith.constant 32 : i32
    %dma_wait3A_148 = tpu.memref_slice %arg5[%dma_wait3A_147] : memref<256xi32, #tpu.memory_space<vmem>> -> memref<16xi32, #tpu.memory_space<vmem>>
    %dma_wait3A_149 = arith.constant 0 : i32
    %dma_wait3A_150 = arith.constant 0 : i32
    %dma_wait3A_151 = tpu.memref_slice %arg2[%dma_wait3A_149, %dma_wait3A_150] : memref<150528x1024xf32, #tpu.memory_space<hbm>> -> memref<150528x1024xf32, #tpu.memory_space<hbm>>
    tpu.wait_indirect_dma semaphore(%arg9 : memref<!tpu.dma_semaphore, #tpu.memory_space<semaphore_mem>>) src(%dma_wait3A_151 : memref<150528x1024xf32, #tpu.memory_space<hbm>>) dst(%dma_wait3A_146 : memref<16x1024xf32, #tpu.memory_space<vmem>>)
    %add3A_152 = arith.constant 8 : i32
    %add3A_153 = arith.addi %mul3A_4, %add3A_152 : i32
    %add3A_154 = arith.constant 0 : i32
    %add3A_155 = arith.addi %add3A_153, %add3A_154 : i32
    %run_scoped3A_156 = arith.constant 2 : i32
    "tpu.region"() ({
      %run_scoped3A_642 = tpu.sem_alloc : memref<!tpu.dma_semaphore, #tpu.memory_space<semaphore_mem>>
      %dma_start3A_643 = arith.constant 0 : i32
      %dma_start3A_644 = arith.constant 0 : i32
      %dma_start3A_645 = tpu.memref_slice %arg6[%run_scoped3A_156, %dma_start3A_643, %dma_start3A_644] : memref<6x16x1024xf32, #tpu.memory_space<vmem>> -> memref<1x4x1024xf32, #tpu.memory_space<vmem>>
      %dma_start3A_646 = tpu.memref_squeeze %dma_start3A_645 : memref<1x4x1024xf32, #tpu.memory_space<vmem>> -> memref<4x1024xf32, #tpu.memory_space<vmem>>
      %dma_start3A_647 = arith.constant 0 : i32
      %dma_start3A_648 = arith.constant 0 : i32
      %dma_start3A_649 = tpu.memref_slice %arg4[%add3A_155, %dma_start3A_647, %dma_start3A_648] : memref<2048x4x1024xf32, #tpu.memory_space<hbm>> -> memref<1x4x1024xf32, #tpu.memory_space<hbm>>
      %dma_start3A_650 = tpu.memref_squeeze %dma_start3A_649 : memref<1x4x1024xf32, #tpu.memory_space<hbm>> -> memref<4x1024xf32, #tpu.memory_space<hbm>>
      %dma_start3A_651 = arith.constant 0 : i32
      %dma_start3A_652 = arith.constant 0 : i32
      %dma_start3A_653 = tpu.memref_slice %arg4[%add3A_155, %dma_start3A_651, %dma_start3A_652] : memref<2048x4x1024xf32, #tpu.memory_space<hbm>> -> memref<1x4x1024xf32, #tpu.memory_space<hbm>>
      %dma_start3A_654 = tpu.memref_squeeze %dma_start3A_653 : memref<1x4x1024xf32, #tpu.memory_space<hbm>> -> memref<4x1024xf32, #tpu.memory_space<hbm>>
      %dma_start3A_655 = arith.constant 0 : i32
      %dma_start3A_656 = arith.constant 0 : i32
      %dma_start3A_657 = tpu.memref_slice %arg6[%run_scoped3A_156, %dma_start3A_655, %dma_start3A_656] : memref<6x16x1024xf32, #tpu.memory_space<vmem>> -> memref<1x4x1024xf32, #tpu.memory_space<vmem>>
      %dma_start3A_658 = tpu.memref_squeeze %dma_start3A_657 : memref<1x4x1024xf32, #tpu.memory_space<vmem>> -> memref<4x1024xf32, #tpu.memory_space<vmem>>
      tpu.enqueue_dma source(%dma_start3A_658 : memref<4x1024xf32, #tpu.memory_space<vmem>>) target(%dma_start3A_654 : memref<4x1024xf32, #tpu.memory_space<hbm>>) target_semaphore(%run_scoped3A_642 : memref<!tpu.dma_semaphore, #tpu.memory_space<semaphore_mem>>)
      %dma_wait3A_659 = arith.constant 0 : i32
      %dma_wait3A_660 = arith.constant 0 : i32
      %dma_wait3A_661 = tpu.memref_slice %arg6[%run_scoped3A_156, %dma_wait3A_659, %dma_wait3A_660] : memref<6x16x1024xf32, #tpu.memory_space<vmem>> -> memref<1x4x1024xf32, #tpu.memory_space<vmem>>
      %dma_wait3A_662 = tpu.memref_squeeze %dma_wait3A_661 : memref<1x4x1024xf32, #tpu.memory_space<vmem>> -> memref<4x1024xf32, #tpu.memory_space<vmem>>
      %dma_wait3A_663 = arith.constant 0 : i32
      %dma_wait3A_664 = arith.constant 0 : i32
      %dma_wait3A_665 = tpu.memref_slice %arg4[%add3A_155, %dma_wait3A_663, %dma_wait3A_664] : memref<2048x4x1024xf32, #tpu.memory_space<hbm>> -> memref<1x4x1024xf32, #tpu.memory_space<hbm>>
      %dma_wait3A_666 = tpu.memref_squeeze %dma_wait3A_665 : memref<1x4x1024xf32, #tpu.memory_space<hbm>> -> memref<4x1024xf32, #tpu.memory_space<hbm>>
      %dma_wait3A_667 = arith.constant 0 : i32
      %dma_wait3A_668 = arith.constant 0 : i32
      %dma_wait3A_669 = tpu.memref_slice %arg4[%add3A_155, %dma_wait3A_667, %dma_wait3A_668] : memref<2048x4x1024xf32, #tpu.memory_space<hbm>> -> memref<1x4x1024xf32, #tpu.memory_space<hbm>>
      %dma_wait3A_670 = tpu.memref_squeeze %dma_wait3A_669 : memref<1x4x1024xf32, #tpu.memory_space<hbm>> -> memref<4x1024xf32, #tpu.memory_space<hbm>>
      %dma_wait3A_671 = arith.constant 0 : i32
      %dma_wait3A_672 = arith.constant 0 : i32
      %dma_wait3A_673 = tpu.memref_slice %arg6[%run_scoped3A_156, %dma_wait3A_671, %dma_wait3A_672] : memref<6x16x1024xf32, #tpu.memory_space<vmem>> -> memref<1x4x1024xf32, #tpu.memory_space<vmem>>
      %dma_wait3A_674 = tpu.memref_squeeze %dma_wait3A_673 : memref<1x4x1024xf32, #tpu.memory_space<vmem>> -> memref<4x1024xf32, #tpu.memory_space<vmem>>
      tpu.wait_dma2 semaphore(%run_scoped3A_642 : memref<!tpu.dma_semaphore, #tpu.memory_space<semaphore_mem>>) src(%dma_wait3A_674 : memref<4x1024xf32, #tpu.memory_space<vmem>>) dst(%dma_wait3A_670 : memref<4x1024xf32, #tpu.memory_space<hbm>>)
      tpu.yield
    }) : () -> ()
    %add3A_157 = arith.constant 8 : i32
    %add3A_158 = arith.addi %mul3A_4, %add3A_157 : i32
    %add3A_159 = arith.constant 1 : i32
    %add3A_160 = arith.addi %add3A_158, %add3A_159 : i32
    %run_scoped3A_161 = arith.constant 2 : i32
    "tpu.region"() ({
      %run_scoped3A_642 = tpu.sem_alloc : memref<!tpu.dma_semaphore, #tpu.memory_space<semaphore_mem>>
      %dma_start3A_643 = arith.constant 4 : i32
      %dma_start3A_644 = arith.constant 0 : i32
      %dma_start3A_645 = tpu.memref_slice %arg6[%run_scoped3A_161, %dma_start3A_643, %dma_start3A_644] : memref<6x16x1024xf32, #tpu.memory_space<vmem>> -> memref<1x4x1024xf32, #tpu.memory_space<vmem>>
      %dma_start3A_646 = tpu.memref_squeeze %dma_start3A_645 : memref<1x4x1024xf32, #tpu.memory_space<vmem>> -> memref<4x1024xf32, #tpu.memory_space<vmem>>
      %dma_start3A_647 = arith.constant 0 : i32
      %dma_start3A_648 = arith.constant 0 : i32
      %dma_start3A_649 = tpu.memref_slice %arg4[%add3A_160, %dma_start3A_647, %dma_start3A_648] : memref<2048x4x1024xf32, #tpu.memory_space<hbm>> -> memref<1x4x1024xf32, #tpu.memory_space<hbm>>
      %dma_start3A_650 = tpu.memref_squeeze %dma_start3A_649 : memref<1x4x1024xf32, #tpu.memory_space<hbm>> -> memref<4x1024xf32, #tpu.memory_space<hbm>>
      %dma_start3A_651 = arith.constant 0 : i32
      %dma_start3A_652 = arith.constant 0 : i32
      %dma_start3A_653 = tpu.memref_slice %arg4[%add3A_160, %dma_start3A_651, %dma_start3A_652] : memref<2048x4x1024xf32, #tpu.memory_space<hbm>> -> memref<1x4x1024xf32, #tpu.memory_space<hbm>>
      %dma_start3A_654 = tpu.memref_squeeze %dma_start3A_653 : memref<1x4x1024xf32, #tpu.memory_space<hbm>> -> memref<4x1024xf32, #tpu.memory_space<hbm>>
      %dma_start3A_655 = arith.constant 4 : i32
      %dma_start3A_656 = arith.constant 0 : i32
      %dma_start3A_657 = tpu.memref_slice %arg6[%run_scoped3A_161, %dma_start3A_655, %dma_start3A_656] : memref<6x16x1024xf32, #tpu.memory_space<vmem>> -> memref<1x4x1024xf32, #tpu.memory_space<vmem>>
      %dma_start3A_658 = tpu.memref_squeeze %dma_start3A_657 : memref<1x4x1024xf32, #tpu.memory_space<vmem>> -> memref<4x1024xf32, #tpu.memory_space<vmem>>
      tpu.enqueue_dma source(%dma_start3A_658 : memref<4x1024xf32, #tpu.memory_space<vmem>>) target(%dma_start3A_654 : memref<4x1024xf32, #tpu.memory_space<hbm>>) target_semaphore(%run_scoped3A_642 : memref<!tpu.dma_semaphore, #tpu.memory_space<semaphore_mem>>)
      %dma_wait3A_659 = arith.constant 4 : i32
      %dma_wait3A_660 = arith.constant 0 : i32
      %dma_wait3A_661 = tpu.memref_slice %arg6[%run_scoped3A_161, %dma_wait3A_659, %dma_wait3A_660] : memref<6x16x1024xf32, #tpu.memory_space<vmem>> -> memref<1x4x1024xf32, #tpu.memory_space<vmem>>
      %dma_wait3A_662 = tpu.memref_squeeze %dma_wait3A_661 : memref<1x4x1024xf32, #tpu.memory_space<vmem>> -> memref<4x1024xf32, #tpu.memory_space<vmem>>
      %dma_wait3A_663 = arith.constant 0 : i32
      %dma_wait3A_664 = arith.constant 0 : i32
      %dma_wait3A_665 = tpu.memref_slice %arg4[%add3A_160, %dma_wait3A_663, %dma_wait3A_664] : memref<2048x4x1024xf32, #tpu.memory_space<hbm>> -> memref<1x4x1024xf32, #tpu.memory_space<hbm>>
      %dma_wait3A_666 = tpu.memref_squeeze %dma_wait3A_665 : memref<1x4x1024xf32, #tpu.memory_space<hbm>> -> memref<4x1024xf32, #tpu.memory_space<hbm>>
      %dma_wait3A_667 = arith.constant 0 : i32
      %dma_wait3A_668 = arith.constant 0 : i32
      %dma_wait3A_669 = tpu.memref_slice %arg4[%add3A_160, %dma_wait3A_667, %dma_wait3A_668] : memref<2048x4x1024xf32, #tpu.memory_space<hbm>> -> memref<1x4x1024xf32, #tpu.memory_space<hbm>>
      %dma_wait3A_670 = tpu.memref_squeeze %dma_wait3A_669 : memref<1x4x1024xf32, #tpu.memory_space<hbm>> -> memref<4x1024xf32, #tpu.memory_space<hbm>>
      %dma_wait3A_671 = arith.constant 4 : i32
      %dma_wait3A_672 = arith.constant 0 : i32
      %dma_wait3A_673 = tpu.memref_slice %arg6[%run_scoped3A_161, %dma_wait3A_671, %dma_wait3A_672] : memref<6x16x1024xf32, #tpu.memory_space<vmem>> -> memref<1x4x1024xf32, #tpu.memory_space<vmem>>
      %dma_wait3A_674 = tpu.memref_squeeze %dma_wait3A_673 : memref<1x4x1024xf32, #tpu.memory_space<vmem>> -> memref<4x1024xf32, #tpu.memory_space<vmem>>
      tpu.wait_dma2 semaphore(%run_scoped3A_642 : memref<!tpu.dma_semaphore, #tpu.memory_space<semaphore_mem>>) src(%dma_wait3A_674 : memref<4x1024xf32, #tpu.memory_space<vmem>>) dst(%dma_wait3A_670 : memref<4x1024xf32, #tpu.memory_space<hbm>>)
      tpu.yield
    }) : () -> ()
    %add3A_162 = arith.constant 8 : i32
    %add3A_163 = arith.addi %mul3A_4, %add3A_162 : i32
    %add3A_164 = arith.constant 2 : i32
    %add3A_165 = arith.addi %add3A_163, %add3A_164 : i32
    %run_scoped3A_166 = arith.constant 2 : i32
    "tpu.region"() ({
      %run_scoped3A_642 = tpu.sem_alloc : memref<!tpu.dma_semaphore, #tpu.memory_space<semaphore_mem>>
      %dma_start3A_643 = arith.constant 8 : i32
      %dma_start3A_644 = arith.constant 0 : i32
      %dma_start3A_645 = tpu.memref_slice %arg6[%run_scoped3A_166, %dma_start3A_643, %dma_start3A_644] : memref<6x16x1024xf32, #tpu.memory_space<vmem>> -> memref<1x4x1024xf32, #tpu.memory_space<vmem>>
      %dma_start3A_646 = tpu.memref_squeeze %dma_start3A_645 : memref<1x4x1024xf32, #tpu.memory_space<vmem>> -> memref<4x1024xf32, #tpu.memory_space<vmem>>
      %dma_start3A_647 = arith.constant 0 : i32
      %dma_start3A_648 = arith.constant 0 : i32
      %dma_start3A_649 = tpu.memref_slice %arg4[%add3A_165, %dma_start3A_647, %dma_start3A_648] : memref<2048x4x1024xf32, #tpu.memory_space<hbm>> -> memref<1x4x1024xf32, #tpu.memory_space<hbm>>
      %dma_start3A_650 = tpu.memref_squeeze %dma_start3A_649 : memref<1x4x1024xf32, #tpu.memory_space<hbm>> -> memref<4x1024xf32, #tpu.memory_space<hbm>>
      %dma_start3A_651 = arith.constant 0 : i32
      %dma_start3A_652 = arith.constant 0 : i32
      %dma_start3A_653 = tpu.memref_slice %arg4[%add3A_165, %dma_start3A_651, %dma_start3A_652] : memref<2048x4x1024xf32, #tpu.memory_space<hbm>> -> memref<1x4x1024xf32, #tpu.memory_space<hbm>>
      %dma_start3A_654 = tpu.memref_squeeze %dma_start3A_653 : memref<1x4x1024xf32, #tpu.memory_space<hbm>> -> memref<4x1024xf32, #tpu.memory_space<hbm>>
      %dma_start3A_655 = arith.constant 8 : i32
      %dma_start3A_656 = arith.constant 0 : i32
      %dma_start3A_657 = tpu.memref_slice %arg6[%run_scoped3A_166, %dma_start3A_655, %dma_start3A_656] : memref<6x16x1024xf32, #tpu.memory_space<vmem>> -> memref<1x4x1024xf32, #tpu.memory_space<vmem>>
      %dma_start3A_658 = tpu.memref_squeeze %dma_start3A_657 : memref<1x4x1024xf32, #tpu.memory_space<vmem>> -> memref<4x1024xf32, #tpu.memory_space<vmem>>
      tpu.enqueue_dma source(%dma_start3A_658 : memref<4x1024xf32, #tpu.memory_space<vmem>>) target(%dma_start3A_654 : memref<4x1024xf32, #tpu.memory_space<hbm>>) target_semaphore(%run_scoped3A_642 : memref<!tpu.dma_semaphore, #tpu.memory_space<semaphore_mem>>)
      %dma_wait3A_659 = arith.constant 8 : i32
      %dma_wait3A_660 = arith.constant 0 : i32
      %dma_wait3A_661 = tpu.memref_slice %arg6[%run_scoped3A_166, %dma_wait3A_659, %dma_wait3A_660] : memref<6x16x1024xf32, #tpu.memory_space<vmem>> -> memref<1x4x1024xf32, #tpu.memory_space<vmem>>
      %dma_wait3A_662 = tpu.memref_squeeze %dma_wait3A_661 : memref<1x4x1024xf32, #tpu.memory_space<vmem>> -> memref<4x1024xf32, #tpu.memory_space<vmem>>
      %dma_wait3A_663 = arith.constant 0 : i32
      %dma_wait3A_664 = arith.constant 0 : i32
      %dma_wait3A_665 = tpu.memref_slice %arg4[%add3A_165, %dma_wait3A_663, %dma_wait3A_664] : memref<2048x4x1024xf32, #tpu.memory_space<hbm>> -> memref<1x4x1024xf32, #tpu.memory_space<hbm>>
      %dma_wait3A_666 = tpu.memref_squeeze %dma_wait3A_665 : memref<1x4x1024xf32, #tpu.memory_space<hbm>> -> memref<4x1024xf32, #tpu.memory_space<hbm>>
      %dma_wait3A_667 = arith.constant 0 : i32
      %dma_wait3A_668 = arith.constant 0 : i32
      %dma_wait3A_669 = tpu.memref_slice %arg4[%add3A_165, %dma_wait3A_667, %dma_wait3A_668] : memref<2048x4x1024xf32, #tpu.memory_space<hbm>> -> memref<1x4x1024xf32, #tpu.memory_space<hbm>>
      %dma_wait3A_670 = tpu.memref_squeeze %dma_wait3A_669 : memref<1x4x1024xf32, #tpu.memory_space<hbm>> -> memref<4x1024xf32, #tpu.memory_space<hbm>>
      %dma_wait3A_671 = arith.constant 8 : i32
      %dma_wait3A_672 = arith.constant 0 : i32
      %dma_wait3A_673 = tpu.memref_slice %arg6[%run_scoped3A_166, %dma_wait3A_671, %dma_wait3A_672] : memref<6x16x1024xf32, #tpu.memory_space<vmem>> -> memref<1x4x1024xf32, #tpu.memory_space<vmem>>
      %dma_wait3A_674 = tpu.memref_squeeze %dma_wait3A_673 : memref<1x4x1024xf32, #tpu.memory_space<vmem>> -> memref<4x1024xf32, #tpu.memory_space<vmem>>
      tpu.wait_dma2 semaphore(%run_scoped3A_642 : memref<!tpu.dma_semaphore, #tpu.memory_space<semaphore_mem>>) src(%dma_wait3A_674 : memref<4x1024xf32, #tpu.memory_space<vmem>>) dst(%dma_wait3A_670 : memref<4x1024xf32, #tpu.memory_space<hbm>>)
      tpu.yield
    }) : () -> ()
    %add3A_167 = arith.constant 8 : i32
    %add3A_168 = arith.addi %mul3A_4, %add3A_167 : i32
    %add3A_169 = arith.constant 3 : i32
    %add3A_170 = arith.addi %add3A_168, %add3A_169 : i32
    %run_scoped3A_171 = arith.constant 2 : i32
    "tpu.region"() ({
      %run_scoped3A_642 = tpu.sem_alloc : memref<!tpu.dma_semaphore, #tpu.memory_space<semaphore_mem>>
      %dma_start3A_643 = arith.constant 12 : i32
      %dma_start3A_644 = arith.constant 0 : i32
      %dma_start3A_645 = tpu.memref_slice %arg6[%run_scoped3A_171, %dma_start3A_643, %dma_start3A_644] : memref<6x16x1024xf32, #tpu.memory_space<vmem>> -> memref<1x4x1024xf32, #tpu.memory_space<vmem>>
      %dma_start3A_646 = tpu.memref_squeeze %dma_start3A_645 : memref<1x4x1024xf32, #tpu.memory_space<vmem>> -> memref<4x1024xf32, #tpu.memory_space<vmem>>
      %dma_start3A_647 = arith.constant 0 : i32
      %dma_start3A_648 = arith.constant 0 : i32
      %dma_start3A_649 = tpu.memref_slice %arg4[%add3A_170, %dma_start3A_647, %dma_start3A_648] : memref<2048x4x1024xf32, #tpu.memory_space<hbm>> -> memref<1x4x1024xf32, #tpu.memory_space<hbm>>
      %dma_start3A_650 = tpu.memref_squeeze %dma_start3A_649 : memref<1x4x1024xf32, #tpu.memory_space<hbm>> -> memref<4x1024xf32, #tpu.memory_space<hbm>>
      %dma_start3A_651 = arith.constant 0 : i32
      %dma_start3A_652 = arith.constant 0 : i32
      %dma_start3A_653 = tpu.memref_slice %arg4[%add3A_170, %dma_start3A_651, %dma_start3A_652] : memref<2048x4x1024xf32, #tpu.memory_space<hbm>> -> memref<1x4x1024xf32, #tpu.memory_space<hbm>>
      %dma_start3A_654 = tpu.memref_squeeze %dma_start3A_653 : memref<1x4x1024xf32, #tpu.memory_space<hbm>> -> memref<4x1024xf32, #tpu.memory_space<hbm>>
      %dma_start3A_655 = arith.constant 12 : i32
      %dma_start3A_656 = arith.constant 0 : i32
      %dma_start3A_657 = tpu.memref_slice %arg6[%run_scoped3A_171, %dma_start3A_655, %dma_start3A_656] : memref<6x16x1024xf32, #tpu.memory_space<vmem>> -> memref<1x4x1024xf32, #tpu.memory_space<vmem>>
      %dma_start3A_658 = tpu.memref_squeeze %dma_start3A_657 : memref<1x4x1024xf32, #tpu.memory_space<vmem>> -> memref<4x1024xf32, #tpu.memory_space<vmem>>
      tpu.enqueue_dma source(%dma_start3A_658 : memref<4x1024xf32, #tpu.memory_space<vmem>>) target(%dma_start3A_654 : memref<4x1024xf32, #tpu.memory_space<hbm>>) target_semaphore(%run_scoped3A_642 : memref<!tpu.dma_semaphore, #tpu.memory_space<semaphore_mem>>)
      %dma_wait3A_659 = arith.constant 12 : i32
      %dma_wait3A_660 = arith.constant 0 : i32
      %dma_wait3A_661 = tpu.memref_slice %arg6[%run_scoped3A_171, %dma_wait3A_659, %dma_wait3A_660] : memref<6x16x1024xf32, #tpu.memory_space<vmem>> -> memref<1x4x1024xf32, #tpu.memory_space<vmem>>
      %dma_wait3A_662 = tpu.memref_squeeze %dma_wait3A_661 : memref<1x4x1024xf32, #tpu.memory_space<vmem>> -> memref<4x1024xf32, #tpu.memory_space<vmem>>
      %dma_wait3A_663 = arith.constant 0 : i32
      %dma_wait3A_664 = arith.constant 0 : i32
      %dma_wait3A_665 = tpu.memref_slice %arg4[%add3A_170, %dma_wait3A_663, %dma_wait3A_664] : memref<2048x4x1024xf32, #tpu.memory_space<hbm>> -> memref<1x4x1024xf32, #tpu.memory_space<hbm>>
      %dma_wait3A_666 = tpu.memref_squeeze %dma_wait3A_665 : memref<1x4x1024xf32, #tpu.memory_space<hbm>> -> memref<4x1024xf32, #tpu.memory_space<hbm>>
      %dma_wait3A_667 = arith.constant 0 : i32
      %dma_wait3A_668 = arith.constant 0 : i32
      %dma_wait3A_669 = tpu.memref_slice %arg4[%add3A_170, %dma_wait3A_667, %dma_wait3A_668] : memref<2048x4x1024xf32, #tpu.memory_space<hbm>> -> memref<1x4x1024xf32, #tpu.memory_space<hbm>>
      %dma_wait3A_670 = tpu.memref_squeeze %dma_wait3A_669 : memref<1x4x1024xf32, #tpu.memory_space<hbm>> -> memref<4x1024xf32, #tpu.memory_space<hbm>>
      %dma_wait3A_671 = arith.constant 12 : i32
      %dma_wait3A_672 = arith.constant 0 : i32
      %dma_wait3A_673 = tpu.memref_slice %arg6[%run_scoped3A_171, %dma_wait3A_671, %dma_wait3A_672] : memref<6x16x1024xf32, #tpu.memory_space<vmem>> -> memref<1x4x1024xf32, #tpu.memory_space<vmem>>
      %dma_wait3A_674 = tpu.memref_squeeze %dma_wait3A_673 : memref<1x4x1024xf32, #tpu.memory_space<vmem>> -> memref<4x1024xf32, #tpu.memory_space<vmem>>
      tpu.wait_dma2 semaphore(%run_scoped3A_642 : memref<!tpu.dma_semaphore, #tpu.memory_space<semaphore_mem>>) src(%dma_wait3A_674 : memref<4x1024xf32, #tpu.memory_space<vmem>>) dst(%dma_wait3A_670 : memref<4x1024xf32, #tpu.memory_space<hbm>>)
      tpu.yield
    }) : () -> ()
    %dma_start3A_172 = arith.constant 2 : i32
    %dma_start3A_173 = arith.constant 0 : i32
    %dma_start3A_174 = arith.constant 0 : i32
    %dma_start3A_175 = tpu.memref_slice %arg6[%dma_start3A_172, %dma_start3A_173, %dma_start3A_174] : memref<6x16x1024xf32, #tpu.memory_space<vmem>> -> memref<1x16x1024xf32, #tpu.memory_space<vmem>>
    %dma_start3A_176 = tpu.memref_squeeze %dma_start3A_175 : memref<1x16x1024xf32, #tpu.memory_space<vmem>> -> memref<16x1024xf32, #tpu.memory_space<vmem>>
    %dma_start3A_177 = arith.constant 128 : i32
    %dma_start3A_178 = tpu.memref_slice %arg5[%dma_start3A_177] : memref<256xi32, #tpu.memory_space<vmem>> -> memref<16xi32, #tpu.memory_space<vmem>>
    %dma_start3A_179 = arith.constant 0 : i32
    %dma_start3A_180 = arith.constant 0 : i32
    %dma_start3A_181 = tpu.memref_slice %arg2[%dma_start3A_179, %dma_start3A_180] : memref<150528x1024xf32, #tpu.memory_space<hbm>> -> memref<150528x1024xf32, #tpu.memory_space<hbm>>
    tpu.enqueue_indirect_dma source(%dma_start3A_181 : memref<150528x1024xf32, #tpu.memory_space<hbm>>) target(%dma_start3A_176 : memref<16x1024xf32, #tpu.memory_space<vmem>>) offsets(%dma_start3A_178 : memref<16xi32, #tpu.memory_space<vmem>>) semaphore(%arg9 : memref<!tpu.dma_semaphore, #tpu.memory_space<semaphore_mem>>)
    %dma_wait3A_182 = arith.constant 3 : i32
    %dma_wait3A_183 = arith.constant 0 : i32
    %dma_wait3A_184 = arith.constant 0 : i32
    %dma_wait3A_185 = tpu.memref_slice %arg6[%dma_wait3A_182, %dma_wait3A_183, %dma_wait3A_184] : memref<6x16x1024xf32, #tpu.memory_space<vmem>> -> memref<1x16x1024xf32, #tpu.memory_space<vmem>>
    %dma_wait3A_186 = tpu.memref_squeeze %dma_wait3A_185 : memref<1x16x1024xf32, #tpu.memory_space<vmem>> -> memref<16x1024xf32, #tpu.memory_space<vmem>>
    %dma_wait3A_187 = arith.constant 48 : i32
    %dma_wait3A_188 = tpu.memref_slice %arg5[%dma_wait3A_187] : memref<256xi32, #tpu.memory_space<vmem>> -> memref<16xi32, #tpu.memory_space<vmem>>
    %dma_wait3A_189 = arith.constant 0 : i32
    %dma_wait3A_190 = arith.constant 0 : i32
    %dma_wait3A_191 = tpu.memref_slice %arg2[%dma_wait3A_189, %dma_wait3A_190] : memref<150528x1024xf32, #tpu.memory_space<hbm>> -> memref<150528x1024xf32, #tpu.memory_space<hbm>>
    tpu.wait_indirect_dma semaphore(%arg10 : memref<!tpu.dma_semaphore, #tpu.memory_space<semaphore_mem>>) src(%dma_wait3A_191 : memref<150528x1024xf32, #tpu.memory_space<hbm>>) dst(%dma_wait3A_186 : memref<16x1024xf32, #tpu.memory_space<vmem>>)
    %add3A_192 = arith.constant 12 : i32
    %add3A_193 = arith.addi %mul3A_4, %add3A_192 : i32
    %add3A_194 = arith.constant 0 : i32
    %add3A_195 = arith.addi %add3A_193, %add3A_194 : i32
    %run_scoped3A_196 = arith.constant 3 : i32
    "tpu.region"() ({
      %run_scoped3A_642 = tpu.sem_alloc : memref<!tpu.dma_semaphore, #tpu.memory_space<semaphore_mem>>
      %dma_start3A_643 = arith.constant 0 : i32
      %dma_start3A_644 = arith.constant 0 : i32
      %dma_start3A_645 = tpu.memref_slice %arg6[%run_scoped3A_196, %dma_start3A_643, %dma_start3A_644] : memref<6x16x1024xf32, #tpu.memory_space<vmem>> -> memref<1x4x1024xf32, #tpu.memory_space<vmem>>
      %dma_start3A_646 = tpu.memref_squeeze %dma_start3A_645 : memref<1x4x1024xf32, #tpu.memory_space<vmem>> -> memref<4x1024xf32, #tpu.memory_space<vmem>>
      %dma_start3A_647 = arith.constant 0 : i32
      %dma_start3A_648 = arith.constant 0 : i32
      %dma_start3A_649 = tpu.memref_slice %arg4[%add3A_195, %dma_start3A_647, %dma_start3A_648] : memref<2048x4x1024xf32, #tpu.memory_space<hbm>> -> memref<1x4x1024xf32, #tpu.memory_space<hbm>>
      %dma_start3A_650 = tpu.memref_squeeze %dma_start3A_649 : memref<1x4x1024xf32, #tpu.memory_space<hbm>> -> memref<4x1024xf32, #tpu.memory_space<hbm>>
      %dma_start3A_651 = arith.constant 0 : i32
      %dma_start3A_652 = arith.constant 0 : i32
      %dma_start3A_653 = tpu.memref_slice %arg4[%add3A_195, %dma_start3A_651, %dma_start3A_652] : memref<2048x4x1024xf32, #tpu.memory_space<hbm>> -> memref<1x4x1024xf32, #tpu.memory_space<hbm>>
      %dma_start3A_654 = tpu.memref_squeeze %dma_start3A_653 : memref<1x4x1024xf32, #tpu.memory_space<hbm>> -> memref<4x1024xf32, #tpu.memory_space<hbm>>
      %dma_start3A_655 = arith.constant 0 : i32
      %dma_start3A_656 = arith.constant 0 : i32
      %dma_start3A_657 = tpu.memref_slice %arg6[%run_scoped3A_196, %dma_start3A_655, %dma_start3A_656] : memref<6x16x1024xf32, #tpu.memory_space<vmem>> -> memref<1x4x1024xf32, #tpu.memory_space<vmem>>
      %dma_start3A_658 = tpu.memref_squeeze %dma_start3A_657 : memref<1x4x1024xf32, #tpu.memory_space<vmem>> -> memref<4x1024xf32, #tpu.memory_space<vmem>>
      tpu.enqueue_dma source(%dma_start3A_658 : memref<4x1024xf32, #tpu.memory_space<vmem>>) target(%dma_start3A_654 : memref<4x1024xf32, #tpu.memory_space<hbm>>) target_semaphore(%run_scoped3A_642 : memref<!tpu.dma_semaphore, #tpu.memory_space<semaphore_mem>>)
      %dma_wait3A_659 = arith.constant 0 : i32
      %dma_wait3A_660 = arith.constant 0 : i32
      %dma_wait3A_661 = tpu.memref_slice %arg6[%run_scoped3A_196, %dma_wait3A_659, %dma_wait3A_660] : memref<6x16x1024xf32, #tpu.memory_space<vmem>> -> memref<1x4x1024xf32, #tpu.memory_space<vmem>>
      %dma_wait3A_662 = tpu.memref_squeeze %dma_wait3A_661 : memref<1x4x1024xf32, #tpu.memory_space<vmem>> -> memref<4x1024xf32, #tpu.memory_space<vmem>>
      %dma_wait3A_663 = arith.constant 0 : i32
      %dma_wait3A_664 = arith.constant 0 : i32
      %dma_wait3A_665 = tpu.memref_slice %arg4[%add3A_195, %dma_wait3A_663, %dma_wait3A_664] : memref<2048x4x1024xf32, #tpu.memory_space<hbm>> -> memref<1x4x1024xf32, #tpu.memory_space<hbm>>
      %dma_wait3A_666 = tpu.memref_squeeze %dma_wait3A_665 : memref<1x4x1024xf32, #tpu.memory_space<hbm>> -> memref<4x1024xf32, #tpu.memory_space<hbm>>
      %dma_wait3A_667 = arith.constant 0 : i32
      %dma_wait3A_668 = arith.constant 0 : i32
      %dma_wait3A_669 = tpu.memref_slice %arg4[%add3A_195, %dma_wait3A_667, %dma_wait3A_668] : memref<2048x4x1024xf32, #tpu.memory_space<hbm>> -> memref<1x4x1024xf32, #tpu.memory_space<hbm>>
      %dma_wait3A_670 = tpu.memref_squeeze %dma_wait3A_669 : memref<1x4x1024xf32, #tpu.memory_space<hbm>> -> memref<4x1024xf32, #tpu.memory_space<hbm>>
      %dma_wait3A_671 = arith.constant 0 : i32
      %dma_wait3A_672 = arith.constant 0 : i32
      %dma_wait3A_673 = tpu.memref_slice %arg6[%run_scoped3A_196, %dma_wait3A_671, %dma_wait3A_672] : memref<6x16x1024xf32, #tpu.memory_space<vmem>> -> memref<1x4x1024xf32, #tpu.memory_space<vmem>>
      %dma_wait3A_674 = tpu.memref_squeeze %dma_wait3A_673 : memref<1x4x1024xf32, #tpu.memory_space<vmem>> -> memref<4x1024xf32, #tpu.memory_space<vmem>>
      tpu.wait_dma2 semaphore(%run_scoped3A_642 : memref<!tpu.dma_semaphore, #tpu.memory_space<semaphore_mem>>) src(%dma_wait3A_674 : memref<4x1024xf32, #tpu.memory_space<vmem>>) dst(%dma_wait3A_670 : memref<4x1024xf32, #tpu.memory_space<hbm>>)
      tpu.yield
    }) : () -> ()
    %add3A_197 = arith.constant 12 : i32
    %add3A_198 = arith.addi %mul3A_4, %add3A_197 : i32
    %add3A_199 = arith.constant 1 : i32
    %add3A_200 = arith.addi %add3A_198, %add3A_199 : i32
    %run_scoped3A_201 = arith.constant 3 : i32
    "tpu.region"() ({
      %run_scoped3A_642 = tpu.sem_alloc : memref<!tpu.dma_semaphore, #tpu.memory_space<semaphore_mem>>
      %dma_start3A_643 = arith.constant 4 : i32
      %dma_start3A_644 = arith.constant 0 : i32
      %dma_start3A_645 = tpu.memref_slice %arg6[%run_scoped3A_201, %dma_start3A_643, %dma_start3A_644] : memref<6x16x1024xf32, #tpu.memory_space<vmem>> -> memref<1x4x1024xf32, #tpu.memory_space<vmem>>
      %dma_start3A_646 = tpu.memref_squeeze %dma_start3A_645 : memref<1x4x1024xf32, #tpu.memory_space<vmem>> -> memref<4x1024xf32, #tpu.memory_space<vmem>>
      %dma_start3A_647 = arith.constant 0 : i32
      %dma_start3A_648 = arith.constant 0 : i32
      %dma_start3A_649 = tpu.memref_slice %arg4[%add3A_200, %dma_start3A_647, %dma_start3A_648] : memref<2048x4x1024xf32, #tpu.memory_space<hbm>> -> memref<1x4x1024xf32, #tpu.memory_space<hbm>>
      %dma_start3A_650 = tpu.memref_squeeze %dma_start3A_649 : memref<1x4x1024xf32, #tpu.memory_space<hbm>> -> memref<4x1024xf32, #tpu.memory_space<hbm>>
      %dma_start3A_651 = arith.constant 0 : i32
      %dma_start3A_652 = arith.constant 0 : i32
      %dma_start3A_653 = tpu.memref_slice %arg4[%add3A_200, %dma_start3A_651, %dma_start3A_652] : memref<2048x4x1024xf32, #tpu.memory_space<hbm>> -> memref<1x4x1024xf32, #tpu.memory_space<hbm>>
      %dma_start3A_654 = tpu.memref_squeeze %dma_start3A_653 : memref<1x4x1024xf32, #tpu.memory_space<hbm>> -> memref<4x1024xf32, #tpu.memory_space<hbm>>
      %dma_start3A_655 = arith.constant 4 : i32
      %dma_start3A_656 = arith.constant 0 : i32
      %dma_start3A_657 = tpu.memref_slice %arg6[%run_scoped3A_201, %dma_start3A_655, %dma_start3A_656] : memref<6x16x1024xf32, #tpu.memory_space<vmem>> -> memref<1x4x1024xf32, #tpu.memory_space<vmem>>
      %dma_start3A_658 = tpu.memref_squeeze %dma_start3A_657 : memref<1x4x1024xf32, #tpu.memory_space<vmem>> -> memref<4x1024xf32, #tpu.memory_space<vmem>>
      tpu.enqueue_dma source(%dma_start3A_658 : memref<4x1024xf32, #tpu.memory_space<vmem>>) target(%dma_start3A_654 : memref<4x1024xf32, #tpu.memory_space<hbm>>) target_semaphore(%run_scoped3A_642 : memref<!tpu.dma_semaphore, #tpu.memory_space<semaphore_mem>>)
      %dma_wait3A_659 = arith.constant 4 : i32
      %dma_wait3A_660 = arith.constant 0 : i32
      %dma_wait3A_661 = tpu.memref_slice %arg6[%run_scoped3A_201, %dma_wait3A_659, %dma_wait3A_660] : memref<6x16x1024xf32, #tpu.memory_space<vmem>> -> memref<1x4x1024xf32, #tpu.memory_space<vmem>>
      %dma_wait3A_662 = tpu.memref_squeeze %dma_wait3A_661 : memref<1x4x1024xf32, #tpu.memory_space<vmem>> -> memref<4x1024xf32, #tpu.memory_space<vmem>>
      %dma_wait3A_663 = arith.constant 0 : i32
      %dma_wait3A_664 = arith.constant 0 : i32
      %dma_wait3A_665 = tpu.memref_slice %arg4[%add3A_200, %dma_wait3A_663, %dma_wait3A_664] : memref<2048x4x1024xf32, #tpu.memory_space<hbm>> -> memref<1x4x1024xf32, #tpu.memory_space<hbm>>
      %dma_wait3A_666 = tpu.memref_squeeze %dma_wait3A_665 : memref<1x4x1024xf32, #tpu.memory_space<hbm>> -> memref<4x1024xf32, #tpu.memory_space<hbm>>
      %dma_wait3A_667 = arith.constant 0 : i32
      %dma_wait3A_668 = arith.constant 0 : i32
      %dma_wait3A_669 = tpu.memref_slice %arg4[%add3A_200, %dma_wait3A_667, %dma_wait3A_668] : memref<2048x4x1024xf32, #tpu.memory_space<hbm>> -> memref<1x4x1024xf32, #tpu.memory_space<hbm>>
      %dma_wait3A_670 = tpu.memref_squeeze %dma_wait3A_669 : memref<1x4x1024xf32, #tpu.memory_space<hbm>> -> memref<4x1024xf32, #tpu.memory_space<hbm>>
      %dma_wait3A_671 = arith.constant 4 : i32
      %dma_wait3A_672 = arith.constant 0 : i32
      %dma_wait3A_673 = tpu.memref_slice %arg6[%run_scoped3A_201, %dma_wait3A_671, %dma_wait3A_672] : memref<6x16x1024xf32, #tpu.memory_space<vmem>> -> memref<1x4x1024xf32, #tpu.memory_space<vmem>>
      %dma_wait3A_674 = tpu.memref_squeeze %dma_wait3A_673 : memref<1x4x1024xf32, #tpu.memory_space<vmem>> -> memref<4x1024xf32, #tpu.memory_space<vmem>>
      tpu.wait_dma2 semaphore(%run_scoped3A_642 : memref<!tpu.dma_semaphore, #tpu.memory_space<semaphore_mem>>) src(%dma_wait3A_674 : memref<4x1024xf32, #tpu.memory_space<vmem>>) dst(%dma_wait3A_670 : memref<4x1024xf32, #tpu.memory_space<hbm>>)
      tpu.yield
    }) : () -> ()
    %add3A_202 = arith.constant 12 : i32
    %add3A_203 = arith.addi %mul3A_4, %add3A_202 : i32
    %add3A_204 = arith.constant 2 : i32
    %add3A_205 = arith.addi %add3A_203, %add3A_204 : i32
    %run_scoped3A_206 = arith.constant 3 : i32
    "tpu.region"() ({
      %run_scoped3A_642 = tpu.sem_alloc : memref<!tpu.dma_semaphore, #tpu.memory_space<semaphore_mem>>
      %dma_start3A_643 = arith.constant 8 : i32
      %dma_start3A_644 = arith.constant 0 : i32
      %dma_start3A_645 = tpu.memref_slice %arg6[%run_scoped3A_206, %dma_start3A_643, %dma_start3A_644] : memref<6x16x1024xf32, #tpu.memory_space<vmem>> -> memref<1x4x1024xf32, #tpu.memory_space<vmem>>
      %dma_start3A_646 = tpu.memref_squeeze %dma_start3A_645 : memref<1x4x1024xf32, #tpu.memory_space<vmem>> -> memref<4x1024xf32, #tpu.memory_space<vmem>>
      %dma_start3A_647 = arith.constant 0 : i32
      %dma_start3A_648 = arith.constant 0 : i32
      %dma_start3A_649 = tpu.memref_slice %arg4[%add3A_205, %dma_start3A_647, %dma_start3A_648] : memref<2048x4x1024xf32, #tpu.memory_space<hbm>> -> memref<1x4x1024xf32, #tpu.memory_space<hbm>>
      %dma_start3A_650 = tpu.memref_squeeze %dma_start3A_649 : memref<1x4x1024xf32, #tpu.memory_space<hbm>> -> memref<4x1024xf32, #tpu.memory_space<hbm>>
      %dma_start3A_651 = arith.constant 0 : i32
      %dma_start3A_652 = arith.constant 0 : i32
      %dma_start3A_653 = tpu.memref_slice %arg4[%add3A_205, %dma_start3A_651, %dma_start3A_652] : memref<2048x4x1024xf32, #tpu.memory_space<hbm>> -> memref<1x4x1024xf32, #tpu.memory_space<hbm>>
      %dma_start3A_654 = tpu.memref_squeeze %dma_start3A_653 : memref<1x4x1024xf32, #tpu.memory_space<hbm>> -> memref<4x1024xf32, #tpu.memory_space<hbm>>
      %dma_start3A_655 = arith.constant 8 : i32
      %dma_start3A_656 = arith.constant 0 : i32
      %dma_start3A_657 = tpu.memref_slice %arg6[%run_scoped3A_206, %dma_start3A_655, %dma_start3A_656] : memref<6x16x1024xf32, #tpu.memory_space<vmem>> -> memref<1x4x1024xf32, #tpu.memory_space<vmem>>
      %dma_start3A_658 = tpu.memref_squeeze %dma_start3A_657 : memref<1x4x1024xf32, #tpu.memory_space<vmem>> -> memref<4x1024xf32, #tpu.memory_space<vmem>>
      tpu.enqueue_dma source(%dma_start3A_658 : memref<4x1024xf32, #tpu.memory_space<vmem>>) target(%dma_start3A_654 : memref<4x1024xf32, #tpu.memory_space<hbm>>) target_semaphore(%run_scoped3A_642 : memref<!tpu.dma_semaphore, #tpu.memory_space<semaphore_mem>>)
      %dma_wait3A_659 = arith.constant 8 : i32
      %dma_wait3A_660 = arith.constant 0 : i32
      %dma_wait3A_661 = tpu.memref_slice %arg6[%run_scoped3A_206, %dma_wait3A_659, %dma_wait3A_660] : memref<6x16x1024xf32, #tpu.memory_space<vmem>> -> memref<1x4x1024xf32, #tpu.memory_space<vmem>>
      %dma_wait3A_662 = tpu.memref_squeeze %dma_wait3A_661 : memref<1x4x1024xf32, #tpu.memory_space<vmem>> -> memref<4x1024xf32, #tpu.memory_space<vmem>>
      %dma_wait3A_663 = arith.constant 0 : i32
      %dma_wait3A_664 = arith.constant 0 : i32
      %dma_wait3A_665 = tpu.memref_slice %arg4[%add3A_205, %dma_wait3A_663, %dma_wait3A_664] : memref<2048x4x1024xf32, #tpu.memory_space<hbm>> -> memref<1x4x1024xf32, #tpu.memory_space<hbm>>
      %dma_wait3A_666 = tpu.memref_squeeze %dma_wait3A_665 : memref<1x4x1024xf32, #tpu.memory_space<hbm>> -> memref<4x1024xf32, #tpu.memory_space<hbm>>
      %dma_wait3A_667 = arith.constant 0 : i32
      %dma_wait3A_668 = arith.constant 0 : i32
      %dma_wait3A_669 = tpu.memref_slice %arg4[%add3A_205, %dma_wait3A_667, %dma_wait3A_668] : memref<2048x4x1024xf32, #tpu.memory_space<hbm>> -> memref<1x4x1024xf32, #tpu.memory_space<hbm>>
      %dma_wait3A_670 = tpu.memref_squeeze %dma_wait3A_669 : memref<1x4x1024xf32, #tpu.memory_space<hbm>> -> memref<4x1024xf32, #tpu.memory_space<hbm>>
      %dma_wait3A_671 = arith.constant 8 : i32
      %dma_wait3A_672 = arith.constant 0 : i32
      %dma_wait3A_673 = tpu.memref_slice %arg6[%run_scoped3A_206, %dma_wait3A_671, %dma_wait3A_672] : memref<6x16x1024xf32, #tpu.memory_space<vmem>> -> memref<1x4x1024xf32, #tpu.memory_space<vmem>>
      %dma_wait3A_674 = tpu.memref_squeeze %dma_wait3A_673 : memref<1x4x1024xf32, #tpu.memory_space<vmem>> -> memref<4x1024xf32, #tpu.memory_space<vmem>>
      tpu.wait_dma2 semaphore(%run_scoped3A_642 : memref<!tpu.dma_semaphore, #tpu.memory_space<semaphore_mem>>) src(%dma_wait3A_674 : memref<4x1024xf32, #tpu.memory_space<vmem>>) dst(%dma_wait3A_670 : memref<4x1024xf32, #tpu.memory_space<hbm>>)
      tpu.yield
    }) : () -> ()
    %add3A_207 = arith.constant 12 : i32
    %add3A_208 = arith.addi %mul3A_4, %add3A_207 : i32
    %add3A_209 = arith.constant 3 : i32
    %add3A_210 = arith.addi %add3A_208, %add3A_209 : i32
    %run_scoped3A_211 = arith.constant 3 : i32
    "tpu.region"() ({
      %run_scoped3A_642 = tpu.sem_alloc : memref<!tpu.dma_semaphore, #tpu.memory_space<semaphore_mem>>
      %dma_start3A_643 = arith.constant 12 : i32
      %dma_start3A_644 = arith.constant 0 : i32
      %dma_start3A_645 = tpu.memref_slice %arg6[%run_scoped3A_211, %dma_start3A_643, %dma_start3A_644] : memref<6x16x1024xf32, #tpu.memory_space<vmem>> -> memref<1x4x1024xf32, #tpu.memory_space<vmem>>
      %dma_start3A_646 = tpu.memref_squeeze %dma_start3A_645 : memref<1x4x1024xf32, #tpu.memory_space<vmem>> -> memref<4x1024xf32, #tpu.memory_space<vmem>>
      %dma_start3A_647 = arith.constant 0 : i32
      %dma_start3A_648 = arith.constant 0 : i32
      %dma_start3A_649 = tpu.memref_slice %arg4[%add3A_210, %dma_start3A_647, %dma_start3A_648] : memref<2048x4x1024xf32, #tpu.memory_space<hbm>> -> memref<1x4x1024xf32, #tpu.memory_space<hbm>>
      %dma_start3A_650 = tpu.memref_squeeze %dma_start3A_649 : memref<1x4x1024xf32, #tpu.memory_space<hbm>> -> memref<4x1024xf32, #tpu.memory_space<hbm>>
      %dma_start3A_651 = arith.constant 0 : i32
      %dma_start3A_652 = arith.constant 0 : i32
      %dma_start3A_653 = tpu.memref_slice %arg4[%add3A_210, %dma_start3A_651, %dma_start3A_652] : memref<2048x4x1024xf32, #tpu.memory_space<hbm>> -> memref<1x4x1024xf32, #tpu.memory_space<hbm>>
      %dma_start3A_654 = tpu.memref_squeeze %dma_start3A_653 : memref<1x4x1024xf32, #tpu.memory_space<hbm>> -> memref<4x1024xf32, #tpu.memory_space<hbm>>
      %dma_start3A_655 = arith.constant 12 : i32
      %dma_start3A_656 = arith.constant 0 : i32
      %dma_start3A_657 = tpu.memref_slice %arg6[%run_scoped3A_211, %dma_start3A_655, %dma_start3A_656] : memref<6x16x1024xf32, #tpu.memory_space<vmem>> -> memref<1x4x1024xf32, #tpu.memory_space<vmem>>
      %dma_start3A_658 = tpu.memref_squeeze %dma_start3A_657 : memref<1x4x1024xf32, #tpu.memory_space<vmem>> -> memref<4x1024xf32, #tpu.memory_space<vmem>>
      tpu.enqueue_dma source(%dma_start3A_658 : memref<4x1024xf32, #tpu.memory_space<vmem>>) target(%dma_start3A_654 : memref<4x1024xf32, #tpu.memory_space<hbm>>) target_semaphore(%run_scoped3A_642 : memref<!tpu.dma_semaphore, #tpu.memory_space<semaphore_mem>>)
      %dma_wait3A_659 = arith.constant 12 : i32
      %dma_wait3A_660 = arith.constant 0 : i32
      %dma_wait3A_661 = tpu.memref_slice %arg6[%run_scoped3A_211, %dma_wait3A_659, %dma_wait3A_660] : memref<6x16x1024xf32, #tpu.memory_space<vmem>> -> memref<1x4x1024xf32, #tpu.memory_space<vmem>>
      %dma_wait3A_662 = tpu.memref_squeeze %dma_wait3A_661 : memref<1x4x1024xf32, #tpu.memory_space<vmem>> -> memref<4x1024xf32, #tpu.memory_space<vmem>>
      %dma_wait3A_663 = arith.constant 0 : i32
      %dma_wait3A_664 = arith.constant 0 : i32
      %dma_wait3A_665 = tpu.memref_slice %arg4[%add3A_210, %dma_wait3A_663, %dma_wait3A_664] : memref<2048x4x1024xf32, #tpu.memory_space<hbm>> -> memref<1x4x1024xf32, #tpu.memory_space<hbm>>
      %dma_wait3A_666 = tpu.memref_squeeze %dma_wait3A_665 : memref<1x4x1024xf32, #tpu.memory_space<hbm>> -> memref<4x1024xf32, #tpu.memory_space<hbm>>
      %dma_wait3A_667 = arith.constant 0 : i32
      %dma_wait3A_668 = arith.constant 0 : i32
      %dma_wait3A_669 = tpu.memref_slice %arg4[%add3A_210, %dma_wait3A_667, %dma_wait3A_668] : memref<2048x4x1024xf32, #tpu.memory_space<hbm>> -> memref<1x4x1024xf32, #tpu.memory_space<hbm>>
      %dma_wait3A_670 = tpu.memref_squeeze %dma_wait3A_669 : memref<1x4x1024xf32, #tpu.memory_space<hbm>> -> memref<4x1024xf32, #tpu.memory_space<hbm>>
      %dma_wait3A_671 = arith.constant 12 : i32
      %dma_wait3A_672 = arith.constant 0 : i32
      %dma_wait3A_673 = tpu.memref_slice %arg6[%run_scoped3A_211, %dma_wait3A_671, %dma_wait3A_672] : memref<6x16x1024xf32, #tpu.memory_space<vmem>> -> memref<1x4x1024xf32, #tpu.memory_space<vmem>>
      %dma_wait3A_674 = tpu.memref_squeeze %dma_wait3A_673 : memref<1x4x1024xf32, #tpu.memory_space<vmem>> -> memref<4x1024xf32, #tpu.memory_space<vmem>>
      tpu.wait_dma2 semaphore(%run_scoped3A_642 : memref<!tpu.dma_semaphore, #tpu.memory_space<semaphore_mem>>) src(%dma_wait3A_674 : memref<4x1024xf32, #tpu.memory_space<vmem>>) dst(%dma_wait3A_670 : memref<4x1024xf32, #tpu.memory_space<hbm>>)
      tpu.yield
    }) : () -> ()
    %dma_start3A_212 = arith.constant 3 : i32
    %dma_start3A_213 = arith.constant 0 : i32
    %dma_start3A_214 = arith.constant 0 : i32
    %dma_start3A_215 = tpu.memref_slice %arg6[%dma_start3A_212, %dma_start3A_213, %dma_start3A_214] : memref<6x16x1024xf32, #tpu.memory_space<vmem>> -> memref<1x16x1024xf32, #tpu.memory_space<vmem>>
    %dma_start3A_216 = tpu.memref_squeeze %dma_start3A_215 : memref<1x16x1024xf32, #tpu.memory_space<vmem>> -> memref<16x1024xf32, #tpu.memory_space<vmem>>
    %dma_start3A_217 = arith.constant 144 : i32
    %dma_start3A_218 = tpu.memref_slice %arg5[%dma_start3A_217] : memref<256xi32, #tpu.memory_space<vmem>> -> memref<16xi32, #tpu.memory_space<vmem>>
    %dma_start3A_219 = arith.constant 0 : i32
    %dma_start3A_220 = arith.constant 0 : i32
    %dma_start3A_221 = tpu.memref_slice %arg2[%dma_start3A_219, %dma_start3A_220] : memref<150528x1024xf32, #tpu.memory_space<hbm>> -> memref<150528x1024xf32, #tpu.memory_space<hbm>>
    tpu.enqueue_indirect_dma source(%dma_start3A_221 : memref<150528x1024xf32, #tpu.memory_space<hbm>>) target(%dma_start3A_216 : memref<16x1024xf32, #tpu.memory_space<vmem>>) offsets(%dma_start3A_218 : memref<16xi32, #tpu.memory_space<vmem>>) semaphore(%arg10 : memref<!tpu.dma_semaphore, #tpu.memory_space<semaphore_mem>>)
    %dma_wait3A_222 = arith.constant 4 : i32
    %dma_wait3A_223 = arith.constant 0 : i32
    %dma_wait3A_224 = arith.constant 0 : i32
    %dma_wait3A_225 = tpu.memref_slice %arg6[%dma_wait3A_222, %dma_wait3A_223, %dma_wait3A_224] : memref<6x16x1024xf32, #tpu.memory_space<vmem>> -> memref<1x16x1024xf32, #tpu.memory_space<vmem>>
    %dma_wait3A_226 = tpu.memref_squeeze %dma_wait3A_225 : memref<1x16x1024xf32, #tpu.memory_space<vmem>> -> memref<16x1024xf32, #tpu.memory_space<vmem>>
    %dma_wait3A_227 = arith.constant 64 : i32
    %dma_wait3A_228 = tpu.memref_slice %arg5[%dma_wait3A_227] : memref<256xi32, #tpu.memory_space<vmem>> -> memref<16xi32, #tpu.memory_space<vmem>>
    %dma_wait3A_229 = arith.constant 0 : i32
    %dma_wait3A_230 = arith.constant 0 : i32
    %dma_wait3A_231 = tpu.memref_slice %arg2[%dma_wait3A_229, %dma_wait3A_230] : memref<150528x1024xf32, #tpu.memory_space<hbm>> -> memref<150528x1024xf32, #tpu.memory_space<hbm>>
    tpu.wait_indirect_dma semaphore(%arg11 : memref<!tpu.dma_semaphore, #tpu.memory_space<semaphore_mem>>) src(%dma_wait3A_231 : memref<150528x1024xf32, #tpu.memory_space<hbm>>) dst(%dma_wait3A_226 : memref<16x1024xf32, #tpu.memory_space<vmem>>)
    %add3A_232 = arith.constant 16 : i32
    %add3A_233 = arith.addi %mul3A_4, %add3A_232 : i32
    %add3A_234 = arith.constant 0 : i32
    %add3A_235 = arith.addi %add3A_233, %add3A_234 : i32
    %run_scoped3A_236 = arith.constant 4 : i32
    "tpu.region"() ({
      %run_scoped3A_642 = tpu.sem_alloc : memref<!tpu.dma_semaphore, #tpu.memory_space<semaphore_mem>>
      %dma_start3A_643 = arith.constant 0 : i32
      %dma_start3A_644 = arith.constant 0 : i32
      %dma_start3A_645 = tpu.memref_slice %arg6[%run_scoped3A_236, %dma_start3A_643, %dma_start3A_644] : memref<6x16x1024xf32, #tpu.memory_space<vmem>> -> memref<1x4x1024xf32, #tpu.memory_space<vmem>>
      %dma_start3A_646 = tpu.memref_squeeze %dma_start3A_645 : memref<1x4x1024xf32, #tpu.memory_space<vmem>> -> memref<4x1024xf32, #tpu.memory_space<vmem>>
      %dma_start3A_647 = arith.constant 0 : i32
      %dma_start3A_648 = arith.constant 0 : i32
      %dma_start3A_649 = tpu.memref_slice %arg4[%add3A_235, %dma_start3A_647, %dma_start3A_648] : memref<2048x4x1024xf32, #tpu.memory_space<hbm>> -> memref<1x4x1024xf32, #tpu.memory_space<hbm>>
      %dma_start3A_650 = tpu.memref_squeeze %dma_start3A_649 : memref<1x4x1024xf32, #tpu.memory_space<hbm>> -> memref<4x1024xf32, #tpu.memory_space<hbm>>
      %dma_start3A_651 = arith.constant 0 : i32
      %dma_start3A_652 = arith.constant 0 : i32
      %dma_start3A_653 = tpu.memref_slice %arg4[%add3A_235, %dma_start3A_651, %dma_start3A_652] : memref<2048x4x1024xf32, #tpu.memory_space<hbm>> -> memref<1x4x1024xf32, #tpu.memory_space<hbm>>
      %dma_start3A_654 = tpu.memref_squeeze %dma_start3A_653 : memref<1x4x1024xf32, #tpu.memory_space<hbm>> -> memref<4x1024xf32, #tpu.memory_space<hbm>>
      %dma_start3A_655 = arith.constant 0 : i32
      %dma_start3A_656 = arith.constant 0 : i32
      %dma_start3A_657 = tpu.memref_slice %arg6[%run_scoped3A_236, %dma_start3A_655, %dma_start3A_656] : memref<6x16x1024xf32, #tpu.memory_space<vmem>> -> memref<1x4x1024xf32, #tpu.memory_space<vmem>>
      %dma_start3A_658 = tpu.memref_squeeze %dma_start3A_657 : memref<1x4x1024xf32, #tpu.memory_space<vmem>> -> memref<4x1024xf32, #tpu.memory_space<vmem>>
      tpu.enqueue_dma source(%dma_start3A_658 : memref<4x1024xf32, #tpu.memory_space<vmem>>) target(%dma_start3A_654 : memref<4x1024xf32, #tpu.memory_space<hbm>>) target_semaphore(%run_scoped3A_642 : memref<!tpu.dma_semaphore, #tpu.memory_space<semaphore_mem>>)
      %dma_wait3A_659 = arith.constant 0 : i32
      %dma_wait3A_660 = arith.constant 0 : i32
      %dma_wait3A_661 = tpu.memref_slice %arg6[%run_scoped3A_236, %dma_wait3A_659, %dma_wait3A_660] : memref<6x16x1024xf32, #tpu.memory_space<vmem>> -> memref<1x4x1024xf32, #tpu.memory_space<vmem>>
      %dma_wait3A_662 = tpu.memref_squeeze %dma_wait3A_661 : memref<1x4x1024xf32, #tpu.memory_space<vmem>> -> memref<4x1024xf32, #tpu.memory_space<vmem>>
      %dma_wait3A_663 = arith.constant 0 : i32
      %dma_wait3A_664 = arith.constant 0 : i32
      %dma_wait3A_665 = tpu.memref_slice %arg4[%add3A_235, %dma_wait3A_663, %dma_wait3A_664] : memref<2048x4x1024xf32, #tpu.memory_space<hbm>> -> memref<1x4x1024xf32, #tpu.memory_space<hbm>>
      %dma_wait3A_666 = tpu.memref_squeeze %dma_wait3A_665 : memref<1x4x1024xf32, #tpu.memory_space<hbm>> -> memref<4x1024xf32, #tpu.memory_space<hbm>>
      %dma_wait3A_667 = arith.constant 0 : i32
      %dma_wait3A_668 = arith.constant 0 : i32
      %dma_wait3A_669 = tpu.memref_slice %arg4[%add3A_235, %dma_wait3A_667, %dma_wait3A_668] : memref<2048x4x1024xf32, #tpu.memory_space<hbm>> -> memref<1x4x1024xf32, #tpu.memory_space<hbm>>
      %dma_wait3A_670 = tpu.memref_squeeze %dma_wait3A_669 : memref<1x4x1024xf32, #tpu.memory_space<hbm>> -> memref<4x1024xf32, #tpu.memory_space<hbm>>
      %dma_wait3A_671 = arith.constant 0 : i32
      %dma_wait3A_672 = arith.constant 0 : i32
      %dma_wait3A_673 = tpu.memref_slice %arg6[%run_scoped3A_236, %dma_wait3A_671, %dma_wait3A_672] : memref<6x16x1024xf32, #tpu.memory_space<vmem>> -> memref<1x4x1024xf32, #tpu.memory_space<vmem>>
      %dma_wait3A_674 = tpu.memref_squeeze %dma_wait3A_673 : memref<1x4x1024xf32, #tpu.memory_space<vmem>> -> memref<4x1024xf32, #tpu.memory_space<vmem>>
      tpu.wait_dma2 semaphore(%run_scoped3A_642 : memref<!tpu.dma_semaphore, #tpu.memory_space<semaphore_mem>>) src(%dma_wait3A_674 : memref<4x1024xf32, #tpu.memory_space<vmem>>) dst(%dma_wait3A_670 : memref<4x1024xf32, #tpu.memory_space<hbm>>)
      tpu.yield
    }) : () -> ()
    %add3A_237 = arith.constant 16 : i32
    %add3A_238 = arith.addi %mul3A_4, %add3A_237 : i32
    %add3A_239 = arith.constant 1 : i32
    %add3A_240 = arith.addi %add3A_238, %add3A_239 : i32
    %run_scoped3A_241 = arith.constant 4 : i32
    "tpu.region"() ({
      %run_scoped3A_642 = tpu.sem_alloc : memref<!tpu.dma_semaphore, #tpu.memory_space<semaphore_mem>>
      %dma_start3A_643 = arith.constant 4 : i32
      %dma_start3A_644 = arith.constant 0 : i32
      %dma_start3A_645 = tpu.memref_slice %arg6[%run_scoped3A_241, %dma_start3A_643, %dma_start3A_644] : memref<6x16x1024xf32, #tpu.memory_space<vmem>> -> memref<1x4x1024xf32, #tpu.memory_space<vmem>>
      %dma_start3A_646 = tpu.memref_squeeze %dma_start3A_645 : memref<1x4x1024xf32, #tpu.memory_space<vmem>> -> memref<4x1024xf32, #tpu.memory_space<vmem>>
      %dma_start3A_647 = arith.constant 0 : i32
      %dma_start3A_648 = arith.constant 0 : i32
      %dma_start3A_649 = tpu.memref_slice %arg4[%add3A_240, %dma_start3A_647, %dma_start3A_648] : memref<2048x4x1024xf32, #tpu.memory_space<hbm>> -> memref<1x4x1024xf32, #tpu.memory_space<hbm>>
      %dma_start3A_650 = tpu.memref_squeeze %dma_start3A_649 : memref<1x4x1024xf32, #tpu.memory_space<hbm>> -> memref<4x1024xf32, #tpu.memory_space<hbm>>
      %dma_start3A_651 = arith.constant 0 : i32
      %dma_start3A_652 = arith.constant 0 : i32
      %dma_start3A_653 = tpu.memref_slice %arg4[%add3A_240, %dma_start3A_651, %dma_start3A_652] : memref<2048x4x1024xf32, #tpu.memory_space<hbm>> -> memref<1x4x1024xf32, #tpu.memory_space<hbm>>
      %dma_start3A_654 = tpu.memref_squeeze %dma_start3A_653 : memref<1x4x1024xf32, #tpu.memory_space<hbm>> -> memref<4x1024xf32, #tpu.memory_space<hbm>>
      %dma_start3A_655 = arith.constant 4 : i32
      %dma_start3A_656 = arith.constant 0 : i32
      %dma_start3A_657 = tpu.memref_slice %arg6[%run_scoped3A_241, %dma_start3A_655, %dma_start3A_656] : memref<6x16x1024xf32, #tpu.memory_space<vmem>> -> memref<1x4x1024xf32, #tpu.memory_space<vmem>>
      %dma_start3A_658 = tpu.memref_squeeze %dma_start3A_657 : memref<1x4x1024xf32, #tpu.memory_space<vmem>> -> memref<4x1024xf32, #tpu.memory_space<vmem>>
      tpu.enqueue_dma source(%dma_start3A_658 : memref<4x1024xf32, #tpu.memory_space<vmem>>) target(%dma_start3A_654 : memref<4x1024xf32, #tpu.memory_space<hbm>>) target_semaphore(%run_scoped3A_642 : memref<!tpu.dma_semaphore, #tpu.memory_space<semaphore_mem>>)
      %dma_wait3A_659 = arith.constant 4 : i32
      %dma_wait3A_660 = arith.constant 0 : i32
      %dma_wait3A_661 = tpu.memref_slice %arg6[%run_scoped3A_241, %dma_wait3A_659, %dma_wait3A_660] : memref<6x16x1024xf32, #tpu.memory_space<vmem>> -> memref<1x4x1024xf32, #tpu.memory_space<vmem>>
      %dma_wait3A_662 = tpu.memref_squeeze %dma_wait3A_661 : memref<1x4x1024xf32, #tpu.memory_space<vmem>> -> memref<4x1024xf32, #tpu.memory_space<vmem>>
      %dma_wait3A_663 = arith.constant 0 : i32
      %dma_wait3A_664 = arith.constant 0 : i32
      %dma_wait3A_665 = tpu.memref_slice %arg4[%add3A_240, %dma_wait3A_663, %dma_wait3A_664] : memref<2048x4x1024xf32, #tpu.memory_space<hbm>> -> memref<1x4x1024xf32, #tpu.memory_space<hbm>>
      %dma_wait3A_666 = tpu.memref_squeeze %dma_wait3A_665 : memref<1x4x1024xf32, #tpu.memory_space<hbm>> -> memref<4x1024xf32, #tpu.memory_space<hbm>>
      %dma_wait3A_667 = arith.constant 0 : i32
      %dma_wait3A_668 = arith.constant 0 : i32
      %dma_wait3A_669 = tpu.memref_slice %arg4[%add3A_240, %dma_wait3A_667, %dma_wait3A_668] : memref<2048x4x1024xf32, #tpu.memory_space<hbm>> -> memref<1x4x1024xf32, #tpu.memory_space<hbm>>
      %dma_wait3A_670 = tpu.memref_squeeze %dma_wait3A_669 : memref<1x4x1024xf32, #tpu.memory_space<hbm>> -> memref<4x1024xf32, #tpu.memory_space<hbm>>
      %dma_wait3A_671 = arith.constant 4 : i32
      %dma_wait3A_672 = arith.constant 0 : i32
      %dma_wait3A_673 = tpu.memref_slice %arg6[%run_scoped3A_241, %dma_wait3A_671, %dma_wait3A_672] : memref<6x16x1024xf32, #tpu.memory_space<vmem>> -> memref<1x4x1024xf32, #tpu.memory_space<vmem>>
      %dma_wait3A_674 = tpu.memref_squeeze %dma_wait3A_673 : memref<1x4x1024xf32, #tpu.memory_space<vmem>> -> memref<4x1024xf32, #tpu.memory_space<vmem>>
      tpu.wait_dma2 semaphore(%run_scoped3A_642 : memref<!tpu.dma_semaphore, #tpu.memory_space<semaphore_mem>>) src(%dma_wait3A_674 : memref<4x1024xf32, #tpu.memory_space<vmem>>) dst(%dma_wait3A_670 : memref<4x1024xf32, #tpu.memory_space<hbm>>)
      tpu.yield
    }) : () -> ()
    %add3A_242 = arith.constant 16 : i32
    %add3A_243 = arith.addi %mul3A_4, %add3A_242 : i32
    %add3A_244 = arith.constant 2 : i32
    %add3A_245 = arith.addi %add3A_243, %add3A_244 : i32
    %run_scoped3A_246 = arith.constant 4 : i32
    "tpu.region"() ({
      %run_scoped3A_642 = tpu.sem_alloc : memref<!tpu.dma_semaphore, #tpu.memory_space<semaphore_mem>>
      %dma_start3A_643 = arith.constant 8 : i32
      %dma_start3A_644 = arith.constant 0 : i32
      %dma_start3A_645 = tpu.memref_slice %arg6[%run_scoped3A_246, %dma_start3A_643, %dma_start3A_644] : memref<6x16x1024xf32, #tpu.memory_space<vmem>> -> memref<1x4x1024xf32, #tpu.memory_space<vmem>>
      %dma_start3A_646 = tpu.memref_squeeze %dma_start3A_645 : memref<1x4x1024xf32, #tpu.memory_space<vmem>> -> memref<4x1024xf32, #tpu.memory_space<vmem>>
      %dma_start3A_647 = arith.constant 0 : i32
      %dma_start3A_648 = arith.constant 0 : i32
      %dma_start3A_649 = tpu.memref_slice %arg4[%add3A_245, %dma_start3A_647, %dma_start3A_648] : memref<2048x4x1024xf32, #tpu.memory_space<hbm>> -> memref<1x4x1024xf32, #tpu.memory_space<hbm>>
      %dma_start3A_650 = tpu.memref_squeeze %dma_start3A_649 : memref<1x4x1024xf32, #tpu.memory_space<hbm>> -> memref<4x1024xf32, #tpu.memory_space<hbm>>
      %dma_start3A_651 = arith.constant 0 : i32
      %dma_start3A_652 = arith.constant 0 : i32
      %dma_start3A_653 = tpu.memref_slice %arg4[%add3A_245, %dma_start3A_651, %dma_start3A_652] : memref<2048x4x1024xf32, #tpu.memory_space<hbm>> -> memref<1x4x1024xf32, #tpu.memory_space<hbm>>
      %dma_start3A_654 = tpu.memref_squeeze %dma_start3A_653 : memref<1x4x1024xf32, #tpu.memory_space<hbm>> -> memref<4x1024xf32, #tpu.memory_space<hbm>>
      %dma_start3A_655 = arith.constant 8 : i32
      %dma_start3A_656 = arith.constant 0 : i32
      %dma_start3A_657 = tpu.memref_slice %arg6[%run_scoped3A_246, %dma_start3A_655, %dma_start3A_656] : memref<6x16x1024xf32, #tpu.memory_space<vmem>> -> memref<1x4x1024xf32, #tpu.memory_space<vmem>>
      %dma_start3A_658 = tpu.memref_squeeze %dma_start3A_657 : memref<1x4x1024xf32, #tpu.memory_space<vmem>> -> memref<4x1024xf32, #tpu.memory_space<vmem>>
      tpu.enqueue_dma source(%dma_start3A_658 : memref<4x1024xf32, #tpu.memory_space<vmem>>) target(%dma_start3A_654 : memref<4x1024xf32, #tpu.memory_space<hbm>>) target_semaphore(%run_scoped3A_642 : memref<!tpu.dma_semaphore, #tpu.memory_space<semaphore_mem>>)
      %dma_wait3A_659 = arith.constant 8 : i32
      %dma_wait3A_660 = arith.constant 0 : i32
      %dma_wait3A_661 = tpu.memref_slice %arg6[%run_scoped3A_246, %dma_wait3A_659, %dma_wait3A_660] : memref<6x16x1024xf32, #tpu.memory_space<vmem>> -> memref<1x4x1024xf32, #tpu.memory_space<vmem>>
      %dma_wait3A_662 = tpu.memref_squeeze %dma_wait3A_661 : memref<1x4x1024xf32, #tpu.memory_space<vmem>> -> memref<4x1024xf32, #tpu.memory_space<vmem>>
      %dma_wait3A_663 = arith.constant 0 : i32
      %dma_wait3A_664 = arith.constant 0 : i32
      %dma_wait3A_665 = tpu.memref_slice %arg4[%add3A_245, %dma_wait3A_663, %dma_wait3A_664] : memref<2048x4x1024xf32, #tpu.memory_space<hbm>> -> memref<1x4x1024xf32, #tpu.memory_space<hbm>>
      %dma_wait3A_666 = tpu.memref_squeeze %dma_wait3A_665 : memref<1x4x1024xf32, #tpu.memory_space<hbm>> -> memref<4x1024xf32, #tpu.memory_space<hbm>>
      %dma_wait3A_667 = arith.constant 0 : i32
      %dma_wait3A_668 = arith.constant 0 : i32
      %dma_wait3A_669 = tpu.memref_slice %arg4[%add3A_245, %dma_wait3A_667, %dma_wait3A_668] : memref<2048x4x1024xf32, #tpu.memory_space<hbm>> -> memref<1x4x1024xf32, #tpu.memory_space<hbm>>
      %dma_wait3A_670 = tpu.memref_squeeze %dma_wait3A_669 : memref<1x4x1024xf32, #tpu.memory_space<hbm>> -> memref<4x1024xf32, #tpu.memory_space<hbm>>
      %dma_wait3A_671 = arith.constant 8 : i32
      %dma_wait3A_672 = arith.constant 0 : i32
      %dma_wait3A_673 = tpu.memref_slice %arg6[%run_scoped3A_246, %dma_wait3A_671, %dma_wait3A_672] : memref<6x16x1024xf32, #tpu.memory_space<vmem>> -> memref<1x4x1024xf32, #tpu.memory_space<vmem>>
      %dma_wait3A_674 = tpu.memref_squeeze %dma_wait3A_673 : memref<1x4x1024xf32, #tpu.memory_space<vmem>> -> memref<4x1024xf32, #tpu.memory_space<vmem>>
      tpu.wait_dma2 semaphore(%run_scoped3A_642 : memref<!tpu.dma_semaphore, #tpu.memory_space<semaphore_mem>>) src(%dma_wait3A_674 : memref<4x1024xf32, #tpu.memory_space<vmem>>) dst(%dma_wait3A_670 : memref<4x1024xf32, #tpu.memory_space<hbm>>)
      tpu.yield
    }) : () -> ()
    %add3A_247 = arith.constant 16 : i32
    %add3A_248 = arith.addi %mul3A_4, %add3A_247 : i32
    %add3A_249 = arith.constant 3 : i32
    %add3A_250 = arith.addi %add3A_248, %add3A_249 : i32
    %run_scoped3A_251 = arith.constant 4 : i32
    "tpu.region"() ({
      %run_scoped3A_642 = tpu.sem_alloc : memref<!tpu.dma_semaphore, #tpu.memory_space<semaphore_mem>>
      %dma_start3A_643 = arith.constant 12 : i32
      %dma_start3A_644 = arith.constant 0 : i32
      %dma_start3A_645 = tpu.memref_slice %arg6[%run_scoped3A_251, %dma_start3A_643, %dma_start3A_644] : memref<6x16x1024xf32, #tpu.memory_space<vmem>> -> memref<1x4x1024xf32, #tpu.memory_space<vmem>>
      %dma_start3A_646 = tpu.memref_squeeze %dma_start3A_645 : memref<1x4x1024xf32, #tpu.memory_space<vmem>> -> memref<4x1024xf32, #tpu.memory_space<vmem>>
      %dma_start3A_647 = arith.constant 0 : i32
      %dma_start3A_648 = arith.constant 0 : i32
      %dma_start3A_649 = tpu.memref_slice %arg4[%add3A_250, %dma_start3A_647, %dma_start3A_648] : memref<2048x4x1024xf32, #tpu.memory_space<hbm>> -> memref<1x4x1024xf32, #tpu.memory_space<hbm>>
      %dma_start3A_650 = tpu.memref_squeeze %dma_start3A_649 : memref<1x4x1024xf32, #tpu.memory_space<hbm>> -> memref<4x1024xf32, #tpu.memory_space<hbm>>
      %dma_start3A_651 = arith.constant 0 : i32
      %dma_start3A_652 = arith.constant 0 : i32
      %dma_start3A_653 = tpu.memref_slice %arg4[%add3A_250, %dma_start3A_651, %dma_start3A_652] : memref<2048x4x1024xf32, #tpu.memory_space<hbm>> -> memref<1x4x1024xf32, #tpu.memory_space<hbm>>
      %dma_start3A_654 = tpu.memref_squeeze %dma_start3A_653 : memref<1x4x1024xf32, #tpu.memory_space<hbm>> -> memref<4x1024xf32, #tpu.memory_space<hbm>>
      %dma_start3A_655 = arith.constant 12 : i32
      %dma_start3A_656 = arith.constant 0 : i32
      %dma_start3A_657 = tpu.memref_slice %arg6[%run_scoped3A_251, %dma_start3A_655, %dma_start3A_656] : memref<6x16x1024xf32, #tpu.memory_space<vmem>> -> memref<1x4x1024xf32, #tpu.memory_space<vmem>>
      %dma_start3A_658 = tpu.memref_squeeze %dma_start3A_657 : memref<1x4x1024xf32, #tpu.memory_space<vmem>> -> memref<4x1024xf32, #tpu.memory_space<vmem>>
      tpu.enqueue_dma source(%dma_start3A_658 : memref<4x1024xf32, #tpu.memory_space<vmem>>) target(%dma_start3A_654 : memref<4x1024xf32, #tpu.memory_space<hbm>>) target_semaphore(%run_scoped3A_642 : memref<!tpu.dma_semaphore, #tpu.memory_space<semaphore_mem>>)
      %dma_wait3A_659 = arith.constant 12 : i32
      %dma_wait3A_660 = arith.constant 0 : i32
      %dma_wait3A_661 = tpu.memref_slice %arg6[%run_scoped3A_251, %dma_wait3A_659, %dma_wait3A_660] : memref<6x16x1024xf32, #tpu.memory_space<vmem>> -> memref<1x4x1024xf32, #tpu.memory_space<vmem>>
      %dma_wait3A_662 = tpu.memref_squeeze %dma_wait3A_661 : memref<1x4x1024xf32, #tpu.memory_space<vmem>> -> memref<4x1024xf32, #tpu.memory_space<vmem>>
      %dma_wait3A_663 = arith.constant 0 : i32
      %dma_wait3A_664 = arith.constant 0 : i32
      %dma_wait3A_665 = tpu.memref_slice %arg4[%add3A_250, %dma_wait3A_663, %dma_wait3A_664] : memref<2048x4x1024xf32, #tpu.memory_space<hbm>> -> memref<1x4x1024xf32, #tpu.memory_space<hbm>>
      %dma_wait3A_666 = tpu.memref_squeeze %dma_wait3A_665 : memref<1x4x1024xf32, #tpu.memory_space<hbm>> -> memref<4x1024xf32, #tpu.memory_space<hbm>>
      %dma_wait3A_667 = arith.constant 0 : i32
      %dma_wait3A_668 = arith.constant 0 : i32
      %dma_wait3A_669 = tpu.memref_slice %arg4[%add3A_250, %dma_wait3A_667, %dma_wait3A_668] : memref<2048x4x1024xf32, #tpu.memory_space<hbm>> -> memref<1x4x1024xf32, #tpu.memory_space<hbm>>
      %dma_wait3A_670 = tpu.memref_squeeze %dma_wait3A_669 : memref<1x4x1024xf32, #tpu.memory_space<hbm>> -> memref<4x1024xf32, #tpu.memory_space<hbm>>
      %dma_wait3A_671 = arith.constant 12 : i32
      %dma_wait3A_672 = arith.constant 0 : i32
      %dma_wait3A_673 = tpu.memref_slice %arg6[%run_scoped3A_251, %dma_wait3A_671, %dma_wait3A_672] : memref<6x16x1024xf32, #tpu.memory_space<vmem>> -> memref<1x4x1024xf32, #tpu.memory_space<vmem>>
      %dma_wait3A_674 = tpu.memref_squeeze %dma_wait3A_673 : memref<1x4x1024xf32, #tpu.memory_space<vmem>> -> memref<4x1024xf32, #tpu.memory_space<vmem>>
      tpu.wait_dma2 semaphore(%run_scoped3A_642 : memref<!tpu.dma_semaphore, #tpu.memory_space<semaphore_mem>>) src(%dma_wait3A_674 : memref<4x1024xf32, #tpu.memory_space<vmem>>) dst(%dma_wait3A_670 : memref<4x1024xf32, #tpu.memory_space<hbm>>)
      tpu.yield
    }) : () -> ()
    %dma_start3A_252 = arith.constant 4 : i32
    %dma_start3A_253 = arith.constant 0 : i32
    %dma_start3A_254 = arith.constant 0 : i32
    %dma_start3A_255 = tpu.memref_slice %arg6[%dma_start3A_252, %dma_start3A_253, %dma_start3A_254] : memref<6x16x1024xf32, #tpu.memory_space<vmem>> -> memref<1x16x1024xf32, #tpu.memory_space<vmem>>
    %dma_start3A_256 = tpu.memref_squeeze %dma_start3A_255 : memref<1x16x1024xf32, #tpu.memory_space<vmem>> -> memref<16x1024xf32, #tpu.memory_space<vmem>>
    %dma_start3A_257 = arith.constant 160 : i32
    %dma_start3A_258 = tpu.memref_slice %arg5[%dma_start3A_257] : memref<256xi32, #tpu.memory_space<vmem>> -> memref<16xi32, #tpu.memory_space<vmem>>
    %dma_start3A_259 = arith.constant 0 : i32
    %dma_start3A_260 = arith.constant 0 : i32
    %dma_start3A_261 = tpu.memref_slice %arg2[%dma_start3A_259, %dma_start3A_260] : memref<150528x1024xf32, #tpu.memory_space<hbm>> -> memref<150528x1024xf32, #tpu.memory_space<hbm>>
    tpu.enqueue_indirect_dma source(%dma_start3A_261 : memref<150528x1024xf32, #tpu.memory_space<hbm>>) target(%dma_start3A_256 : memref<16x1024xf32, #tpu.memory_space<vmem>>) offsets(%dma_start3A_258 : memref<16xi32, #tpu.memory_space<vmem>>) semaphore(%arg11 : memref<!tpu.dma_semaphore, #tpu.memory_space<semaphore_mem>>)
    %dma_wait3A_262 = arith.constant 5 : i32
    %dma_wait3A_263 = arith.constant 0 : i32
    %dma_wait3A_264 = arith.constant 0 : i32
    %dma_wait3A_265 = tpu.memref_slice %arg6[%dma_wait3A_262, %dma_wait3A_263, %dma_wait3A_264] : memref<6x16x1024xf32, #tpu.memory_space<vmem>> -> memref<1x16x1024xf32, #tpu.memory_space<vmem>>
    %dma_wait3A_266 = tpu.memref_squeeze %dma_wait3A_265 : memref<1x16x1024xf32, #tpu.memory_space<vmem>> -> memref<16x1024xf32, #tpu.memory_space<vmem>>
    %dma_wait3A_267 = arith.constant 80 : i32
    %dma_wait3A_268 = tpu.memref_slice %arg5[%dma_wait3A_267] : memref<256xi32, #tpu.memory_space<vmem>> -> memref<16xi32, #tpu.memory_space<vmem>>
    %dma_wait3A_269 = arith.constant 0 : i32
    %dma_wait3A_270 = arith.constant 0 : i32
    %dma_wait3A_271 = tpu.memref_slice %arg2[%dma_wait3A_269, %dma_wait3A_270] : memref<150528x1024xf32, #tpu.memory_space<hbm>> -> memref<150528x1024xf32, #tpu.memory_space<hbm>>
    tpu.wait_indirect_dma semaphore(%arg12 : memref<!tpu.dma_semaphore, #tpu.memory_space<semaphore_mem>>) src(%dma_wait3A_271 : memref<150528x1024xf32, #tpu.memory_space<hbm>>) dst(%dma_wait3A_266 : memref<16x1024xf32, #tpu.memory_space<vmem>>)
    %add3A_272 = arith.constant 20 : i32
    %add3A_273 = arith.addi %mul3A_4, %add3A_272 : i32
    %add3A_274 = arith.constant 0 : i32
    %add3A_275 = arith.addi %add3A_273, %add3A_274 : i32
    %run_scoped3A_276 = arith.constant 5 : i32
    "tpu.region"() ({
      %run_scoped3A_642 = tpu.sem_alloc : memref<!tpu.dma_semaphore, #tpu.memory_space<semaphore_mem>>
      %dma_start3A_643 = arith.constant 0 : i32
      %dma_start3A_644 = arith.constant 0 : i32
      %dma_start3A_645 = tpu.memref_slice %arg6[%run_scoped3A_276, %dma_start3A_643, %dma_start3A_644] : memref<6x16x1024xf32, #tpu.memory_space<vmem>> -> memref<1x4x1024xf32, #tpu.memory_space<vmem>>
      %dma_start3A_646 = tpu.memref_squeeze %dma_start3A_645 : memref<1x4x1024xf32, #tpu.memory_space<vmem>> -> memref<4x1024xf32, #tpu.memory_space<vmem>>
      %dma_start3A_647 = arith.constant 0 : i32
      %dma_start3A_648 = arith.constant 0 : i32
      %dma_start3A_649 = tpu.memref_slice %arg4[%add3A_275, %dma_start3A_647, %dma_start3A_648] : memref<2048x4x1024xf32, #tpu.memory_space<hbm>> -> memref<1x4x1024xf32, #tpu.memory_space<hbm>>
      %dma_start3A_650 = tpu.memref_squeeze %dma_start3A_649 : memref<1x4x1024xf32, #tpu.memory_space<hbm>> -> memref<4x1024xf32, #tpu.memory_space<hbm>>
      %dma_start3A_651 = arith.constant 0 : i32
      %dma_start3A_652 = arith.constant 0 : i32
      %dma_start3A_653 = tpu.memref_slice %arg4[%add3A_275, %dma_start3A_651, %dma_start3A_652] : memref<2048x4x1024xf32, #tpu.memory_space<hbm>> -> memref<1x4x1024xf32, #tpu.memory_space<hbm>>
      %dma_start3A_654 = tpu.memref_squeeze %dma_start3A_653 : memref<1x4x1024xf32, #tpu.memory_space<hbm>> -> memref<4x1024xf32, #tpu.memory_space<hbm>>
      %dma_start3A_655 = arith.constant 0 : i32
      %dma_start3A_656 = arith.constant 0 : i32
      %dma_start3A_657 = tpu.memref_slice %arg6[%run_scoped3A_276, %dma_start3A_655, %dma_start3A_656] : memref<6x16x1024xf32, #tpu.memory_space<vmem>> -> memref<1x4x1024xf32, #tpu.memory_space<vmem>>
      %dma_start3A_658 = tpu.memref_squeeze %dma_start3A_657 : memref<1x4x1024xf32, #tpu.memory_space<vmem>> -> memref<4x1024xf32, #tpu.memory_space<vmem>>
      tpu.enqueue_dma source(%dma_start3A_658 : memref<4x1024xf32, #tpu.memory_space<vmem>>) target(%dma_start3A_654 : memref<4x1024xf32, #tpu.memory_space<hbm>>) target_semaphore(%run_scoped3A_642 : memref<!tpu.dma_semaphore, #tpu.memory_space<semaphore_mem>>)
      %dma_wait3A_659 = arith.constant 0 : i32
      %dma_wait3A_660 = arith.constant 0 : i32
      %dma_wait3A_661 = tpu.memref_slice %arg6[%run_scoped3A_276, %dma_wait3A_659, %dma_wait3A_660] : memref<6x16x1024xf32, #tpu.memory_space<vmem>> -> memref<1x4x1024xf32, #tpu.memory_space<vmem>>
      %dma_wait3A_662 = tpu.memref_squeeze %dma_wait3A_661 : memref<1x4x1024xf32, #tpu.memory_space<vmem>> -> memref<4x1024xf32, #tpu.memory_space<vmem>>
      %dma_wait3A_663 = arith.constant 0 : i32
      %dma_wait3A_664 = arith.constant 0 : i32
      %dma_wait3A_665 = tpu.memref_slice %arg4[%add3A_275, %dma_wait3A_663, %dma_wait3A_664] : memref<2048x4x1024xf32, #tpu.memory_space<hbm>> -> memref<1x4x1024xf32, #tpu.memory_space<hbm>>
      %dma_wait3A_666 = tpu.memref_squeeze %dma_wait3A_665 : memref<1x4x1024xf32, #tpu.memory_space<hbm>> -> memref<4x1024xf32, #tpu.memory_space<hbm>>
      %dma_wait3A_667 = arith.constant 0 : i32
      %dma_wait3A_668 = arith.constant 0 : i32
      %dma_wait3A_669 = tpu.memref_slice %arg4[%add3A_275, %dma_wait3A_667, %dma_wait3A_668] : memref<2048x4x1024xf32, #tpu.memory_space<hbm>> -> memref<1x4x1024xf32, #tpu.memory_space<hbm>>
      %dma_wait3A_670 = tpu.memref_squeeze %dma_wait3A_669 : memref<1x4x1024xf32, #tpu.memory_space<hbm>> -> memref<4x1024xf32, #tpu.memory_space<hbm>>
      %dma_wait3A_671 = arith.constant 0 : i32
      %dma_wait3A_672 = arith.constant 0 : i32
      %dma_wait3A_673 = tpu.memref_slice %arg6[%run_scoped3A_276, %dma_wait3A_671, %dma_wait3A_672] : memref<6x16x1024xf32, #tpu.memory_space<vmem>> -> memref<1x4x1024xf32, #tpu.memory_space<vmem>>
      %dma_wait3A_674 = tpu.memref_squeeze %dma_wait3A_673 : memref<1x4x1024xf32, #tpu.memory_space<vmem>> -> memref<4x1024xf32, #tpu.memory_space<vmem>>
      tpu.wait_dma2 semaphore(%run_scoped3A_642 : memref<!tpu.dma_semaphore, #tpu.memory_space<semaphore_mem>>) src(%dma_wait3A_674 : memref<4x1024xf32, #tpu.memory_space<vmem>>) dst(%dma_wait3A_670 : memref<4x1024xf32, #tpu.memory_space<hbm>>)
      tpu.yield
    }) : () -> ()
    %add3A_277 = arith.constant 20 : i32
    %add3A_278 = arith.addi %mul3A_4, %add3A_277 : i32
    %add3A_279 = arith.constant 1 : i32
    %add3A_280 = arith.addi %add3A_278, %add3A_279 : i32
    %run_scoped3A_281 = arith.constant 5 : i32
    "tpu.region"() ({
      %run_scoped3A_642 = tpu.sem_alloc : memref<!tpu.dma_semaphore, #tpu.memory_space<semaphore_mem>>
      %dma_start3A_643 = arith.constant 4 : i32
      %dma_start3A_644 = arith.constant 0 : i32
      %dma_start3A_645 = tpu.memref_slice %arg6[%run_scoped3A_281, %dma_start3A_643, %dma_start3A_644] : memref<6x16x1024xf32, #tpu.memory_space<vmem>> -> memref<1x4x1024xf32, #tpu.memory_space<vmem>>
      %dma_start3A_646 = tpu.memref_squeeze %dma_start3A_645 : memref<1x4x1024xf32, #tpu.memory_space<vmem>> -> memref<4x1024xf32, #tpu.memory_space<vmem>>
      %dma_start3A_647 = arith.constant 0 : i32
      %dma_start3A_648 = arith.constant 0 : i32
      %dma_start3A_649 = tpu.memref_slice %arg4[%add3A_280, %dma_start3A_647, %dma_start3A_648] : memref<2048x4x1024xf32, #tpu.memory_space<hbm>> -> memref<1x4x1024xf32, #tpu.memory_space<hbm>>
      %dma_start3A_650 = tpu.memref_squeeze %dma_start3A_649 : memref<1x4x1024xf32, #tpu.memory_space<hbm>> -> memref<4x1024xf32, #tpu.memory_space<hbm>>
      %dma_start3A_651 = arith.constant 0 : i32
      %dma_start3A_652 = arith.constant 0 : i32
      %dma_start3A_653 = tpu.memref_slice %arg4[%add3A_280, %dma_start3A_651, %dma_start3A_652] : memref<2048x4x1024xf32, #tpu.memory_space<hbm>> -> memref<1x4x1024xf32, #tpu.memory_space<hbm>>
      %dma_start3A_654 = tpu.memref_squeeze %dma_start3A_653 : memref<1x4x1024xf32, #tpu.memory_space<hbm>> -> memref<4x1024xf32, #tpu.memory_space<hbm>>
      %dma_start3A_655 = arith.constant 4 : i32
      %dma_start3A_656 = arith.constant 0 : i32
      %dma_start3A_657 = tpu.memref_slice %arg6[%run_scoped3A_281, %dma_start3A_655, %dma_start3A_656] : memref<6x16x1024xf32, #tpu.memory_space<vmem>> -> memref<1x4x1024xf32, #tpu.memory_space<vmem>>
      %dma_start3A_658 = tpu.memref_squeeze %dma_start3A_657 : memref<1x4x1024xf32, #tpu.memory_space<vmem>> -> memref<4x1024xf32, #tpu.memory_space<vmem>>
      tpu.enqueue_dma source(%dma_start3A_658 : memref<4x1024xf32, #tpu.memory_space<vmem>>) target(%dma_start3A_654 : memref<4x1024xf32, #tpu.memory_space<hbm>>) target_semaphore(%run_scoped3A_642 : memref<!tpu.dma_semaphore, #tpu.memory_space<semaphore_mem>>)
      %dma_wait3A_659 = arith.constant 4 : i32
      %dma_wait3A_660 = arith.constant 0 : i32
      %dma_wait3A_661 = tpu.memref_slice %arg6[%run_scoped3A_281, %dma_wait3A_659, %dma_wait3A_660] : memref<6x16x1024xf32, #tpu.memory_space<vmem>> -> memref<1x4x1024xf32, #tpu.memory_space<vmem>>
      %dma_wait3A_662 = tpu.memref_squeeze %dma_wait3A_661 : memref<1x4x1024xf32, #tpu.memory_space<vmem>> -> memref<4x1024xf32, #tpu.memory_space<vmem>>
      %dma_wait3A_663 = arith.constant 0 : i32
      %dma_wait3A_664 = arith.constant 0 : i32
      %dma_wait3A_665 = tpu.memref_slice %arg4[%add3A_280, %dma_wait3A_663, %dma_wait3A_664] : memref<2048x4x1024xf32, #tpu.memory_space<hbm>> -> memref<1x4x1024xf32, #tpu.memory_space<hbm>>
      %dma_wait3A_666 = tpu.memref_squeeze %dma_wait3A_665 : memref<1x4x1024xf32, #tpu.memory_space<hbm>> -> memref<4x1024xf32, #tpu.memory_space<hbm>>
      %dma_wait3A_667 = arith.constant 0 : i32
      %dma_wait3A_668 = arith.constant 0 : i32
      %dma_wait3A_669 = tpu.memref_slice %arg4[%add3A_280, %dma_wait3A_667, %dma_wait3A_668] : memref<2048x4x1024xf32, #tpu.memory_space<hbm>> -> memref<1x4x1024xf32, #tpu.memory_space<hbm>>
      %dma_wait3A_670 = tpu.memref_squeeze %dma_wait3A_669 : memref<1x4x1024xf32, #tpu.memory_space<hbm>> -> memref<4x1024xf32, #tpu.memory_space<hbm>>
      %dma_wait3A_671 = arith.constant 4 : i32
      %dma_wait3A_672 = arith.constant 0 : i32
      %dma_wait3A_673 = tpu.memref_slice %arg6[%run_scoped3A_281, %dma_wait3A_671, %dma_wait3A_672] : memref<6x16x1024xf32, #tpu.memory_space<vmem>> -> memref<1x4x1024xf32, #tpu.memory_space<vmem>>
      %dma_wait3A_674 = tpu.memref_squeeze %dma_wait3A_673 : memref<1x4x1024xf32, #tpu.memory_space<vmem>> -> memref<4x1024xf32, #tpu.memory_space<vmem>>
      tpu.wait_dma2 semaphore(%run_scoped3A_642 : memref<!tpu.dma_semaphore, #tpu.memory_space<semaphore_mem>>) src(%dma_wait3A_674 : memref<4x1024xf32, #tpu.memory_space<vmem>>) dst(%dma_wait3A_670 : memref<4x1024xf32, #tpu.memory_space<hbm>>)
      tpu.yield
    }) : () -> ()
    %add3A_282 = arith.constant 20 : i32
    %add3A_283 = arith.addi %mul3A_4, %add3A_282 : i32
    %add3A_284 = arith.constant 2 : i32
    %add3A_285 = arith.addi %add3A_283, %add3A_284 : i32
    %run_scoped3A_286 = arith.constant 5 : i32
    "tpu.region"() ({
      %run_scoped3A_642 = tpu.sem_alloc : memref<!tpu.dma_semaphore, #tpu.memory_space<semaphore_mem>>
      %dma_start3A_643 = arith.constant 8 : i32
      %dma_start3A_644 = arith.constant 0 : i32
      %dma_start3A_645 = tpu.memref_slice %arg6[%run_scoped3A_286, %dma_start3A_643, %dma_start3A_644] : memref<6x16x1024xf32, #tpu.memory_space<vmem>> -> memref<1x4x1024xf32, #tpu.memory_space<vmem>>
      %dma_start3A_646 = tpu.memref_squeeze %dma_start3A_645 : memref<1x4x1024xf32, #tpu.memory_space<vmem>> -> memref<4x1024xf32, #tpu.memory_space<vmem>>
      %dma_start3A_647 = arith.constant 0 : i32
      %dma_start3A_648 = arith.constant 0 : i32
      %dma_start3A_649 = tpu.memref_slice %arg4[%add3A_285, %dma_start3A_647, %dma_start3A_648] : memref<2048x4x1024xf32, #tpu.memory_space<hbm>> -> memref<1x4x1024xf32, #tpu.memory_space<hbm>>
      %dma_start3A_650 = tpu.memref_squeeze %dma_start3A_649 : memref<1x4x1024xf32, #tpu.memory_space<hbm>> -> memref<4x1024xf32, #tpu.memory_space<hbm>>
      %dma_start3A_651 = arith.constant 0 : i32
      %dma_start3A_652 = arith.constant 0 : i32
      %dma_start3A_653 = tpu.memref_slice %arg4[%add3A_285, %dma_start3A_651, %dma_start3A_652] : memref<2048x4x1024xf32, #tpu.memory_space<hbm>> -> memref<1x4x1024xf32, #tpu.memory_space<hbm>>
      %dma_start3A_654 = tpu.memref_squeeze %dma_start3A_653 : memref<1x4x1024xf32, #tpu.memory_space<hbm>> -> memref<4x1024xf32, #tpu.memory_space<hbm>>
      %dma_start3A_655 = arith.constant 8 : i32
      %dma_start3A_656 = arith.constant 0 : i32
      %dma_start3A_657 = tpu.memref_slice %arg6[%run_scoped3A_286, %dma_start3A_655, %dma_start3A_656] : memref<6x16x1024xf32, #tpu.memory_space<vmem>> -> memref<1x4x1024xf32, #tpu.memory_space<vmem>>
      %dma_start3A_658 = tpu.memref_squeeze %dma_start3A_657 : memref<1x4x1024xf32, #tpu.memory_space<vmem>> -> memref<4x1024xf32, #tpu.memory_space<vmem>>
      tpu.enqueue_dma source(%dma_start3A_658 : memref<4x1024xf32, #tpu.memory_space<vmem>>) target(%dma_start3A_654 : memref<4x1024xf32, #tpu.memory_space<hbm>>) target_semaphore(%run_scoped3A_642 : memref<!tpu.dma_semaphore, #tpu.memory_space<semaphore_mem>>)
      %dma_wait3A_659 = arith.constant 8 : i32
      %dma_wait3A_660 = arith.constant 0 : i32
      %dma_wait3A_661 = tpu.memref_slice %arg6[%run_scoped3A_286, %dma_wait3A_659, %dma_wait3A_660] : memref<6x16x1024xf32, #tpu.memory_space<vmem>> -> memref<1x4x1024xf32, #tpu.memory_space<vmem>>
      %dma_wait3A_662 = tpu.memref_squeeze %dma_wait3A_661 : memref<1x4x1024xf32, #tpu.memory_space<vmem>> -> memref<4x1024xf32, #tpu.memory_space<vmem>>
      %dma_wait3A_663 = arith.constant 0 : i32
      %dma_wait3A_664 = arith.constant 0 : i32
      %dma_wait3A_665 = tpu.memref_slice %arg4[%add3A_285, %dma_wait3A_663, %dma_wait3A_664] : memref<2048x4x1024xf32, #tpu.memory_space<hbm>> -> memref<1x4x1024xf32, #tpu.memory_space<hbm>>
      %dma_wait3A_666 = tpu.memref_squeeze %dma_wait3A_665 : memref<1x4x1024xf32, #tpu.memory_space<hbm>> -> memref<4x1024xf32, #tpu.memory_space<hbm>>
      %dma_wait3A_667 = arith.constant 0 : i32
      %dma_wait3A_668 = arith.constant 0 : i32
      %dma_wait3A_669 = tpu.memref_slice %arg4[%add3A_285, %dma_wait3A_667, %dma_wait3A_668] : memref<2048x4x1024xf32, #tpu.memory_space<hbm>> -> memref<1x4x1024xf32, #tpu.memory_space<hbm>>
      %dma_wait3A_670 = tpu.memref_squeeze %dma_wait3A_669 : memref<1x4x1024xf32, #tpu.memory_space<hbm>> -> memref<4x1024xf32, #tpu.memory_space<hbm>>
      %dma_wait3A_671 = arith.constant 8 : i32
      %dma_wait3A_672 = arith.constant 0 : i32
      %dma_wait3A_673 = tpu.memref_slice %arg6[%run_scoped3A_286, %dma_wait3A_671, %dma_wait3A_672] : memref<6x16x1024xf32, #tpu.memory_space<vmem>> -> memref<1x4x1024xf32, #tpu.memory_space<vmem>>
      %dma_wait3A_674 = tpu.memref_squeeze %dma_wait3A_673 : memref<1x4x1024xf32, #tpu.memory_space<vmem>> -> memref<4x1024xf32, #tpu.memory_space<vmem>>
      tpu.wait_dma2 semaphore(%run_scoped3A_642 : memref<!tpu.dma_semaphore, #tpu.memory_space<semaphore_mem>>) src(%dma_wait3A_674 : memref<4x1024xf32, #tpu.memory_space<vmem>>) dst(%dma_wait3A_670 : memref<4x1024xf32, #tpu.memory_space<hbm>>)
      tpu.yield
    }) : () -> ()
    %add3A_287 = arith.constant 20 : i32
    %add3A_288 = arith.addi %mul3A_4, %add3A_287 : i32
    %add3A_289 = arith.constant 3 : i32
    %add3A_290 = arith.addi %add3A_288, %add3A_289 : i32
    %run_scoped3A_291 = arith.constant 5 : i32
    "tpu.region"() ({
      %run_scoped3A_642 = tpu.sem_alloc : memref<!tpu.dma_semaphore, #tpu.memory_space<semaphore_mem>>
      %dma_start3A_643 = arith.constant 12 : i32
      %dma_start3A_644 = arith.constant 0 : i32
      %dma_start3A_645 = tpu.memref_slice %arg6[%run_scoped3A_291, %dma_start3A_643, %dma_start3A_644] : memref<6x16x1024xf32, #tpu.memory_space<vmem>> -> memref<1x4x1024xf32, #tpu.memory_space<vmem>>
      %dma_start3A_646 = tpu.memref_squeeze %dma_start3A_645 : memref<1x4x1024xf32, #tpu.memory_space<vmem>> -> memref<4x1024xf32, #tpu.memory_space<vmem>>
      %dma_start3A_647 = arith.constant 0 : i32
      %dma_start3A_648 = arith.constant 0 : i32
      %dma_start3A_649 = tpu.memref_slice %arg4[%add3A_290, %dma_start3A_647, %dma_start3A_648] : memref<2048x4x1024xf32, #tpu.memory_space<hbm>> -> memref<1x4x1024xf32, #tpu.memory_space<hbm>>
      %dma_start3A_650 = tpu.memref_squeeze %dma_start3A_649 : memref<1x4x1024xf32, #tpu.memory_space<hbm>> -> memref<4x1024xf32, #tpu.memory_space<hbm>>
      %dma_start3A_651 = arith.constant 0 : i32
      %dma_start3A_652 = arith.constant 0 : i32
      %dma_start3A_653 = tpu.memref_slice %arg4[%add3A_290, %dma_start3A_651, %dma_start3A_652] : memref<2048x4x1024xf32, #tpu.memory_space<hbm>> -> memref<1x4x1024xf32, #tpu.memory_space<hbm>>
      %dma_start3A_654 = tpu.memref_squeeze %dma_start3A_653 : memref<1x4x1024xf32, #tpu.memory_space<hbm>> -> memref<4x1024xf32, #tpu.memory_space<hbm>>
      %dma_start3A_655 = arith.constant 12 : i32
      %dma_start3A_656 = arith.constant 0 : i32
      %dma_start3A_657 = tpu.memref_slice %arg6[%run_scoped3A_291, %dma_start3A_655, %dma_start3A_656] : memref<6x16x1024xf32, #tpu.memory_space<vmem>> -> memref<1x4x1024xf32, #tpu.memory_space<vmem>>
      %dma_start3A_658 = tpu.memref_squeeze %dma_start3A_657 : memref<1x4x1024xf32, #tpu.memory_space<vmem>> -> memref<4x1024xf32, #tpu.memory_space<vmem>>
      tpu.enqueue_dma source(%dma_start3A_658 : memref<4x1024xf32, #tpu.memory_space<vmem>>) target(%dma_start3A_654 : memref<4x1024xf32, #tpu.memory_space<hbm>>) target_semaphore(%run_scoped3A_642 : memref<!tpu.dma_semaphore, #tpu.memory_space<semaphore_mem>>)
      %dma_wait3A_659 = arith.constant 12 : i32
      %dma_wait3A_660 = arith.constant 0 : i32
      %dma_wait3A_661 = tpu.memref_slice %arg6[%run_scoped3A_291, %dma_wait3A_659, %dma_wait3A_660] : memref<6x16x1024xf32, #tpu.memory_space<vmem>> -> memref<1x4x1024xf32, #tpu.memory_space<vmem>>
      %dma_wait3A_662 = tpu.memref_squeeze %dma_wait3A_661 : memref<1x4x1024xf32, #tpu.memory_space<vmem>> -> memref<4x1024xf32, #tpu.memory_space<vmem>>
      %dma_wait3A_663 = arith.constant 0 : i32
      %dma_wait3A_664 = arith.constant 0 : i32
      %dma_wait3A_665 = tpu.memref_slice %arg4[%add3A_290, %dma_wait3A_663, %dma_wait3A_664] : memref<2048x4x1024xf32, #tpu.memory_space<hbm>> -> memref<1x4x1024xf32, #tpu.memory_space<hbm>>
      %dma_wait3A_666 = tpu.memref_squeeze %dma_wait3A_665 : memref<1x4x1024xf32, #tpu.memory_space<hbm>> -> memref<4x1024xf32, #tpu.memory_space<hbm>>
      %dma_wait3A_667 = arith.constant 0 : i32
      %dma_wait3A_668 = arith.constant 0 : i32
      %dma_wait3A_669 = tpu.memref_slice %arg4[%add3A_290, %dma_wait3A_667, %dma_wait3A_668] : memref<2048x4x1024xf32, #tpu.memory_space<hbm>> -> memref<1x4x1024xf32, #tpu.memory_space<hbm>>
      %dma_wait3A_670 = tpu.memref_squeeze %dma_wait3A_669 : memref<1x4x1024xf32, #tpu.memory_space<hbm>> -> memref<4x1024xf32, #tpu.memory_space<hbm>>
      %dma_wait3A_671 = arith.constant 12 : i32
      %dma_wait3A_672 = arith.constant 0 : i32
      %dma_wait3A_673 = tpu.memref_slice %arg6[%run_scoped3A_291, %dma_wait3A_671, %dma_wait3A_672] : memref<6x16x1024xf32, #tpu.memory_space<vmem>> -> memref<1x4x1024xf32, #tpu.memory_space<vmem>>
      %dma_wait3A_674 = tpu.memref_squeeze %dma_wait3A_673 : memref<1x4x1024xf32, #tpu.memory_space<vmem>> -> memref<4x1024xf32, #tpu.memory_space<vmem>>
      tpu.wait_dma2 semaphore(%run_scoped3A_642 : memref<!tpu.dma_semaphore, #tpu.memory_space<semaphore_mem>>) src(%dma_wait3A_674 : memref<4x1024xf32, #tpu.memory_space<vmem>>) dst(%dma_wait3A_670 : memref<4x1024xf32, #tpu.memory_space<hbm>>)
      tpu.yield
    }) : () -> ()
    %dma_start3A_292 = arith.constant 5 : i32
    %dma_start3A_293 = arith.constant 0 : i32
    %dma_start3A_294 = arith.constant 0 : i32
    %dma_start3A_295 = tpu.memref_slice %arg6[%dma_start3A_292, %dma_start3A_293, %dma_start3A_294] : memref<6x16x1024xf32, #tpu.memory_space<vmem>> -> memref<1x16x1024xf32, #tpu.memory_space<vmem>>
    %dma_start3A_296 = tpu.memref_squeeze %dma_start3A_295 : memref<1x16x1024xf32, #tpu.memory_space<vmem>> -> memref<16x1024xf32, #tpu.memory_space<vmem>>
    %dma_start3A_297 = arith.constant 176 : i32
    %dma_start3A_298 = tpu.memref_slice %arg5[%dma_start3A_297] : memref<256xi32, #tpu.memory_space<vmem>> -> memref<16xi32, #tpu.memory_space<vmem>>
    %dma_start3A_299 = arith.constant 0 : i32
    %dma_start3A_300 = arith.constant 0 : i32
    %dma_start3A_301 = tpu.memref_slice %arg2[%dma_start3A_299, %dma_start3A_300] : memref<150528x1024xf32, #tpu.memory_space<hbm>> -> memref<150528x1024xf32, #tpu.memory_space<hbm>>
    tpu.enqueue_indirect_dma source(%dma_start3A_301 : memref<150528x1024xf32, #tpu.memory_space<hbm>>) target(%dma_start3A_296 : memref<16x1024xf32, #tpu.memory_space<vmem>>) offsets(%dma_start3A_298 : memref<16xi32, #tpu.memory_space<vmem>>) semaphore(%arg12 : memref<!tpu.dma_semaphore, #tpu.memory_space<semaphore_mem>>)
    %dma_wait3A_302 = arith.constant 0 : i32
    %dma_wait3A_303 = arith.constant 0 : i32
    %dma_wait3A_304 = arith.constant 0 : i32
    %dma_wait3A_305 = tpu.memref_slice %arg6[%dma_wait3A_302, %dma_wait3A_303, %dma_wait3A_304] : memref<6x16x1024xf32, #tpu.memory_space<vmem>> -> memref<1x16x1024xf32, #tpu.memory_space<vmem>>
    %dma_wait3A_306 = tpu.memref_squeeze %dma_wait3A_305 : memref<1x16x1024xf32, #tpu.memory_space<vmem>> -> memref<16x1024xf32, #tpu.memory_space<vmem>>
    %dma_wait3A_307 = arith.constant 96 : i32
    %dma_wait3A_308 = tpu.memref_slice %arg5[%dma_wait3A_307] : memref<256xi32, #tpu.memory_space<vmem>> -> memref<16xi32, #tpu.memory_space<vmem>>
    %dma_wait3A_309 = arith.constant 0 : i32
    %dma_wait3A_310 = arith.constant 0 : i32
    %dma_wait3A_311 = tpu.memref_slice %arg2[%dma_wait3A_309, %dma_wait3A_310] : memref<150528x1024xf32, #tpu.memory_space<hbm>> -> memref<150528x1024xf32, #tpu.memory_space<hbm>>
    tpu.wait_indirect_dma semaphore(%arg7 : memref<!tpu.dma_semaphore, #tpu.memory_space<semaphore_mem>>) src(%dma_wait3A_311 : memref<150528x1024xf32, #tpu.memory_space<hbm>>) dst(%dma_wait3A_306 : memref<16x1024xf32, #tpu.memory_space<vmem>>)
    %add3A_312 = arith.constant 24 : i32
    %add3A_313 = arith.addi %mul3A_4, %add3A_312 : i32
    %add3A_314 = arith.constant 0 : i32
    %add3A_315 = arith.addi %add3A_313, %add3A_314 : i32
    %run_scoped3A_316 = arith.constant 0 : i32
    "tpu.region"() ({
      %run_scoped3A_642 = tpu.sem_alloc : memref<!tpu.dma_semaphore, #tpu.memory_space<semaphore_mem>>
      %dma_start3A_643 = arith.constant 0 : i32
      %dma_start3A_644 = arith.constant 0 : i32
      %dma_start3A_645 = tpu.memref_slice %arg6[%run_scoped3A_316, %dma_start3A_643, %dma_start3A_644] : memref<6x16x1024xf32, #tpu.memory_space<vmem>> -> memref<1x4x1024xf32, #tpu.memory_space<vmem>>
      %dma_start3A_646 = tpu.memref_squeeze %dma_start3A_645 : memref<1x4x1024xf32, #tpu.memory_space<vmem>> -> memref<4x1024xf32, #tpu.memory_space<vmem>>
      %dma_start3A_647 = arith.constant 0 : i32
      %dma_start3A_648 = arith.constant 0 : i32
      %dma_start3A_649 = tpu.memref_slice %arg4[%add3A_315, %dma_start3A_647, %dma_start3A_648] : memref<2048x4x1024xf32, #tpu.memory_space<hbm>> -> memref<1x4x1024xf32, #tpu.memory_space<hbm>>
      %dma_start3A_650 = tpu.memref_squeeze %dma_start3A_649 : memref<1x4x1024xf32, #tpu.memory_space<hbm>> -> memref<4x1024xf32, #tpu.memory_space<hbm>>
      %dma_start3A_651 = arith.constant 0 : i32
      %dma_start3A_652 = arith.constant 0 : i32
      %dma_start3A_653 = tpu.memref_slice %arg4[%add3A_315, %dma_start3A_651, %dma_start3A_652] : memref<2048x4x1024xf32, #tpu.memory_space<hbm>> -> memref<1x4x1024xf32, #tpu.memory_space<hbm>>
      %dma_start3A_654 = tpu.memref_squeeze %dma_start3A_653 : memref<1x4x1024xf32, #tpu.memory_space<hbm>> -> memref<4x1024xf32, #tpu.memory_space<hbm>>
      %dma_start3A_655 = arith.constant 0 : i32
      %dma_start3A_656 = arith.constant 0 : i32
      %dma_start3A_657 = tpu.memref_slice %arg6[%run_scoped3A_316, %dma_start3A_655, %dma_start3A_656] : memref<6x16x1024xf32, #tpu.memory_space<vmem>> -> memref<1x4x1024xf32, #tpu.memory_space<vmem>>
      %dma_start3A_658 = tpu.memref_squeeze %dma_start3A_657 : memref<1x4x1024xf32, #tpu.memory_space<vmem>> -> memref<4x1024xf32, #tpu.memory_space<vmem>>
      tpu.enqueue_dma source(%dma_start3A_658 : memref<4x1024xf32, #tpu.memory_space<vmem>>) target(%dma_start3A_654 : memref<4x1024xf32, #tpu.memory_space<hbm>>) target_semaphore(%run_scoped3A_642 : memref<!tpu.dma_semaphore, #tpu.memory_space<semaphore_mem>>)
      %dma_wait3A_659 = arith.constant 0 : i32
      %dma_wait3A_660 = arith.constant 0 : i32
      %dma_wait3A_661 = tpu.memref_slice %arg6[%run_scoped3A_316, %dma_wait3A_659, %dma_wait3A_660] : memref<6x16x1024xf32, #tpu.memory_space<vmem>> -> memref<1x4x1024xf32, #tpu.memory_space<vmem>>
      %dma_wait3A_662 = tpu.memref_squeeze %dma_wait3A_661 : memref<1x4x1024xf32, #tpu.memory_space<vmem>> -> memref<4x1024xf32, #tpu.memory_space<vmem>>
      %dma_wait3A_663 = arith.constant 0 : i32
      %dma_wait3A_664 = arith.constant 0 : i32
      %dma_wait3A_665 = tpu.memref_slice %arg4[%add3A_315, %dma_wait3A_663, %dma_wait3A_664] : memref<2048x4x1024xf32, #tpu.memory_space<hbm>> -> memref<1x4x1024xf32, #tpu.memory_space<hbm>>
      %dma_wait3A_666 = tpu.memref_squeeze %dma_wait3A_665 : memref<1x4x1024xf32, #tpu.memory_space<hbm>> -> memref<4x1024xf32, #tpu.memory_space<hbm>>
      %dma_wait3A_667 = arith.constant 0 : i32
      %dma_wait3A_668 = arith.constant 0 : i32
      %dma_wait3A_669 = tpu.memref_slice %arg4[%add3A_315, %dma_wait3A_667, %dma_wait3A_668] : memref<2048x4x1024xf32, #tpu.memory_space<hbm>> -> memref<1x4x1024xf32, #tpu.memory_space<hbm>>
      %dma_wait3A_670 = tpu.memref_squeeze %dma_wait3A_669 : memref<1x4x1024xf32, #tpu.memory_space<hbm>> -> memref<4x1024xf32, #tpu.memory_space<hbm>>
      %dma_wait3A_671 = arith.constant 0 : i32
      %dma_wait3A_672 = arith.constant 0 : i32
      %dma_wait3A_673 = tpu.memref_slice %arg6[%run_scoped3A_316, %dma_wait3A_671, %dma_wait3A_672] : memref<6x16x1024xf32, #tpu.memory_space<vmem>> -> memref<1x4x1024xf32, #tpu.memory_space<vmem>>
      %dma_wait3A_674 = tpu.memref_squeeze %dma_wait3A_673 : memref<1x4x1024xf32, #tpu.memory_space<vmem>> -> memref<4x1024xf32, #tpu.memory_space<vmem>>
      tpu.wait_dma2 semaphore(%run_scoped3A_642 : memref<!tpu.dma_semaphore, #tpu.memory_space<semaphore_mem>>) src(%dma_wait3A_674 : memref<4x1024xf32, #tpu.memory_space<vmem>>) dst(%dma_wait3A_670 : memref<4x1024xf32, #tpu.memory_space<hbm>>)
      tpu.yield
    }) : () -> ()
    %add3A_317 = arith.constant 24 : i32
    %add3A_318 = arith.addi %mul3A_4, %add3A_317 : i32
    %add3A_319 = arith.constant 1 : i32
    %add3A_320 = arith.addi %add3A_318, %add3A_319 : i32
    %run_scoped3A_321 = arith.constant 0 : i32
    "tpu.region"() ({
      %run_scoped3A_642 = tpu.sem_alloc : memref<!tpu.dma_semaphore, #tpu.memory_space<semaphore_mem>>
      %dma_start3A_643 = arith.constant 4 : i32
      %dma_start3A_644 = arith.constant 0 : i32
      %dma_start3A_645 = tpu.memref_slice %arg6[%run_scoped3A_321, %dma_start3A_643, %dma_start3A_644] : memref<6x16x1024xf32, #tpu.memory_space<vmem>> -> memref<1x4x1024xf32, #tpu.memory_space<vmem>>
      %dma_start3A_646 = tpu.memref_squeeze %dma_start3A_645 : memref<1x4x1024xf32, #tpu.memory_space<vmem>> -> memref<4x1024xf32, #tpu.memory_space<vmem>>
      %dma_start3A_647 = arith.constant 0 : i32
      %dma_start3A_648 = arith.constant 0 : i32
      %dma_start3A_649 = tpu.memref_slice %arg4[%add3A_320, %dma_start3A_647, %dma_start3A_648] : memref<2048x4x1024xf32, #tpu.memory_space<hbm>> -> memref<1x4x1024xf32, #tpu.memory_space<hbm>>
      %dma_start3A_650 = tpu.memref_squeeze %dma_start3A_649 : memref<1x4x1024xf32, #tpu.memory_space<hbm>> -> memref<4x1024xf32, #tpu.memory_space<hbm>>
      %dma_start3A_651 = arith.constant 0 : i32
      %dma_start3A_652 = arith.constant 0 : i32
      %dma_start3A_653 = tpu.memref_slice %arg4[%add3A_320, %dma_start3A_651, %dma_start3A_652] : memref<2048x4x1024xf32, #tpu.memory_space<hbm>> -> memref<1x4x1024xf32, #tpu.memory_space<hbm>>
      %dma_start3A_654 = tpu.memref_squeeze %dma_start3A_653 : memref<1x4x1024xf32, #tpu.memory_space<hbm>> -> memref<4x1024xf32, #tpu.memory_space<hbm>>
      %dma_start3A_655 = arith.constant 4 : i32
      %dma_start3A_656 = arith.constant 0 : i32
      %dma_start3A_657 = tpu.memref_slice %arg6[%run_scoped3A_321, %dma_start3A_655, %dma_start3A_656] : memref<6x16x1024xf32, #tpu.memory_space<vmem>> -> memref<1x4x1024xf32, #tpu.memory_space<vmem>>
      %dma_start3A_658 = tpu.memref_squeeze %dma_start3A_657 : memref<1x4x1024xf32, #tpu.memory_space<vmem>> -> memref<4x1024xf32, #tpu.memory_space<vmem>>
      tpu.enqueue_dma source(%dma_start3A_658 : memref<4x1024xf32, #tpu.memory_space<vmem>>) target(%dma_start3A_654 : memref<4x1024xf32, #tpu.memory_space<hbm>>) target_semaphore(%run_scoped3A_642 : memref<!tpu.dma_semaphore, #tpu.memory_space<semaphore_mem>>)
      %dma_wait3A_659 = arith.constant 4 : i32
      %dma_wait3A_660 = arith.constant 0 : i32
      %dma_wait3A_661 = tpu.memref_slice %arg6[%run_scoped3A_321, %dma_wait3A_659, %dma_wait3A_660] : memref<6x16x1024xf32, #tpu.memory_space<vmem>> -> memref<1x4x1024xf32, #tpu.memory_space<vmem>>
      %dma_wait3A_662 = tpu.memref_squeeze %dma_wait3A_661 : memref<1x4x1024xf32, #tpu.memory_space<vmem>> -> memref<4x1024xf32, #tpu.memory_space<vmem>>
      %dma_wait3A_663 = arith.constant 0 : i32
      %dma_wait3A_664 = arith.constant 0 : i32
      %dma_wait3A_665 = tpu.memref_slice %arg4[%add3A_320, %dma_wait3A_663, %dma_wait3A_664] : memref<2048x4x1024xf32, #tpu.memory_space<hbm>> -> memref<1x4x1024xf32, #tpu.memory_space<hbm>>
      %dma_wait3A_666 = tpu.memref_squeeze %dma_wait3A_665 : memref<1x4x1024xf32, #tpu.memory_space<hbm>> -> memref<4x1024xf32, #tpu.memory_space<hbm>>
      %dma_wait3A_667 = arith.constant 0 : i32
      %dma_wait3A_668 = arith.constant 0 : i32
      %dma_wait3A_669 = tpu.memref_slice %arg4[%add3A_320, %dma_wait3A_667, %dma_wait3A_668] : memref<2048x4x1024xf32, #tpu.memory_space<hbm>> -> memref<1x4x1024xf32, #tpu.memory_space<hbm>>
      %dma_wait3A_670 = tpu.memref_squeeze %dma_wait3A_669 : memref<1x4x1024xf32, #tpu.memory_space<hbm>> -> memref<4x1024xf32, #tpu.memory_space<hbm>>
      %dma_wait3A_671 = arith.constant 4 : i32
      %dma_wait3A_672 = arith.constant 0 : i32
      %dma_wait3A_673 = tpu.memref_slice %arg6[%run_scoped3A_321, %dma_wait3A_671, %dma_wait3A_672] : memref<6x16x1024xf32, #tpu.memory_space<vmem>> -> memref<1x4x1024xf32, #tpu.memory_space<vmem>>
      %dma_wait3A_674 = tpu.memref_squeeze %dma_wait3A_673 : memref<1x4x1024xf32, #tpu.memory_space<vmem>> -> memref<4x1024xf32, #tpu.memory_space<vmem>>
      tpu.wait_dma2 semaphore(%run_scoped3A_642 : memref<!tpu.dma_semaphore, #tpu.memory_space<semaphore_mem>>) src(%dma_wait3A_674 : memref<4x1024xf32, #tpu.memory_space<vmem>>) dst(%dma_wait3A_670 : memref<4x1024xf32, #tpu.memory_space<hbm>>)
      tpu.yield
    }) : () -> ()
    %add3A_322 = arith.constant 24 : i32
    %add3A_323 = arith.addi %mul3A_4, %add3A_322 : i32
    %add3A_324 = arith.constant 2 : i32
    %add3A_325 = arith.addi %add3A_323, %add3A_324 : i32
    %run_scoped3A_326 = arith.constant 0 : i32
    "tpu.region"() ({
      %run_scoped3A_642 = tpu.sem_alloc : memref<!tpu.dma_semaphore, #tpu.memory_space<semaphore_mem>>
      %dma_start3A_643 = arith.constant 8 : i32
      %dma_start3A_644 = arith.constant 0 : i32
      %dma_start3A_645 = tpu.memref_slice %arg6[%run_scoped3A_326, %dma_start3A_643, %dma_start3A_644] : memref<6x16x1024xf32, #tpu.memory_space<vmem>> -> memref<1x4x1024xf32, #tpu.memory_space<vmem>>
      %dma_start3A_646 = tpu.memref_squeeze %dma_start3A_645 : memref<1x4x1024xf32, #tpu.memory_space<vmem>> -> memref<4x1024xf32, #tpu.memory_space<vmem>>
      %dma_start3A_647 = arith.constant 0 : i32
      %dma_start3A_648 = arith.constant 0 : i32
      %dma_start3A_649 = tpu.memref_slice %arg4[%add3A_325, %dma_start3A_647, %dma_start3A_648] : memref<2048x4x1024xf32, #tpu.memory_space<hbm>> -> memref<1x4x1024xf32, #tpu.memory_space<hbm>>
      %dma_start3A_650 = tpu.memref_squeeze %dma_start3A_649 : memref<1x4x1024xf32, #tpu.memory_space<hbm>> -> memref<4x1024xf32, #tpu.memory_space<hbm>>
      %dma_start3A_651 = arith.constant 0 : i32
      %dma_start3A_652 = arith.constant 0 : i32
      %dma_start3A_653 = tpu.memref_slice %arg4[%add3A_325, %dma_start3A_651, %dma_start3A_652] : memref<2048x4x1024xf32, #tpu.memory_space<hbm>> -> memref<1x4x1024xf32, #tpu.memory_space<hbm>>
      %dma_start3A_654 = tpu.memref_squeeze %dma_start3A_653 : memref<1x4x1024xf32, #tpu.memory_space<hbm>> -> memref<4x1024xf32, #tpu.memory_space<hbm>>
      %dma_start3A_655 = arith.constant 8 : i32
      %dma_start3A_656 = arith.constant 0 : i32
      %dma_start3A_657 = tpu.memref_slice %arg6[%run_scoped3A_326, %dma_start3A_655, %dma_start3A_656] : memref<6x16x1024xf32, #tpu.memory_space<vmem>> -> memref<1x4x1024xf32, #tpu.memory_space<vmem>>
      %dma_start3A_658 = tpu.memref_squeeze %dma_start3A_657 : memref<1x4x1024xf32, #tpu.memory_space<vmem>> -> memref<4x1024xf32, #tpu.memory_space<vmem>>
      tpu.enqueue_dma source(%dma_start3A_658 : memref<4x1024xf32, #tpu.memory_space<vmem>>) target(%dma_start3A_654 : memref<4x1024xf32, #tpu.memory_space<hbm>>) target_semaphore(%run_scoped3A_642 : memref<!tpu.dma_semaphore, #tpu.memory_space<semaphore_mem>>)
      %dma_wait3A_659 = arith.constant 8 : i32
      %dma_wait3A_660 = arith.constant 0 : i32
      %dma_wait3A_661 = tpu.memref_slice %arg6[%run_scoped3A_326, %dma_wait3A_659, %dma_wait3A_660] : memref<6x16x1024xf32, #tpu.memory_space<vmem>> -> memref<1x4x1024xf32, #tpu.memory_space<vmem>>
      %dma_wait3A_662 = tpu.memref_squeeze %dma_wait3A_661 : memref<1x4x1024xf32, #tpu.memory_space<vmem>> -> memref<4x1024xf32, #tpu.memory_space<vmem>>
      %dma_wait3A_663 = arith.constant 0 : i32
      %dma_wait3A_664 = arith.constant 0 : i32
      %dma_wait3A_665 = tpu.memref_slice %arg4[%add3A_325, %dma_wait3A_663, %dma_wait3A_664] : memref<2048x4x1024xf32, #tpu.memory_space<hbm>> -> memref<1x4x1024xf32, #tpu.memory_space<hbm>>
      %dma_wait3A_666 = tpu.memref_squeeze %dma_wait3A_665 : memref<1x4x1024xf32, #tpu.memory_space<hbm>> -> memref<4x1024xf32, #tpu.memory_space<hbm>>
      %dma_wait3A_667 = arith.constant 0 : i32
      %dma_wait3A_668 = arith.constant 0 : i32
      %dma_wait3A_669 = tpu.memref_slice %arg4[%add3A_325, %dma_wait3A_667, %dma_wait3A_668] : memref<2048x4x1024xf32, #tpu.memory_space<hbm>> -> memref<1x4x1024xf32, #tpu.memory_space<hbm>>
      %dma_wait3A_670 = tpu.memref_squeeze %dma_wait3A_669 : memref<1x4x1024xf32, #tpu.memory_space<hbm>> -> memref<4x1024xf32, #tpu.memory_space<hbm>>
      %dma_wait3A_671 = arith.constant 8 : i32
      %dma_wait3A_672 = arith.constant 0 : i32
      %dma_wait3A_673 = tpu.memref_slice %arg6[%run_scoped3A_326, %dma_wait3A_671, %dma_wait3A_672] : memref<6x16x1024xf32, #tpu.memory_space<vmem>> -> memref<1x4x1024xf32, #tpu.memory_space<vmem>>
      %dma_wait3A_674 = tpu.memref_squeeze %dma_wait3A_673 : memref<1x4x1024xf32, #tpu.memory_space<vmem>> -> memref<4x1024xf32, #tpu.memory_space<vmem>>
      tpu.wait_dma2 semaphore(%run_scoped3A_642 : memref<!tpu.dma_semaphore, #tpu.memory_space<semaphore_mem>>) src(%dma_wait3A_674 : memref<4x1024xf32, #tpu.memory_space<vmem>>) dst(%dma_wait3A_670 : memref<4x1024xf32, #tpu.memory_space<hbm>>)
      tpu.yield
    }) : () -> ()
    %add3A_327 = arith.constant 24 : i32
    %add3A_328 = arith.addi %mul3A_4, %add3A_327 : i32
    %add3A_329 = arith.constant 3 : i32
    %add3A_330 = arith.addi %add3A_328, %add3A_329 : i32
    %run_scoped3A_331 = arith.constant 0 : i32
    "tpu.region"() ({
      %run_scoped3A_642 = tpu.sem_alloc : memref<!tpu.dma_semaphore, #tpu.memory_space<semaphore_mem>>
      %dma_start3A_643 = arith.constant 12 : i32
      %dma_start3A_644 = arith.constant 0 : i32
      %dma_start3A_645 = tpu.memref_slice %arg6[%run_scoped3A_331, %dma_start3A_643, %dma_start3A_644] : memref<6x16x1024xf32, #tpu.memory_space<vmem>> -> memref<1x4x1024xf32, #tpu.memory_space<vmem>>
      %dma_start3A_646 = tpu.memref_squeeze %dma_start3A_645 : memref<1x4x1024xf32, #tpu.memory_space<vmem>> -> memref<4x1024xf32, #tpu.memory_space<vmem>>
      %dma_start3A_647 = arith.constant 0 : i32
      %dma_start3A_648 = arith.constant 0 : i32
      %dma_start3A_649 = tpu.memref_slice %arg4[%add3A_330, %dma_start3A_647, %dma_start3A_648] : memref<2048x4x1024xf32, #tpu.memory_space<hbm>> -> memref<1x4x1024xf32, #tpu.memory_space<hbm>>
      %dma_start3A_650 = tpu.memref_squeeze %dma_start3A_649 : memref<1x4x1024xf32, #tpu.memory_space<hbm>> -> memref<4x1024xf32, #tpu.memory_space<hbm>>
      %dma_start3A_651 = arith.constant 0 : i32
      %dma_start3A_652 = arith.constant 0 : i32
      %dma_start3A_653 = tpu.memref_slice %arg4[%add3A_330, %dma_start3A_651, %dma_start3A_652] : memref<2048x4x1024xf32, #tpu.memory_space<hbm>> -> memref<1x4x1024xf32, #tpu.memory_space<hbm>>
      %dma_start3A_654 = tpu.memref_squeeze %dma_start3A_653 : memref<1x4x1024xf32, #tpu.memory_space<hbm>> -> memref<4x1024xf32, #tpu.memory_space<hbm>>
      %dma_start3A_655 = arith.constant 12 : i32
      %dma_start3A_656 = arith.constant 0 : i32
      %dma_start3A_657 = tpu.memref_slice %arg6[%run_scoped3A_331, %dma_start3A_655, %dma_start3A_656] : memref<6x16x1024xf32, #tpu.memory_space<vmem>> -> memref<1x4x1024xf32, #tpu.memory_space<vmem>>
      %dma_start3A_658 = tpu.memref_squeeze %dma_start3A_657 : memref<1x4x1024xf32, #tpu.memory_space<vmem>> -> memref<4x1024xf32, #tpu.memory_space<vmem>>
      tpu.enqueue_dma source(%dma_start3A_658 : memref<4x1024xf32, #tpu.memory_space<vmem>>) target(%dma_start3A_654 : memref<4x1024xf32, #tpu.memory_space<hbm>>) target_semaphore(%run_scoped3A_642 : memref<!tpu.dma_semaphore, #tpu.memory_space<semaphore_mem>>)
      %dma_wait3A_659 = arith.constant 12 : i32
      %dma_wait3A_660 = arith.constant 0 : i32
      %dma_wait3A_661 = tpu.memref_slice %arg6[%run_scoped3A_331, %dma_wait3A_659, %dma_wait3A_660] : memref<6x16x1024xf32, #tpu.memory_space<vmem>> -> memref<1x4x1024xf32, #tpu.memory_space<vmem>>
      %dma_wait3A_662 = tpu.memref_squeeze %dma_wait3A_661 : memref<1x4x1024xf32, #tpu.memory_space<vmem>> -> memref<4x1024xf32, #tpu.memory_space<vmem>>
      %dma_wait3A_663 = arith.constant 0 : i32
      %dma_wait3A_664 = arith.constant 0 : i32
      %dma_wait3A_665 = tpu.memref_slice %arg4[%add3A_330, %dma_wait3A_663, %dma_wait3A_664] : memref<2048x4x1024xf32, #tpu.memory_space<hbm>> -> memref<1x4x1024xf32, #tpu.memory_space<hbm>>
      %dma_wait3A_666 = tpu.memref_squeeze %dma_wait3A_665 : memref<1x4x1024xf32, #tpu.memory_space<hbm>> -> memref<4x1024xf32, #tpu.memory_space<hbm>>
      %dma_wait3A_667 = arith.constant 0 : i32
      %dma_wait3A_668 = arith.constant 0 : i32
      %dma_wait3A_669 = tpu.memref_slice %arg4[%add3A_330, %dma_wait3A_667, %dma_wait3A_668] : memref<2048x4x1024xf32, #tpu.memory_space<hbm>> -> memref<1x4x1024xf32, #tpu.memory_space<hbm>>
      %dma_wait3A_670 = tpu.memref_squeeze %dma_wait3A_669 : memref<1x4x1024xf32, #tpu.memory_space<hbm>> -> memref<4x1024xf32, #tpu.memory_space<hbm>>
      %dma_wait3A_671 = arith.constant 12 : i32
      %dma_wait3A_672 = arith.constant 0 : i32
      %dma_wait3A_673 = tpu.memref_slice %arg6[%run_scoped3A_331, %dma_wait3A_671, %dma_wait3A_672] : memref<6x16x1024xf32, #tpu.memory_space<vmem>> -> memref<1x4x1024xf32, #tpu.memory_space<vmem>>
      %dma_wait3A_674 = tpu.memref_squeeze %dma_wait3A_673 : memref<1x4x1024xf32, #tpu.memory_space<vmem>> -> memref<4x1024xf32, #tpu.memory_space<vmem>>
      tpu.wait_dma2 semaphore(%run_scoped3A_642 : memref<!tpu.dma_semaphore, #tpu.memory_space<semaphore_mem>>) src(%dma_wait3A_674 : memref<4x1024xf32, #tpu.memory_space<vmem>>) dst(%dma_wait3A_670 : memref<4x1024xf32, #tpu.memory_space<hbm>>)
      tpu.yield
    }) : () -> ()
    %dma_start3A_332 = arith.constant 0 : i32
    %dma_start3A_333 = arith.constant 0 : i32
    %dma_start3A_334 = arith.constant 0 : i32
    %dma_start3A_335 = tpu.memref_slice %arg6[%dma_start3A_332, %dma_start3A_333, %dma_start3A_334] : memref<6x16x1024xf32, #tpu.memory_space<vmem>> -> memref<1x16x1024xf32, #tpu.memory_space<vmem>>
    %dma_start3A_336 = tpu.memref_squeeze %dma_start3A_335 : memref<1x16x1024xf32, #tpu.memory_space<vmem>> -> memref<16x1024xf32, #tpu.memory_space<vmem>>
    %dma_start3A_337 = arith.constant 192 : i32
    %dma_start3A_338 = tpu.memref_slice %arg5[%dma_start3A_337] : memref<256xi32, #tpu.memory_space<vmem>> -> memref<16xi32, #tpu.memory_space<vmem>>
    %dma_start3A_339 = arith.constant 0 : i32
    %dma_start3A_340 = arith.constant 0 : i32
    %dma_start3A_341 = tpu.memref_slice %arg2[%dma_start3A_339, %dma_start3A_340] : memref<150528x1024xf32, #tpu.memory_space<hbm>> -> memref<150528x1024xf32, #tpu.memory_space<hbm>>
    tpu.enqueue_indirect_dma source(%dma_start3A_341 : memref<150528x1024xf32, #tpu.memory_space<hbm>>) target(%dma_start3A_336 : memref<16x1024xf32, #tpu.memory_space<vmem>>) offsets(%dma_start3A_338 : memref<16xi32, #tpu.memory_space<vmem>>) semaphore(%arg7 : memref<!tpu.dma_semaphore, #tpu.memory_space<semaphore_mem>>)
    %dma_wait3A_342 = arith.constant 1 : i32
    %dma_wait3A_343 = arith.constant 0 : i32
    %dma_wait3A_344 = arith.constant 0 : i32
    %dma_wait3A_345 = tpu.memref_slice %arg6[%dma_wait3A_342, %dma_wait3A_343, %dma_wait3A_344] : memref<6x16x1024xf32, #tpu.memory_space<vmem>> -> memref<1x16x1024xf32, #tpu.memory_space<vmem>>
    %dma_wait3A_346 = tpu.memref_squeeze %dma_wait3A_345 : memref<1x16x1024xf32, #tpu.memory_space<vmem>> -> memref<16x1024xf32, #tpu.memory_space<vmem>>
    %dma_wait3A_347 = arith.constant 112 : i32
    %dma_wait3A_348 = tpu.memref_slice %arg5[%dma_wait3A_347] : memref<256xi32, #tpu.memory_space<vmem>> -> memref<16xi32, #tpu.memory_space<vmem>>
    %dma_wait3A_349 = arith.constant 0 : i32
    %dma_wait3A_350 = arith.constant 0 : i32
    %dma_wait3A_351 = tpu.memref_slice %arg2[%dma_wait3A_349, %dma_wait3A_350] : memref<150528x1024xf32, #tpu.memory_space<hbm>> -> memref<150528x1024xf32, #tpu.memory_space<hbm>>
    tpu.wait_indirect_dma semaphore(%arg8 : memref<!tpu.dma_semaphore, #tpu.memory_space<semaphore_mem>>) src(%dma_wait3A_351 : memref<150528x1024xf32, #tpu.memory_space<hbm>>) dst(%dma_wait3A_346 : memref<16x1024xf32, #tpu.memory_space<vmem>>)
    %add3A_352 = arith.constant 28 : i32
    %add3A_353 = arith.addi %mul3A_4, %add3A_352 : i32
    %add3A_354 = arith.constant 0 : i32
    %add3A_355 = arith.addi %add3A_353, %add3A_354 : i32
    %run_scoped3A_356 = arith.constant 1 : i32
    "tpu.region"() ({
      %run_scoped3A_642 = tpu.sem_alloc : memref<!tpu.dma_semaphore, #tpu.memory_space<semaphore_mem>>
      %dma_start3A_643 = arith.constant 0 : i32
      %dma_start3A_644 = arith.constant 0 : i32
      %dma_start3A_645 = tpu.memref_slice %arg6[%run_scoped3A_356, %dma_start3A_643, %dma_start3A_644] : memref<6x16x1024xf32, #tpu.memory_space<vmem>> -> memref<1x4x1024xf32, #tpu.memory_space<vmem>>
      %dma_start3A_646 = tpu.memref_squeeze %dma_start3A_645 : memref<1x4x1024xf32, #tpu.memory_space<vmem>> -> memref<4x1024xf32, #tpu.memory_space<vmem>>
      %dma_start3A_647 = arith.constant 0 : i32
      %dma_start3A_648 = arith.constant 0 : i32
      %dma_start3A_649 = tpu.memref_slice %arg4[%add3A_355, %dma_start3A_647, %dma_start3A_648] : memref<2048x4x1024xf32, #tpu.memory_space<hbm>> -> memref<1x4x1024xf32, #tpu.memory_space<hbm>>
      %dma_start3A_650 = tpu.memref_squeeze %dma_start3A_649 : memref<1x4x1024xf32, #tpu.memory_space<hbm>> -> memref<4x1024xf32, #tpu.memory_space<hbm>>
      %dma_start3A_651 = arith.constant 0 : i32
      %dma_start3A_652 = arith.constant 0 : i32
      %dma_start3A_653 = tpu.memref_slice %arg4[%add3A_355, %dma_start3A_651, %dma_start3A_652] : memref<2048x4x1024xf32, #tpu.memory_space<hbm>> -> memref<1x4x1024xf32, #tpu.memory_space<hbm>>
      %dma_start3A_654 = tpu.memref_squeeze %dma_start3A_653 : memref<1x4x1024xf32, #tpu.memory_space<hbm>> -> memref<4x1024xf32, #tpu.memory_space<hbm>>
      %dma_start3A_655 = arith.constant 0 : i32
      %dma_start3A_656 = arith.constant 0 : i32
      %dma_start3A_657 = tpu.memref_slice %arg6[%run_scoped3A_356, %dma_start3A_655, %dma_start3A_656] : memref<6x16x1024xf32, #tpu.memory_space<vmem>> -> memref<1x4x1024xf32, #tpu.memory_space<vmem>>
      %dma_start3A_658 = tpu.memref_squeeze %dma_start3A_657 : memref<1x4x1024xf32, #tpu.memory_space<vmem>> -> memref<4x1024xf32, #tpu.memory_space<vmem>>
      tpu.enqueue_dma source(%dma_start3A_658 : memref<4x1024xf32, #tpu.memory_space<vmem>>) target(%dma_start3A_654 : memref<4x1024xf32, #tpu.memory_space<hbm>>) target_semaphore(%run_scoped3A_642 : memref<!tpu.dma_semaphore, #tpu.memory_space<semaphore_mem>>)
      %dma_wait3A_659 = arith.constant 0 : i32
      %dma_wait3A_660 = arith.constant 0 : i32
      %dma_wait3A_661 = tpu.memref_slice %arg6[%run_scoped3A_356, %dma_wait3A_659, %dma_wait3A_660] : memref<6x16x1024xf32, #tpu.memory_space<vmem>> -> memref<1x4x1024xf32, #tpu.memory_space<vmem>>
      %dma_wait3A_662 = tpu.memref_squeeze %dma_wait3A_661 : memref<1x4x1024xf32, #tpu.memory_space<vmem>> -> memref<4x1024xf32, #tpu.memory_space<vmem>>
      %dma_wait3A_663 = arith.constant 0 : i32
      %dma_wait3A_664 = arith.constant 0 : i32
      %dma_wait3A_665 = tpu.memref_slice %arg4[%add3A_355, %dma_wait3A_663, %dma_wait3A_664] : memref<2048x4x1024xf32, #tpu.memory_space<hbm>> -> memref<1x4x1024xf32, #tpu.memory_space<hbm>>
      %dma_wait3A_666 = tpu.memref_squeeze %dma_wait3A_665 : memref<1x4x1024xf32, #tpu.memory_space<hbm>> -> memref<4x1024xf32, #tpu.memory_space<hbm>>
      %dma_wait3A_667 = arith.constant 0 : i32
      %dma_wait3A_668 = arith.constant 0 : i32
      %dma_wait3A_669 = tpu.memref_slice %arg4[%add3A_355, %dma_wait3A_667, %dma_wait3A_668] : memref<2048x4x1024xf32, #tpu.memory_space<hbm>> -> memref<1x4x1024xf32, #tpu.memory_space<hbm>>
      %dma_wait3A_670 = tpu.memref_squeeze %dma_wait3A_669 : memref<1x4x1024xf32, #tpu.memory_space<hbm>> -> memref<4x1024xf32, #tpu.memory_space<hbm>>
      %dma_wait3A_671 = arith.constant 0 : i32
      %dma_wait3A_672 = arith.constant 0 : i32
      %dma_wait3A_673 = tpu.memref_slice %arg6[%run_scoped3A_356, %dma_wait3A_671, %dma_wait3A_672] : memref<6x16x1024xf32, #tpu.memory_space<vmem>> -> memref<1x4x1024xf32, #tpu.memory_space<vmem>>
      %dma_wait3A_674 = tpu.memref_squeeze %dma_wait3A_673 : memref<1x4x1024xf32, #tpu.memory_space<vmem>> -> memref<4x1024xf32, #tpu.memory_space<vmem>>
      tpu.wait_dma2 semaphore(%run_scoped3A_642 : memref<!tpu.dma_semaphore, #tpu.memory_space<semaphore_mem>>) src(%dma_wait3A_674 : memref<4x1024xf32, #tpu.memory_space<vmem>>) dst(%dma_wait3A_670 : memref<4x1024xf32, #tpu.memory_space<hbm>>)
      tpu.yield
    }) : () -> ()
    %add3A_357 = arith.constant 28 : i32
    %add3A_358 = arith.addi %mul3A_4, %add3A_357 : i32
    %add3A_359 = arith.constant 1 : i32
    %add3A_360 = arith.addi %add3A_358, %add3A_359 : i32
    %run_scoped3A_361 = arith.constant 1 : i32
    "tpu.region"() ({
      %run_scoped3A_642 = tpu.sem_alloc : memref<!tpu.dma_semaphore, #tpu.memory_space<semaphore_mem>>
      %dma_start3A_643 = arith.constant 4 : i32
      %dma_start3A_644 = arith.constant 0 : i32
      %dma_start3A_645 = tpu.memref_slice %arg6[%run_scoped3A_361, %dma_start3A_643, %dma_start3A_644] : memref<6x16x1024xf32, #tpu.memory_space<vmem>> -> memref<1x4x1024xf32, #tpu.memory_space<vmem>>
      %dma_start3A_646 = tpu.memref_squeeze %dma_start3A_645 : memref<1x4x1024xf32, #tpu.memory_space<vmem>> -> memref<4x1024xf32, #tpu.memory_space<vmem>>
      %dma_start3A_647 = arith.constant 0 : i32
      %dma_start3A_648 = arith.constant 0 : i32
      %dma_start3A_649 = tpu.memref_slice %arg4[%add3A_360, %dma_start3A_647, %dma_start3A_648] : memref<2048x4x1024xf32, #tpu.memory_space<hbm>> -> memref<1x4x1024xf32, #tpu.memory_space<hbm>>
      %dma_start3A_650 = tpu.memref_squeeze %dma_start3A_649 : memref<1x4x1024xf32, #tpu.memory_space<hbm>> -> memref<4x1024xf32, #tpu.memory_space<hbm>>
      %dma_start3A_651 = arith.constant 0 : i32
      %dma_start3A_652 = arith.constant 0 : i32
      %dma_start3A_653 = tpu.memref_slice %arg4[%add3A_360, %dma_start3A_651, %dma_start3A_652] : memref<2048x4x1024xf32, #tpu.memory_space<hbm>> -> memref<1x4x1024xf32, #tpu.memory_space<hbm>>
      %dma_start3A_654 = tpu.memref_squeeze %dma_start3A_653 : memref<1x4x1024xf32, #tpu.memory_space<hbm>> -> memref<4x1024xf32, #tpu.memory_space<hbm>>
      %dma_start3A_655 = arith.constant 4 : i32
      %dma_start3A_656 = arith.constant 0 : i32
      %dma_start3A_657 = tpu.memref_slice %arg6[%run_scoped3A_361, %dma_start3A_655, %dma_start3A_656] : memref<6x16x1024xf32, #tpu.memory_space<vmem>> -> memref<1x4x1024xf32, #tpu.memory_space<vmem>>
      %dma_start3A_658 = tpu.memref_squeeze %dma_start3A_657 : memref<1x4x1024xf32, #tpu.memory_space<vmem>> -> memref<4x1024xf32, #tpu.memory_space<vmem>>
      tpu.enqueue_dma source(%dma_start3A_658 : memref<4x1024xf32, #tpu.memory_space<vmem>>) target(%dma_start3A_654 : memref<4x1024xf32, #tpu.memory_space<hbm>>) target_semaphore(%run_scoped3A_642 : memref<!tpu.dma_semaphore, #tpu.memory_space<semaphore_mem>>)
      %dma_wait3A_659 = arith.constant 4 : i32
      %dma_wait3A_660 = arith.constant 0 : i32
      %dma_wait3A_661 = tpu.memref_slice %arg6[%run_scoped3A_361, %dma_wait3A_659, %dma_wait3A_660] : memref<6x16x1024xf32, #tpu.memory_space<vmem>> -> memref<1x4x1024xf32, #tpu.memory_space<vmem>>
      %dma_wait3A_662 = tpu.memref_squeeze %dma_wait3A_661 : memref<1x4x1024xf32, #tpu.memory_space<vmem>> -> memref<4x1024xf32, #tpu.memory_space<vmem>>
      %dma_wait3A_663 = arith.constant 0 : i32
      %dma_wait3A_664 = arith.constant 0 : i32
      %dma_wait3A_665 = tpu.memref_slice %arg4[%add3A_360, %dma_wait3A_663, %dma_wait3A_664] : memref<2048x4x1024xf32, #tpu.memory_space<hbm>> -> memref<1x4x1024xf32, #tpu.memory_space<hbm>>
      %dma_wait3A_666 = tpu.memref_squeeze %dma_wait3A_665 : memref<1x4x1024xf32, #tpu.memory_space<hbm>> -> memref<4x1024xf32, #tpu.memory_space<hbm>>
      %dma_wait3A_667 = arith.constant 0 : i32
      %dma_wait3A_668 = arith.constant 0 : i32
      %dma_wait3A_669 = tpu.memref_slice %arg4[%add3A_360, %dma_wait3A_667, %dma_wait3A_668] : memref<2048x4x1024xf32, #tpu.memory_space<hbm>> -> memref<1x4x1024xf32, #tpu.memory_space<hbm>>
      %dma_wait3A_670 = tpu.memref_squeeze %dma_wait3A_669 : memref<1x4x1024xf32, #tpu.memory_space<hbm>> -> memref<4x1024xf32, #tpu.memory_space<hbm>>
      %dma_wait3A_671 = arith.constant 4 : i32
      %dma_wait3A_672 = arith.constant 0 : i32
      %dma_wait3A_673 = tpu.memref_slice %arg6[%run_scoped3A_361, %dma_wait3A_671, %dma_wait3A_672] : memref<6x16x1024xf32, #tpu.memory_space<vmem>> -> memref<1x4x1024xf32, #tpu.memory_space<vmem>>
      %dma_wait3A_674 = tpu.memref_squeeze %dma_wait3A_673 : memref<1x4x1024xf32, #tpu.memory_space<vmem>> -> memref<4x1024xf32, #tpu.memory_space<vmem>>
      tpu.wait_dma2 semaphore(%run_scoped3A_642 : memref<!tpu.dma_semaphore, #tpu.memory_space<semaphore_mem>>) src(%dma_wait3A_674 : memref<4x1024xf32, #tpu.memory_space<vmem>>) dst(%dma_wait3A_670 : memref<4x1024xf32, #tpu.memory_space<hbm>>)
      tpu.yield
    }) : () -> ()
    %add3A_362 = arith.constant 28 : i32
    %add3A_363 = arith.addi %mul3A_4, %add3A_362 : i32
    %add3A_364 = arith.constant 2 : i32
    %add3A_365 = arith.addi %add3A_363, %add3A_364 : i32
    %run_scoped3A_366 = arith.constant 1 : i32
    "tpu.region"() ({
      %run_scoped3A_642 = tpu.sem_alloc : memref<!tpu.dma_semaphore, #tpu.memory_space<semaphore_mem>>
      %dma_start3A_643 = arith.constant 8 : i32
      %dma_start3A_644 = arith.constant 0 : i32
      %dma_start3A_645 = tpu.memref_slice %arg6[%run_scoped3A_366, %dma_start3A_643, %dma_start3A_644] : memref<6x16x1024xf32, #tpu.memory_space<vmem>> -> memref<1x4x1024xf32, #tpu.memory_space<vmem>>
      %dma_start3A_646 = tpu.memref_squeeze %dma_start3A_645 : memref<1x4x1024xf32, #tpu.memory_space<vmem>> -> memref<4x1024xf32, #tpu.memory_space<vmem>>
      %dma_start3A_647 = arith.constant 0 : i32
      %dma_start3A_648 = arith.constant 0 : i32
      %dma_start3A_649 = tpu.memref_slice %arg4[%add3A_365, %dma_start3A_647, %dma_start3A_648] : memref<2048x4x1024xf32, #tpu.memory_space<hbm>> -> memref<1x4x1024xf32, #tpu.memory_space<hbm>>
      %dma_start3A_650 = tpu.memref_squeeze %dma_start3A_649 : memref<1x4x1024xf32, #tpu.memory_space<hbm>> -> memref<4x1024xf32, #tpu.memory_space<hbm>>
      %dma_start3A_651 = arith.constant 0 : i32
      %dma_start3A_652 = arith.constant 0 : i32
      %dma_start3A_653 = tpu.memref_slice %arg4[%add3A_365, %dma_start3A_651, %dma_start3A_652] : memref<2048x4x1024xf32, #tpu.memory_space<hbm>> -> memref<1x4x1024xf32, #tpu.memory_space<hbm>>
      %dma_start3A_654 = tpu.memref_squeeze %dma_start3A_653 : memref<1x4x1024xf32, #tpu.memory_space<hbm>> -> memref<4x1024xf32, #tpu.memory_space<hbm>>
      %dma_start3A_655 = arith.constant 8 : i32
      %dma_start3A_656 = arith.constant 0 : i32
      %dma_start3A_657 = tpu.memref_slice %arg6[%run_scoped3A_366, %dma_start3A_655, %dma_start3A_656] : memref<6x16x1024xf32, #tpu.memory_space<vmem>> -> memref<1x4x1024xf32, #tpu.memory_space<vmem>>
      %dma_start3A_658 = tpu.memref_squeeze %dma_start3A_657 : memref<1x4x1024xf32, #tpu.memory_space<vmem>> -> memref<4x1024xf32, #tpu.memory_space<vmem>>
      tpu.enqueue_dma source(%dma_start3A_658 : memref<4x1024xf32, #tpu.memory_space<vmem>>) target(%dma_start3A_654 : memref<4x1024xf32, #tpu.memory_space<hbm>>) target_semaphore(%run_scoped3A_642 : memref<!tpu.dma_semaphore, #tpu.memory_space<semaphore_mem>>)
      %dma_wait3A_659 = arith.constant 8 : i32
      %dma_wait3A_660 = arith.constant 0 : i32
      %dma_wait3A_661 = tpu.memref_slice %arg6[%run_scoped3A_366, %dma_wait3A_659, %dma_wait3A_660] : memref<6x16x1024xf32, #tpu.memory_space<vmem>> -> memref<1x4x1024xf32, #tpu.memory_space<vmem>>
      %dma_wait3A_662 = tpu.memref_squeeze %dma_wait3A_661 : memref<1x4x1024xf32, #tpu.memory_space<vmem>> -> memref<4x1024xf32, #tpu.memory_space<vmem>>
      %dma_wait3A_663 = arith.constant 0 : i32
      %dma_wait3A_664 = arith.constant 0 : i32
      %dma_wait3A_665 = tpu.memref_slice %arg4[%add3A_365, %dma_wait3A_663, %dma_wait3A_664] : memref<2048x4x1024xf32, #tpu.memory_space<hbm>> -> memref<1x4x1024xf32, #tpu.memory_space<hbm>>
      %dma_wait3A_666 = tpu.memref_squeeze %dma_wait3A_665 : memref<1x4x1024xf32, #tpu.memory_space<hbm>> -> memref<4x1024xf32, #tpu.memory_space<hbm>>
      %dma_wait3A_667 = arith.constant 0 : i32
      %dma_wait3A_668 = arith.constant 0 : i32
      %dma_wait3A_669 = tpu.memref_slice %arg4[%add3A_365, %dma_wait3A_667, %dma_wait3A_668] : memref<2048x4x1024xf32, #tpu.memory_space<hbm>> -> memref<1x4x1024xf32, #tpu.memory_space<hbm>>
      %dma_wait3A_670 = tpu.memref_squeeze %dma_wait3A_669 : memref<1x4x1024xf32, #tpu.memory_space<hbm>> -> memref<4x1024xf32, #tpu.memory_space<hbm>>
      %dma_wait3A_671 = arith.constant 8 : i32
      %dma_wait3A_672 = arith.constant 0 : i32
      %dma_wait3A_673 = tpu.memref_slice %arg6[%run_scoped3A_366, %dma_wait3A_671, %dma_wait3A_672] : memref<6x16x1024xf32, #tpu.memory_space<vmem>> -> memref<1x4x1024xf32, #tpu.memory_space<vmem>>
      %dma_wait3A_674 = tpu.memref_squeeze %dma_wait3A_673 : memref<1x4x1024xf32, #tpu.memory_space<vmem>> -> memref<4x1024xf32, #tpu.memory_space<vmem>>
      tpu.wait_dma2 semaphore(%run_scoped3A_642 : memref<!tpu.dma_semaphore, #tpu.memory_space<semaphore_mem>>) src(%dma_wait3A_674 : memref<4x1024xf32, #tpu.memory_space<vmem>>) dst(%dma_wait3A_670 : memref<4x1024xf32, #tpu.memory_space<hbm>>)
      tpu.yield
    }) : () -> ()
    %add3A_367 = arith.constant 28 : i32
    %add3A_368 = arith.addi %mul3A_4, %add3A_367 : i32
    %add3A_369 = arith.constant 3 : i32
    %add3A_370 = arith.addi %add3A_368, %add3A_369 : i32
    %run_scoped3A_371 = arith.constant 1 : i32
    "tpu.region"() ({
      %run_scoped3A_642 = tpu.sem_alloc : memref<!tpu.dma_semaphore, #tpu.memory_space<semaphore_mem>>
      %dma_start3A_643 = arith.constant 12 : i32
      %dma_start3A_644 = arith.constant 0 : i32
      %dma_start3A_645 = tpu.memref_slice %arg6[%run_scoped3A_371, %dma_start3A_643, %dma_start3A_644] : memref<6x16x1024xf32, #tpu.memory_space<vmem>> -> memref<1x4x1024xf32, #tpu.memory_space<vmem>>
      %dma_start3A_646 = tpu.memref_squeeze %dma_start3A_645 : memref<1x4x1024xf32, #tpu.memory_space<vmem>> -> memref<4x1024xf32, #tpu.memory_space<vmem>>
      %dma_start3A_647 = arith.constant 0 : i32
      %dma_start3A_648 = arith.constant 0 : i32
      %dma_start3A_649 = tpu.memref_slice %arg4[%add3A_370, %dma_start3A_647, %dma_start3A_648] : memref<2048x4x1024xf32, #tpu.memory_space<hbm>> -> memref<1x4x1024xf32, #tpu.memory_space<hbm>>
      %dma_start3A_650 = tpu.memref_squeeze %dma_start3A_649 : memref<1x4x1024xf32, #tpu.memory_space<hbm>> -> memref<4x1024xf32, #tpu.memory_space<hbm>>
      %dma_start3A_651 = arith.constant 0 : i32
      %dma_start3A_652 = arith.constant 0 : i32
      %dma_start3A_653 = tpu.memref_slice %arg4[%add3A_370, %dma_start3A_651, %dma_start3A_652] : memref<2048x4x1024xf32, #tpu.memory_space<hbm>> -> memref<1x4x1024xf32, #tpu.memory_space<hbm>>
      %dma_start3A_654 = tpu.memref_squeeze %dma_start3A_653 : memref<1x4x1024xf32, #tpu.memory_space<hbm>> -> memref<4x1024xf32, #tpu.memory_space<hbm>>
      %dma_start3A_655 = arith.constant 12 : i32
      %dma_start3A_656 = arith.constant 0 : i32
      %dma_start3A_657 = tpu.memref_slice %arg6[%run_scoped3A_371, %dma_start3A_655, %dma_start3A_656] : memref<6x16x1024xf32, #tpu.memory_space<vmem>> -> memref<1x4x1024xf32, #tpu.memory_space<vmem>>
      %dma_start3A_658 = tpu.memref_squeeze %dma_start3A_657 : memref<1x4x1024xf32, #tpu.memory_space<vmem>> -> memref<4x1024xf32, #tpu.memory_space<vmem>>
      tpu.enqueue_dma source(%dma_start3A_658 : memref<4x1024xf32, #tpu.memory_space<vmem>>) target(%dma_start3A_654 : memref<4x1024xf32, #tpu.memory_space<hbm>>) target_semaphore(%run_scoped3A_642 : memref<!tpu.dma_semaphore, #tpu.memory_space<semaphore_mem>>)
      %dma_wait3A_659 = arith.constant 12 : i32
      %dma_wait3A_660 = arith.constant 0 : i32
      %dma_wait3A_661 = tpu.memref_slice %arg6[%run_scoped3A_371, %dma_wait3A_659, %dma_wait3A_660] : memref<6x16x1024xf32, #tpu.memory_space<vmem>> -> memref<1x4x1024xf32, #tpu.memory_space<vmem>>
      %dma_wait3A_662 = tpu.memref_squeeze %dma_wait3A_661 : memref<1x4x1024xf32, #tpu.memory_space<vmem>> -> memref<4x1024xf32, #tpu.memory_space<vmem>>
      %dma_wait3A_663 = arith.constant 0 : i32
      %dma_wait3A_664 = arith.constant 0 : i32
      %dma_wait3A_665 = tpu.memref_slice %arg4[%add3A_370, %dma_wait3A_663, %dma_wait3A_664] : memref<2048x4x1024xf32, #tpu.memory_space<hbm>> -> memref<1x4x1024xf32, #tpu.memory_space<hbm>>
      %dma_wait3A_666 = tpu.memref_squeeze %dma_wait3A_665 : memref<1x4x1024xf32, #tpu.memory_space<hbm>> -> memref<4x1024xf32, #tpu.memory_space<hbm>>
      %dma_wait3A_667 = arith.constant 0 : i32
      %dma_wait3A_668 = arith.constant 0 : i32
      %dma_wait3A_669 = tpu.memref_slice %arg4[%add3A_370, %dma_wait3A_667, %dma_wait3A_668] : memref<2048x4x1024xf32, #tpu.memory_space<hbm>> -> memref<1x4x1024xf32, #tpu.memory_space<hbm>>
      %dma_wait3A_670 = tpu.memref_squeeze %dma_wait3A_669 : memref<1x4x1024xf32, #tpu.memory_space<hbm>> -> memref<4x1024xf32, #tpu.memory_space<hbm>>
      %dma_wait3A_671 = arith.constant 12 : i32
      %dma_wait3A_672 = arith.constant 0 : i32
      %dma_wait3A_673 = tpu.memref_slice %arg6[%run_scoped3A_371, %dma_wait3A_671, %dma_wait3A_672] : memref<6x16x1024xf32, #tpu.memory_space<vmem>> -> memref<1x4x1024xf32, #tpu.memory_space<vmem>>
      %dma_wait3A_674 = tpu.memref_squeeze %dma_wait3A_673 : memref<1x4x1024xf32, #tpu.memory_space<vmem>> -> memref<4x1024xf32, #tpu.memory_space<vmem>>
      tpu.wait_dma2 semaphore(%run_scoped3A_642 : memref<!tpu.dma_semaphore, #tpu.memory_space<semaphore_mem>>) src(%dma_wait3A_674 : memref<4x1024xf32, #tpu.memory_space<vmem>>) dst(%dma_wait3A_670 : memref<4x1024xf32, #tpu.memory_space<hbm>>)
      tpu.yield
    }) : () -> ()
    %dma_start3A_372 = arith.constant 1 : i32
    %dma_start3A_373 = arith.constant 0 : i32
    %dma_start3A_374 = arith.constant 0 : i32
    %dma_start3A_375 = tpu.memref_slice %arg6[%dma_start3A_372, %dma_start3A_373, %dma_start3A_374] : memref<6x16x1024xf32, #tpu.memory_space<vmem>> -> memref<1x16x1024xf32, #tpu.memory_space<vmem>>
    %dma_start3A_376 = tpu.memref_squeeze %dma_start3A_375 : memref<1x16x1024xf32, #tpu.memory_space<vmem>> -> memref<16x1024xf32, #tpu.memory_space<vmem>>
    %dma_start3A_377 = arith.constant 208 : i32
    %dma_start3A_378 = tpu.memref_slice %arg5[%dma_start3A_377] : memref<256xi32, #tpu.memory_space<vmem>> -> memref<16xi32, #tpu.memory_space<vmem>>
    %dma_start3A_379 = arith.constant 0 : i32
    %dma_start3A_380 = arith.constant 0 : i32
    %dma_start3A_381 = tpu.memref_slice %arg2[%dma_start3A_379, %dma_start3A_380] : memref<150528x1024xf32, #tpu.memory_space<hbm>> -> memref<150528x1024xf32, #tpu.memory_space<hbm>>
    tpu.enqueue_indirect_dma source(%dma_start3A_381 : memref<150528x1024xf32, #tpu.memory_space<hbm>>) target(%dma_start3A_376 : memref<16x1024xf32, #tpu.memory_space<vmem>>) offsets(%dma_start3A_378 : memref<16xi32, #tpu.memory_space<vmem>>) semaphore(%arg8 : memref<!tpu.dma_semaphore, #tpu.memory_space<semaphore_mem>>)
    %dma_wait3A_382 = arith.constant 2 : i32
    %dma_wait3A_383 = arith.constant 0 : i32
    %dma_wait3A_384 = arith.constant 0 : i32
    %dma_wait3A_385 = tpu.memref_slice %arg6[%dma_wait3A_382, %dma_wait3A_383, %dma_wait3A_384] : memref<6x16x1024xf32, #tpu.memory_space<vmem>> -> memref<1x16x1024xf32, #tpu.memory_space<vmem>>
    %dma_wait3A_386 = tpu.memref_squeeze %dma_wait3A_385 : memref<1x16x1024xf32, #tpu.memory_space<vmem>> -> memref<16x1024xf32, #tpu.memory_space<vmem>>
    %dma_wait3A_387 = arith.constant 128 : i32
    %dma_wait3A_388 = tpu.memref_slice %arg5[%dma_wait3A_387] : memref<256xi32, #tpu.memory_space<vmem>> -> memref<16xi32, #tpu.memory_space<vmem>>
    %dma_wait3A_389 = arith.constant 0 : i32
    %dma_wait3A_390 = arith.constant 0 : i32
    %dma_wait3A_391 = tpu.memref_slice %arg2[%dma_wait3A_389, %dma_wait3A_390] : memref<150528x1024xf32, #tpu.memory_space<hbm>> -> memref<150528x1024xf32, #tpu.memory_space<hbm>>
    tpu.wait_indirect_dma semaphore(%arg9 : memref<!tpu.dma_semaphore, #tpu.memory_space<semaphore_mem>>) src(%dma_wait3A_391 : memref<150528x1024xf32, #tpu.memory_space<hbm>>) dst(%dma_wait3A_386 : memref<16x1024xf32, #tpu.memory_space<vmem>>)
    %add3A_392 = arith.constant 32 : i32
    %add3A_393 = arith.addi %mul3A_4, %add3A_392 : i32
    %add3A_394 = arith.constant 0 : i32
    %add3A_395 = arith.addi %add3A_393, %add3A_394 : i32
    %run_scoped3A_396 = arith.constant 2 : i32
    "tpu.region"() ({
      %run_scoped3A_642 = tpu.sem_alloc : memref<!tpu.dma_semaphore, #tpu.memory_space<semaphore_mem>>
      %dma_start3A_643 = arith.constant 0 : i32
      %dma_start3A_644 = arith.constant 0 : i32
      %dma_start3A_645 = tpu.memref_slice %arg6[%run_scoped3A_396, %dma_start3A_643, %dma_start3A_644] : memref<6x16x1024xf32, #tpu.memory_space<vmem>> -> memref<1x4x1024xf32, #tpu.memory_space<vmem>>
      %dma_start3A_646 = tpu.memref_squeeze %dma_start3A_645 : memref<1x4x1024xf32, #tpu.memory_space<vmem>> -> memref<4x1024xf32, #tpu.memory_space<vmem>>
      %dma_start3A_647 = arith.constant 0 : i32
      %dma_start3A_648 = arith.constant 0 : i32
      %dma_start3A_649 = tpu.memref_slice %arg4[%add3A_395, %dma_start3A_647, %dma_start3A_648] : memref<2048x4x1024xf32, #tpu.memory_space<hbm>> -> memref<1x4x1024xf32, #tpu.memory_space<hbm>>
      %dma_start3A_650 = tpu.memref_squeeze %dma_start3A_649 : memref<1x4x1024xf32, #tpu.memory_space<hbm>> -> memref<4x1024xf32, #tpu.memory_space<hbm>>
      %dma_start3A_651 = arith.constant 0 : i32
      %dma_start3A_652 = arith.constant 0 : i32
      %dma_start3A_653 = tpu.memref_slice %arg4[%add3A_395, %dma_start3A_651, %dma_start3A_652] : memref<2048x4x1024xf32, #tpu.memory_space<hbm>> -> memref<1x4x1024xf32, #tpu.memory_space<hbm>>
      %dma_start3A_654 = tpu.memref_squeeze %dma_start3A_653 : memref<1x4x1024xf32, #tpu.memory_space<hbm>> -> memref<4x1024xf32, #tpu.memory_space<hbm>>
      %dma_start3A_655 = arith.constant 0 : i32
      %dma_start3A_656 = arith.constant 0 : i32
      %dma_start3A_657 = tpu.memref_slice %arg6[%run_scoped3A_396, %dma_start3A_655, %dma_start3A_656] : memref<6x16x1024xf32, #tpu.memory_space<vmem>> -> memref<1x4x1024xf32, #tpu.memory_space<vmem>>
      %dma_start3A_658 = tpu.memref_squeeze %dma_start3A_657 : memref<1x4x1024xf32, #tpu.memory_space<vmem>> -> memref<4x1024xf32, #tpu.memory_space<vmem>>
      tpu.enqueue_dma source(%dma_start3A_658 : memref<4x1024xf32, #tpu.memory_space<vmem>>) target(%dma_start3A_654 : memref<4x1024xf32, #tpu.memory_space<hbm>>) target_semaphore(%run_scoped3A_642 : memref<!tpu.dma_semaphore, #tpu.memory_space<semaphore_mem>>)
      %dma_wait3A_659 = arith.constant 0 : i32
      %dma_wait3A_660 = arith.constant 0 : i32
      %dma_wait3A_661 = tpu.memref_slice %arg6[%run_scoped3A_396, %dma_wait3A_659, %dma_wait3A_660] : memref<6x16x1024xf32, #tpu.memory_space<vmem>> -> memref<1x4x1024xf32, #tpu.memory_space<vmem>>
      %dma_wait3A_662 = tpu.memref_squeeze %dma_wait3A_661 : memref<1x4x1024xf32, #tpu.memory_space<vmem>> -> memref<4x1024xf32, #tpu.memory_space<vmem>>
      %dma_wait3A_663 = arith.constant 0 : i32
      %dma_wait3A_664 = arith.constant 0 : i32
      %dma_wait3A_665 = tpu.memref_slice %arg4[%add3A_395, %dma_wait3A_663, %dma_wait3A_664] : memref<2048x4x1024xf32, #tpu.memory_space<hbm>> -> memref<1x4x1024xf32, #tpu.memory_space<hbm>>
      %dma_wait3A_666 = tpu.memref_squeeze %dma_wait3A_665 : memref<1x4x1024xf32, #tpu.memory_space<hbm>> -> memref<4x1024xf32, #tpu.memory_space<hbm>>
      %dma_wait3A_667 = arith.constant 0 : i32
      %dma_wait3A_668 = arith.constant 0 : i32
      %dma_wait3A_669 = tpu.memref_slice %arg4[%add3A_395, %dma_wait3A_667, %dma_wait3A_668] : memref<2048x4x1024xf32, #tpu.memory_space<hbm>> -> memref<1x4x1024xf32, #tpu.memory_space<hbm>>
      %dma_wait3A_670 = tpu.memref_squeeze %dma_wait3A_669 : memref<1x4x1024xf32, #tpu.memory_space<hbm>> -> memref<4x1024xf32, #tpu.memory_space<hbm>>
      %dma_wait3A_671 = arith.constant 0 : i32
      %dma_wait3A_672 = arith.constant 0 : i32
      %dma_wait3A_673 = tpu.memref_slice %arg6[%run_scoped3A_396, %dma_wait3A_671, %dma_wait3A_672] : memref<6x16x1024xf32, #tpu.memory_space<vmem>> -> memref<1x4x1024xf32, #tpu.memory_space<vmem>>
      %dma_wait3A_674 = tpu.memref_squeeze %dma_wait3A_673 : memref<1x4x1024xf32, #tpu.memory_space<vmem>> -> memref<4x1024xf32, #tpu.memory_space<vmem>>
      tpu.wait_dma2 semaphore(%run_scoped3A_642 : memref<!tpu.dma_semaphore, #tpu.memory_space<semaphore_mem>>) src(%dma_wait3A_674 : memref<4x1024xf32, #tpu.memory_space<vmem>>) dst(%dma_wait3A_670 : memref<4x1024xf32, #tpu.memory_space<hbm>>)
      tpu.yield
    }) : () -> ()
    %add3A_397 = arith.constant 32 : i32
    %add3A_398 = arith.addi %mul3A_4, %add3A_397 : i32
    %add3A_399 = arith.constant 1 : i32
    %add3A_400 = arith.addi %add3A_398, %add3A_399 : i32
    %run_scoped3A_401 = arith.constant 2 : i32
    "tpu.region"() ({
      %run_scoped3A_642 = tpu.sem_alloc : memref<!tpu.dma_semaphore, #tpu.memory_space<semaphore_mem>>
      %dma_start3A_643 = arith.constant 4 : i32
      %dma_start3A_644 = arith.constant 0 : i32
      %dma_start3A_645 = tpu.memref_slice %arg6[%run_scoped3A_401, %dma_start3A_643, %dma_start3A_644] : memref<6x16x1024xf32, #tpu.memory_space<vmem>> -> memref<1x4x1024xf32, #tpu.memory_space<vmem>>
      %dma_start3A_646 = tpu.memref_squeeze %dma_start3A_645 : memref<1x4x1024xf32, #tpu.memory_space<vmem>> -> memref<4x1024xf32, #tpu.memory_space<vmem>>
      %dma_start3A_647 = arith.constant 0 : i32
      %dma_start3A_648 = arith.constant 0 : i32
      %dma_start3A_649 = tpu.memref_slice %arg4[%add3A_400, %dma_start3A_647, %dma_start3A_648] : memref<2048x4x1024xf32, #tpu.memory_space<hbm>> -> memref<1x4x1024xf32, #tpu.memory_space<hbm>>
      %dma_start3A_650 = tpu.memref_squeeze %dma_start3A_649 : memref<1x4x1024xf32, #tpu.memory_space<hbm>> -> memref<4x1024xf32, #tpu.memory_space<hbm>>
      %dma_start3A_651 = arith.constant 0 : i32
      %dma_start3A_652 = arith.constant 0 : i32
      %dma_start3A_653 = tpu.memref_slice %arg4[%add3A_400, %dma_start3A_651, %dma_start3A_652] : memref<2048x4x1024xf32, #tpu.memory_space<hbm>> -> memref<1x4x1024xf32, #tpu.memory_space<hbm>>
      %dma_start3A_654 = tpu.memref_squeeze %dma_start3A_653 : memref<1x4x1024xf32, #tpu.memory_space<hbm>> -> memref<4x1024xf32, #tpu.memory_space<hbm>>
      %dma_start3A_655 = arith.constant 4 : i32
      %dma_start3A_656 = arith.constant 0 : i32
      %dma_start3A_657 = tpu.memref_slice %arg6[%run_scoped3A_401, %dma_start3A_655, %dma_start3A_656] : memref<6x16x1024xf32, #tpu.memory_space<vmem>> -> memref<1x4x1024xf32, #tpu.memory_space<vmem>>
      %dma_start3A_658 = tpu.memref_squeeze %dma_start3A_657 : memref<1x4x1024xf32, #tpu.memory_space<vmem>> -> memref<4x1024xf32, #tpu.memory_space<vmem>>
      tpu.enqueue_dma source(%dma_start3A_658 : memref<4x1024xf32, #tpu.memory_space<vmem>>) target(%dma_start3A_654 : memref<4x1024xf32, #tpu.memory_space<hbm>>) target_semaphore(%run_scoped3A_642 : memref<!tpu.dma_semaphore, #tpu.memory_space<semaphore_mem>>)
      %dma_wait3A_659 = arith.constant 4 : i32
      %dma_wait3A_660 = arith.constant 0 : i32
      %dma_wait3A_661 = tpu.memref_slice %arg6[%run_scoped3A_401, %dma_wait3A_659, %dma_wait3A_660] : memref<6x16x1024xf32, #tpu.memory_space<vmem>> -> memref<1x4x1024xf32, #tpu.memory_space<vmem>>
      %dma_wait3A_662 = tpu.memref_squeeze %dma_wait3A_661 : memref<1x4x1024xf32, #tpu.memory_space<vmem>> -> memref<4x1024xf32, #tpu.memory_space<vmem>>
      %dma_wait3A_663 = arith.constant 0 : i32
      %dma_wait3A_664 = arith.constant 0 : i32
      %dma_wait3A_665 = tpu.memref_slice %arg4[%add3A_400, %dma_wait3A_663, %dma_wait3A_664] : memref<2048x4x1024xf32, #tpu.memory_space<hbm>> -> memref<1x4x1024xf32, #tpu.memory_space<hbm>>
      %dma_wait3A_666 = tpu.memref_squeeze %dma_wait3A_665 : memref<1x4x1024xf32, #tpu.memory_space<hbm>> -> memref<4x1024xf32, #tpu.memory_space<hbm>>
      %dma_wait3A_667 = arith.constant 0 : i32
      %dma_wait3A_668 = arith.constant 0 : i32
      %dma_wait3A_669 = tpu.memref_slice %arg4[%add3A_400, %dma_wait3A_667, %dma_wait3A_668] : memref<2048x4x1024xf32, #tpu.memory_space<hbm>> -> memref<1x4x1024xf32, #tpu.memory_space<hbm>>
      %dma_wait3A_670 = tpu.memref_squeeze %dma_wait3A_669 : memref<1x4x1024xf32, #tpu.memory_space<hbm>> -> memref<4x1024xf32, #tpu.memory_space<hbm>>
      %dma_wait3A_671 = arith.constant 4 : i32
      %dma_wait3A_672 = arith.constant 0 : i32
      %dma_wait3A_673 = tpu.memref_slice %arg6[%run_scoped3A_401, %dma_wait3A_671, %dma_wait3A_672] : memref<6x16x1024xf32, #tpu.memory_space<vmem>> -> memref<1x4x1024xf32, #tpu.memory_space<vmem>>
      %dma_wait3A_674 = tpu.memref_squeeze %dma_wait3A_673 : memref<1x4x1024xf32, #tpu.memory_space<vmem>> -> memref<4x1024xf32, #tpu.memory_space<vmem>>
      tpu.wait_dma2 semaphore(%run_scoped3A_642 : memref<!tpu.dma_semaphore, #tpu.memory_space<semaphore_mem>>) src(%dma_wait3A_674 : memref<4x1024xf32, #tpu.memory_space<vmem>>) dst(%dma_wait3A_670 : memref<4x1024xf32, #tpu.memory_space<hbm>>)
      tpu.yield
    }) : () -> ()
    %add3A_402 = arith.constant 32 : i32
    %add3A_403 = arith.addi %mul3A_4, %add3A_402 : i32
    %add3A_404 = arith.constant 2 : i32
    %add3A_405 = arith.addi %add3A_403, %add3A_404 : i32
    %run_scoped3A_406 = arith.constant 2 : i32
    "tpu.region"() ({
      %run_scoped3A_642 = tpu.sem_alloc : memref<!tpu.dma_semaphore, #tpu.memory_space<semaphore_mem>>
      %dma_start3A_643 = arith.constant 8 : i32
      %dma_start3A_644 = arith.constant 0 : i32
      %dma_start3A_645 = tpu.memref_slice %arg6[%run_scoped3A_406, %dma_start3A_643, %dma_start3A_644] : memref<6x16x1024xf32, #tpu.memory_space<vmem>> -> memref<1x4x1024xf32, #tpu.memory_space<vmem>>
      %dma_start3A_646 = tpu.memref_squeeze %dma_start3A_645 : memref<1x4x1024xf32, #tpu.memory_space<vmem>> -> memref<4x1024xf32, #tpu.memory_space<vmem>>
      %dma_start3A_647 = arith.constant 0 : i32
      %dma_start3A_648 = arith.constant 0 : i32
      %dma_start3A_649 = tpu.memref_slice %arg4[%add3A_405, %dma_start3A_647, %dma_start3A_648] : memref<2048x4x1024xf32, #tpu.memory_space<hbm>> -> memref<1x4x1024xf32, #tpu.memory_space<hbm>>
      %dma_start3A_650 = tpu.memref_squeeze %dma_start3A_649 : memref<1x4x1024xf32, #tpu.memory_space<hbm>> -> memref<4x1024xf32, #tpu.memory_space<hbm>>
      %dma_start3A_651 = arith.constant 0 : i32
      %dma_start3A_652 = arith.constant 0 : i32
      %dma_start3A_653 = tpu.memref_slice %arg4[%add3A_405, %dma_start3A_651, %dma_start3A_652] : memref<2048x4x1024xf32, #tpu.memory_space<hbm>> -> memref<1x4x1024xf32, #tpu.memory_space<hbm>>
      %dma_start3A_654 = tpu.memref_squeeze %dma_start3A_653 : memref<1x4x1024xf32, #tpu.memory_space<hbm>> -> memref<4x1024xf32, #tpu.memory_space<hbm>>
      %dma_start3A_655 = arith.constant 8 : i32
      %dma_start3A_656 = arith.constant 0 : i32
      %dma_start3A_657 = tpu.memref_slice %arg6[%run_scoped3A_406, %dma_start3A_655, %dma_start3A_656] : memref<6x16x1024xf32, #tpu.memory_space<vmem>> -> memref<1x4x1024xf32, #tpu.memory_space<vmem>>
      %dma_start3A_658 = tpu.memref_squeeze %dma_start3A_657 : memref<1x4x1024xf32, #tpu.memory_space<vmem>> -> memref<4x1024xf32, #tpu.memory_space<vmem>>
      tpu.enqueue_dma source(%dma_start3A_658 : memref<4x1024xf32, #tpu.memory_space<vmem>>) target(%dma_start3A_654 : memref<4x1024xf32, #tpu.memory_space<hbm>>) target_semaphore(%run_scoped3A_642 : memref<!tpu.dma_semaphore, #tpu.memory_space<semaphore_mem>>)
      %dma_wait3A_659 = arith.constant 8 : i32
      %dma_wait3A_660 = arith.constant 0 : i32
      %dma_wait3A_661 = tpu.memref_slice %arg6[%run_scoped3A_406, %dma_wait3A_659, %dma_wait3A_660] : memref<6x16x1024xf32, #tpu.memory_space<vmem>> -> memref<1x4x1024xf32, #tpu.memory_space<vmem>>
      %dma_wait3A_662 = tpu.memref_squeeze %dma_wait3A_661 : memref<1x4x1024xf32, #tpu.memory_space<vmem>> -> memref<4x1024xf32, #tpu.memory_space<vmem>>
      %dma_wait3A_663 = arith.constant 0 : i32
      %dma_wait3A_664 = arith.constant 0 : i32
      %dma_wait3A_665 = tpu.memref_slice %arg4[%add3A_405, %dma_wait3A_663, %dma_wait3A_664] : memref<2048x4x1024xf32, #tpu.memory_space<hbm>> -> memref<1x4x1024xf32, #tpu.memory_space<hbm>>
      %dma_wait3A_666 = tpu.memref_squeeze %dma_wait3A_665 : memref<1x4x1024xf32, #tpu.memory_space<hbm>> -> memref<4x1024xf32, #tpu.memory_space<hbm>>
      %dma_wait3A_667 = arith.constant 0 : i32
      %dma_wait3A_668 = arith.constant 0 : i32
      %dma_wait3A_669 = tpu.memref_slice %arg4[%add3A_405, %dma_wait3A_667, %dma_wait3A_668] : memref<2048x4x1024xf32, #tpu.memory_space<hbm>> -> memref<1x4x1024xf32, #tpu.memory_space<hbm>>
      %dma_wait3A_670 = tpu.memref_squeeze %dma_wait3A_669 : memref<1x4x1024xf32, #tpu.memory_space<hbm>> -> memref<4x1024xf32, #tpu.memory_space<hbm>>
      %dma_wait3A_671 = arith.constant 8 : i32
      %dma_wait3A_672 = arith.constant 0 : i32
      %dma_wait3A_673 = tpu.memref_slice %arg6[%run_scoped3A_406, %dma_wait3A_671, %dma_wait3A_672] : memref<6x16x1024xf32, #tpu.memory_space<vmem>> -> memref<1x4x1024xf32, #tpu.memory_space<vmem>>
      %dma_wait3A_674 = tpu.memref_squeeze %dma_wait3A_673 : memref<1x4x1024xf32, #tpu.memory_space<vmem>> -> memref<4x1024xf32, #tpu.memory_space<vmem>>
      tpu.wait_dma2 semaphore(%run_scoped3A_642 : memref<!tpu.dma_semaphore, #tpu.memory_space<semaphore_mem>>) src(%dma_wait3A_674 : memref<4x1024xf32, #tpu.memory_space<vmem>>) dst(%dma_wait3A_670 : memref<4x1024xf32, #tpu.memory_space<hbm>>)
      tpu.yield
    }) : () -> ()
    %add3A_407 = arith.constant 32 : i32
    %add3A_408 = arith.addi %mul3A_4, %add3A_407 : i32
    %add3A_409 = arith.constant 3 : i32
    %add3A_410 = arith.addi %add3A_408, %add3A_409 : i32
    %run_scoped3A_411 = arith.constant 2 : i32
    "tpu.region"() ({
      %run_scoped3A_642 = tpu.sem_alloc : memref<!tpu.dma_semaphore, #tpu.memory_space<semaphore_mem>>
      %dma_start3A_643 = arith.constant 12 : i32
      %dma_start3A_644 = arith.constant 0 : i32
      %dma_start3A_645 = tpu.memref_slice %arg6[%run_scoped3A_411, %dma_start3A_643, %dma_start3A_644] : memref<6x16x1024xf32, #tpu.memory_space<vmem>> -> memref<1x4x1024xf32, #tpu.memory_space<vmem>>
      %dma_start3A_646 = tpu.memref_squeeze %dma_start3A_645 : memref<1x4x1024xf32, #tpu.memory_space<vmem>> -> memref<4x1024xf32, #tpu.memory_space<vmem>>
      %dma_start3A_647 = arith.constant 0 : i32
      %dma_start3A_648 = arith.constant 0 : i32
      %dma_start3A_649 = tpu.memref_slice %arg4[%add3A_410, %dma_start3A_647, %dma_start3A_648] : memref<2048x4x1024xf32, #tpu.memory_space<hbm>> -> memref<1x4x1024xf32, #tpu.memory_space<hbm>>
      %dma_start3A_650 = tpu.memref_squeeze %dma_start3A_649 : memref<1x4x1024xf32, #tpu.memory_space<hbm>> -> memref<4x1024xf32, #tpu.memory_space<hbm>>
      %dma_start3A_651 = arith.constant 0 : i32
      %dma_start3A_652 = arith.constant 0 : i32
      %dma_start3A_653 = tpu.memref_slice %arg4[%add3A_410, %dma_start3A_651, %dma_start3A_652] : memref<2048x4x1024xf32, #tpu.memory_space<hbm>> -> memref<1x4x1024xf32, #tpu.memory_space<hbm>>
      %dma_start3A_654 = tpu.memref_squeeze %dma_start3A_653 : memref<1x4x1024xf32, #tpu.memory_space<hbm>> -> memref<4x1024xf32, #tpu.memory_space<hbm>>
      %dma_start3A_655 = arith.constant 12 : i32
      %dma_start3A_656 = arith.constant 0 : i32
      %dma_start3A_657 = tpu.memref_slice %arg6[%run_scoped3A_411, %dma_start3A_655, %dma_start3A_656] : memref<6x16x1024xf32, #tpu.memory_space<vmem>> -> memref<1x4x1024xf32, #tpu.memory_space<vmem>>
      %dma_start3A_658 = tpu.memref_squeeze %dma_start3A_657 : memref<1x4x1024xf32, #tpu.memory_space<vmem>> -> memref<4x1024xf32, #tpu.memory_space<vmem>>
      tpu.enqueue_dma source(%dma_start3A_658 : memref<4x1024xf32, #tpu.memory_space<vmem>>) target(%dma_start3A_654 : memref<4x1024xf32, #tpu.memory_space<hbm>>) target_semaphore(%run_scoped3A_642 : memref<!tpu.dma_semaphore, #tpu.memory_space<semaphore_mem>>)
      %dma_wait3A_659 = arith.constant 12 : i32
      %dma_wait3A_660 = arith.constant 0 : i32
      %dma_wait3A_661 = tpu.memref_slice %arg6[%run_scoped3A_411, %dma_wait3A_659, %dma_wait3A_660] : memref<6x16x1024xf32, #tpu.memory_space<vmem>> -> memref<1x4x1024xf32, #tpu.memory_space<vmem>>
      %dma_wait3A_662 = tpu.memref_squeeze %dma_wait3A_661 : memref<1x4x1024xf32, #tpu.memory_space<vmem>> -> memref<4x1024xf32, #tpu.memory_space<vmem>>
      %dma_wait3A_663 = arith.constant 0 : i32
      %dma_wait3A_664 = arith.constant 0 : i32
      %dma_wait3A_665 = tpu.memref_slice %arg4[%add3A_410, %dma_wait3A_663, %dma_wait3A_664] : memref<2048x4x1024xf32, #tpu.memory_space<hbm>> -> memref<1x4x1024xf32, #tpu.memory_space<hbm>>
      %dma_wait3A_666 = tpu.memref_squeeze %dma_wait3A_665 : memref<1x4x1024xf32, #tpu.memory_space<hbm>> -> memref<4x1024xf32, #tpu.memory_space<hbm>>
      %dma_wait3A_667 = arith.constant 0 : i32
      %dma_wait3A_668 = arith.constant 0 : i32
      %dma_wait3A_669 = tpu.memref_slice %arg4[%add3A_410, %dma_wait3A_667, %dma_wait3A_668] : memref<2048x4x1024xf32, #tpu.memory_space<hbm>> -> memref<1x4x1024xf32, #tpu.memory_space<hbm>>
      %dma_wait3A_670 = tpu.memref_squeeze %dma_wait3A_669 : memref<1x4x1024xf32, #tpu.memory_space<hbm>> -> memref<4x1024xf32, #tpu.memory_space<hbm>>
      %dma_wait3A_671 = arith.constant 12 : i32
      %dma_wait3A_672 = arith.constant 0 : i32
      %dma_wait3A_673 = tpu.memref_slice %arg6[%run_scoped3A_411, %dma_wait3A_671, %dma_wait3A_672] : memref<6x16x1024xf32, #tpu.memory_space<vmem>> -> memref<1x4x1024xf32, #tpu.memory_space<vmem>>
      %dma_wait3A_674 = tpu.memref_squeeze %dma_wait3A_673 : memref<1x4x1024xf32, #tpu.memory_space<vmem>> -> memref<4x1024xf32, #tpu.memory_space<vmem>>
      tpu.wait_dma2 semaphore(%run_scoped3A_642 : memref<!tpu.dma_semaphore, #tpu.memory_space<semaphore_mem>>) src(%dma_wait3A_674 : memref<4x1024xf32, #tpu.memory_space<vmem>>) dst(%dma_wait3A_670 : memref<4x1024xf32, #tpu.memory_space<hbm>>)
      tpu.yield
    }) : () -> ()
    %dma_start3A_412 = arith.constant 2 : i32
    %dma_start3A_413 = arith.constant 0 : i32
    %dma_start3A_414 = arith.constant 0 : i32
    %dma_start3A_415 = tpu.memref_slice %arg6[%dma_start3A_412, %dma_start3A_413, %dma_start3A_414] : memref<6x16x1024xf32, #tpu.memory_space<vmem>> -> memref<1x16x1024xf32, #tpu.memory_space<vmem>>
    %dma_start3A_416 = tpu.memref_squeeze %dma_start3A_415 : memref<1x16x1024xf32, #tpu.memory_space<vmem>> -> memref<16x1024xf32, #tpu.memory_space<vmem>>
    %dma_start3A_417 = arith.constant 224 : i32
    %dma_start3A_418 = tpu.memref_slice %arg5[%dma_start3A_417] : memref<256xi32, #tpu.memory_space<vmem>> -> memref<16xi32, #tpu.memory_space<vmem>>
    %dma_start3A_419 = arith.constant 0 : i32
    %dma_start3A_420 = arith.constant 0 : i32
    %dma_start3A_421 = tpu.memref_slice %arg2[%dma_start3A_419, %dma_start3A_420] : memref<150528x1024xf32, #tpu.memory_space<hbm>> -> memref<150528x1024xf32, #tpu.memory_space<hbm>>
    tpu.enqueue_indirect_dma source(%dma_start3A_421 : memref<150528x1024xf32, #tpu.memory_space<hbm>>) target(%dma_start3A_416 : memref<16x1024xf32, #tpu.memory_space<vmem>>) offsets(%dma_start3A_418 : memref<16xi32, #tpu.memory_space<vmem>>) semaphore(%arg9 : memref<!tpu.dma_semaphore, #tpu.memory_space<semaphore_mem>>)
    %dma_wait3A_422 = arith.constant 3 : i32
    %dma_wait3A_423 = arith.constant 0 : i32
    %dma_wait3A_424 = arith.constant 0 : i32
    %dma_wait3A_425 = tpu.memref_slice %arg6[%dma_wait3A_422, %dma_wait3A_423, %dma_wait3A_424] : memref<6x16x1024xf32, #tpu.memory_space<vmem>> -> memref<1x16x1024xf32, #tpu.memory_space<vmem>>
    %dma_wait3A_426 = tpu.memref_squeeze %dma_wait3A_425 : memref<1x16x1024xf32, #tpu.memory_space<vmem>> -> memref<16x1024xf32, #tpu.memory_space<vmem>>
    %dma_wait3A_427 = arith.constant 144 : i32
    %dma_wait3A_428 = tpu.memref_slice %arg5[%dma_wait3A_427] : memref<256xi32, #tpu.memory_space<vmem>> -> memref<16xi32, #tpu.memory_space<vmem>>
    %dma_wait3A_429 = arith.constant 0 : i32
    %dma_wait3A_430 = arith.constant 0 : i32
    %dma_wait3A_431 = tpu.memref_slice %arg2[%dma_wait3A_429, %dma_wait3A_430] : memref<150528x1024xf32, #tpu.memory_space<hbm>> -> memref<150528x1024xf32, #tpu.memory_space<hbm>>
    tpu.wait_indirect_dma semaphore(%arg10 : memref<!tpu.dma_semaphore, #tpu.memory_space<semaphore_mem>>) src(%dma_wait3A_431 : memref<150528x1024xf32, #tpu.memory_space<hbm>>) dst(%dma_wait3A_426 : memref<16x1024xf32, #tpu.memory_space<vmem>>)
    %add3A_432 = arith.constant 36 : i32
    %add3A_433 = arith.addi %mul3A_4, %add3A_432 : i32
    %add3A_434 = arith.constant 0 : i32
    %add3A_435 = arith.addi %add3A_433, %add3A_434 : i32
    %run_scoped3A_436 = arith.constant 3 : i32
    "tpu.region"() ({
      %run_scoped3A_642 = tpu.sem_alloc : memref<!tpu.dma_semaphore, #tpu.memory_space<semaphore_mem>>
      %dma_start3A_643 = arith.constant 0 : i32
      %dma_start3A_644 = arith.constant 0 : i32
      %dma_start3A_645 = tpu.memref_slice %arg6[%run_scoped3A_436, %dma_start3A_643, %dma_start3A_644] : memref<6x16x1024xf32, #tpu.memory_space<vmem>> -> memref<1x4x1024xf32, #tpu.memory_space<vmem>>
      %dma_start3A_646 = tpu.memref_squeeze %dma_start3A_645 : memref<1x4x1024xf32, #tpu.memory_space<vmem>> -> memref<4x1024xf32, #tpu.memory_space<vmem>>
      %dma_start3A_647 = arith.constant 0 : i32
      %dma_start3A_648 = arith.constant 0 : i32
      %dma_start3A_649 = tpu.memref_slice %arg4[%add3A_435, %dma_start3A_647, %dma_start3A_648] : memref<2048x4x1024xf32, #tpu.memory_space<hbm>> -> memref<1x4x1024xf32, #tpu.memory_space<hbm>>
      %dma_start3A_650 = tpu.memref_squeeze %dma_start3A_649 : memref<1x4x1024xf32, #tpu.memory_space<hbm>> -> memref<4x1024xf32, #tpu.memory_space<hbm>>
      %dma_start3A_651 = arith.constant 0 : i32
      %dma_start3A_652 = arith.constant 0 : i32
      %dma_start3A_653 = tpu.memref_slice %arg4[%add3A_435, %dma_start3A_651, %dma_start3A_652] : memref<2048x4x1024xf32, #tpu.memory_space<hbm>> -> memref<1x4x1024xf32, #tpu.memory_space<hbm>>
      %dma_start3A_654 = tpu.memref_squeeze %dma_start3A_653 : memref<1x4x1024xf32, #tpu.memory_space<hbm>> -> memref<4x1024xf32, #tpu.memory_space<hbm>>
      %dma_start3A_655 = arith.constant 0 : i32
      %dma_start3A_656 = arith.constant 0 : i32
      %dma_start3A_657 = tpu.memref_slice %arg6[%run_scoped3A_436, %dma_start3A_655, %dma_start3A_656] : memref<6x16x1024xf32, #tpu.memory_space<vmem>> -> memref<1x4x1024xf32, #tpu.memory_space<vmem>>
      %dma_start3A_658 = tpu.memref_squeeze %dma_start3A_657 : memref<1x4x1024xf32, #tpu.memory_space<vmem>> -> memref<4x1024xf32, #tpu.memory_space<vmem>>
      tpu.enqueue_dma source(%dma_start3A_658 : memref<4x1024xf32, #tpu.memory_space<vmem>>) target(%dma_start3A_654 : memref<4x1024xf32, #tpu.memory_space<hbm>>) target_semaphore(%run_scoped3A_642 : memref<!tpu.dma_semaphore, #tpu.memory_space<semaphore_mem>>)
      %dma_wait3A_659 = arith.constant 0 : i32
      %dma_wait3A_660 = arith.constant 0 : i32
      %dma_wait3A_661 = tpu.memref_slice %arg6[%run_scoped3A_436, %dma_wait3A_659, %dma_wait3A_660] : memref<6x16x1024xf32, #tpu.memory_space<vmem>> -> memref<1x4x1024xf32, #tpu.memory_space<vmem>>
      %dma_wait3A_662 = tpu.memref_squeeze %dma_wait3A_661 : memref<1x4x1024xf32, #tpu.memory_space<vmem>> -> memref<4x1024xf32, #tpu.memory_space<vmem>>
      %dma_wait3A_663 = arith.constant 0 : i32
      %dma_wait3A_664 = arith.constant 0 : i32
      %dma_wait3A_665 = tpu.memref_slice %arg4[%add3A_435, %dma_wait3A_663, %dma_wait3A_664] : memref<2048x4x1024xf32, #tpu.memory_space<hbm>> -> memref<1x4x1024xf32, #tpu.memory_space<hbm>>
      %dma_wait3A_666 = tpu.memref_squeeze %dma_wait3A_665 : memref<1x4x1024xf32, #tpu.memory_space<hbm>> -> memref<4x1024xf32, #tpu.memory_space<hbm>>
      %dma_wait3A_667 = arith.constant 0 : i32
      %dma_wait3A_668 = arith.constant 0 : i32
      %dma_wait3A_669 = tpu.memref_slice %arg4[%add3A_435, %dma_wait3A_667, %dma_wait3A_668] : memref<2048x4x1024xf32, #tpu.memory_space<hbm>> -> memref<1x4x1024xf32, #tpu.memory_space<hbm>>
      %dma_wait3A_670 = tpu.memref_squeeze %dma_wait3A_669 : memref<1x4x1024xf32, #tpu.memory_space<hbm>> -> memref<4x1024xf32, #tpu.memory_space<hbm>>
      %dma_wait3A_671 = arith.constant 0 : i32
      %dma_wait3A_672 = arith.constant 0 : i32
      %dma_wait3A_673 = tpu.memref_slice %arg6[%run_scoped3A_436, %dma_wait3A_671, %dma_wait3A_672] : memref<6x16x1024xf32, #tpu.memory_space<vmem>> -> memref<1x4x1024xf32, #tpu.memory_space<vmem>>
      %dma_wait3A_674 = tpu.memref_squeeze %dma_wait3A_673 : memref<1x4x1024xf32, #tpu.memory_space<vmem>> -> memref<4x1024xf32, #tpu.memory_space<vmem>>
      tpu.wait_dma2 semaphore(%run_scoped3A_642 : memref<!tpu.dma_semaphore, #tpu.memory_space<semaphore_mem>>) src(%dma_wait3A_674 : memref<4x1024xf32, #tpu.memory_space<vmem>>) dst(%dma_wait3A_670 : memref<4x1024xf32, #tpu.memory_space<hbm>>)
      tpu.yield
    }) : () -> ()
    %add3A_437 = arith.constant 36 : i32
    %add3A_438 = arith.addi %mul3A_4, %add3A_437 : i32
    %add3A_439 = arith.constant 1 : i32
    %add3A_440 = arith.addi %add3A_438, %add3A_439 : i32
    %run_scoped3A_441 = arith.constant 3 : i32
    "tpu.region"() ({
      %run_scoped3A_642 = tpu.sem_alloc : memref<!tpu.dma_semaphore, #tpu.memory_space<semaphore_mem>>
      %dma_start3A_643 = arith.constant 4 : i32
      %dma_start3A_644 = arith.constant 0 : i32
      %dma_start3A_645 = tpu.memref_slice %arg6[%run_scoped3A_441, %dma_start3A_643, %dma_start3A_644] : memref<6x16x1024xf32, #tpu.memory_space<vmem>> -> memref<1x4x1024xf32, #tpu.memory_space<vmem>>
      %dma_start3A_646 = tpu.memref_squeeze %dma_start3A_645 : memref<1x4x1024xf32, #tpu.memory_space<vmem>> -> memref<4x1024xf32, #tpu.memory_space<vmem>>
      %dma_start3A_647 = arith.constant 0 : i32
      %dma_start3A_648 = arith.constant 0 : i32
      %dma_start3A_649 = tpu.memref_slice %arg4[%add3A_440, %dma_start3A_647, %dma_start3A_648] : memref<2048x4x1024xf32, #tpu.memory_space<hbm>> -> memref<1x4x1024xf32, #tpu.memory_space<hbm>>
      %dma_start3A_650 = tpu.memref_squeeze %dma_start3A_649 : memref<1x4x1024xf32, #tpu.memory_space<hbm>> -> memref<4x1024xf32, #tpu.memory_space<hbm>>
      %dma_start3A_651 = arith.constant 0 : i32
      %dma_start3A_652 = arith.constant 0 : i32
      %dma_start3A_653 = tpu.memref_slice %arg4[%add3A_440, %dma_start3A_651, %dma_start3A_652] : memref<2048x4x1024xf32, #tpu.memory_space<hbm>> -> memref<1x4x1024xf32, #tpu.memory_space<hbm>>
      %dma_start3A_654 = tpu.memref_squeeze %dma_start3A_653 : memref<1x4x1024xf32, #tpu.memory_space<hbm>> -> memref<4x1024xf32, #tpu.memory_space<hbm>>
      %dma_start3A_655 = arith.constant 4 : i32
      %dma_start3A_656 = arith.constant 0 : i32
      %dma_start3A_657 = tpu.memref_slice %arg6[%run_scoped3A_441, %dma_start3A_655, %dma_start3A_656] : memref<6x16x1024xf32, #tpu.memory_space<vmem>> -> memref<1x4x1024xf32, #tpu.memory_space<vmem>>
      %dma_start3A_658 = tpu.memref_squeeze %dma_start3A_657 : memref<1x4x1024xf32, #tpu.memory_space<vmem>> -> memref<4x1024xf32, #tpu.memory_space<vmem>>
      tpu.enqueue_dma source(%dma_start3A_658 : memref<4x1024xf32, #tpu.memory_space<vmem>>) target(%dma_start3A_654 : memref<4x1024xf32, #tpu.memory_space<hbm>>) target_semaphore(%run_scoped3A_642 : memref<!tpu.dma_semaphore, #tpu.memory_space<semaphore_mem>>)
      %dma_wait3A_659 = arith.constant 4 : i32
      %dma_wait3A_660 = arith.constant 0 : i32
      %dma_wait3A_661 = tpu.memref_slice %arg6[%run_scoped3A_441, %dma_wait3A_659, %dma_wait3A_660] : memref<6x16x1024xf32, #tpu.memory_space<vmem>> -> memref<1x4x1024xf32, #tpu.memory_space<vmem>>
      %dma_wait3A_662 = tpu.memref_squeeze %dma_wait3A_661 : memref<1x4x1024xf32, #tpu.memory_space<vmem>> -> memref<4x1024xf32, #tpu.memory_space<vmem>>
      %dma_wait3A_663 = arith.constant 0 : i32
      %dma_wait3A_664 = arith.constant 0 : i32
      %dma_wait3A_665 = tpu.memref_slice %arg4[%add3A_440, %dma_wait3A_663, %dma_wait3A_664] : memref<2048x4x1024xf32, #tpu.memory_space<hbm>> -> memref<1x4x1024xf32, #tpu.memory_space<hbm>>
      %dma_wait3A_666 = tpu.memref_squeeze %dma_wait3A_665 : memref<1x4x1024xf32, #tpu.memory_space<hbm>> -> memref<4x1024xf32, #tpu.memory_space<hbm>>
      %dma_wait3A_667 = arith.constant 0 : i32
      %dma_wait3A_668 = arith.constant 0 : i32
      %dma_wait3A_669 = tpu.memref_slice %arg4[%add3A_440, %dma_wait3A_667, %dma_wait3A_668] : memref<2048x4x1024xf32, #tpu.memory_space<hbm>> -> memref<1x4x1024xf32, #tpu.memory_space<hbm>>
      %dma_wait3A_670 = tpu.memref_squeeze %dma_wait3A_669 : memref<1x4x1024xf32, #tpu.memory_space<hbm>> -> memref<4x1024xf32, #tpu.memory_space<hbm>>
      %dma_wait3A_671 = arith.constant 4 : i32
      %dma_wait3A_672 = arith.constant 0 : i32
      %dma_wait3A_673 = tpu.memref_slice %arg6[%run_scoped3A_441, %dma_wait3A_671, %dma_wait3A_672] : memref<6x16x1024xf32, #tpu.memory_space<vmem>> -> memref<1x4x1024xf32, #tpu.memory_space<vmem>>
      %dma_wait3A_674 = tpu.memref_squeeze %dma_wait3A_673 : memref<1x4x1024xf32, #tpu.memory_space<vmem>> -> memref<4x1024xf32, #tpu.memory_space<vmem>>
      tpu.wait_dma2 semaphore(%run_scoped3A_642 : memref<!tpu.dma_semaphore, #tpu.memory_space<semaphore_mem>>) src(%dma_wait3A_674 : memref<4x1024xf32, #tpu.memory_space<vmem>>) dst(%dma_wait3A_670 : memref<4x1024xf32, #tpu.memory_space<hbm>>)
      tpu.yield
    }) : () -> ()
    %add3A_442 = arith.constant 36 : i32
    %add3A_443 = arith.addi %mul3A_4, %add3A_442 : i32
    %add3A_444 = arith.constant 2 : i32
    %add3A_445 = arith.addi %add3A_443, %add3A_444 : i32
    %run_scoped3A_446 = arith.constant 3 : i32
    "tpu.region"() ({
      %run_scoped3A_642 = tpu.sem_alloc : memref<!tpu.dma_semaphore, #tpu.memory_space<semaphore_mem>>
      %dma_start3A_643 = arith.constant 8 : i32
      %dma_start3A_644 = arith.constant 0 : i32
      %dma_start3A_645 = tpu.memref_slice %arg6[%run_scoped3A_446, %dma_start3A_643, %dma_start3A_644] : memref<6x16x1024xf32, #tpu.memory_space<vmem>> -> memref<1x4x1024xf32, #tpu.memory_space<vmem>>
      %dma_start3A_646 = tpu.memref_squeeze %dma_start3A_645 : memref<1x4x1024xf32, #tpu.memory_space<vmem>> -> memref<4x1024xf32, #tpu.memory_space<vmem>>
      %dma_start3A_647 = arith.constant 0 : i32
      %dma_start3A_648 = arith.constant 0 : i32
      %dma_start3A_649 = tpu.memref_slice %arg4[%add3A_445, %dma_start3A_647, %dma_start3A_648] : memref<2048x4x1024xf32, #tpu.memory_space<hbm>> -> memref<1x4x1024xf32, #tpu.memory_space<hbm>>
      %dma_start3A_650 = tpu.memref_squeeze %dma_start3A_649 : memref<1x4x1024xf32, #tpu.memory_space<hbm>> -> memref<4x1024xf32, #tpu.memory_space<hbm>>
      %dma_start3A_651 = arith.constant 0 : i32
      %dma_start3A_652 = arith.constant 0 : i32
      %dma_start3A_653 = tpu.memref_slice %arg4[%add3A_445, %dma_start3A_651, %dma_start3A_652] : memref<2048x4x1024xf32, #tpu.memory_space<hbm>> -> memref<1x4x1024xf32, #tpu.memory_space<hbm>>
      %dma_start3A_654 = tpu.memref_squeeze %dma_start3A_653 : memref<1x4x1024xf32, #tpu.memory_space<hbm>> -> memref<4x1024xf32, #tpu.memory_space<hbm>>
      %dma_start3A_655 = arith.constant 8 : i32
      %dma_start3A_656 = arith.constant 0 : i32
      %dma_start3A_657 = tpu.memref_slice %arg6[%run_scoped3A_446, %dma_start3A_655, %dma_start3A_656] : memref<6x16x1024xf32, #tpu.memory_space<vmem>> -> memref<1x4x1024xf32, #tpu.memory_space<vmem>>
      %dma_start3A_658 = tpu.memref_squeeze %dma_start3A_657 : memref<1x4x1024xf32, #tpu.memory_space<vmem>> -> memref<4x1024xf32, #tpu.memory_space<vmem>>
      tpu.enqueue_dma source(%dma_start3A_658 : memref<4x1024xf32, #tpu.memory_space<vmem>>) target(%dma_start3A_654 : memref<4x1024xf32, #tpu.memory_space<hbm>>) target_semaphore(%run_scoped3A_642 : memref<!tpu.dma_semaphore, #tpu.memory_space<semaphore_mem>>)
      %dma_wait3A_659 = arith.constant 8 : i32
      %dma_wait3A_660 = arith.constant 0 : i32
      %dma_wait3A_661 = tpu.memref_slice %arg6[%run_scoped3A_446, %dma_wait3A_659, %dma_wait3A_660] : memref<6x16x1024xf32, #tpu.memory_space<vmem>> -> memref<1x4x1024xf32, #tpu.memory_space<vmem>>
      %dma_wait3A_662 = tpu.memref_squeeze %dma_wait3A_661 : memref<1x4x1024xf32, #tpu.memory_space<vmem>> -> memref<4x1024xf32, #tpu.memory_space<vmem>>
      %dma_wait3A_663 = arith.constant 0 : i32
      %dma_wait3A_664 = arith.constant 0 : i32
      %dma_wait3A_665 = tpu.memref_slice %arg4[%add3A_445, %dma_wait3A_663, %dma_wait3A_664] : memref<2048x4x1024xf32, #tpu.memory_space<hbm>> -> memref<1x4x1024xf32, #tpu.memory_space<hbm>>
      %dma_wait3A_666 = tpu.memref_squeeze %dma_wait3A_665 : memref<1x4x1024xf32, #tpu.memory_space<hbm>> -> memref<4x1024xf32, #tpu.memory_space<hbm>>
      %dma_wait3A_667 = arith.constant 0 : i32
      %dma_wait3A_668 = arith.constant 0 : i32
      %dma_wait3A_669 = tpu.memref_slice %arg4[%add3A_445, %dma_wait3A_667, %dma_wait3A_668] : memref<2048x4x1024xf32, #tpu.memory_space<hbm>> -> memref<1x4x1024xf32, #tpu.memory_space<hbm>>
      %dma_wait3A_670 = tpu.memref_squeeze %dma_wait3A_669 : memref<1x4x1024xf32, #tpu.memory_space<hbm>> -> memref<4x1024xf32, #tpu.memory_space<hbm>>
      %dma_wait3A_671 = arith.constant 8 : i32
      %dma_wait3A_672 = arith.constant 0 : i32
      %dma_wait3A_673 = tpu.memref_slice %arg6[%run_scoped3A_446, %dma_wait3A_671, %dma_wait3A_672] : memref<6x16x1024xf32, #tpu.memory_space<vmem>> -> memref<1x4x1024xf32, #tpu.memory_space<vmem>>
      %dma_wait3A_674 = tpu.memref_squeeze %dma_wait3A_673 : memref<1x4x1024xf32, #tpu.memory_space<vmem>> -> memref<4x1024xf32, #tpu.memory_space<vmem>>
      tpu.wait_dma2 semaphore(%run_scoped3A_642 : memref<!tpu.dma_semaphore, #tpu.memory_space<semaphore_mem>>) src(%dma_wait3A_674 : memref<4x1024xf32, #tpu.memory_space<vmem>>) dst(%dma_wait3A_670 : memref<4x1024xf32, #tpu.memory_space<hbm>>)
      tpu.yield
    }) : () -> ()
    %add3A_447 = arith.constant 36 : i32
    %add3A_448 = arith.addi %mul3A_4, %add3A_447 : i32
    %add3A_449 = arith.constant 3 : i32
    %add3A_450 = arith.addi %add3A_448, %add3A_449 : i32
    %run_scoped3A_451 = arith.constant 3 : i32
    "tpu.region"() ({
      %run_scoped3A_642 = tpu.sem_alloc : memref<!tpu.dma_semaphore, #tpu.memory_space<semaphore_mem>>
      %dma_start3A_643 = arith.constant 12 : i32
      %dma_start3A_644 = arith.constant 0 : i32
      %dma_start3A_645 = tpu.memref_slice %arg6[%run_scoped3A_451, %dma_start3A_643, %dma_start3A_644] : memref<6x16x1024xf32, #tpu.memory_space<vmem>> -> memref<1x4x1024xf32, #tpu.memory_space<vmem>>
      %dma_start3A_646 = tpu.memref_squeeze %dma_start3A_645 : memref<1x4x1024xf32, #tpu.memory_space<vmem>> -> memref<4x1024xf32, #tpu.memory_space<vmem>>
      %dma_start3A_647 = arith.constant 0 : i32
      %dma_start3A_648 = arith.constant 0 : i32
      %dma_start3A_649 = tpu.memref_slice %arg4[%add3A_450, %dma_start3A_647, %dma_start3A_648] : memref<2048x4x1024xf32, #tpu.memory_space<hbm>> -> memref<1x4x1024xf32, #tpu.memory_space<hbm>>
      %dma_start3A_650 = tpu.memref_squeeze %dma_start3A_649 : memref<1x4x1024xf32, #tpu.memory_space<hbm>> -> memref<4x1024xf32, #tpu.memory_space<hbm>>
      %dma_start3A_651 = arith.constant 0 : i32
      %dma_start3A_652 = arith.constant 0 : i32
      %dma_start3A_653 = tpu.memref_slice %arg4[%add3A_450, %dma_start3A_651, %dma_start3A_652] : memref<2048x4x1024xf32, #tpu.memory_space<hbm>> -> memref<1x4x1024xf32, #tpu.memory_space<hbm>>
      %dma_start3A_654 = tpu.memref_squeeze %dma_start3A_653 : memref<1x4x1024xf32, #tpu.memory_space<hbm>> -> memref<4x1024xf32, #tpu.memory_space<hbm>>
      %dma_start3A_655 = arith.constant 12 : i32
      %dma_start3A_656 = arith.constant 0 : i32
      %dma_start3A_657 = tpu.memref_slice %arg6[%run_scoped3A_451, %dma_start3A_655, %dma_start3A_656] : memref<6x16x1024xf32, #tpu.memory_space<vmem>> -> memref<1x4x1024xf32, #tpu.memory_space<vmem>>
      %dma_start3A_658 = tpu.memref_squeeze %dma_start3A_657 : memref<1x4x1024xf32, #tpu.memory_space<vmem>> -> memref<4x1024xf32, #tpu.memory_space<vmem>>
      tpu.enqueue_dma source(%dma_start3A_658 : memref<4x1024xf32, #tpu.memory_space<vmem>>) target(%dma_start3A_654 : memref<4x1024xf32, #tpu.memory_space<hbm>>) target_semaphore(%run_scoped3A_642 : memref<!tpu.dma_semaphore, #tpu.memory_space<semaphore_mem>>)
      %dma_wait3A_659 = arith.constant 12 : i32
      %dma_wait3A_660 = arith.constant 0 : i32
      %dma_wait3A_661 = tpu.memref_slice %arg6[%run_scoped3A_451, %dma_wait3A_659, %dma_wait3A_660] : memref<6x16x1024xf32, #tpu.memory_space<vmem>> -> memref<1x4x1024xf32, #tpu.memory_space<vmem>>
      %dma_wait3A_662 = tpu.memref_squeeze %dma_wait3A_661 : memref<1x4x1024xf32, #tpu.memory_space<vmem>> -> memref<4x1024xf32, #tpu.memory_space<vmem>>
      %dma_wait3A_663 = arith.constant 0 : i32
      %dma_wait3A_664 = arith.constant 0 : i32
      %dma_wait3A_665 = tpu.memref_slice %arg4[%add3A_450, %dma_wait3A_663, %dma_wait3A_664] : memref<2048x4x1024xf32, #tpu.memory_space<hbm>> -> memref<1x4x1024xf32, #tpu.memory_space<hbm>>
      %dma_wait3A_666 = tpu.memref_squeeze %dma_wait3A_665 : memref<1x4x1024xf32, #tpu.memory_space<hbm>> -> memref<4x1024xf32, #tpu.memory_space<hbm>>
      %dma_wait3A_667 = arith.constant 0 : i32
      %dma_wait3A_668 = arith.constant 0 : i32
      %dma_wait3A_669 = tpu.memref_slice %arg4[%add3A_450, %dma_wait3A_667, %dma_wait3A_668] : memref<2048x4x1024xf32, #tpu.memory_space<hbm>> -> memref<1x4x1024xf32, #tpu.memory_space<hbm>>
      %dma_wait3A_670 = tpu.memref_squeeze %dma_wait3A_669 : memref<1x4x1024xf32, #tpu.memory_space<hbm>> -> memref<4x1024xf32, #tpu.memory_space<hbm>>
      %dma_wait3A_671 = arith.constant 12 : i32
      %dma_wait3A_672 = arith.constant 0 : i32
      %dma_wait3A_673 = tpu.memref_slice %arg6[%run_scoped3A_451, %dma_wait3A_671, %dma_wait3A_672] : memref<6x16x1024xf32, #tpu.memory_space<vmem>> -> memref<1x4x1024xf32, #tpu.memory_space<vmem>>
      %dma_wait3A_674 = tpu.memref_squeeze %dma_wait3A_673 : memref<1x4x1024xf32, #tpu.memory_space<vmem>> -> memref<4x1024xf32, #tpu.memory_space<vmem>>
      tpu.wait_dma2 semaphore(%run_scoped3A_642 : memref<!tpu.dma_semaphore, #tpu.memory_space<semaphore_mem>>) src(%dma_wait3A_674 : memref<4x1024xf32, #tpu.memory_space<vmem>>) dst(%dma_wait3A_670 : memref<4x1024xf32, #tpu.memory_space<hbm>>)
      tpu.yield
    }) : () -> ()
    %dma_start3A_452 = arith.constant 3 : i32
    %dma_start3A_453 = arith.constant 0 : i32
    %dma_start3A_454 = arith.constant 0 : i32
    %dma_start3A_455 = tpu.memref_slice %arg6[%dma_start3A_452, %dma_start3A_453, %dma_start3A_454] : memref<6x16x1024xf32, #tpu.memory_space<vmem>> -> memref<1x16x1024xf32, #tpu.memory_space<vmem>>
    %dma_start3A_456 = tpu.memref_squeeze %dma_start3A_455 : memref<1x16x1024xf32, #tpu.memory_space<vmem>> -> memref<16x1024xf32, #tpu.memory_space<vmem>>
    %dma_start3A_457 = arith.constant 240 : i32
    %dma_start3A_458 = tpu.memref_slice %arg5[%dma_start3A_457] : memref<256xi32, #tpu.memory_space<vmem>> -> memref<16xi32, #tpu.memory_space<vmem>>
    %dma_start3A_459 = arith.constant 0 : i32
    %dma_start3A_460 = arith.constant 0 : i32
    %dma_start3A_461 = tpu.memref_slice %arg2[%dma_start3A_459, %dma_start3A_460] : memref<150528x1024xf32, #tpu.memory_space<hbm>> -> memref<150528x1024xf32, #tpu.memory_space<hbm>>
    tpu.enqueue_indirect_dma source(%dma_start3A_461 : memref<150528x1024xf32, #tpu.memory_space<hbm>>) target(%dma_start3A_456 : memref<16x1024xf32, #tpu.memory_space<vmem>>) offsets(%dma_start3A_458 : memref<16xi32, #tpu.memory_space<vmem>>) semaphore(%arg10 : memref<!tpu.dma_semaphore, #tpu.memory_space<semaphore_mem>>)
    %dma_wait3A_462 = arith.constant 4 : i32
    %dma_wait3A_463 = arith.constant 0 : i32
    %dma_wait3A_464 = arith.constant 0 : i32
    %dma_wait3A_465 = tpu.memref_slice %arg6[%dma_wait3A_462, %dma_wait3A_463, %dma_wait3A_464] : memref<6x16x1024xf32, #tpu.memory_space<vmem>> -> memref<1x16x1024xf32, #tpu.memory_space<vmem>>
    %dma_wait3A_466 = tpu.memref_squeeze %dma_wait3A_465 : memref<1x16x1024xf32, #tpu.memory_space<vmem>> -> memref<16x1024xf32, #tpu.memory_space<vmem>>
    %dma_wait3A_467 = arith.constant 160 : i32
    %dma_wait3A_468 = tpu.memref_slice %arg5[%dma_wait3A_467] : memref<256xi32, #tpu.memory_space<vmem>> -> memref<16xi32, #tpu.memory_space<vmem>>
    %dma_wait3A_469 = arith.constant 0 : i32
    %dma_wait3A_470 = arith.constant 0 : i32
    %dma_wait3A_471 = tpu.memref_slice %arg2[%dma_wait3A_469, %dma_wait3A_470] : memref<150528x1024xf32, #tpu.memory_space<hbm>> -> memref<150528x1024xf32, #tpu.memory_space<hbm>>
    tpu.wait_indirect_dma semaphore(%arg11 : memref<!tpu.dma_semaphore, #tpu.memory_space<semaphore_mem>>) src(%dma_wait3A_471 : memref<150528x1024xf32, #tpu.memory_space<hbm>>) dst(%dma_wait3A_466 : memref<16x1024xf32, #tpu.memory_space<vmem>>)
    %add3A_472 = arith.constant 40 : i32
    %add3A_473 = arith.addi %mul3A_4, %add3A_472 : i32
    %add3A_474 = arith.constant 0 : i32
    %add3A_475 = arith.addi %add3A_473, %add3A_474 : i32
    %run_scoped3A_476 = arith.constant 4 : i32
    "tpu.region"() ({
      %run_scoped3A_642 = tpu.sem_alloc : memref<!tpu.dma_semaphore, #tpu.memory_space<semaphore_mem>>
      %dma_start3A_643 = arith.constant 0 : i32
      %dma_start3A_644 = arith.constant 0 : i32
      %dma_start3A_645 = tpu.memref_slice %arg6[%run_scoped3A_476, %dma_start3A_643, %dma_start3A_644] : memref<6x16x1024xf32, #tpu.memory_space<vmem>> -> memref<1x4x1024xf32, #tpu.memory_space<vmem>>
      %dma_start3A_646 = tpu.memref_squeeze %dma_start3A_645 : memref<1x4x1024xf32, #tpu.memory_space<vmem>> -> memref<4x1024xf32, #tpu.memory_space<vmem>>
      %dma_start3A_647 = arith.constant 0 : i32
      %dma_start3A_648 = arith.constant 0 : i32
      %dma_start3A_649 = tpu.memref_slice %arg4[%add3A_475, %dma_start3A_647, %dma_start3A_648] : memref<2048x4x1024xf32, #tpu.memory_space<hbm>> -> memref<1x4x1024xf32, #tpu.memory_space<hbm>>
      %dma_start3A_650 = tpu.memref_squeeze %dma_start3A_649 : memref<1x4x1024xf32, #tpu.memory_space<hbm>> -> memref<4x1024xf32, #tpu.memory_space<hbm>>
      %dma_start3A_651 = arith.constant 0 : i32
      %dma_start3A_652 = arith.constant 0 : i32
      %dma_start3A_653 = tpu.memref_slice %arg4[%add3A_475, %dma_start3A_651, %dma_start3A_652] : memref<2048x4x1024xf32, #tpu.memory_space<hbm>> -> memref<1x4x1024xf32, #tpu.memory_space<hbm>>
      %dma_start3A_654 = tpu.memref_squeeze %dma_start3A_653 : memref<1x4x1024xf32, #tpu.memory_space<hbm>> -> memref<4x1024xf32, #tpu.memory_space<hbm>>
      %dma_start3A_655 = arith.constant 0 : i32
      %dma_start3A_656 = arith.constant 0 : i32
      %dma_start3A_657 = tpu.memref_slice %arg6[%run_scoped3A_476, %dma_start3A_655, %dma_start3A_656] : memref<6x16x1024xf32, #tpu.memory_space<vmem>> -> memref<1x4x1024xf32, #tpu.memory_space<vmem>>
      %dma_start3A_658 = tpu.memref_squeeze %dma_start3A_657 : memref<1x4x1024xf32, #tpu.memory_space<vmem>> -> memref<4x1024xf32, #tpu.memory_space<vmem>>
      tpu.enqueue_dma source(%dma_start3A_658 : memref<4x1024xf32, #tpu.memory_space<vmem>>) target(%dma_start3A_654 : memref<4x1024xf32, #tpu.memory_space<hbm>>) target_semaphore(%run_scoped3A_642 : memref<!tpu.dma_semaphore, #tpu.memory_space<semaphore_mem>>)
      %dma_wait3A_659 = arith.constant 0 : i32
      %dma_wait3A_660 = arith.constant 0 : i32
      %dma_wait3A_661 = tpu.memref_slice %arg6[%run_scoped3A_476, %dma_wait3A_659, %dma_wait3A_660] : memref<6x16x1024xf32, #tpu.memory_space<vmem>> -> memref<1x4x1024xf32, #tpu.memory_space<vmem>>
      %dma_wait3A_662 = tpu.memref_squeeze %dma_wait3A_661 : memref<1x4x1024xf32, #tpu.memory_space<vmem>> -> memref<4x1024xf32, #tpu.memory_space<vmem>>
      %dma_wait3A_663 = arith.constant 0 : i32
      %dma_wait3A_664 = arith.constant 0 : i32
      %dma_wait3A_665 = tpu.memref_slice %arg4[%add3A_475, %dma_wait3A_663, %dma_wait3A_664] : memref<2048x4x1024xf32, #tpu.memory_space<hbm>> -> memref<1x4x1024xf32, #tpu.memory_space<hbm>>
      %dma_wait3A_666 = tpu.memref_squeeze %dma_wait3A_665 : memref<1x4x1024xf32, #tpu.memory_space<hbm>> -> memref<4x1024xf32, #tpu.memory_space<hbm>>
      %dma_wait3A_667 = arith.constant 0 : i32
      %dma_wait3A_668 = arith.constant 0 : i32
      %dma_wait3A_669 = tpu.memref_slice %arg4[%add3A_475, %dma_wait3A_667, %dma_wait3A_668] : memref<2048x4x1024xf32, #tpu.memory_space<hbm>> -> memref<1x4x1024xf32, #tpu.memory_space<hbm>>
      %dma_wait3A_670 = tpu.memref_squeeze %dma_wait3A_669 : memref<1x4x1024xf32, #tpu.memory_space<hbm>> -> memref<4x1024xf32, #tpu.memory_space<hbm>>
      %dma_wait3A_671 = arith.constant 0 : i32
      %dma_wait3A_672 = arith.constant 0 : i32
      %dma_wait3A_673 = tpu.memref_slice %arg6[%run_scoped3A_476, %dma_wait3A_671, %dma_wait3A_672] : memref<6x16x1024xf32, #tpu.memory_space<vmem>> -> memref<1x4x1024xf32, #tpu.memory_space<vmem>>
      %dma_wait3A_674 = tpu.memref_squeeze %dma_wait3A_673 : memref<1x4x1024xf32, #tpu.memory_space<vmem>> -> memref<4x1024xf32, #tpu.memory_space<vmem>>
      tpu.wait_dma2 semaphore(%run_scoped3A_642 : memref<!tpu.dma_semaphore, #tpu.memory_space<semaphore_mem>>) src(%dma_wait3A_674 : memref<4x1024xf32, #tpu.memory_space<vmem>>) dst(%dma_wait3A_670 : memref<4x1024xf32, #tpu.memory_space<hbm>>)
      tpu.yield
    }) : () -> ()
    %add3A_477 = arith.constant 40 : i32
    %add3A_478 = arith.addi %mul3A_4, %add3A_477 : i32
    %add3A_479 = arith.constant 1 : i32
    %add3A_480 = arith.addi %add3A_478, %add3A_479 : i32
    %run_scoped3A_481 = arith.constant 4 : i32
    "tpu.region"() ({
      %run_scoped3A_642 = tpu.sem_alloc : memref<!tpu.dma_semaphore, #tpu.memory_space<semaphore_mem>>
      %dma_start3A_643 = arith.constant 4 : i32
      %dma_start3A_644 = arith.constant 0 : i32
      %dma_start3A_645 = tpu.memref_slice %arg6[%run_scoped3A_481, %dma_start3A_643, %dma_start3A_644] : memref<6x16x1024xf32, #tpu.memory_space<vmem>> -> memref<1x4x1024xf32, #tpu.memory_space<vmem>>
      %dma_start3A_646 = tpu.memref_squeeze %dma_start3A_645 : memref<1x4x1024xf32, #tpu.memory_space<vmem>> -> memref<4x1024xf32, #tpu.memory_space<vmem>>
      %dma_start3A_647 = arith.constant 0 : i32
      %dma_start3A_648 = arith.constant 0 : i32
      %dma_start3A_649 = tpu.memref_slice %arg4[%add3A_480, %dma_start3A_647, %dma_start3A_648] : memref<2048x4x1024xf32, #tpu.memory_space<hbm>> -> memref<1x4x1024xf32, #tpu.memory_space<hbm>>
      %dma_start3A_650 = tpu.memref_squeeze %dma_start3A_649 : memref<1x4x1024xf32, #tpu.memory_space<hbm>> -> memref<4x1024xf32, #tpu.memory_space<hbm>>
      %dma_start3A_651 = arith.constant 0 : i32
      %dma_start3A_652 = arith.constant 0 : i32
      %dma_start3A_653 = tpu.memref_slice %arg4[%add3A_480, %dma_start3A_651, %dma_start3A_652] : memref<2048x4x1024xf32, #tpu.memory_space<hbm>> -> memref<1x4x1024xf32, #tpu.memory_space<hbm>>
      %dma_start3A_654 = tpu.memref_squeeze %dma_start3A_653 : memref<1x4x1024xf32, #tpu.memory_space<hbm>> -> memref<4x1024xf32, #tpu.memory_space<hbm>>
      %dma_start3A_655 = arith.constant 4 : i32
      %dma_start3A_656 = arith.constant 0 : i32
      %dma_start3A_657 = tpu.memref_slice %arg6[%run_scoped3A_481, %dma_start3A_655, %dma_start3A_656] : memref<6x16x1024xf32, #tpu.memory_space<vmem>> -> memref<1x4x1024xf32, #tpu.memory_space<vmem>>
      %dma_start3A_658 = tpu.memref_squeeze %dma_start3A_657 : memref<1x4x1024xf32, #tpu.memory_space<vmem>> -> memref<4x1024xf32, #tpu.memory_space<vmem>>
      tpu.enqueue_dma source(%dma_start3A_658 : memref<4x1024xf32, #tpu.memory_space<vmem>>) target(%dma_start3A_654 : memref<4x1024xf32, #tpu.memory_space<hbm>>) target_semaphore(%run_scoped3A_642 : memref<!tpu.dma_semaphore, #tpu.memory_space<semaphore_mem>>)
      %dma_wait3A_659 = arith.constant 4 : i32
      %dma_wait3A_660 = arith.constant 0 : i32
      %dma_wait3A_661 = tpu.memref_slice %arg6[%run_scoped3A_481, %dma_wait3A_659, %dma_wait3A_660] : memref<6x16x1024xf32, #tpu.memory_space<vmem>> -> memref<1x4x1024xf32, #tpu.memory_space<vmem>>
      %dma_wait3A_662 = tpu.memref_squeeze %dma_wait3A_661 : memref<1x4x1024xf32, #tpu.memory_space<vmem>> -> memref<4x1024xf32, #tpu.memory_space<vmem>>
      %dma_wait3A_663 = arith.constant 0 : i32
      %dma_wait3A_664 = arith.constant 0 : i32
      %dma_wait3A_665 = tpu.memref_slice %arg4[%add3A_480, %dma_wait3A_663, %dma_wait3A_664] : memref<2048x4x1024xf32, #tpu.memory_space<hbm>> -> memref<1x4x1024xf32, #tpu.memory_space<hbm>>
      %dma_wait3A_666 = tpu.memref_squeeze %dma_wait3A_665 : memref<1x4x1024xf32, #tpu.memory_space<hbm>> -> memref<4x1024xf32, #tpu.memory_space<hbm>>
      %dma_wait3A_667 = arith.constant 0 : i32
      %dma_wait3A_668 = arith.constant 0 : i32
      %dma_wait3A_669 = tpu.memref_slice %arg4[%add3A_480, %dma_wait3A_667, %dma_wait3A_668] : memref<2048x4x1024xf32, #tpu.memory_space<hbm>> -> memref<1x4x1024xf32, #tpu.memory_space<hbm>>
      %dma_wait3A_670 = tpu.memref_squeeze %dma_wait3A_669 : memref<1x4x1024xf32, #tpu.memory_space<hbm>> -> memref<4x1024xf32, #tpu.memory_space<hbm>>
      %dma_wait3A_671 = arith.constant 4 : i32
      %dma_wait3A_672 = arith.constant 0 : i32
      %dma_wait3A_673 = tpu.memref_slice %arg6[%run_scoped3A_481, %dma_wait3A_671, %dma_wait3A_672] : memref<6x16x1024xf32, #tpu.memory_space<vmem>> -> memref<1x4x1024xf32, #tpu.memory_space<vmem>>
      %dma_wait3A_674 = tpu.memref_squeeze %dma_wait3A_673 : memref<1x4x1024xf32, #tpu.memory_space<vmem>> -> memref<4x1024xf32, #tpu.memory_space<vmem>>
      tpu.wait_dma2 semaphore(%run_scoped3A_642 : memref<!tpu.dma_semaphore, #tpu.memory_space<semaphore_mem>>) src(%dma_wait3A_674 : memref<4x1024xf32, #tpu.memory_space<vmem>>) dst(%dma_wait3A_670 : memref<4x1024xf32, #tpu.memory_space<hbm>>)
      tpu.yield
    }) : () -> ()
    %add3A_482 = arith.constant 40 : i32
    %add3A_483 = arith.addi %mul3A_4, %add3A_482 : i32
    %add3A_484 = arith.constant 2 : i32
    %add3A_485 = arith.addi %add3A_483, %add3A_484 : i32
    %run_scoped3A_486 = arith.constant 4 : i32
    "tpu.region"() ({
      %run_scoped3A_642 = tpu.sem_alloc : memref<!tpu.dma_semaphore, #tpu.memory_space<semaphore_mem>>
      %dma_start3A_643 = arith.constant 8 : i32
      %dma_start3A_644 = arith.constant 0 : i32
      %dma_start3A_645 = tpu.memref_slice %arg6[%run_scoped3A_486, %dma_start3A_643, %dma_start3A_644] : memref<6x16x1024xf32, #tpu.memory_space<vmem>> -> memref<1x4x1024xf32, #tpu.memory_space<vmem>>
      %dma_start3A_646 = tpu.memref_squeeze %dma_start3A_645 : memref<1x4x1024xf32, #tpu.memory_space<vmem>> -> memref<4x1024xf32, #tpu.memory_space<vmem>>
      %dma_start3A_647 = arith.constant 0 : i32
      %dma_start3A_648 = arith.constant 0 : i32
      %dma_start3A_649 = tpu.memref_slice %arg4[%add3A_485, %dma_start3A_647, %dma_start3A_648] : memref<2048x4x1024xf32, #tpu.memory_space<hbm>> -> memref<1x4x1024xf32, #tpu.memory_space<hbm>>
      %dma_start3A_650 = tpu.memref_squeeze %dma_start3A_649 : memref<1x4x1024xf32, #tpu.memory_space<hbm>> -> memref<4x1024xf32, #tpu.memory_space<hbm>>
      %dma_start3A_651 = arith.constant 0 : i32
      %dma_start3A_652 = arith.constant 0 : i32
      %dma_start3A_653 = tpu.memref_slice %arg4[%add3A_485, %dma_start3A_651, %dma_start3A_652] : memref<2048x4x1024xf32, #tpu.memory_space<hbm>> -> memref<1x4x1024xf32, #tpu.memory_space<hbm>>
      %dma_start3A_654 = tpu.memref_squeeze %dma_start3A_653 : memref<1x4x1024xf32, #tpu.memory_space<hbm>> -> memref<4x1024xf32, #tpu.memory_space<hbm>>
      %dma_start3A_655 = arith.constant 8 : i32
      %dma_start3A_656 = arith.constant 0 : i32
      %dma_start3A_657 = tpu.memref_slice %arg6[%run_scoped3A_486, %dma_start3A_655, %dma_start3A_656] : memref<6x16x1024xf32, #tpu.memory_space<vmem>> -> memref<1x4x1024xf32, #tpu.memory_space<vmem>>
      %dma_start3A_658 = tpu.memref_squeeze %dma_start3A_657 : memref<1x4x1024xf32, #tpu.memory_space<vmem>> -> memref<4x1024xf32, #tpu.memory_space<vmem>>
      tpu.enqueue_dma source(%dma_start3A_658 : memref<4x1024xf32, #tpu.memory_space<vmem>>) target(%dma_start3A_654 : memref<4x1024xf32, #tpu.memory_space<hbm>>) target_semaphore(%run_scoped3A_642 : memref<!tpu.dma_semaphore, #tpu.memory_space<semaphore_mem>>)
      %dma_wait3A_659 = arith.constant 8 : i32
      %dma_wait3A_660 = arith.constant 0 : i32
      %dma_wait3A_661 = tpu.memref_slice %arg6[%run_scoped3A_486, %dma_wait3A_659, %dma_wait3A_660] : memref<6x16x1024xf32, #tpu.memory_space<vmem>> -> memref<1x4x1024xf32, #tpu.memory_space<vmem>>
      %dma_wait3A_662 = tpu.memref_squeeze %dma_wait3A_661 : memref<1x4x1024xf32, #tpu.memory_space<vmem>> -> memref<4x1024xf32, #tpu.memory_space<vmem>>
      %dma_wait3A_663 = arith.constant 0 : i32
      %dma_wait3A_664 = arith.constant 0 : i32
      %dma_wait3A_665 = tpu.memref_slice %arg4[%add3A_485, %dma_wait3A_663, %dma_wait3A_664] : memref<2048x4x1024xf32, #tpu.memory_space<hbm>> -> memref<1x4x1024xf32, #tpu.memory_space<hbm>>
      %dma_wait3A_666 = tpu.memref_squeeze %dma_wait3A_665 : memref<1x4x1024xf32, #tpu.memory_space<hbm>> -> memref<4x1024xf32, #tpu.memory_space<hbm>>
      %dma_wait3A_667 = arith.constant 0 : i32
      %dma_wait3A_668 = arith.constant 0 : i32
      %dma_wait3A_669 = tpu.memref_slice %arg4[%add3A_485, %dma_wait3A_667, %dma_wait3A_668] : memref<2048x4x1024xf32, #tpu.memory_space<hbm>> -> memref<1x4x1024xf32, #tpu.memory_space<hbm>>
      %dma_wait3A_670 = tpu.memref_squeeze %dma_wait3A_669 : memref<1x4x1024xf32, #tpu.memory_space<hbm>> -> memref<4x1024xf32, #tpu.memory_space<hbm>>
      %dma_wait3A_671 = arith.constant 8 : i32
      %dma_wait3A_672 = arith.constant 0 : i32
      %dma_wait3A_673 = tpu.memref_slice %arg6[%run_scoped3A_486, %dma_wait3A_671, %dma_wait3A_672] : memref<6x16x1024xf32, #tpu.memory_space<vmem>> -> memref<1x4x1024xf32, #tpu.memory_space<vmem>>
      %dma_wait3A_674 = tpu.memref_squeeze %dma_wait3A_673 : memref<1x4x1024xf32, #tpu.memory_space<vmem>> -> memref<4x1024xf32, #tpu.memory_space<vmem>>
      tpu.wait_dma2 semaphore(%run_scoped3A_642 : memref<!tpu.dma_semaphore, #tpu.memory_space<semaphore_mem>>) src(%dma_wait3A_674 : memref<4x1024xf32, #tpu.memory_space<vmem>>) dst(%dma_wait3A_670 : memref<4x1024xf32, #tpu.memory_space<hbm>>)
      tpu.yield
    }) : () -> ()
    %add3A_487 = arith.constant 40 : i32
    %add3A_488 = arith.addi %mul3A_4, %add3A_487 : i32
    %add3A_489 = arith.constant 3 : i32
    %add3A_490 = arith.addi %add3A_488, %add3A_489 : i32
    %run_scoped3A_491 = arith.constant 4 : i32
    "tpu.region"() ({
      %run_scoped3A_642 = tpu.sem_alloc : memref<!tpu.dma_semaphore, #tpu.memory_space<semaphore_mem>>
      %dma_start3A_643 = arith.constant 12 : i32
      %dma_start3A_644 = arith.constant 0 : i32
      %dma_start3A_645 = tpu.memref_slice %arg6[%run_scoped3A_491, %dma_start3A_643, %dma_start3A_644] : memref<6x16x1024xf32, #tpu.memory_space<vmem>> -> memref<1x4x1024xf32, #tpu.memory_space<vmem>>
      %dma_start3A_646 = tpu.memref_squeeze %dma_start3A_645 : memref<1x4x1024xf32, #tpu.memory_space<vmem>> -> memref<4x1024xf32, #tpu.memory_space<vmem>>
      %dma_start3A_647 = arith.constant 0 : i32
      %dma_start3A_648 = arith.constant 0 : i32
      %dma_start3A_649 = tpu.memref_slice %arg4[%add3A_490, %dma_start3A_647, %dma_start3A_648] : memref<2048x4x1024xf32, #tpu.memory_space<hbm>> -> memref<1x4x1024xf32, #tpu.memory_space<hbm>>
      %dma_start3A_650 = tpu.memref_squeeze %dma_start3A_649 : memref<1x4x1024xf32, #tpu.memory_space<hbm>> -> memref<4x1024xf32, #tpu.memory_space<hbm>>
      %dma_start3A_651 = arith.constant 0 : i32
      %dma_start3A_652 = arith.constant 0 : i32
      %dma_start3A_653 = tpu.memref_slice %arg4[%add3A_490, %dma_start3A_651, %dma_start3A_652] : memref<2048x4x1024xf32, #tpu.memory_space<hbm>> -> memref<1x4x1024xf32, #tpu.memory_space<hbm>>
      %dma_start3A_654 = tpu.memref_squeeze %dma_start3A_653 : memref<1x4x1024xf32, #tpu.memory_space<hbm>> -> memref<4x1024xf32, #tpu.memory_space<hbm>>
      %dma_start3A_655 = arith.constant 12 : i32
      %dma_start3A_656 = arith.constant 0 : i32
      %dma_start3A_657 = tpu.memref_slice %arg6[%run_scoped3A_491, %dma_start3A_655, %dma_start3A_656] : memref<6x16x1024xf32, #tpu.memory_space<vmem>> -> memref<1x4x1024xf32, #tpu.memory_space<vmem>>
      %dma_start3A_658 = tpu.memref_squeeze %dma_start3A_657 : memref<1x4x1024xf32, #tpu.memory_space<vmem>> -> memref<4x1024xf32, #tpu.memory_space<vmem>>
      tpu.enqueue_dma source(%dma_start3A_658 : memref<4x1024xf32, #tpu.memory_space<vmem>>) target(%dma_start3A_654 : memref<4x1024xf32, #tpu.memory_space<hbm>>) target_semaphore(%run_scoped3A_642 : memref<!tpu.dma_semaphore, #tpu.memory_space<semaphore_mem>>)
      %dma_wait3A_659 = arith.constant 12 : i32
      %dma_wait3A_660 = arith.constant 0 : i32
      %dma_wait3A_661 = tpu.memref_slice %arg6[%run_scoped3A_491, %dma_wait3A_659, %dma_wait3A_660] : memref<6x16x1024xf32, #tpu.memory_space<vmem>> -> memref<1x4x1024xf32, #tpu.memory_space<vmem>>
      %dma_wait3A_662 = tpu.memref_squeeze %dma_wait3A_661 : memref<1x4x1024xf32, #tpu.memory_space<vmem>> -> memref<4x1024xf32, #tpu.memory_space<vmem>>
      %dma_wait3A_663 = arith.constant 0 : i32
      %dma_wait3A_664 = arith.constant 0 : i32
      %dma_wait3A_665 = tpu.memref_slice %arg4[%add3A_490, %dma_wait3A_663, %dma_wait3A_664] : memref<2048x4x1024xf32, #tpu.memory_space<hbm>> -> memref<1x4x1024xf32, #tpu.memory_space<hbm>>
      %dma_wait3A_666 = tpu.memref_squeeze %dma_wait3A_665 : memref<1x4x1024xf32, #tpu.memory_space<hbm>> -> memref<4x1024xf32, #tpu.memory_space<hbm>>
      %dma_wait3A_667 = arith.constant 0 : i32
      %dma_wait3A_668 = arith.constant 0 : i32
      %dma_wait3A_669 = tpu.memref_slice %arg4[%add3A_490, %dma_wait3A_667, %dma_wait3A_668] : memref<2048x4x1024xf32, #tpu.memory_space<hbm>> -> memref<1x4x1024xf32, #tpu.memory_space<hbm>>
      %dma_wait3A_670 = tpu.memref_squeeze %dma_wait3A_669 : memref<1x4x1024xf32, #tpu.memory_space<hbm>> -> memref<4x1024xf32, #tpu.memory_space<hbm>>
      %dma_wait3A_671 = arith.constant 12 : i32
      %dma_wait3A_672 = arith.constant 0 : i32
      %dma_wait3A_673 = tpu.memref_slice %arg6[%run_scoped3A_491, %dma_wait3A_671, %dma_wait3A_672] : memref<6x16x1024xf32, #tpu.memory_space<vmem>> -> memref<1x4x1024xf32, #tpu.memory_space<vmem>>
      %dma_wait3A_674 = tpu.memref_squeeze %dma_wait3A_673 : memref<1x4x1024xf32, #tpu.memory_space<vmem>> -> memref<4x1024xf32, #tpu.memory_space<vmem>>
      tpu.wait_dma2 semaphore(%run_scoped3A_642 : memref<!tpu.dma_semaphore, #tpu.memory_space<semaphore_mem>>) src(%dma_wait3A_674 : memref<4x1024xf32, #tpu.memory_space<vmem>>) dst(%dma_wait3A_670 : memref<4x1024xf32, #tpu.memory_space<hbm>>)
      tpu.yield
    }) : () -> ()
    %dma_wait3A_492 = arith.constant 5 : i32
    %dma_wait3A_493 = arith.constant 0 : i32
    %dma_wait3A_494 = arith.constant 0 : i32
    %dma_wait3A_495 = tpu.memref_slice %arg6[%dma_wait3A_492, %dma_wait3A_493, %dma_wait3A_494] : memref<6x16x1024xf32, #tpu.memory_space<vmem>> -> memref<1x16x1024xf32, #tpu.memory_space<vmem>>
    %dma_wait3A_496 = tpu.memref_squeeze %dma_wait3A_495 : memref<1x16x1024xf32, #tpu.memory_space<vmem>> -> memref<16x1024xf32, #tpu.memory_space<vmem>>
    %dma_wait3A_497 = arith.constant 176 : i32
    %dma_wait3A_498 = tpu.memref_slice %arg5[%dma_wait3A_497] : memref<256xi32, #tpu.memory_space<vmem>> -> memref<16xi32, #tpu.memory_space<vmem>>
    %dma_wait3A_499 = arith.constant 0 : i32
    %dma_wait3A_500 = arith.constant 0 : i32
    %dma_wait3A_501 = tpu.memref_slice %arg2[%dma_wait3A_499, %dma_wait3A_500] : memref<150528x1024xf32, #tpu.memory_space<hbm>> -> memref<150528x1024xf32, #tpu.memory_space<hbm>>
    tpu.wait_indirect_dma semaphore(%arg12 : memref<!tpu.dma_semaphore, #tpu.memory_space<semaphore_mem>>) src(%dma_wait3A_501 : memref<150528x1024xf32, #tpu.memory_space<hbm>>) dst(%dma_wait3A_496 : memref<16x1024xf32, #tpu.memory_space<vmem>>)
    %add3A_502 = arith.constant 44 : i32
    %add3A_503 = arith.addi %mul3A_4, %add3A_502 : i32
    %add3A_504 = arith.constant 0 : i32
    %add3A_505 = arith.addi %add3A_503, %add3A_504 : i32
    %run_scoped3A_506 = arith.constant 5 : i32
    "tpu.region"() ({
      %run_scoped3A_642 = tpu.sem_alloc : memref<!tpu.dma_semaphore, #tpu.memory_space<semaphore_mem>>
      %dma_start3A_643 = arith.constant 0 : i32
      %dma_start3A_644 = arith.constant 0 : i32
      %dma_start3A_645 = tpu.memref_slice %arg6[%run_scoped3A_506, %dma_start3A_643, %dma_start3A_644] : memref<6x16x1024xf32, #tpu.memory_space<vmem>> -> memref<1x4x1024xf32, #tpu.memory_space<vmem>>
      %dma_start3A_646 = tpu.memref_squeeze %dma_start3A_645 : memref<1x4x1024xf32, #tpu.memory_space<vmem>> -> memref<4x1024xf32, #tpu.memory_space<vmem>>
      %dma_start3A_647 = arith.constant 0 : i32
      %dma_start3A_648 = arith.constant 0 : i32
      %dma_start3A_649 = tpu.memref_slice %arg4[%add3A_505, %dma_start3A_647, %dma_start3A_648] : memref<2048x4x1024xf32, #tpu.memory_space<hbm>> -> memref<1x4x1024xf32, #tpu.memory_space<hbm>>
      %dma_start3A_650 = tpu.memref_squeeze %dma_start3A_649 : memref<1x4x1024xf32, #tpu.memory_space<hbm>> -> memref<4x1024xf32, #tpu.memory_space<hbm>>
      %dma_start3A_651 = arith.constant 0 : i32
      %dma_start3A_652 = arith.constant 0 : i32
      %dma_start3A_653 = tpu.memref_slice %arg4[%add3A_505, %dma_start3A_651, %dma_start3A_652] : memref<2048x4x1024xf32, #tpu.memory_space<hbm>> -> memref<1x4x1024xf32, #tpu.memory_space<hbm>>
      %dma_start3A_654 = tpu.memref_squeeze %dma_start3A_653 : memref<1x4x1024xf32, #tpu.memory_space<hbm>> -> memref<4x1024xf32, #tpu.memory_space<hbm>>
      %dma_start3A_655 = arith.constant 0 : i32
      %dma_start3A_656 = arith.constant 0 : i32
      %dma_start3A_657 = tpu.memref_slice %arg6[%run_scoped3A_506, %dma_start3A_655, %dma_start3A_656] : memref<6x16x1024xf32, #tpu.memory_space<vmem>> -> memref<1x4x1024xf32, #tpu.memory_space<vmem>>
      %dma_start3A_658 = tpu.memref_squeeze %dma_start3A_657 : memref<1x4x1024xf32, #tpu.memory_space<vmem>> -> memref<4x1024xf32, #tpu.memory_space<vmem>>
      tpu.enqueue_dma source(%dma_start3A_658 : memref<4x1024xf32, #tpu.memory_space<vmem>>) target(%dma_start3A_654 : memref<4x1024xf32, #tpu.memory_space<hbm>>) target_semaphore(%run_scoped3A_642 : memref<!tpu.dma_semaphore, #tpu.memory_space<semaphore_mem>>)
      %dma_wait3A_659 = arith.constant 0 : i32
      %dma_wait3A_660 = arith.constant 0 : i32
      %dma_wait3A_661 = tpu.memref_slice %arg6[%run_scoped3A_506, %dma_wait3A_659, %dma_wait3A_660] : memref<6x16x1024xf32, #tpu.memory_space<vmem>> -> memref<1x4x1024xf32, #tpu.memory_space<vmem>>
      %dma_wait3A_662 = tpu.memref_squeeze %dma_wait3A_661 : memref<1x4x1024xf32, #tpu.memory_space<vmem>> -> memref<4x1024xf32, #tpu.memory_space<vmem>>
      %dma_wait3A_663 = arith.constant 0 : i32
      %dma_wait3A_664 = arith.constant 0 : i32
      %dma_wait3A_665 = tpu.memref_slice %arg4[%add3A_505, %dma_wait3A_663, %dma_wait3A_664] : memref<2048x4x1024xf32, #tpu.memory_space<hbm>> -> memref<1x4x1024xf32, #tpu.memory_space<hbm>>
      %dma_wait3A_666 = tpu.memref_squeeze %dma_wait3A_665 : memref<1x4x1024xf32, #tpu.memory_space<hbm>> -> memref<4x1024xf32, #tpu.memory_space<hbm>>
      %dma_wait3A_667 = arith.constant 0 : i32
      %dma_wait3A_668 = arith.constant 0 : i32
      %dma_wait3A_669 = tpu.memref_slice %arg4[%add3A_505, %dma_wait3A_667, %dma_wait3A_668] : memref<2048x4x1024xf32, #tpu.memory_space<hbm>> -> memref<1x4x1024xf32, #tpu.memory_space<hbm>>
      %dma_wait3A_670 = tpu.memref_squeeze %dma_wait3A_669 : memref<1x4x1024xf32, #tpu.memory_space<hbm>> -> memref<4x1024xf32, #tpu.memory_space<hbm>>
      %dma_wait3A_671 = arith.constant 0 : i32
      %dma_wait3A_672 = arith.constant 0 : i32
      %dma_wait3A_673 = tpu.memref_slice %arg6[%run_scoped3A_506, %dma_wait3A_671, %dma_wait3A_672] : memref<6x16x1024xf32, #tpu.memory_space<vmem>> -> memref<1x4x1024xf32, #tpu.memory_space<vmem>>
      %dma_wait3A_674 = tpu.memref_squeeze %dma_wait3A_673 : memref<1x4x1024xf32, #tpu.memory_space<vmem>> -> memref<4x1024xf32, #tpu.memory_space<vmem>>
      tpu.wait_dma2 semaphore(%run_scoped3A_642 : memref<!tpu.dma_semaphore, #tpu.memory_space<semaphore_mem>>) src(%dma_wait3A_674 : memref<4x1024xf32, #tpu.memory_space<vmem>>) dst(%dma_wait3A_670 : memref<4x1024xf32, #tpu.memory_space<hbm>>)
      tpu.yield
    }) : () -> ()
    %add3A_507 = arith.constant 44 : i32
    %add3A_508 = arith.addi %mul3A_4, %add3A_507 : i32
    %add3A_509 = arith.constant 1 : i32
    %add3A_510 = arith.addi %add3A_508, %add3A_509 : i32
    %run_scoped3A_511 = arith.constant 5 : i32
    "tpu.region"() ({
      %run_scoped3A_642 = tpu.sem_alloc : memref<!tpu.dma_semaphore, #tpu.memory_space<semaphore_mem>>
      %dma_start3A_643 = arith.constant 4 : i32
      %dma_start3A_644 = arith.constant 0 : i32
      %dma_start3A_645 = tpu.memref_slice %arg6[%run_scoped3A_511, %dma_start3A_643, %dma_start3A_644] : memref<6x16x1024xf32, #tpu.memory_space<vmem>> -> memref<1x4x1024xf32, #tpu.memory_space<vmem>>
      %dma_start3A_646 = tpu.memref_squeeze %dma_start3A_645 : memref<1x4x1024xf32, #tpu.memory_space<vmem>> -> memref<4x1024xf32, #tpu.memory_space<vmem>>
      %dma_start3A_647 = arith.constant 0 : i32
      %dma_start3A_648 = arith.constant 0 : i32
      %dma_start3A_649 = tpu.memref_slice %arg4[%add3A_510, %dma_start3A_647, %dma_start3A_648] : memref<2048x4x1024xf32, #tpu.memory_space<hbm>> -> memref<1x4x1024xf32, #tpu.memory_space<hbm>>
      %dma_start3A_650 = tpu.memref_squeeze %dma_start3A_649 : memref<1x4x1024xf32, #tpu.memory_space<hbm>> -> memref<4x1024xf32, #tpu.memory_space<hbm>>
      %dma_start3A_651 = arith.constant 0 : i32
      %dma_start3A_652 = arith.constant 0 : i32
      %dma_start3A_653 = tpu.memref_slice %arg4[%add3A_510, %dma_start3A_651, %dma_start3A_652] : memref<2048x4x1024xf32, #tpu.memory_space<hbm>> -> memref<1x4x1024xf32, #tpu.memory_space<hbm>>
      %dma_start3A_654 = tpu.memref_squeeze %dma_start3A_653 : memref<1x4x1024xf32, #tpu.memory_space<hbm>> -> memref<4x1024xf32, #tpu.memory_space<hbm>>
      %dma_start3A_655 = arith.constant 4 : i32
      %dma_start3A_656 = arith.constant 0 : i32
      %dma_start3A_657 = tpu.memref_slice %arg6[%run_scoped3A_511, %dma_start3A_655, %dma_start3A_656] : memref<6x16x1024xf32, #tpu.memory_space<vmem>> -> memref<1x4x1024xf32, #tpu.memory_space<vmem>>
      %dma_start3A_658 = tpu.memref_squeeze %dma_start3A_657 : memref<1x4x1024xf32, #tpu.memory_space<vmem>> -> memref<4x1024xf32, #tpu.memory_space<vmem>>
      tpu.enqueue_dma source(%dma_start3A_658 : memref<4x1024xf32, #tpu.memory_space<vmem>>) target(%dma_start3A_654 : memref<4x1024xf32, #tpu.memory_space<hbm>>) target_semaphore(%run_scoped3A_642 : memref<!tpu.dma_semaphore, #tpu.memory_space<semaphore_mem>>)
      %dma_wait3A_659 = arith.constant 4 : i32
      %dma_wait3A_660 = arith.constant 0 : i32
      %dma_wait3A_661 = tpu.memref_slice %arg6[%run_scoped3A_511, %dma_wait3A_659, %dma_wait3A_660] : memref<6x16x1024xf32, #tpu.memory_space<vmem>> -> memref<1x4x1024xf32, #tpu.memory_space<vmem>>
      %dma_wait3A_662 = tpu.memref_squeeze %dma_wait3A_661 : memref<1x4x1024xf32, #tpu.memory_space<vmem>> -> memref<4x1024xf32, #tpu.memory_space<vmem>>
      %dma_wait3A_663 = arith.constant 0 : i32
      %dma_wait3A_664 = arith.constant 0 : i32
      %dma_wait3A_665 = tpu.memref_slice %arg4[%add3A_510, %dma_wait3A_663, %dma_wait3A_664] : memref<2048x4x1024xf32, #tpu.memory_space<hbm>> -> memref<1x4x1024xf32, #tpu.memory_space<hbm>>
      %dma_wait3A_666 = tpu.memref_squeeze %dma_wait3A_665 : memref<1x4x1024xf32, #tpu.memory_space<hbm>> -> memref<4x1024xf32, #tpu.memory_space<hbm>>
      %dma_wait3A_667 = arith.constant 0 : i32
      %dma_wait3A_668 = arith.constant 0 : i32
      %dma_wait3A_669 = tpu.memref_slice %arg4[%add3A_510, %dma_wait3A_667, %dma_wait3A_668] : memref<2048x4x1024xf32, #tpu.memory_space<hbm>> -> memref<1x4x1024xf32, #tpu.memory_space<hbm>>
      %dma_wait3A_670 = tpu.memref_squeeze %dma_wait3A_669 : memref<1x4x1024xf32, #tpu.memory_space<hbm>> -> memref<4x1024xf32, #tpu.memory_space<hbm>>
      %dma_wait3A_671 = arith.constant 4 : i32
      %dma_wait3A_672 = arith.constant 0 : i32
      %dma_wait3A_673 = tpu.memref_slice %arg6[%run_scoped3A_511, %dma_wait3A_671, %dma_wait3A_672] : memref<6x16x1024xf32, #tpu.memory_space<vmem>> -> memref<1x4x1024xf32, #tpu.memory_space<vmem>>
      %dma_wait3A_674 = tpu.memref_squeeze %dma_wait3A_673 : memref<1x4x1024xf32, #tpu.memory_space<vmem>> -> memref<4x1024xf32, #tpu.memory_space<vmem>>
      tpu.wait_dma2 semaphore(%run_scoped3A_642 : memref<!tpu.dma_semaphore, #tpu.memory_space<semaphore_mem>>) src(%dma_wait3A_674 : memref<4x1024xf32, #tpu.memory_space<vmem>>) dst(%dma_wait3A_670 : memref<4x1024xf32, #tpu.memory_space<hbm>>)
      tpu.yield
    }) : () -> ()
    %add3A_512 = arith.constant 44 : i32
    %add3A_513 = arith.addi %mul3A_4, %add3A_512 : i32
    %add3A_514 = arith.constant 2 : i32
    %add3A_515 = arith.addi %add3A_513, %add3A_514 : i32
    %run_scoped3A_516 = arith.constant 5 : i32
    "tpu.region"() ({
      %run_scoped3A_642 = tpu.sem_alloc : memref<!tpu.dma_semaphore, #tpu.memory_space<semaphore_mem>>
      %dma_start3A_643 = arith.constant 8 : i32
      %dma_start3A_644 = arith.constant 0 : i32
      %dma_start3A_645 = tpu.memref_slice %arg6[%run_scoped3A_516, %dma_start3A_643, %dma_start3A_644] : memref<6x16x1024xf32, #tpu.memory_space<vmem>> -> memref<1x4x1024xf32, #tpu.memory_space<vmem>>
      %dma_start3A_646 = tpu.memref_squeeze %dma_start3A_645 : memref<1x4x1024xf32, #tpu.memory_space<vmem>> -> memref<4x1024xf32, #tpu.memory_space<vmem>>
      %dma_start3A_647 = arith.constant 0 : i32
      %dma_start3A_648 = arith.constant 0 : i32
      %dma_start3A_649 = tpu.memref_slice %arg4[%add3A_515, %dma_start3A_647, %dma_start3A_648] : memref<2048x4x1024xf32, #tpu.memory_space<hbm>> -> memref<1x4x1024xf32, #tpu.memory_space<hbm>>
      %dma_start3A_650 = tpu.memref_squeeze %dma_start3A_649 : memref<1x4x1024xf32, #tpu.memory_space<hbm>> -> memref<4x1024xf32, #tpu.memory_space<hbm>>
      %dma_start3A_651 = arith.constant 0 : i32
      %dma_start3A_652 = arith.constant 0 : i32
      %dma_start3A_653 = tpu.memref_slice %arg4[%add3A_515, %dma_start3A_651, %dma_start3A_652] : memref<2048x4x1024xf32, #tpu.memory_space<hbm>> -> memref<1x4x1024xf32, #tpu.memory_space<hbm>>
      %dma_start3A_654 = tpu.memref_squeeze %dma_start3A_653 : memref<1x4x1024xf32, #tpu.memory_space<hbm>> -> memref<4x1024xf32, #tpu.memory_space<hbm>>
      %dma_start3A_655 = arith.constant 8 : i32
      %dma_start3A_656 = arith.constant 0 : i32
      %dma_start3A_657 = tpu.memref_slice %arg6[%run_scoped3A_516, %dma_start3A_655, %dma_start3A_656] : memref<6x16x1024xf32, #tpu.memory_space<vmem>> -> memref<1x4x1024xf32, #tpu.memory_space<vmem>>
      %dma_start3A_658 = tpu.memref_squeeze %dma_start3A_657 : memref<1x4x1024xf32, #tpu.memory_space<vmem>> -> memref<4x1024xf32, #tpu.memory_space<vmem>>
      tpu.enqueue_dma source(%dma_start3A_658 : memref<4x1024xf32, #tpu.memory_space<vmem>>) target(%dma_start3A_654 : memref<4x1024xf32, #tpu.memory_space<hbm>>) target_semaphore(%run_scoped3A_642 : memref<!tpu.dma_semaphore, #tpu.memory_space<semaphore_mem>>)
      %dma_wait3A_659 = arith.constant 8 : i32
      %dma_wait3A_660 = arith.constant 0 : i32
      %dma_wait3A_661 = tpu.memref_slice %arg6[%run_scoped3A_516, %dma_wait3A_659, %dma_wait3A_660] : memref<6x16x1024xf32, #tpu.memory_space<vmem>> -> memref<1x4x1024xf32, #tpu.memory_space<vmem>>
      %dma_wait3A_662 = tpu.memref_squeeze %dma_wait3A_661 : memref<1x4x1024xf32, #tpu.memory_space<vmem>> -> memref<4x1024xf32, #tpu.memory_space<vmem>>
      %dma_wait3A_663 = arith.constant 0 : i32
      %dma_wait3A_664 = arith.constant 0 : i32
      %dma_wait3A_665 = tpu.memref_slice %arg4[%add3A_515, %dma_wait3A_663, %dma_wait3A_664] : memref<2048x4x1024xf32, #tpu.memory_space<hbm>> -> memref<1x4x1024xf32, #tpu.memory_space<hbm>>
      %dma_wait3A_666 = tpu.memref_squeeze %dma_wait3A_665 : memref<1x4x1024xf32, #tpu.memory_space<hbm>> -> memref<4x1024xf32, #tpu.memory_space<hbm>>
      %dma_wait3A_667 = arith.constant 0 : i32
      %dma_wait3A_668 = arith.constant 0 : i32
      %dma_wait3A_669 = tpu.memref_slice %arg4[%add3A_515, %dma_wait3A_667, %dma_wait3A_668] : memref<2048x4x1024xf32, #tpu.memory_space<hbm>> -> memref<1x4x1024xf32, #tpu.memory_space<hbm>>
      %dma_wait3A_670 = tpu.memref_squeeze %dma_wait3A_669 : memref<1x4x1024xf32, #tpu.memory_space<hbm>> -> memref<4x1024xf32, #tpu.memory_space<hbm>>
      %dma_wait3A_671 = arith.constant 8 : i32
      %dma_wait3A_672 = arith.constant 0 : i32
      %dma_wait3A_673 = tpu.memref_slice %arg6[%run_scoped3A_516, %dma_wait3A_671, %dma_wait3A_672] : memref<6x16x1024xf32, #tpu.memory_space<vmem>> -> memref<1x4x1024xf32, #tpu.memory_space<vmem>>
      %dma_wait3A_674 = tpu.memref_squeeze %dma_wait3A_673 : memref<1x4x1024xf32, #tpu.memory_space<vmem>> -> memref<4x1024xf32, #tpu.memory_space<vmem>>
      tpu.wait_dma2 semaphore(%run_scoped3A_642 : memref<!tpu.dma_semaphore, #tpu.memory_space<semaphore_mem>>) src(%dma_wait3A_674 : memref<4x1024xf32, #tpu.memory_space<vmem>>) dst(%dma_wait3A_670 : memref<4x1024xf32, #tpu.memory_space<hbm>>)
      tpu.yield
    }) : () -> ()
    %add3A_517 = arith.constant 44 : i32
    %add3A_518 = arith.addi %mul3A_4, %add3A_517 : i32
    %add3A_519 = arith.constant 3 : i32
    %add3A_520 = arith.addi %add3A_518, %add3A_519 : i32
    %run_scoped3A_521 = arith.constant 5 : i32
    "tpu.region"() ({
      %run_scoped3A_642 = tpu.sem_alloc : memref<!tpu.dma_semaphore, #tpu.memory_space<semaphore_mem>>
      %dma_start3A_643 = arith.constant 12 : i32
      %dma_start3A_644 = arith.constant 0 : i32
      %dma_start3A_645 = tpu.memref_slice %arg6[%run_scoped3A_521, %dma_start3A_643, %dma_start3A_644] : memref<6x16x1024xf32, #tpu.memory_space<vmem>> -> memref<1x4x1024xf32, #tpu.memory_space<vmem>>
      %dma_start3A_646 = tpu.memref_squeeze %dma_start3A_645 : memref<1x4x1024xf32, #tpu.memory_space<vmem>> -> memref<4x1024xf32, #tpu.memory_space<vmem>>
      %dma_start3A_647 = arith.constant 0 : i32
      %dma_start3A_648 = arith.constant 0 : i32
      %dma_start3A_649 = tpu.memref_slice %arg4[%add3A_520, %dma_start3A_647, %dma_start3A_648] : memref<2048x4x1024xf32, #tpu.memory_space<hbm>> -> memref<1x4x1024xf32, #tpu.memory_space<hbm>>
      %dma_start3A_650 = tpu.memref_squeeze %dma_start3A_649 : memref<1x4x1024xf32, #tpu.memory_space<hbm>> -> memref<4x1024xf32, #tpu.memory_space<hbm>>
      %dma_start3A_651 = arith.constant 0 : i32
      %dma_start3A_652 = arith.constant 0 : i32
      %dma_start3A_653 = tpu.memref_slice %arg4[%add3A_520, %dma_start3A_651, %dma_start3A_652] : memref<2048x4x1024xf32, #tpu.memory_space<hbm>> -> memref<1x4x1024xf32, #tpu.memory_space<hbm>>
      %dma_start3A_654 = tpu.memref_squeeze %dma_start3A_653 : memref<1x4x1024xf32, #tpu.memory_space<hbm>> -> memref<4x1024xf32, #tpu.memory_space<hbm>>
      %dma_start3A_655 = arith.constant 12 : i32
      %dma_start3A_656 = arith.constant 0 : i32
      %dma_start3A_657 = tpu.memref_slice %arg6[%run_scoped3A_521, %dma_start3A_655, %dma_start3A_656] : memref<6x16x1024xf32, #tpu.memory_space<vmem>> -> memref<1x4x1024xf32, #tpu.memory_space<vmem>>
      %dma_start3A_658 = tpu.memref_squeeze %dma_start3A_657 : memref<1x4x1024xf32, #tpu.memory_space<vmem>> -> memref<4x1024xf32, #tpu.memory_space<vmem>>
      tpu.enqueue_dma source(%dma_start3A_658 : memref<4x1024xf32, #tpu.memory_space<vmem>>) target(%dma_start3A_654 : memref<4x1024xf32, #tpu.memory_space<hbm>>) target_semaphore(%run_scoped3A_642 : memref<!tpu.dma_semaphore, #tpu.memory_space<semaphore_mem>>)
      %dma_wait3A_659 = arith.constant 12 : i32
      %dma_wait3A_660 = arith.constant 0 : i32
      %dma_wait3A_661 = tpu.memref_slice %arg6[%run_scoped3A_521, %dma_wait3A_659, %dma_wait3A_660] : memref<6x16x1024xf32, #tpu.memory_space<vmem>> -> memref<1x4x1024xf32, #tpu.memory_space<vmem>>
      %dma_wait3A_662 = tpu.memref_squeeze %dma_wait3A_661 : memref<1x4x1024xf32, #tpu.memory_space<vmem>> -> memref<4x1024xf32, #tpu.memory_space<vmem>>
      %dma_wait3A_663 = arith.constant 0 : i32
      %dma_wait3A_664 = arith.constant 0 : i32
      %dma_wait3A_665 = tpu.memref_slice %arg4[%add3A_520, %dma_wait3A_663, %dma_wait3A_664] : memref<2048x4x1024xf32, #tpu.memory_space<hbm>> -> memref<1x4x1024xf32, #tpu.memory_space<hbm>>
      %dma_wait3A_666 = tpu.memref_squeeze %dma_wait3A_665 : memref<1x4x1024xf32, #tpu.memory_space<hbm>> -> memref<4x1024xf32, #tpu.memory_space<hbm>>
      %dma_wait3A_667 = arith.constant 0 : i32
      %dma_wait3A_668 = arith.constant 0 : i32
      %dma_wait3A_669 = tpu.memref_slice %arg4[%add3A_520, %dma_wait3A_667, %dma_wait3A_668] : memref<2048x4x1024xf32, #tpu.memory_space<hbm>> -> memref<1x4x1024xf32, #tpu.memory_space<hbm>>
      %dma_wait3A_670 = tpu.memref_squeeze %dma_wait3A_669 : memref<1x4x1024xf32, #tpu.memory_space<hbm>> -> memref<4x1024xf32, #tpu.memory_space<hbm>>
      %dma_wait3A_671 = arith.constant 12 : i32
      %dma_wait3A_672 = arith.constant 0 : i32
      %dma_wait3A_673 = tpu.memref_slice %arg6[%run_scoped3A_521, %dma_wait3A_671, %dma_wait3A_672] : memref<6x16x1024xf32, #tpu.memory_space<vmem>> -> memref<1x4x1024xf32, #tpu.memory_space<vmem>>
      %dma_wait3A_674 = tpu.memref_squeeze %dma_wait3A_673 : memref<1x4x1024xf32, #tpu.memory_space<vmem>> -> memref<4x1024xf32, #tpu.memory_space<vmem>>
      tpu.wait_dma2 semaphore(%run_scoped3A_642 : memref<!tpu.dma_semaphore, #tpu.memory_space<semaphore_mem>>) src(%dma_wait3A_674 : memref<4x1024xf32, #tpu.memory_space<vmem>>) dst(%dma_wait3A_670 : memref<4x1024xf32, #tpu.memory_space<hbm>>)
      tpu.yield
    }) : () -> ()
    %dma_wait3A_522 = arith.constant 0 : i32
    %dma_wait3A_523 = arith.constant 0 : i32
    %dma_wait3A_524 = arith.constant 0 : i32
    %dma_wait3A_525 = tpu.memref_slice %arg6[%dma_wait3A_522, %dma_wait3A_523, %dma_wait3A_524] : memref<6x16x1024xf32, #tpu.memory_space<vmem>> -> memref<1x16x1024xf32, #tpu.memory_space<vmem>>
    %dma_wait3A_526 = tpu.memref_squeeze %dma_wait3A_525 : memref<1x16x1024xf32, #tpu.memory_space<vmem>> -> memref<16x1024xf32, #tpu.memory_space<vmem>>
    %dma_wait3A_527 = arith.constant 192 : i32
    %dma_wait3A_528 = tpu.memref_slice %arg5[%dma_wait3A_527] : memref<256xi32, #tpu.memory_space<vmem>> -> memref<16xi32, #tpu.memory_space<vmem>>
    %dma_wait3A_529 = arith.constant 0 : i32
    %dma_wait3A_530 = arith.constant 0 : i32
    %dma_wait3A_531 = tpu.memref_slice %arg2[%dma_wait3A_529, %dma_wait3A_530] : memref<150528x1024xf32, #tpu.memory_space<hbm>> -> memref<150528x1024xf32, #tpu.memory_space<hbm>>
    tpu.wait_indirect_dma semaphore(%arg7 : memref<!tpu.dma_semaphore, #tpu.memory_space<semaphore_mem>>) src(%dma_wait3A_531 : memref<150528x1024xf32, #tpu.memory_space<hbm>>) dst(%dma_wait3A_526 : memref<16x1024xf32, #tpu.memory_space<vmem>>)
    %add3A_532 = arith.constant 48 : i32
    %add3A_533 = arith.addi %mul3A_4, %add3A_532 : i32
    %add3A_534 = arith.constant 0 : i32
    %add3A_535 = arith.addi %add3A_533, %add3A_534 : i32
    %run_scoped3A_536 = arith.constant 0 : i32
    "tpu.region"() ({
      %run_scoped3A_642 = tpu.sem_alloc : memref<!tpu.dma_semaphore, #tpu.memory_space<semaphore_mem>>
      %dma_start3A_643 = arith.constant 0 : i32
      %dma_start3A_644 = arith.constant 0 : i32
      %dma_start3A_645 = tpu.memref_slice %arg6[%run_scoped3A_536, %dma_start3A_643, %dma_start3A_644] : memref<6x16x1024xf32, #tpu.memory_space<vmem>> -> memref<1x4x1024xf32, #tpu.memory_space<vmem>>
      %dma_start3A_646 = tpu.memref_squeeze %dma_start3A_645 : memref<1x4x1024xf32, #tpu.memory_space<vmem>> -> memref<4x1024xf32, #tpu.memory_space<vmem>>
      %dma_start3A_647 = arith.constant 0 : i32
      %dma_start3A_648 = arith.constant 0 : i32
      %dma_start3A_649 = tpu.memref_slice %arg4[%add3A_535, %dma_start3A_647, %dma_start3A_648] : memref<2048x4x1024xf32, #tpu.memory_space<hbm>> -> memref<1x4x1024xf32, #tpu.memory_space<hbm>>
      %dma_start3A_650 = tpu.memref_squeeze %dma_start3A_649 : memref<1x4x1024xf32, #tpu.memory_space<hbm>> -> memref<4x1024xf32, #tpu.memory_space<hbm>>
      %dma_start3A_651 = arith.constant 0 : i32
      %dma_start3A_652 = arith.constant 0 : i32
      %dma_start3A_653 = tpu.memref_slice %arg4[%add3A_535, %dma_start3A_651, %dma_start3A_652] : memref<2048x4x1024xf32, #tpu.memory_space<hbm>> -> memref<1x4x1024xf32, #tpu.memory_space<hbm>>
      %dma_start3A_654 = tpu.memref_squeeze %dma_start3A_653 : memref<1x4x1024xf32, #tpu.memory_space<hbm>> -> memref<4x1024xf32, #tpu.memory_space<hbm>>
      %dma_start3A_655 = arith.constant 0 : i32
      %dma_start3A_656 = arith.constant 0 : i32
      %dma_start3A_657 = tpu.memref_slice %arg6[%run_scoped3A_536, %dma_start3A_655, %dma_start3A_656] : memref<6x16x1024xf32, #tpu.memory_space<vmem>> -> memref<1x4x1024xf32, #tpu.memory_space<vmem>>
      %dma_start3A_658 = tpu.memref_squeeze %dma_start3A_657 : memref<1x4x1024xf32, #tpu.memory_space<vmem>> -> memref<4x1024xf32, #tpu.memory_space<vmem>>
      tpu.enqueue_dma source(%dma_start3A_658 : memref<4x1024xf32, #tpu.memory_space<vmem>>) target(%dma_start3A_654 : memref<4x1024xf32, #tpu.memory_space<hbm>>) target_semaphore(%run_scoped3A_642 : memref<!tpu.dma_semaphore, #tpu.memory_space<semaphore_mem>>)
      %dma_wait3A_659 = arith.constant 0 : i32
      %dma_wait3A_660 = arith.constant 0 : i32
      %dma_wait3A_661 = tpu.memref_slice %arg6[%run_scoped3A_536, %dma_wait3A_659, %dma_wait3A_660] : memref<6x16x1024xf32, #tpu.memory_space<vmem>> -> memref<1x4x1024xf32, #tpu.memory_space<vmem>>
      %dma_wait3A_662 = tpu.memref_squeeze %dma_wait3A_661 : memref<1x4x1024xf32, #tpu.memory_space<vmem>> -> memref<4x1024xf32, #tpu.memory_space<vmem>>
      %dma_wait3A_663 = arith.constant 0 : i32
      %dma_wait3A_664 = arith.constant 0 : i32
      %dma_wait3A_665 = tpu.memref_slice %arg4[%add3A_535, %dma_wait3A_663, %dma_wait3A_664] : memref<2048x4x1024xf32, #tpu.memory_space<hbm>> -> memref<1x4x1024xf32, #tpu.memory_space<hbm>>
      %dma_wait3A_666 = tpu.memref_squeeze %dma_wait3A_665 : memref<1x4x1024xf32, #tpu.memory_space<hbm>> -> memref<4x1024xf32, #tpu.memory_space<hbm>>
      %dma_wait3A_667 = arith.constant 0 : i32
      %dma_wait3A_668 = arith.constant 0 : i32
      %dma_wait3A_669 = tpu.memref_slice %arg4[%add3A_535, %dma_wait3A_667, %dma_wait3A_668] : memref<2048x4x1024xf32, #tpu.memory_space<hbm>> -> memref<1x4x1024xf32, #tpu.memory_space<hbm>>
      %dma_wait3A_670 = tpu.memref_squeeze %dma_wait3A_669 : memref<1x4x1024xf32, #tpu.memory_space<hbm>> -> memref<4x1024xf32, #tpu.memory_space<hbm>>
      %dma_wait3A_671 = arith.constant 0 : i32
      %dma_wait3A_672 = arith.constant 0 : i32
      %dma_wait3A_673 = tpu.memref_slice %arg6[%run_scoped3A_536, %dma_wait3A_671, %dma_wait3A_672] : memref<6x16x1024xf32, #tpu.memory_space<vmem>> -> memref<1x4x1024xf32, #tpu.memory_space<vmem>>
      %dma_wait3A_674 = tpu.memref_squeeze %dma_wait3A_673 : memref<1x4x1024xf32, #tpu.memory_space<vmem>> -> memref<4x1024xf32, #tpu.memory_space<vmem>>
      tpu.wait_dma2 semaphore(%run_scoped3A_642 : memref<!tpu.dma_semaphore, #tpu.memory_space<semaphore_mem>>) src(%dma_wait3A_674 : memref<4x1024xf32, #tpu.memory_space<vmem>>) dst(%dma_wait3A_670 : memref<4x1024xf32, #tpu.memory_space<hbm>>)
      tpu.yield
    }) : () -> ()
    %add3A_537 = arith.constant 48 : i32
    %add3A_538 = arith.addi %mul3A_4, %add3A_537 : i32
    %add3A_539 = arith.constant 1 : i32
    %add3A_540 = arith.addi %add3A_538, %add3A_539 : i32
    %run_scoped3A_541 = arith.constant 0 : i32
    "tpu.region"() ({
      %run_scoped3A_642 = tpu.sem_alloc : memref<!tpu.dma_semaphore, #tpu.memory_space<semaphore_mem>>
      %dma_start3A_643 = arith.constant 4 : i32
      %dma_start3A_644 = arith.constant 0 : i32
      %dma_start3A_645 = tpu.memref_slice %arg6[%run_scoped3A_541, %dma_start3A_643, %dma_start3A_644] : memref<6x16x1024xf32, #tpu.memory_space<vmem>> -> memref<1x4x1024xf32, #tpu.memory_space<vmem>>
      %dma_start3A_646 = tpu.memref_squeeze %dma_start3A_645 : memref<1x4x1024xf32, #tpu.memory_space<vmem>> -> memref<4x1024xf32, #tpu.memory_space<vmem>>
      %dma_start3A_647 = arith.constant 0 : i32
      %dma_start3A_648 = arith.constant 0 : i32
      %dma_start3A_649 = tpu.memref_slice %arg4[%add3A_540, %dma_start3A_647, %dma_start3A_648] : memref<2048x4x1024xf32, #tpu.memory_space<hbm>> -> memref<1x4x1024xf32, #tpu.memory_space<hbm>>
      %dma_start3A_650 = tpu.memref_squeeze %dma_start3A_649 : memref<1x4x1024xf32, #tpu.memory_space<hbm>> -> memref<4x1024xf32, #tpu.memory_space<hbm>>
      %dma_start3A_651 = arith.constant 0 : i32
      %dma_start3A_652 = arith.constant 0 : i32
      %dma_start3A_653 = tpu.memref_slice %arg4[%add3A_540, %dma_start3A_651, %dma_start3A_652] : memref<2048x4x1024xf32, #tpu.memory_space<hbm>> -> memref<1x4x1024xf32, #tpu.memory_space<hbm>>
      %dma_start3A_654 = tpu.memref_squeeze %dma_start3A_653 : memref<1x4x1024xf32, #tpu.memory_space<hbm>> -> memref<4x1024xf32, #tpu.memory_space<hbm>>
      %dma_start3A_655 = arith.constant 4 : i32
      %dma_start3A_656 = arith.constant 0 : i32
      %dma_start3A_657 = tpu.memref_slice %arg6[%run_scoped3A_541, %dma_start3A_655, %dma_start3A_656] : memref<6x16x1024xf32, #tpu.memory_space<vmem>> -> memref<1x4x1024xf32, #tpu.memory_space<vmem>>
      %dma_start3A_658 = tpu.memref_squeeze %dma_start3A_657 : memref<1x4x1024xf32, #tpu.memory_space<vmem>> -> memref<4x1024xf32, #tpu.memory_space<vmem>>
      tpu.enqueue_dma source(%dma_start3A_658 : memref<4x1024xf32, #tpu.memory_space<vmem>>) target(%dma_start3A_654 : memref<4x1024xf32, #tpu.memory_space<hbm>>) target_semaphore(%run_scoped3A_642 : memref<!tpu.dma_semaphore, #tpu.memory_space<semaphore_mem>>)
      %dma_wait3A_659 = arith.constant 4 : i32
      %dma_wait3A_660 = arith.constant 0 : i32
      %dma_wait3A_661 = tpu.memref_slice %arg6[%run_scoped3A_541, %dma_wait3A_659, %dma_wait3A_660] : memref<6x16x1024xf32, #tpu.memory_space<vmem>> -> memref<1x4x1024xf32, #tpu.memory_space<vmem>>
      %dma_wait3A_662 = tpu.memref_squeeze %dma_wait3A_661 : memref<1x4x1024xf32, #tpu.memory_space<vmem>> -> memref<4x1024xf32, #tpu.memory_space<vmem>>
      %dma_wait3A_663 = arith.constant 0 : i32
      %dma_wait3A_664 = arith.constant 0 : i32
      %dma_wait3A_665 = tpu.memref_slice %arg4[%add3A_540, %dma_wait3A_663, %dma_wait3A_664] : memref<2048x4x1024xf32, #tpu.memory_space<hbm>> -> memref<1x4x1024xf32, #tpu.memory_space<hbm>>
      %dma_wait3A_666 = tpu.memref_squeeze %dma_wait3A_665 : memref<1x4x1024xf32, #tpu.memory_space<hbm>> -> memref<4x1024xf32, #tpu.memory_space<hbm>>
      %dma_wait3A_667 = arith.constant 0 : i32
      %dma_wait3A_668 = arith.constant 0 : i32
      %dma_wait3A_669 = tpu.memref_slice %arg4[%add3A_540, %dma_wait3A_667, %dma_wait3A_668] : memref<2048x4x1024xf32, #tpu.memory_space<hbm>> -> memref<1x4x1024xf32, #tpu.memory_space<hbm>>
      %dma_wait3A_670 = tpu.memref_squeeze %dma_wait3A_669 : memref<1x4x1024xf32, #tpu.memory_space<hbm>> -> memref<4x1024xf32, #tpu.memory_space<hbm>>
      %dma_wait3A_671 = arith.constant 4 : i32
      %dma_wait3A_672 = arith.constant 0 : i32
      %dma_wait3A_673 = tpu.memref_slice %arg6[%run_scoped3A_541, %dma_wait3A_671, %dma_wait3A_672] : memref<6x16x1024xf32, #tpu.memory_space<vmem>> -> memref<1x4x1024xf32, #tpu.memory_space<vmem>>
      %dma_wait3A_674 = tpu.memref_squeeze %dma_wait3A_673 : memref<1x4x1024xf32, #tpu.memory_space<vmem>> -> memref<4x1024xf32, #tpu.memory_space<vmem>>
      tpu.wait_dma2 semaphore(%run_scoped3A_642 : memref<!tpu.dma_semaphore, #tpu.memory_space<semaphore_mem>>) src(%dma_wait3A_674 : memref<4x1024xf32, #tpu.memory_space<vmem>>) dst(%dma_wait3A_670 : memref<4x1024xf32, #tpu.memory_space<hbm>>)
      tpu.yield
    }) : () -> ()
    %add3A_542 = arith.constant 48 : i32
    %add3A_543 = arith.addi %mul3A_4, %add3A_542 : i32
    %add3A_544 = arith.constant 2 : i32
    %add3A_545 = arith.addi %add3A_543, %add3A_544 : i32
    %run_scoped3A_546 = arith.constant 0 : i32
    "tpu.region"() ({
      %run_scoped3A_642 = tpu.sem_alloc : memref<!tpu.dma_semaphore, #tpu.memory_space<semaphore_mem>>
      %dma_start3A_643 = arith.constant 8 : i32
      %dma_start3A_644 = arith.constant 0 : i32
      %dma_start3A_645 = tpu.memref_slice %arg6[%run_scoped3A_546, %dma_start3A_643, %dma_start3A_644] : memref<6x16x1024xf32, #tpu.memory_space<vmem>> -> memref<1x4x1024xf32, #tpu.memory_space<vmem>>
      %dma_start3A_646 = tpu.memref_squeeze %dma_start3A_645 : memref<1x4x1024xf32, #tpu.memory_space<vmem>> -> memref<4x1024xf32, #tpu.memory_space<vmem>>
      %dma_start3A_647 = arith.constant 0 : i32
      %dma_start3A_648 = arith.constant 0 : i32
      %dma_start3A_649 = tpu.memref_slice %arg4[%add3A_545, %dma_start3A_647, %dma_start3A_648] : memref<2048x4x1024xf32, #tpu.memory_space<hbm>> -> memref<1x4x1024xf32, #tpu.memory_space<hbm>>
      %dma_start3A_650 = tpu.memref_squeeze %dma_start3A_649 : memref<1x4x1024xf32, #tpu.memory_space<hbm>> -> memref<4x1024xf32, #tpu.memory_space<hbm>>
      %dma_start3A_651 = arith.constant 0 : i32
      %dma_start3A_652 = arith.constant 0 : i32
      %dma_start3A_653 = tpu.memref_slice %arg4[%add3A_545, %dma_start3A_651, %dma_start3A_652] : memref<2048x4x1024xf32, #tpu.memory_space<hbm>> -> memref<1x4x1024xf32, #tpu.memory_space<hbm>>
      %dma_start3A_654 = tpu.memref_squeeze %dma_start3A_653 : memref<1x4x1024xf32, #tpu.memory_space<hbm>> -> memref<4x1024xf32, #tpu.memory_space<hbm>>
      %dma_start3A_655 = arith.constant 8 : i32
      %dma_start3A_656 = arith.constant 0 : i32
      %dma_start3A_657 = tpu.memref_slice %arg6[%run_scoped3A_546, %dma_start3A_655, %dma_start3A_656] : memref<6x16x1024xf32, #tpu.memory_space<vmem>> -> memref<1x4x1024xf32, #tpu.memory_space<vmem>>
      %dma_start3A_658 = tpu.memref_squeeze %dma_start3A_657 : memref<1x4x1024xf32, #tpu.memory_space<vmem>> -> memref<4x1024xf32, #tpu.memory_space<vmem>>
      tpu.enqueue_dma source(%dma_start3A_658 : memref<4x1024xf32, #tpu.memory_space<vmem>>) target(%dma_start3A_654 : memref<4x1024xf32, #tpu.memory_space<hbm>>) target_semaphore(%run_scoped3A_642 : memref<!tpu.dma_semaphore, #tpu.memory_space<semaphore_mem>>)
      %dma_wait3A_659 = arith.constant 8 : i32
      %dma_wait3A_660 = arith.constant 0 : i32
      %dma_wait3A_661 = tpu.memref_slice %arg6[%run_scoped3A_546, %dma_wait3A_659, %dma_wait3A_660] : memref<6x16x1024xf32, #tpu.memory_space<vmem>> -> memref<1x4x1024xf32, #tpu.memory_space<vmem>>
      %dma_wait3A_662 = tpu.memref_squeeze %dma_wait3A_661 : memref<1x4x1024xf32, #tpu.memory_space<vmem>> -> memref<4x1024xf32, #tpu.memory_space<vmem>>
      %dma_wait3A_663 = arith.constant 0 : i32
      %dma_wait3A_664 = arith.constant 0 : i32
      %dma_wait3A_665 = tpu.memref_slice %arg4[%add3A_545, %dma_wait3A_663, %dma_wait3A_664] : memref<2048x4x1024xf32, #tpu.memory_space<hbm>> -> memref<1x4x1024xf32, #tpu.memory_space<hbm>>
      %dma_wait3A_666 = tpu.memref_squeeze %dma_wait3A_665 : memref<1x4x1024xf32, #tpu.memory_space<hbm>> -> memref<4x1024xf32, #tpu.memory_space<hbm>>
      %dma_wait3A_667 = arith.constant 0 : i32
      %dma_wait3A_668 = arith.constant 0 : i32
      %dma_wait3A_669 = tpu.memref_slice %arg4[%add3A_545, %dma_wait3A_667, %dma_wait3A_668] : memref<2048x4x1024xf32, #tpu.memory_space<hbm>> -> memref<1x4x1024xf32, #tpu.memory_space<hbm>>
      %dma_wait3A_670 = tpu.memref_squeeze %dma_wait3A_669 : memref<1x4x1024xf32, #tpu.memory_space<hbm>> -> memref<4x1024xf32, #tpu.memory_space<hbm>>
      %dma_wait3A_671 = arith.constant 8 : i32
      %dma_wait3A_672 = arith.constant 0 : i32
      %dma_wait3A_673 = tpu.memref_slice %arg6[%run_scoped3A_546, %dma_wait3A_671, %dma_wait3A_672] : memref<6x16x1024xf32, #tpu.memory_space<vmem>> -> memref<1x4x1024xf32, #tpu.memory_space<vmem>>
      %dma_wait3A_674 = tpu.memref_squeeze %dma_wait3A_673 : memref<1x4x1024xf32, #tpu.memory_space<vmem>> -> memref<4x1024xf32, #tpu.memory_space<vmem>>
      tpu.wait_dma2 semaphore(%run_scoped3A_642 : memref<!tpu.dma_semaphore, #tpu.memory_space<semaphore_mem>>) src(%dma_wait3A_674 : memref<4x1024xf32, #tpu.memory_space<vmem>>) dst(%dma_wait3A_670 : memref<4x1024xf32, #tpu.memory_space<hbm>>)
      tpu.yield
    }) : () -> ()
    %add3A_547 = arith.constant 48 : i32
    %add3A_548 = arith.addi %mul3A_4, %add3A_547 : i32
    %add3A_549 = arith.constant 3 : i32
    %add3A_550 = arith.addi %add3A_548, %add3A_549 : i32
    %run_scoped3A_551 = arith.constant 0 : i32
    "tpu.region"() ({
      %run_scoped3A_642 = tpu.sem_alloc : memref<!tpu.dma_semaphore, #tpu.memory_space<semaphore_mem>>
      %dma_start3A_643 = arith.constant 12 : i32
      %dma_start3A_644 = arith.constant 0 : i32
      %dma_start3A_645 = tpu.memref_slice %arg6[%run_scoped3A_551, %dma_start3A_643, %dma_start3A_644] : memref<6x16x1024xf32, #tpu.memory_space<vmem>> -> memref<1x4x1024xf32, #tpu.memory_space<vmem>>
      %dma_start3A_646 = tpu.memref_squeeze %dma_start3A_645 : memref<1x4x1024xf32, #tpu.memory_space<vmem>> -> memref<4x1024xf32, #tpu.memory_space<vmem>>
      %dma_start3A_647 = arith.constant 0 : i32
      %dma_start3A_648 = arith.constant 0 : i32
      %dma_start3A_649 = tpu.memref_slice %arg4[%add3A_550, %dma_start3A_647, %dma_start3A_648] : memref<2048x4x1024xf32, #tpu.memory_space<hbm>> -> memref<1x4x1024xf32, #tpu.memory_space<hbm>>
      %dma_start3A_650 = tpu.memref_squeeze %dma_start3A_649 : memref<1x4x1024xf32, #tpu.memory_space<hbm>> -> memref<4x1024xf32, #tpu.memory_space<hbm>>
      %dma_start3A_651 = arith.constant 0 : i32
      %dma_start3A_652 = arith.constant 0 : i32
      %dma_start3A_653 = tpu.memref_slice %arg4[%add3A_550, %dma_start3A_651, %dma_start3A_652] : memref<2048x4x1024xf32, #tpu.memory_space<hbm>> -> memref<1x4x1024xf32, #tpu.memory_space<hbm>>
      %dma_start3A_654 = tpu.memref_squeeze %dma_start3A_653 : memref<1x4x1024xf32, #tpu.memory_space<hbm>> -> memref<4x1024xf32, #tpu.memory_space<hbm>>
      %dma_start3A_655 = arith.constant 12 : i32
      %dma_start3A_656 = arith.constant 0 : i32
      %dma_start3A_657 = tpu.memref_slice %arg6[%run_scoped3A_551, %dma_start3A_655, %dma_start3A_656] : memref<6x16x1024xf32, #tpu.memory_space<vmem>> -> memref<1x4x1024xf32, #tpu.memory_space<vmem>>
      %dma_start3A_658 = tpu.memref_squeeze %dma_start3A_657 : memref<1x4x1024xf32, #tpu.memory_space<vmem>> -> memref<4x1024xf32, #tpu.memory_space<vmem>>
      tpu.enqueue_dma source(%dma_start3A_658 : memref<4x1024xf32, #tpu.memory_space<vmem>>) target(%dma_start3A_654 : memref<4x1024xf32, #tpu.memory_space<hbm>>) target_semaphore(%run_scoped3A_642 : memref<!tpu.dma_semaphore, #tpu.memory_space<semaphore_mem>>)
      %dma_wait3A_659 = arith.constant 12 : i32
      %dma_wait3A_660 = arith.constant 0 : i32
      %dma_wait3A_661 = tpu.memref_slice %arg6[%run_scoped3A_551, %dma_wait3A_659, %dma_wait3A_660] : memref<6x16x1024xf32, #tpu.memory_space<vmem>> -> memref<1x4x1024xf32, #tpu.memory_space<vmem>>
      %dma_wait3A_662 = tpu.memref_squeeze %dma_wait3A_661 : memref<1x4x1024xf32, #tpu.memory_space<vmem>> -> memref<4x1024xf32, #tpu.memory_space<vmem>>
      %dma_wait3A_663 = arith.constant 0 : i32
      %dma_wait3A_664 = arith.constant 0 : i32
      %dma_wait3A_665 = tpu.memref_slice %arg4[%add3A_550, %dma_wait3A_663, %dma_wait3A_664] : memref<2048x4x1024xf32, #tpu.memory_space<hbm>> -> memref<1x4x1024xf32, #tpu.memory_space<hbm>>
      %dma_wait3A_666 = tpu.memref_squeeze %dma_wait3A_665 : memref<1x4x1024xf32, #tpu.memory_space<hbm>> -> memref<4x1024xf32, #tpu.memory_space<hbm>>
      %dma_wait3A_667 = arith.constant 0 : i32
      %dma_wait3A_668 = arith.constant 0 : i32
      %dma_wait3A_669 = tpu.memref_slice %arg4[%add3A_550, %dma_wait3A_667, %dma_wait3A_668] : memref<2048x4x1024xf32, #tpu.memory_space<hbm>> -> memref<1x4x1024xf32, #tpu.memory_space<hbm>>
      %dma_wait3A_670 = tpu.memref_squeeze %dma_wait3A_669 : memref<1x4x1024xf32, #tpu.memory_space<hbm>> -> memref<4x1024xf32, #tpu.memory_space<hbm>>
      %dma_wait3A_671 = arith.constant 12 : i32
      %dma_wait3A_672 = arith.constant 0 : i32
      %dma_wait3A_673 = tpu.memref_slice %arg6[%run_scoped3A_551, %dma_wait3A_671, %dma_wait3A_672] : memref<6x16x1024xf32, #tpu.memory_space<vmem>> -> memref<1x4x1024xf32, #tpu.memory_space<vmem>>
      %dma_wait3A_674 = tpu.memref_squeeze %dma_wait3A_673 : memref<1x4x1024xf32, #tpu.memory_space<vmem>> -> memref<4x1024xf32, #tpu.memory_space<vmem>>
      tpu.wait_dma2 semaphore(%run_scoped3A_642 : memref<!tpu.dma_semaphore, #tpu.memory_space<semaphore_mem>>) src(%dma_wait3A_674 : memref<4x1024xf32, #tpu.memory_space<vmem>>) dst(%dma_wait3A_670 : memref<4x1024xf32, #tpu.memory_space<hbm>>)
      tpu.yield
    }) : () -> ()
    %dma_wait3A_552 = arith.constant 1 : i32
    %dma_wait3A_553 = arith.constant 0 : i32
    %dma_wait3A_554 = arith.constant 0 : i32
    %dma_wait3A_555 = tpu.memref_slice %arg6[%dma_wait3A_552, %dma_wait3A_553, %dma_wait3A_554] : memref<6x16x1024xf32, #tpu.memory_space<vmem>> -> memref<1x16x1024xf32, #tpu.memory_space<vmem>>
    %dma_wait3A_556 = tpu.memref_squeeze %dma_wait3A_555 : memref<1x16x1024xf32, #tpu.memory_space<vmem>> -> memref<16x1024xf32, #tpu.memory_space<vmem>>
    %dma_wait3A_557 = arith.constant 208 : i32
    %dma_wait3A_558 = tpu.memref_slice %arg5[%dma_wait3A_557] : memref<256xi32, #tpu.memory_space<vmem>> -> memref<16xi32, #tpu.memory_space<vmem>>
    %dma_wait3A_559 = arith.constant 0 : i32
    %dma_wait3A_560 = arith.constant 0 : i32
    %dma_wait3A_561 = tpu.memref_slice %arg2[%dma_wait3A_559, %dma_wait3A_560] : memref<150528x1024xf32, #tpu.memory_space<hbm>> -> memref<150528x1024xf32, #tpu.memory_space<hbm>>
    tpu.wait_indirect_dma semaphore(%arg8 : memref<!tpu.dma_semaphore, #tpu.memory_space<semaphore_mem>>) src(%dma_wait3A_561 : memref<150528x1024xf32, #tpu.memory_space<hbm>>) dst(%dma_wait3A_556 : memref<16x1024xf32, #tpu.memory_space<vmem>>)
    %add3A_562 = arith.constant 52 : i32
    %add3A_563 = arith.addi %mul3A_4, %add3A_562 : i32
    %add3A_564 = arith.constant 0 : i32
    %add3A_565 = arith.addi %add3A_563, %add3A_564 : i32
    %run_scoped3A_566 = arith.constant 1 : i32
    "tpu.region"() ({
      %run_scoped3A_642 = tpu.sem_alloc : memref<!tpu.dma_semaphore, #tpu.memory_space<semaphore_mem>>
      %dma_start3A_643 = arith.constant 0 : i32
      %dma_start3A_644 = arith.constant 0 : i32
      %dma_start3A_645 = tpu.memref_slice %arg6[%run_scoped3A_566, %dma_start3A_643, %dma_start3A_644] : memref<6x16x1024xf32, #tpu.memory_space<vmem>> -> memref<1x4x1024xf32, #tpu.memory_space<vmem>>
      %dma_start3A_646 = tpu.memref_squeeze %dma_start3A_645 : memref<1x4x1024xf32, #tpu.memory_space<vmem>> -> memref<4x1024xf32, #tpu.memory_space<vmem>>
      %dma_start3A_647 = arith.constant 0 : i32
      %dma_start3A_648 = arith.constant 0 : i32
      %dma_start3A_649 = tpu.memref_slice %arg4[%add3A_565, %dma_start3A_647, %dma_start3A_648] : memref<2048x4x1024xf32, #tpu.memory_space<hbm>> -> memref<1x4x1024xf32, #tpu.memory_space<hbm>>
      %dma_start3A_650 = tpu.memref_squeeze %dma_start3A_649 : memref<1x4x1024xf32, #tpu.memory_space<hbm>> -> memref<4x1024xf32, #tpu.memory_space<hbm>>
      %dma_start3A_651 = arith.constant 0 : i32
      %dma_start3A_652 = arith.constant 0 : i32
      %dma_start3A_653 = tpu.memref_slice %arg4[%add3A_565, %dma_start3A_651, %dma_start3A_652] : memref<2048x4x1024xf32, #tpu.memory_space<hbm>> -> memref<1x4x1024xf32, #tpu.memory_space<hbm>>
      %dma_start3A_654 = tpu.memref_squeeze %dma_start3A_653 : memref<1x4x1024xf32, #tpu.memory_space<hbm>> -> memref<4x1024xf32, #tpu.memory_space<hbm>>
      %dma_start3A_655 = arith.constant 0 : i32
      %dma_start3A_656 = arith.constant 0 : i32
      %dma_start3A_657 = tpu.memref_slice %arg6[%run_scoped3A_566, %dma_start3A_655, %dma_start3A_656] : memref<6x16x1024xf32, #tpu.memory_space<vmem>> -> memref<1x4x1024xf32, #tpu.memory_space<vmem>>
      %dma_start3A_658 = tpu.memref_squeeze %dma_start3A_657 : memref<1x4x1024xf32, #tpu.memory_space<vmem>> -> memref<4x1024xf32, #tpu.memory_space<vmem>>
      tpu.enqueue_dma source(%dma_start3A_658 : memref<4x1024xf32, #tpu.memory_space<vmem>>) target(%dma_start3A_654 : memref<4x1024xf32, #tpu.memory_space<hbm>>) target_semaphore(%run_scoped3A_642 : memref<!tpu.dma_semaphore, #tpu.memory_space<semaphore_mem>>)
      %dma_wait3A_659 = arith.constant 0 : i32
      %dma_wait3A_660 = arith.constant 0 : i32
      %dma_wait3A_661 = tpu.memref_slice %arg6[%run_scoped3A_566, %dma_wait3A_659, %dma_wait3A_660] : memref<6x16x1024xf32, #tpu.memory_space<vmem>> -> memref<1x4x1024xf32, #tpu.memory_space<vmem>>
      %dma_wait3A_662 = tpu.memref_squeeze %dma_wait3A_661 : memref<1x4x1024xf32, #tpu.memory_space<vmem>> -> memref<4x1024xf32, #tpu.memory_space<vmem>>
      %dma_wait3A_663 = arith.constant 0 : i32
      %dma_wait3A_664 = arith.constant 0 : i32
      %dma_wait3A_665 = tpu.memref_slice %arg4[%add3A_565, %dma_wait3A_663, %dma_wait3A_664] : memref<2048x4x1024xf32, #tpu.memory_space<hbm>> -> memref<1x4x1024xf32, #tpu.memory_space<hbm>>
      %dma_wait3A_666 = tpu.memref_squeeze %dma_wait3A_665 : memref<1x4x1024xf32, #tpu.memory_space<hbm>> -> memref<4x1024xf32, #tpu.memory_space<hbm>>
      %dma_wait3A_667 = arith.constant 0 : i32
      %dma_wait3A_668 = arith.constant 0 : i32
      %dma_wait3A_669 = tpu.memref_slice %arg4[%add3A_565, %dma_wait3A_667, %dma_wait3A_668] : memref<2048x4x1024xf32, #tpu.memory_space<hbm>> -> memref<1x4x1024xf32, #tpu.memory_space<hbm>>
      %dma_wait3A_670 = tpu.memref_squeeze %dma_wait3A_669 : memref<1x4x1024xf32, #tpu.memory_space<hbm>> -> memref<4x1024xf32, #tpu.memory_space<hbm>>
      %dma_wait3A_671 = arith.constant 0 : i32
      %dma_wait3A_672 = arith.constant 0 : i32
      %dma_wait3A_673 = tpu.memref_slice %arg6[%run_scoped3A_566, %dma_wait3A_671, %dma_wait3A_672] : memref<6x16x1024xf32, #tpu.memory_space<vmem>> -> memref<1x4x1024xf32, #tpu.memory_space<vmem>>
      %dma_wait3A_674 = tpu.memref_squeeze %dma_wait3A_673 : memref<1x4x1024xf32, #tpu.memory_space<vmem>> -> memref<4x1024xf32, #tpu.memory_space<vmem>>
      tpu.wait_dma2 semaphore(%run_scoped3A_642 : memref<!tpu.dma_semaphore, #tpu.memory_space<semaphore_mem>>) src(%dma_wait3A_674 : memref<4x1024xf32, #tpu.memory_space<vmem>>) dst(%dma_wait3A_670 : memref<4x1024xf32, #tpu.memory_space<hbm>>)
      tpu.yield
    }) : () -> ()
    %add3A_567 = arith.constant 52 : i32
    %add3A_568 = arith.addi %mul3A_4, %add3A_567 : i32
    %add3A_569 = arith.constant 1 : i32
    %add3A_570 = arith.addi %add3A_568, %add3A_569 : i32
    %run_scoped3A_571 = arith.constant 1 : i32
    "tpu.region"() ({
      %run_scoped3A_642 = tpu.sem_alloc : memref<!tpu.dma_semaphore, #tpu.memory_space<semaphore_mem>>
      %dma_start3A_643 = arith.constant 4 : i32
      %dma_start3A_644 = arith.constant 0 : i32
      %dma_start3A_645 = tpu.memref_slice %arg6[%run_scoped3A_571, %dma_start3A_643, %dma_start3A_644] : memref<6x16x1024xf32, #tpu.memory_space<vmem>> -> memref<1x4x1024xf32, #tpu.memory_space<vmem>>
      %dma_start3A_646 = tpu.memref_squeeze %dma_start3A_645 : memref<1x4x1024xf32, #tpu.memory_space<vmem>> -> memref<4x1024xf32, #tpu.memory_space<vmem>>
      %dma_start3A_647 = arith.constant 0 : i32
      %dma_start3A_648 = arith.constant 0 : i32
      %dma_start3A_649 = tpu.memref_slice %arg4[%add3A_570, %dma_start3A_647, %dma_start3A_648] : memref<2048x4x1024xf32, #tpu.memory_space<hbm>> -> memref<1x4x1024xf32, #tpu.memory_space<hbm>>
      %dma_start3A_650 = tpu.memref_squeeze %dma_start3A_649 : memref<1x4x1024xf32, #tpu.memory_space<hbm>> -> memref<4x1024xf32, #tpu.memory_space<hbm>>
      %dma_start3A_651 = arith.constant 0 : i32
      %dma_start3A_652 = arith.constant 0 : i32
      %dma_start3A_653 = tpu.memref_slice %arg4[%add3A_570, %dma_start3A_651, %dma_start3A_652] : memref<2048x4x1024xf32, #tpu.memory_space<hbm>> -> memref<1x4x1024xf32, #tpu.memory_space<hbm>>
      %dma_start3A_654 = tpu.memref_squeeze %dma_start3A_653 : memref<1x4x1024xf32, #tpu.memory_space<hbm>> -> memref<4x1024xf32, #tpu.memory_space<hbm>>
      %dma_start3A_655 = arith.constant 4 : i32
      %dma_start3A_656 = arith.constant 0 : i32
      %dma_start3A_657 = tpu.memref_slice %arg6[%run_scoped3A_571, %dma_start3A_655, %dma_start3A_656] : memref<6x16x1024xf32, #tpu.memory_space<vmem>> -> memref<1x4x1024xf32, #tpu.memory_space<vmem>>
      %dma_start3A_658 = tpu.memref_squeeze %dma_start3A_657 : memref<1x4x1024xf32, #tpu.memory_space<vmem>> -> memref<4x1024xf32, #tpu.memory_space<vmem>>
      tpu.enqueue_dma source(%dma_start3A_658 : memref<4x1024xf32, #tpu.memory_space<vmem>>) target(%dma_start3A_654 : memref<4x1024xf32, #tpu.memory_space<hbm>>) target_semaphore(%run_scoped3A_642 : memref<!tpu.dma_semaphore, #tpu.memory_space<semaphore_mem>>)
      %dma_wait3A_659 = arith.constant 4 : i32
      %dma_wait3A_660 = arith.constant 0 : i32
      %dma_wait3A_661 = tpu.memref_slice %arg6[%run_scoped3A_571, %dma_wait3A_659, %dma_wait3A_660] : memref<6x16x1024xf32, #tpu.memory_space<vmem>> -> memref<1x4x1024xf32, #tpu.memory_space<vmem>>
      %dma_wait3A_662 = tpu.memref_squeeze %dma_wait3A_661 : memref<1x4x1024xf32, #tpu.memory_space<vmem>> -> memref<4x1024xf32, #tpu.memory_space<vmem>>
      %dma_wait3A_663 = arith.constant 0 : i32
      %dma_wait3A_664 = arith.constant 0 : i32
      %dma_wait3A_665 = tpu.memref_slice %arg4[%add3A_570, %dma_wait3A_663, %dma_wait3A_664] : memref<2048x4x1024xf32, #tpu.memory_space<hbm>> -> memref<1x4x1024xf32, #tpu.memory_space<hbm>>
      %dma_wait3A_666 = tpu.memref_squeeze %dma_wait3A_665 : memref<1x4x1024xf32, #tpu.memory_space<hbm>> -> memref<4x1024xf32, #tpu.memory_space<hbm>>
      %dma_wait3A_667 = arith.constant 0 : i32
      %dma_wait3A_668 = arith.constant 0 : i32
      %dma_wait3A_669 = tpu.memref_slice %arg4[%add3A_570, %dma_wait3A_667, %dma_wait3A_668] : memref<2048x4x1024xf32, #tpu.memory_space<hbm>> -> memref<1x4x1024xf32, #tpu.memory_space<hbm>>
      %dma_wait3A_670 = tpu.memref_squeeze %dma_wait3A_669 : memref<1x4x1024xf32, #tpu.memory_space<hbm>> -> memref<4x1024xf32, #tpu.memory_space<hbm>>
      %dma_wait3A_671 = arith.constant 4 : i32
      %dma_wait3A_672 = arith.constant 0 : i32
      %dma_wait3A_673 = tpu.memref_slice %arg6[%run_scoped3A_571, %dma_wait3A_671, %dma_wait3A_672] : memref<6x16x1024xf32, #tpu.memory_space<vmem>> -> memref<1x4x1024xf32, #tpu.memory_space<vmem>>
      %dma_wait3A_674 = tpu.memref_squeeze %dma_wait3A_673 : memref<1x4x1024xf32, #tpu.memory_space<vmem>> -> memref<4x1024xf32, #tpu.memory_space<vmem>>
      tpu.wait_dma2 semaphore(%run_scoped3A_642 : memref<!tpu.dma_semaphore, #tpu.memory_space<semaphore_mem>>) src(%dma_wait3A_674 : memref<4x1024xf32, #tpu.memory_space<vmem>>) dst(%dma_wait3A_670 : memref<4x1024xf32, #tpu.memory_space<hbm>>)
      tpu.yield
    }) : () -> ()
    %add3A_572 = arith.constant 52 : i32
    %add3A_573 = arith.addi %mul3A_4, %add3A_572 : i32
    %add3A_574 = arith.constant 2 : i32
    %add3A_575 = arith.addi %add3A_573, %add3A_574 : i32
    %run_scoped3A_576 = arith.constant 1 : i32
    "tpu.region"() ({
      %run_scoped3A_642 = tpu.sem_alloc : memref<!tpu.dma_semaphore, #tpu.memory_space<semaphore_mem>>
      %dma_start3A_643 = arith.constant 8 : i32
      %dma_start3A_644 = arith.constant 0 : i32
      %dma_start3A_645 = tpu.memref_slice %arg6[%run_scoped3A_576, %dma_start3A_643, %dma_start3A_644] : memref<6x16x1024xf32, #tpu.memory_space<vmem>> -> memref<1x4x1024xf32, #tpu.memory_space<vmem>>
      %dma_start3A_646 = tpu.memref_squeeze %dma_start3A_645 : memref<1x4x1024xf32, #tpu.memory_space<vmem>> -> memref<4x1024xf32, #tpu.memory_space<vmem>>
      %dma_start3A_647 = arith.constant 0 : i32
      %dma_start3A_648 = arith.constant 0 : i32
      %dma_start3A_649 = tpu.memref_slice %arg4[%add3A_575, %dma_start3A_647, %dma_start3A_648] : memref<2048x4x1024xf32, #tpu.memory_space<hbm>> -> memref<1x4x1024xf32, #tpu.memory_space<hbm>>
      %dma_start3A_650 = tpu.memref_squeeze %dma_start3A_649 : memref<1x4x1024xf32, #tpu.memory_space<hbm>> -> memref<4x1024xf32, #tpu.memory_space<hbm>>
      %dma_start3A_651 = arith.constant 0 : i32
      %dma_start3A_652 = arith.constant 0 : i32
      %dma_start3A_653 = tpu.memref_slice %arg4[%add3A_575, %dma_start3A_651, %dma_start3A_652] : memref<2048x4x1024xf32, #tpu.memory_space<hbm>> -> memref<1x4x1024xf32, #tpu.memory_space<hbm>>
      %dma_start3A_654 = tpu.memref_squeeze %dma_start3A_653 : memref<1x4x1024xf32, #tpu.memory_space<hbm>> -> memref<4x1024xf32, #tpu.memory_space<hbm>>
      %dma_start3A_655 = arith.constant 8 : i32
      %dma_start3A_656 = arith.constant 0 : i32
      %dma_start3A_657 = tpu.memref_slice %arg6[%run_scoped3A_576, %dma_start3A_655, %dma_start3A_656] : memref<6x16x1024xf32, #tpu.memory_space<vmem>> -> memref<1x4x1024xf32, #tpu.memory_space<vmem>>
      %dma_start3A_658 = tpu.memref_squeeze %dma_start3A_657 : memref<1x4x1024xf32, #tpu.memory_space<vmem>> -> memref<4x1024xf32, #tpu.memory_space<vmem>>
      tpu.enqueue_dma source(%dma_start3A_658 : memref<4x1024xf32, #tpu.memory_space<vmem>>) target(%dma_start3A_654 : memref<4x1024xf32, #tpu.memory_space<hbm>>) target_semaphore(%run_scoped3A_642 : memref<!tpu.dma_semaphore, #tpu.memory_space<semaphore_mem>>)
      %dma_wait3A_659 = arith.constant 8 : i32
      %dma_wait3A_660 = arith.constant 0 : i32
      %dma_wait3A_661 = tpu.memref_slice %arg6[%run_scoped3A_576, %dma_wait3A_659, %dma_wait3A_660] : memref<6x16x1024xf32, #tpu.memory_space<vmem>> -> memref<1x4x1024xf32, #tpu.memory_space<vmem>>
      %dma_wait3A_662 = tpu.memref_squeeze %dma_wait3A_661 : memref<1x4x1024xf32, #tpu.memory_space<vmem>> -> memref<4x1024xf32, #tpu.memory_space<vmem>>
      %dma_wait3A_663 = arith.constant 0 : i32
      %dma_wait3A_664 = arith.constant 0 : i32
      %dma_wait3A_665 = tpu.memref_slice %arg4[%add3A_575, %dma_wait3A_663, %dma_wait3A_664] : memref<2048x4x1024xf32, #tpu.memory_space<hbm>> -> memref<1x4x1024xf32, #tpu.memory_space<hbm>>
      %dma_wait3A_666 = tpu.memref_squeeze %dma_wait3A_665 : memref<1x4x1024xf32, #tpu.memory_space<hbm>> -> memref<4x1024xf32, #tpu.memory_space<hbm>>
      %dma_wait3A_667 = arith.constant 0 : i32
      %dma_wait3A_668 = arith.constant 0 : i32
      %dma_wait3A_669 = tpu.memref_slice %arg4[%add3A_575, %dma_wait3A_667, %dma_wait3A_668] : memref<2048x4x1024xf32, #tpu.memory_space<hbm>> -> memref<1x4x1024xf32, #tpu.memory_space<hbm>>
      %dma_wait3A_670 = tpu.memref_squeeze %dma_wait3A_669 : memref<1x4x1024xf32, #tpu.memory_space<hbm>> -> memref<4x1024xf32, #tpu.memory_space<hbm>>
      %dma_wait3A_671 = arith.constant 8 : i32
      %dma_wait3A_672 = arith.constant 0 : i32
      %dma_wait3A_673 = tpu.memref_slice %arg6[%run_scoped3A_576, %dma_wait3A_671, %dma_wait3A_672] : memref<6x16x1024xf32, #tpu.memory_space<vmem>> -> memref<1x4x1024xf32, #tpu.memory_space<vmem>>
      %dma_wait3A_674 = tpu.memref_squeeze %dma_wait3A_673 : memref<1x4x1024xf32, #tpu.memory_space<vmem>> -> memref<4x1024xf32, #tpu.memory_space<vmem>>
      tpu.wait_dma2 semaphore(%run_scoped3A_642 : memref<!tpu.dma_semaphore, #tpu.memory_space<semaphore_mem>>) src(%dma_wait3A_674 : memref<4x1024xf32, #tpu.memory_space<vmem>>) dst(%dma_wait3A_670 : memref<4x1024xf32, #tpu.memory_space<hbm>>)
      tpu.yield
    }) : () -> ()
    %add3A_577 = arith.constant 52 : i32
    %add3A_578 = arith.addi %mul3A_4, %add3A_577 : i32
    %add3A_579 = arith.constant 3 : i32
    %add3A_580 = arith.addi %add3A_578, %add3A_579 : i32
    %run_scoped3A_581 = arith.constant 1 : i32
    "tpu.region"() ({
      %run_scoped3A_642 = tpu.sem_alloc : memref<!tpu.dma_semaphore, #tpu.memory_space<semaphore_mem>>
      %dma_start3A_643 = arith.constant 12 : i32
      %dma_start3A_644 = arith.constant 0 : i32
      %dma_start3A_645 = tpu.memref_slice %arg6[%run_scoped3A_581, %dma_start3A_643, %dma_start3A_644] : memref<6x16x1024xf32, #tpu.memory_space<vmem>> -> memref<1x4x1024xf32, #tpu.memory_space<vmem>>
      %dma_start3A_646 = tpu.memref_squeeze %dma_start3A_645 : memref<1x4x1024xf32, #tpu.memory_space<vmem>> -> memref<4x1024xf32, #tpu.memory_space<vmem>>
      %dma_start3A_647 = arith.constant 0 : i32
      %dma_start3A_648 = arith.constant 0 : i32
      %dma_start3A_649 = tpu.memref_slice %arg4[%add3A_580, %dma_start3A_647, %dma_start3A_648] : memref<2048x4x1024xf32, #tpu.memory_space<hbm>> -> memref<1x4x1024xf32, #tpu.memory_space<hbm>>
      %dma_start3A_650 = tpu.memref_squeeze %dma_start3A_649 : memref<1x4x1024xf32, #tpu.memory_space<hbm>> -> memref<4x1024xf32, #tpu.memory_space<hbm>>
      %dma_start3A_651 = arith.constant 0 : i32
      %dma_start3A_652 = arith.constant 0 : i32
      %dma_start3A_653 = tpu.memref_slice %arg4[%add3A_580, %dma_start3A_651, %dma_start3A_652] : memref<2048x4x1024xf32, #tpu.memory_space<hbm>> -> memref<1x4x1024xf32, #tpu.memory_space<hbm>>
      %dma_start3A_654 = tpu.memref_squeeze %dma_start3A_653 : memref<1x4x1024xf32, #tpu.memory_space<hbm>> -> memref<4x1024xf32, #tpu.memory_space<hbm>>
      %dma_start3A_655 = arith.constant 12 : i32
      %dma_start3A_656 = arith.constant 0 : i32
      %dma_start3A_657 = tpu.memref_slice %arg6[%run_scoped3A_581, %dma_start3A_655, %dma_start3A_656] : memref<6x16x1024xf32, #tpu.memory_space<vmem>> -> memref<1x4x1024xf32, #tpu.memory_space<vmem>>
      %dma_start3A_658 = tpu.memref_squeeze %dma_start3A_657 : memref<1x4x1024xf32, #tpu.memory_space<vmem>> -> memref<4x1024xf32, #tpu.memory_space<vmem>>
      tpu.enqueue_dma source(%dma_start3A_658 : memref<4x1024xf32, #tpu.memory_space<vmem>>) target(%dma_start3A_654 : memref<4x1024xf32, #tpu.memory_space<hbm>>) target_semaphore(%run_scoped3A_642 : memref<!tpu.dma_semaphore, #tpu.memory_space<semaphore_mem>>)
      %dma_wait3A_659 = arith.constant 12 : i32
      %dma_wait3A_660 = arith.constant 0 : i32
      %dma_wait3A_661 = tpu.memref_slice %arg6[%run_scoped3A_581, %dma_wait3A_659, %dma_wait3A_660] : memref<6x16x1024xf32, #tpu.memory_space<vmem>> -> memref<1x4x1024xf32, #tpu.memory_space<vmem>>
      %dma_wait3A_662 = tpu.memref_squeeze %dma_wait3A_661 : memref<1x4x1024xf32, #tpu.memory_space<vmem>> -> memref<4x1024xf32, #tpu.memory_space<vmem>>
      %dma_wait3A_663 = arith.constant 0 : i32
      %dma_wait3A_664 = arith.constant 0 : i32
      %dma_wait3A_665 = tpu.memref_slice %arg4[%add3A_580, %dma_wait3A_663, %dma_wait3A_664] : memref<2048x4x1024xf32, #tpu.memory_space<hbm>> -> memref<1x4x1024xf32, #tpu.memory_space<hbm>>
      %dma_wait3A_666 = tpu.memref_squeeze %dma_wait3A_665 : memref<1x4x1024xf32, #tpu.memory_space<hbm>> -> memref<4x1024xf32, #tpu.memory_space<hbm>>
      %dma_wait3A_667 = arith.constant 0 : i32
      %dma_wait3A_668 = arith.constant 0 : i32
      %dma_wait3A_669 = tpu.memref_slice %arg4[%add3A_580, %dma_wait3A_667, %dma_wait3A_668] : memref<2048x4x1024xf32, #tpu.memory_space<hbm>> -> memref<1x4x1024xf32, #tpu.memory_space<hbm>>
      %dma_wait3A_670 = tpu.memref_squeeze %dma_wait3A_669 : memref<1x4x1024xf32, #tpu.memory_space<hbm>> -> memref<4x1024xf32, #tpu.memory_space<hbm>>
      %dma_wait3A_671 = arith.constant 12 : i32
      %dma_wait3A_672 = arith.constant 0 : i32
      %dma_wait3A_673 = tpu.memref_slice %arg6[%run_scoped3A_581, %dma_wait3A_671, %dma_wait3A_672] : memref<6x16x1024xf32, #tpu.memory_space<vmem>> -> memref<1x4x1024xf32, #tpu.memory_space<vmem>>
      %dma_wait3A_674 = tpu.memref_squeeze %dma_wait3A_673 : memref<1x4x1024xf32, #tpu.memory_space<vmem>> -> memref<4x1024xf32, #tpu.memory_space<vmem>>
      tpu.wait_dma2 semaphore(%run_scoped3A_642 : memref<!tpu.dma_semaphore, #tpu.memory_space<semaphore_mem>>) src(%dma_wait3A_674 : memref<4x1024xf32, #tpu.memory_space<vmem>>) dst(%dma_wait3A_670 : memref<4x1024xf32, #tpu.memory_space<hbm>>)
      tpu.yield
    }) : () -> ()
    %dma_wait3A_582 = arith.constant 2 : i32
    %dma_wait3A_583 = arith.constant 0 : i32
    %dma_wait3A_584 = arith.constant 0 : i32
    %dma_wait3A_585 = tpu.memref_slice %arg6[%dma_wait3A_582, %dma_wait3A_583, %dma_wait3A_584] : memref<6x16x1024xf32, #tpu.memory_space<vmem>> -> memref<1x16x1024xf32, #tpu.memory_space<vmem>>
    %dma_wait3A_586 = tpu.memref_squeeze %dma_wait3A_585 : memref<1x16x1024xf32, #tpu.memory_space<vmem>> -> memref<16x1024xf32, #tpu.memory_space<vmem>>
    %dma_wait3A_587 = arith.constant 224 : i32
    %dma_wait3A_588 = tpu.memref_slice %arg5[%dma_wait3A_587] : memref<256xi32, #tpu.memory_space<vmem>> -> memref<16xi32, #tpu.memory_space<vmem>>
    %dma_wait3A_589 = arith.constant 0 : i32
    %dma_wait3A_590 = arith.constant 0 : i32
    %dma_wait3A_591 = tpu.memref_slice %arg2[%dma_wait3A_589, %dma_wait3A_590] : memref<150528x1024xf32, #tpu.memory_space<hbm>> -> memref<150528x1024xf32, #tpu.memory_space<hbm>>
    tpu.wait_indirect_dma semaphore(%arg9 : memref<!tpu.dma_semaphore, #tpu.memory_space<semaphore_mem>>) src(%dma_wait3A_591 : memref<150528x1024xf32, #tpu.memory_space<hbm>>) dst(%dma_wait3A_586 : memref<16x1024xf32, #tpu.memory_space<vmem>>)
    %add3A_592 = arith.constant 56 : i32
    %add3A_593 = arith.addi %mul3A_4, %add3A_592 : i32
    %add3A_594 = arith.constant 0 : i32
    %add3A_595 = arith.addi %add3A_593, %add3A_594 : i32
    %run_scoped3A_596 = arith.constant 2 : i32
    "tpu.region"() ({
      %run_scoped3A_642 = tpu.sem_alloc : memref<!tpu.dma_semaphore, #tpu.memory_space<semaphore_mem>>
      %dma_start3A_643 = arith.constant 0 : i32
      %dma_start3A_644 = arith.constant 0 : i32
      %dma_start3A_645 = tpu.memref_slice %arg6[%run_scoped3A_596, %dma_start3A_643, %dma_start3A_644] : memref<6x16x1024xf32, #tpu.memory_space<vmem>> -> memref<1x4x1024xf32, #tpu.memory_space<vmem>>
      %dma_start3A_646 = tpu.memref_squeeze %dma_start3A_645 : memref<1x4x1024xf32, #tpu.memory_space<vmem>> -> memref<4x1024xf32, #tpu.memory_space<vmem>>
      %dma_start3A_647 = arith.constant 0 : i32
      %dma_start3A_648 = arith.constant 0 : i32
      %dma_start3A_649 = tpu.memref_slice %arg4[%add3A_595, %dma_start3A_647, %dma_start3A_648] : memref<2048x4x1024xf32, #tpu.memory_space<hbm>> -> memref<1x4x1024xf32, #tpu.memory_space<hbm>>
      %dma_start3A_650 = tpu.memref_squeeze %dma_start3A_649 : memref<1x4x1024xf32, #tpu.memory_space<hbm>> -> memref<4x1024xf32, #tpu.memory_space<hbm>>
      %dma_start3A_651 = arith.constant 0 : i32
      %dma_start3A_652 = arith.constant 0 : i32
      %dma_start3A_653 = tpu.memref_slice %arg4[%add3A_595, %dma_start3A_651, %dma_start3A_652] : memref<2048x4x1024xf32, #tpu.memory_space<hbm>> -> memref<1x4x1024xf32, #tpu.memory_space<hbm>>
      %dma_start3A_654 = tpu.memref_squeeze %dma_start3A_653 : memref<1x4x1024xf32, #tpu.memory_space<hbm>> -> memref<4x1024xf32, #tpu.memory_space<hbm>>
      %dma_start3A_655 = arith.constant 0 : i32
      %dma_start3A_656 = arith.constant 0 : i32
      %dma_start3A_657 = tpu.memref_slice %arg6[%run_scoped3A_596, %dma_start3A_655, %dma_start3A_656] : memref<6x16x1024xf32, #tpu.memory_space<vmem>> -> memref<1x4x1024xf32, #tpu.memory_space<vmem>>
      %dma_start3A_658 = tpu.memref_squeeze %dma_start3A_657 : memref<1x4x1024xf32, #tpu.memory_space<vmem>> -> memref<4x1024xf32, #tpu.memory_space<vmem>>
      tpu.enqueue_dma source(%dma_start3A_658 : memref<4x1024xf32, #tpu.memory_space<vmem>>) target(%dma_start3A_654 : memref<4x1024xf32, #tpu.memory_space<hbm>>) target_semaphore(%run_scoped3A_642 : memref<!tpu.dma_semaphore, #tpu.memory_space<semaphore_mem>>)
      %dma_wait3A_659 = arith.constant 0 : i32
      %dma_wait3A_660 = arith.constant 0 : i32
      %dma_wait3A_661 = tpu.memref_slice %arg6[%run_scoped3A_596, %dma_wait3A_659, %dma_wait3A_660] : memref<6x16x1024xf32, #tpu.memory_space<vmem>> -> memref<1x4x1024xf32, #tpu.memory_space<vmem>>
      %dma_wait3A_662 = tpu.memref_squeeze %dma_wait3A_661 : memref<1x4x1024xf32, #tpu.memory_space<vmem>> -> memref<4x1024xf32, #tpu.memory_space<vmem>>
      %dma_wait3A_663 = arith.constant 0 : i32
      %dma_wait3A_664 = arith.constant 0 : i32
      %dma_wait3A_665 = tpu.memref_slice %arg4[%add3A_595, %dma_wait3A_663, %dma_wait3A_664] : memref<2048x4x1024xf32, #tpu.memory_space<hbm>> -> memref<1x4x1024xf32, #tpu.memory_space<hbm>>
      %dma_wait3A_666 = tpu.memref_squeeze %dma_wait3A_665 : memref<1x4x1024xf32, #tpu.memory_space<hbm>> -> memref<4x1024xf32, #tpu.memory_space<hbm>>
      %dma_wait3A_667 = arith.constant 0 : i32
      %dma_wait3A_668 = arith.constant 0 : i32
      %dma_wait3A_669 = tpu.memref_slice %arg4[%add3A_595, %dma_wait3A_667, %dma_wait3A_668] : memref<2048x4x1024xf32, #tpu.memory_space<hbm>> -> memref<1x4x1024xf32, #tpu.memory_space<hbm>>
      %dma_wait3A_670 = tpu.memref_squeeze %dma_wait3A_669 : memref<1x4x1024xf32, #tpu.memory_space<hbm>> -> memref<4x1024xf32, #tpu.memory_space<hbm>>
      %dma_wait3A_671 = arith.constant 0 : i32
      %dma_wait3A_672 = arith.constant 0 : i32
      %dma_wait3A_673 = tpu.memref_slice %arg6[%run_scoped3A_596, %dma_wait3A_671, %dma_wait3A_672] : memref<6x16x1024xf32, #tpu.memory_space<vmem>> -> memref<1x4x1024xf32, #tpu.memory_space<vmem>>
      %dma_wait3A_674 = tpu.memref_squeeze %dma_wait3A_673 : memref<1x4x1024xf32, #tpu.memory_space<vmem>> -> memref<4x1024xf32, #tpu.memory_space<vmem>>
      tpu.wait_dma2 semaphore(%run_scoped3A_642 : memref<!tpu.dma_semaphore, #tpu.memory_space<semaphore_mem>>) src(%dma_wait3A_674 : memref<4x1024xf32, #tpu.memory_space<vmem>>) dst(%dma_wait3A_670 : memref<4x1024xf32, #tpu.memory_space<hbm>>)
      tpu.yield
    }) : () -> ()
    %add3A_597 = arith.constant 56 : i32
    %add3A_598 = arith.addi %mul3A_4, %add3A_597 : i32
    %add3A_599 = arith.constant 1 : i32
    %add3A_600 = arith.addi %add3A_598, %add3A_599 : i32
    %run_scoped3A_601 = arith.constant 2 : i32
    "tpu.region"() ({
      %run_scoped3A_642 = tpu.sem_alloc : memref<!tpu.dma_semaphore, #tpu.memory_space<semaphore_mem>>
      %dma_start3A_643 = arith.constant 4 : i32
      %dma_start3A_644 = arith.constant 0 : i32
      %dma_start3A_645 = tpu.memref_slice %arg6[%run_scoped3A_601, %dma_start3A_643, %dma_start3A_644] : memref<6x16x1024xf32, #tpu.memory_space<vmem>> -> memref<1x4x1024xf32, #tpu.memory_space<vmem>>
      %dma_start3A_646 = tpu.memref_squeeze %dma_start3A_645 : memref<1x4x1024xf32, #tpu.memory_space<vmem>> -> memref<4x1024xf32, #tpu.memory_space<vmem>>
      %dma_start3A_647 = arith.constant 0 : i32
      %dma_start3A_648 = arith.constant 0 : i32
      %dma_start3A_649 = tpu.memref_slice %arg4[%add3A_600, %dma_start3A_647, %dma_start3A_648] : memref<2048x4x1024xf32, #tpu.memory_space<hbm>> -> memref<1x4x1024xf32, #tpu.memory_space<hbm>>
      %dma_start3A_650 = tpu.memref_squeeze %dma_start3A_649 : memref<1x4x1024xf32, #tpu.memory_space<hbm>> -> memref<4x1024xf32, #tpu.memory_space<hbm>>
      %dma_start3A_651 = arith.constant 0 : i32
      %dma_start3A_652 = arith.constant 0 : i32
      %dma_start3A_653 = tpu.memref_slice %arg4[%add3A_600, %dma_start3A_651, %dma_start3A_652] : memref<2048x4x1024xf32, #tpu.memory_space<hbm>> -> memref<1x4x1024xf32, #tpu.memory_space<hbm>>
      %dma_start3A_654 = tpu.memref_squeeze %dma_start3A_653 : memref<1x4x1024xf32, #tpu.memory_space<hbm>> -> memref<4x1024xf32, #tpu.memory_space<hbm>>
      %dma_start3A_655 = arith.constant 4 : i32
      %dma_start3A_656 = arith.constant 0 : i32
      %dma_start3A_657 = tpu.memref_slice %arg6[%run_scoped3A_601, %dma_start3A_655, %dma_start3A_656] : memref<6x16x1024xf32, #tpu.memory_space<vmem>> -> memref<1x4x1024xf32, #tpu.memory_space<vmem>>
      %dma_start3A_658 = tpu.memref_squeeze %dma_start3A_657 : memref<1x4x1024xf32, #tpu.memory_space<vmem>> -> memref<4x1024xf32, #tpu.memory_space<vmem>>
      tpu.enqueue_dma source(%dma_start3A_658 : memref<4x1024xf32, #tpu.memory_space<vmem>>) target(%dma_start3A_654 : memref<4x1024xf32, #tpu.memory_space<hbm>>) target_semaphore(%run_scoped3A_642 : memref<!tpu.dma_semaphore, #tpu.memory_space<semaphore_mem>>)
      %dma_wait3A_659 = arith.constant 4 : i32
      %dma_wait3A_660 = arith.constant 0 : i32
      %dma_wait3A_661 = tpu.memref_slice %arg6[%run_scoped3A_601, %dma_wait3A_659, %dma_wait3A_660] : memref<6x16x1024xf32, #tpu.memory_space<vmem>> -> memref<1x4x1024xf32, #tpu.memory_space<vmem>>
      %dma_wait3A_662 = tpu.memref_squeeze %dma_wait3A_661 : memref<1x4x1024xf32, #tpu.memory_space<vmem>> -> memref<4x1024xf32, #tpu.memory_space<vmem>>
      %dma_wait3A_663 = arith.constant 0 : i32
      %dma_wait3A_664 = arith.constant 0 : i32
      %dma_wait3A_665 = tpu.memref_slice %arg4[%add3A_600, %dma_wait3A_663, %dma_wait3A_664] : memref<2048x4x1024xf32, #tpu.memory_space<hbm>> -> memref<1x4x1024xf32, #tpu.memory_space<hbm>>
      %dma_wait3A_666 = tpu.memref_squeeze %dma_wait3A_665 : memref<1x4x1024xf32, #tpu.memory_space<hbm>> -> memref<4x1024xf32, #tpu.memory_space<hbm>>
      %dma_wait3A_667 = arith.constant 0 : i32
      %dma_wait3A_668 = arith.constant 0 : i32
      %dma_wait3A_669 = tpu.memref_slice %arg4[%add3A_600, %dma_wait3A_667, %dma_wait3A_668] : memref<2048x4x1024xf32, #tpu.memory_space<hbm>> -> memref<1x4x1024xf32, #tpu.memory_space<hbm>>
      %dma_wait3A_670 = tpu.memref_squeeze %dma_wait3A_669 : memref<1x4x1024xf32, #tpu.memory_space<hbm>> -> memref<4x1024xf32, #tpu.memory_space<hbm>>
      %dma_wait3A_671 = arith.constant 4 : i32
      %dma_wait3A_672 = arith.constant 0 : i32
      %dma_wait3A_673 = tpu.memref_slice %arg6[%run_scoped3A_601, %dma_wait3A_671, %dma_wait3A_672] : memref<6x16x1024xf32, #tpu.memory_space<vmem>> -> memref<1x4x1024xf32, #tpu.memory_space<vmem>>
      %dma_wait3A_674 = tpu.memref_squeeze %dma_wait3A_673 : memref<1x4x1024xf32, #tpu.memory_space<vmem>> -> memref<4x1024xf32, #tpu.memory_space<vmem>>
      tpu.wait_dma2 semaphore(%run_scoped3A_642 : memref<!tpu.dma_semaphore, #tpu.memory_space<semaphore_mem>>) src(%dma_wait3A_674 : memref<4x1024xf32, #tpu.memory_space<vmem>>) dst(%dma_wait3A_670 : memref<4x1024xf32, #tpu.memory_space<hbm>>)
      tpu.yield
    }) : () -> ()
    %add3A_602 = arith.constant 56 : i32
    %add3A_603 = arith.addi %mul3A_4, %add3A_602 : i32
    %add3A_604 = arith.constant 2 : i32
    %add3A_605 = arith.addi %add3A_603, %add3A_604 : i32
    %run_scoped3A_606 = arith.constant 2 : i32
    "tpu.region"() ({
      %run_scoped3A_642 = tpu.sem_alloc : memref<!tpu.dma_semaphore, #tpu.memory_space<semaphore_mem>>
      %dma_start3A_643 = arith.constant 8 : i32
      %dma_start3A_644 = arith.constant 0 : i32
      %dma_start3A_645 = tpu.memref_slice %arg6[%run_scoped3A_606, %dma_start3A_643, %dma_start3A_644] : memref<6x16x1024xf32, #tpu.memory_space<vmem>> -> memref<1x4x1024xf32, #tpu.memory_space<vmem>>
      %dma_start3A_646 = tpu.memref_squeeze %dma_start3A_645 : memref<1x4x1024xf32, #tpu.memory_space<vmem>> -> memref<4x1024xf32, #tpu.memory_space<vmem>>
      %dma_start3A_647 = arith.constant 0 : i32
      %dma_start3A_648 = arith.constant 0 : i32
      %dma_start3A_649 = tpu.memref_slice %arg4[%add3A_605, %dma_start3A_647, %dma_start3A_648] : memref<2048x4x1024xf32, #tpu.memory_space<hbm>> -> memref<1x4x1024xf32, #tpu.memory_space<hbm>>
      %dma_start3A_650 = tpu.memref_squeeze %dma_start3A_649 : memref<1x4x1024xf32, #tpu.memory_space<hbm>> -> memref<4x1024xf32, #tpu.memory_space<hbm>>
      %dma_start3A_651 = arith.constant 0 : i32
      %dma_start3A_652 = arith.constant 0 : i32
      %dma_start3A_653 = tpu.memref_slice %arg4[%add3A_605, %dma_start3A_651, %dma_start3A_652] : memref<2048x4x1024xf32, #tpu.memory_space<hbm>> -> memref<1x4x1024xf32, #tpu.memory_space<hbm>>
      %dma_start3A_654 = tpu.memref_squeeze %dma_start3A_653 : memref<1x4x1024xf32, #tpu.memory_space<hbm>> -> memref<4x1024xf32, #tpu.memory_space<hbm>>
      %dma_start3A_655 = arith.constant 8 : i32
      %dma_start3A_656 = arith.constant 0 : i32
      %dma_start3A_657 = tpu.memref_slice %arg6[%run_scoped3A_606, %dma_start3A_655, %dma_start3A_656] : memref<6x16x1024xf32, #tpu.memory_space<vmem>> -> memref<1x4x1024xf32, #tpu.memory_space<vmem>>
      %dma_start3A_658 = tpu.memref_squeeze %dma_start3A_657 : memref<1x4x1024xf32, #tpu.memory_space<vmem>> -> memref<4x1024xf32, #tpu.memory_space<vmem>>
      tpu.enqueue_dma source(%dma_start3A_658 : memref<4x1024xf32, #tpu.memory_space<vmem>>) target(%dma_start3A_654 : memref<4x1024xf32, #tpu.memory_space<hbm>>) target_semaphore(%run_scoped3A_642 : memref<!tpu.dma_semaphore, #tpu.memory_space<semaphore_mem>>)
      %dma_wait3A_659 = arith.constant 8 : i32
      %dma_wait3A_660 = arith.constant 0 : i32
      %dma_wait3A_661 = tpu.memref_slice %arg6[%run_scoped3A_606, %dma_wait3A_659, %dma_wait3A_660] : memref<6x16x1024xf32, #tpu.memory_space<vmem>> -> memref<1x4x1024xf32, #tpu.memory_space<vmem>>
      %dma_wait3A_662 = tpu.memref_squeeze %dma_wait3A_661 : memref<1x4x1024xf32, #tpu.memory_space<vmem>> -> memref<4x1024xf32, #tpu.memory_space<vmem>>
      %dma_wait3A_663 = arith.constant 0 : i32
      %dma_wait3A_664 = arith.constant 0 : i32
      %dma_wait3A_665 = tpu.memref_slice %arg4[%add3A_605, %dma_wait3A_663, %dma_wait3A_664] : memref<2048x4x1024xf32, #tpu.memory_space<hbm>> -> memref<1x4x1024xf32, #tpu.memory_space<hbm>>
      %dma_wait3A_666 = tpu.memref_squeeze %dma_wait3A_665 : memref<1x4x1024xf32, #tpu.memory_space<hbm>> -> memref<4x1024xf32, #tpu.memory_space<hbm>>
      %dma_wait3A_667 = arith.constant 0 : i32
      %dma_wait3A_668 = arith.constant 0 : i32
      %dma_wait3A_669 = tpu.memref_slice %arg4[%add3A_605, %dma_wait3A_667, %dma_wait3A_668] : memref<2048x4x1024xf32, #tpu.memory_space<hbm>> -> memref<1x4x1024xf32, #tpu.memory_space<hbm>>
      %dma_wait3A_670 = tpu.memref_squeeze %dma_wait3A_669 : memref<1x4x1024xf32, #tpu.memory_space<hbm>> -> memref<4x1024xf32, #tpu.memory_space<hbm>>
      %dma_wait3A_671 = arith.constant 8 : i32
      %dma_wait3A_672 = arith.constant 0 : i32
      %dma_wait3A_673 = tpu.memref_slice %arg6[%run_scoped3A_606, %dma_wait3A_671, %dma_wait3A_672] : memref<6x16x1024xf32, #tpu.memory_space<vmem>> -> memref<1x4x1024xf32, #tpu.memory_space<vmem>>
      %dma_wait3A_674 = tpu.memref_squeeze %dma_wait3A_673 : memref<1x4x1024xf32, #tpu.memory_space<vmem>> -> memref<4x1024xf32, #tpu.memory_space<vmem>>
      tpu.wait_dma2 semaphore(%run_scoped3A_642 : memref<!tpu.dma_semaphore, #tpu.memory_space<semaphore_mem>>) src(%dma_wait3A_674 : memref<4x1024xf32, #tpu.memory_space<vmem>>) dst(%dma_wait3A_670 : memref<4x1024xf32, #tpu.memory_space<hbm>>)
      tpu.yield
    }) : () -> ()
    %add3A_607 = arith.constant 56 : i32
    %add3A_608 = arith.addi %mul3A_4, %add3A_607 : i32
    %add3A_609 = arith.constant 3 : i32
    %add3A_610 = arith.addi %add3A_608, %add3A_609 : i32
    %run_scoped3A_611 = arith.constant 2 : i32
    "tpu.region"() ({
      %run_scoped3A_642 = tpu.sem_alloc : memref<!tpu.dma_semaphore, #tpu.memory_space<semaphore_mem>>
      %dma_start3A_643 = arith.constant 12 : i32
      %dma_start3A_644 = arith.constant 0 : i32
      %dma_start3A_645 = tpu.memref_slice %arg6[%run_scoped3A_611, %dma_start3A_643, %dma_start3A_644] : memref<6x16x1024xf32, #tpu.memory_space<vmem>> -> memref<1x4x1024xf32, #tpu.memory_space<vmem>>
      %dma_start3A_646 = tpu.memref_squeeze %dma_start3A_645 : memref<1x4x1024xf32, #tpu.memory_space<vmem>> -> memref<4x1024xf32, #tpu.memory_space<vmem>>
      %dma_start3A_647 = arith.constant 0 : i32
      %dma_start3A_648 = arith.constant 0 : i32
      %dma_start3A_649 = tpu.memref_slice %arg4[%add3A_610, %dma_start3A_647, %dma_start3A_648] : memref<2048x4x1024xf32, #tpu.memory_space<hbm>> -> memref<1x4x1024xf32, #tpu.memory_space<hbm>>
      %dma_start3A_650 = tpu.memref_squeeze %dma_start3A_649 : memref<1x4x1024xf32, #tpu.memory_space<hbm>> -> memref<4x1024xf32, #tpu.memory_space<hbm>>
      %dma_start3A_651 = arith.constant 0 : i32
      %dma_start3A_652 = arith.constant 0 : i32
      %dma_start3A_653 = tpu.memref_slice %arg4[%add3A_610, %dma_start3A_651, %dma_start3A_652] : memref<2048x4x1024xf32, #tpu.memory_space<hbm>> -> memref<1x4x1024xf32, #tpu.memory_space<hbm>>
      %dma_start3A_654 = tpu.memref_squeeze %dma_start3A_653 : memref<1x4x1024xf32, #tpu.memory_space<hbm>> -> memref<4x1024xf32, #tpu.memory_space<hbm>>
      %dma_start3A_655 = arith.constant 12 : i32
      %dma_start3A_656 = arith.constant 0 : i32
      %dma_start3A_657 = tpu.memref_slice %arg6[%run_scoped3A_611, %dma_start3A_655, %dma_start3A_656] : memref<6x16x1024xf32, #tpu.memory_space<vmem>> -> memref<1x4x1024xf32, #tpu.memory_space<vmem>>
      %dma_start3A_658 = tpu.memref_squeeze %dma_start3A_657 : memref<1x4x1024xf32, #tpu.memory_space<vmem>> -> memref<4x1024xf32, #tpu.memory_space<vmem>>
      tpu.enqueue_dma source(%dma_start3A_658 : memref<4x1024xf32, #tpu.memory_space<vmem>>) target(%dma_start3A_654 : memref<4x1024xf32, #tpu.memory_space<hbm>>) target_semaphore(%run_scoped3A_642 : memref<!tpu.dma_semaphore, #tpu.memory_space<semaphore_mem>>)
      %dma_wait3A_659 = arith.constant 12 : i32
      %dma_wait3A_660 = arith.constant 0 : i32
      %dma_wait3A_661 = tpu.memref_slice %arg6[%run_scoped3A_611, %dma_wait3A_659, %dma_wait3A_660] : memref<6x16x1024xf32, #tpu.memory_space<vmem>> -> memref<1x4x1024xf32, #tpu.memory_space<vmem>>
      %dma_wait3A_662 = tpu.memref_squeeze %dma_wait3A_661 : memref<1x4x1024xf32, #tpu.memory_space<vmem>> -> memref<4x1024xf32, #tpu.memory_space<vmem>>
      %dma_wait3A_663 = arith.constant 0 : i32
      %dma_wait3A_664 = arith.constant 0 : i32
      %dma_wait3A_665 = tpu.memref_slice %arg4[%add3A_610, %dma_wait3A_663, %dma_wait3A_664] : memref<2048x4x1024xf32, #tpu.memory_space<hbm>> -> memref<1x4x1024xf32, #tpu.memory_space<hbm>>
      %dma_wait3A_666 = tpu.memref_squeeze %dma_wait3A_665 : memref<1x4x1024xf32, #tpu.memory_space<hbm>> -> memref<4x1024xf32, #tpu.memory_space<hbm>>
      %dma_wait3A_667 = arith.constant 0 : i32
      %dma_wait3A_668 = arith.constant 0 : i32
      %dma_wait3A_669 = tpu.memref_slice %arg4[%add3A_610, %dma_wait3A_667, %dma_wait3A_668] : memref<2048x4x1024xf32, #tpu.memory_space<hbm>> -> memref<1x4x1024xf32, #tpu.memory_space<hbm>>
      %dma_wait3A_670 = tpu.memref_squeeze %dma_wait3A_669 : memref<1x4x1024xf32, #tpu.memory_space<hbm>> -> memref<4x1024xf32, #tpu.memory_space<hbm>>
      %dma_wait3A_671 = arith.constant 12 : i32
      %dma_wait3A_672 = arith.constant 0 : i32
      %dma_wait3A_673 = tpu.memref_slice %arg6[%run_scoped3A_611, %dma_wait3A_671, %dma_wait3A_672] : memref<6x16x1024xf32, #tpu.memory_space<vmem>> -> memref<1x4x1024xf32, #tpu.memory_space<vmem>>
      %dma_wait3A_674 = tpu.memref_squeeze %dma_wait3A_673 : memref<1x4x1024xf32, #tpu.memory_space<vmem>> -> memref<4x1024xf32, #tpu.memory_space<vmem>>
      tpu.wait_dma2 semaphore(%run_scoped3A_642 : memref<!tpu.dma_semaphore, #tpu.memory_space<semaphore_mem>>) src(%dma_wait3A_674 : memref<4x1024xf32, #tpu.memory_space<vmem>>) dst(%dma_wait3A_670 : memref<4x1024xf32, #tpu.memory_space<hbm>>)
      tpu.yield
    }) : () -> ()
    %dma_wait3A_612 = arith.constant 3 : i32
    %dma_wait3A_613 = arith.constant 0 : i32
    %dma_wait3A_614 = arith.constant 0 : i32
    %dma_wait3A_615 = tpu.memref_slice %arg6[%dma_wait3A_612, %dma_wait3A_613, %dma_wait3A_614] : memref<6x16x1024xf32, #tpu.memory_space<vmem>> -> memref<1x16x1024xf32, #tpu.memory_space<vmem>>
    %dma_wait3A_616 = tpu.memref_squeeze %dma_wait3A_615 : memref<1x16x1024xf32, #tpu.memory_space<vmem>> -> memref<16x1024xf32, #tpu.memory_space<vmem>>
    %dma_wait3A_617 = arith.constant 240 : i32
    %dma_wait3A_618 = tpu.memref_slice %arg5[%dma_wait3A_617] : memref<256xi32, #tpu.memory_space<vmem>> -> memref<16xi32, #tpu.memory_space<vmem>>
    %dma_wait3A_619 = arith.constant 0 : i32
    %dma_wait3A_620 = arith.constant 0 : i32
    %dma_wait3A_621 = tpu.memref_slice %arg2[%dma_wait3A_619, %dma_wait3A_620] : memref<150528x1024xf32, #tpu.memory_space<hbm>> -> memref<150528x1024xf32, #tpu.memory_space<hbm>>
    tpu.wait_indirect_dma semaphore(%arg10 : memref<!tpu.dma_semaphore, #tpu.memory_space<semaphore_mem>>) src(%dma_wait3A_621 : memref<150528x1024xf32, #tpu.memory_space<hbm>>) dst(%dma_wait3A_616 : memref<16x1024xf32, #tpu.memory_space<vmem>>)
    %add3A_622 = arith.constant 60 : i32
    %add3A_623 = arith.addi %mul3A_4, %add3A_622 : i32
    %add3A_624 = arith.constant 0 : i32
    %add3A_625 = arith.addi %add3A_623, %add3A_624 : i32
    %run_scoped3A_626 = arith.constant 3 : i32
    "tpu.region"() ({
      %run_scoped3A_642 = tpu.sem_alloc : memref<!tpu.dma_semaphore, #tpu.memory_space<semaphore_mem>>
      %dma_start3A_643 = arith.constant 0 : i32
      %dma_start3A_644 = arith.constant 0 : i32
      %dma_start3A_645 = tpu.memref_slice %arg6[%run_scoped3A_626, %dma_start3A_643, %dma_start3A_644] : memref<6x16x1024xf32, #tpu.memory_space<vmem>> -> memref<1x4x1024xf32, #tpu.memory_space<vmem>>
      %dma_start3A_646 = tpu.memref_squeeze %dma_start3A_645 : memref<1x4x1024xf32, #tpu.memory_space<vmem>> -> memref<4x1024xf32, #tpu.memory_space<vmem>>
      %dma_start3A_647 = arith.constant 0 : i32
      %dma_start3A_648 = arith.constant 0 : i32
      %dma_start3A_649 = tpu.memref_slice %arg4[%add3A_625, %dma_start3A_647, %dma_start3A_648] : memref<2048x4x1024xf32, #tpu.memory_space<hbm>> -> memref<1x4x1024xf32, #tpu.memory_space<hbm>>
      %dma_start3A_650 = tpu.memref_squeeze %dma_start3A_649 : memref<1x4x1024xf32, #tpu.memory_space<hbm>> -> memref<4x1024xf32, #tpu.memory_space<hbm>>
      %dma_start3A_651 = arith.constant 0 : i32
      %dma_start3A_652 = arith.constant 0 : i32
      %dma_start3A_653 = tpu.memref_slice %arg4[%add3A_625, %dma_start3A_651, %dma_start3A_652] : memref<2048x4x1024xf32, #tpu.memory_space<hbm>> -> memref<1x4x1024xf32, #tpu.memory_space<hbm>>
      %dma_start3A_654 = tpu.memref_squeeze %dma_start3A_653 : memref<1x4x1024xf32, #tpu.memory_space<hbm>> -> memref<4x1024xf32, #tpu.memory_space<hbm>>
      %dma_start3A_655 = arith.constant 0 : i32
      %dma_start3A_656 = arith.constant 0 : i32
      %dma_start3A_657 = tpu.memref_slice %arg6[%run_scoped3A_626, %dma_start3A_655, %dma_start3A_656] : memref<6x16x1024xf32, #tpu.memory_space<vmem>> -> memref<1x4x1024xf32, #tpu.memory_space<vmem>>
      %dma_start3A_658 = tpu.memref_squeeze %dma_start3A_657 : memref<1x4x1024xf32, #tpu.memory_space<vmem>> -> memref<4x1024xf32, #tpu.memory_space<vmem>>
      tpu.enqueue_dma source(%dma_start3A_658 : memref<4x1024xf32, #tpu.memory_space<vmem>>) target(%dma_start3A_654 : memref<4x1024xf32, #tpu.memory_space<hbm>>) target_semaphore(%run_scoped3A_642 : memref<!tpu.dma_semaphore, #tpu.memory_space<semaphore_mem>>)
      %dma_wait3A_659 = arith.constant 0 : i32
      %dma_wait3A_660 = arith.constant 0 : i32
      %dma_wait3A_661 = tpu.memref_slice %arg6[%run_scoped3A_626, %dma_wait3A_659, %dma_wait3A_660] : memref<6x16x1024xf32, #tpu.memory_space<vmem>> -> memref<1x4x1024xf32, #tpu.memory_space<vmem>>
      %dma_wait3A_662 = tpu.memref_squeeze %dma_wait3A_661 : memref<1x4x1024xf32, #tpu.memory_space<vmem>> -> memref<4x1024xf32, #tpu.memory_space<vmem>>
      %dma_wait3A_663 = arith.constant 0 : i32
      %dma_wait3A_664 = arith.constant 0 : i32
      %dma_wait3A_665 = tpu.memref_slice %arg4[%add3A_625, %dma_wait3A_663, %dma_wait3A_664] : memref<2048x4x1024xf32, #tpu.memory_space<hbm>> -> memref<1x4x1024xf32, #tpu.memory_space<hbm>>
      %dma_wait3A_666 = tpu.memref_squeeze %dma_wait3A_665 : memref<1x4x1024xf32, #tpu.memory_space<hbm>> -> memref<4x1024xf32, #tpu.memory_space<hbm>>
      %dma_wait3A_667 = arith.constant 0 : i32
      %dma_wait3A_668 = arith.constant 0 : i32
      %dma_wait3A_669 = tpu.memref_slice %arg4[%add3A_625, %dma_wait3A_667, %dma_wait3A_668] : memref<2048x4x1024xf32, #tpu.memory_space<hbm>> -> memref<1x4x1024xf32, #tpu.memory_space<hbm>>
      %dma_wait3A_670 = tpu.memref_squeeze %dma_wait3A_669 : memref<1x4x1024xf32, #tpu.memory_space<hbm>> -> memref<4x1024xf32, #tpu.memory_space<hbm>>
      %dma_wait3A_671 = arith.constant 0 : i32
      %dma_wait3A_672 = arith.constant 0 : i32
      %dma_wait3A_673 = tpu.memref_slice %arg6[%run_scoped3A_626, %dma_wait3A_671, %dma_wait3A_672] : memref<6x16x1024xf32, #tpu.memory_space<vmem>> -> memref<1x4x1024xf32, #tpu.memory_space<vmem>>
      %dma_wait3A_674 = tpu.memref_squeeze %dma_wait3A_673 : memref<1x4x1024xf32, #tpu.memory_space<vmem>> -> memref<4x1024xf32, #tpu.memory_space<vmem>>
      tpu.wait_dma2 semaphore(%run_scoped3A_642 : memref<!tpu.dma_semaphore, #tpu.memory_space<semaphore_mem>>) src(%dma_wait3A_674 : memref<4x1024xf32, #tpu.memory_space<vmem>>) dst(%dma_wait3A_670 : memref<4x1024xf32, #tpu.memory_space<hbm>>)
      tpu.yield
    }) : () -> ()
    %add3A_627 = arith.constant 60 : i32
    %add3A_628 = arith.addi %mul3A_4, %add3A_627 : i32
    %add3A_629 = arith.constant 1 : i32
    %add3A_630 = arith.addi %add3A_628, %add3A_629 : i32
    %run_scoped3A_631 = arith.constant 3 : i32
    "tpu.region"() ({
      %run_scoped3A_642 = tpu.sem_alloc : memref<!tpu.dma_semaphore, #tpu.memory_space<semaphore_mem>>
      %dma_start3A_643 = arith.constant 4 : i32
      %dma_start3A_644 = arith.constant 0 : i32
      %dma_start3A_645 = tpu.memref_slice %arg6[%run_scoped3A_631, %dma_start3A_643, %dma_start3A_644] : memref<6x16x1024xf32, #tpu.memory_space<vmem>> -> memref<1x4x1024xf32, #tpu.memory_space<vmem>>
      %dma_start3A_646 = tpu.memref_squeeze %dma_start3A_645 : memref<1x4x1024xf32, #tpu.memory_space<vmem>> -> memref<4x1024xf32, #tpu.memory_space<vmem>>
      %dma_start3A_647 = arith.constant 0 : i32
      %dma_start3A_648 = arith.constant 0 : i32
      %dma_start3A_649 = tpu.memref_slice %arg4[%add3A_630, %dma_start3A_647, %dma_start3A_648] : memref<2048x4x1024xf32, #tpu.memory_space<hbm>> -> memref<1x4x1024xf32, #tpu.memory_space<hbm>>
      %dma_start3A_650 = tpu.memref_squeeze %dma_start3A_649 : memref<1x4x1024xf32, #tpu.memory_space<hbm>> -> memref<4x1024xf32, #tpu.memory_space<hbm>>
      %dma_start3A_651 = arith.constant 0 : i32
      %dma_start3A_652 = arith.constant 0 : i32
      %dma_start3A_653 = tpu.memref_slice %arg4[%add3A_630, %dma_start3A_651, %dma_start3A_652] : memref<2048x4x1024xf32, #tpu.memory_space<hbm>> -> memref<1x4x1024xf32, #tpu.memory_space<hbm>>
      %dma_start3A_654 = tpu.memref_squeeze %dma_start3A_653 : memref<1x4x1024xf32, #tpu.memory_space<hbm>> -> memref<4x1024xf32, #tpu.memory_space<hbm>>
      %dma_start3A_655 = arith.constant 4 : i32
      %dma_start3A_656 = arith.constant 0 : i32
      %dma_start3A_657 = tpu.memref_slice %arg6[%run_scoped3A_631, %dma_start3A_655, %dma_start3A_656] : memref<6x16x1024xf32, #tpu.memory_space<vmem>> -> memref<1x4x1024xf32, #tpu.memory_space<vmem>>
      %dma_start3A_658 = tpu.memref_squeeze %dma_start3A_657 : memref<1x4x1024xf32, #tpu.memory_space<vmem>> -> memref<4x1024xf32, #tpu.memory_space<vmem>>
      tpu.enqueue_dma source(%dma_start3A_658 : memref<4x1024xf32, #tpu.memory_space<vmem>>) target(%dma_start3A_654 : memref<4x1024xf32, #tpu.memory_space<hbm>>) target_semaphore(%run_scoped3A_642 : memref<!tpu.dma_semaphore, #tpu.memory_space<semaphore_mem>>)
      %dma_wait3A_659 = arith.constant 4 : i32
      %dma_wait3A_660 = arith.constant 0 : i32
      %dma_wait3A_661 = tpu.memref_slice %arg6[%run_scoped3A_631, %dma_wait3A_659, %dma_wait3A_660] : memref<6x16x1024xf32, #tpu.memory_space<vmem>> -> memref<1x4x1024xf32, #tpu.memory_space<vmem>>
      %dma_wait3A_662 = tpu.memref_squeeze %dma_wait3A_661 : memref<1x4x1024xf32, #tpu.memory_space<vmem>> -> memref<4x1024xf32, #tpu.memory_space<vmem>>
      %dma_wait3A_663 = arith.constant 0 : i32
      %dma_wait3A_664 = arith.constant 0 : i32
      %dma_wait3A_665 = tpu.memref_slice %arg4[%add3A_630, %dma_wait3A_663, %dma_wait3A_664] : memref<2048x4x1024xf32, #tpu.memory_space<hbm>> -> memref<1x4x1024xf32, #tpu.memory_space<hbm>>
      %dma_wait3A_666 = tpu.memref_squeeze %dma_wait3A_665 : memref<1x4x1024xf32, #tpu.memory_space<hbm>> -> memref<4x1024xf32, #tpu.memory_space<hbm>>
      %dma_wait3A_667 = arith.constant 0 : i32
      %dma_wait3A_668 = arith.constant 0 : i32
      %dma_wait3A_669 = tpu.memref_slice %arg4[%add3A_630, %dma_wait3A_667, %dma_wait3A_668] : memref<2048x4x1024xf32, #tpu.memory_space<hbm>> -> memref<1x4x1024xf32, #tpu.memory_space<hbm>>
      %dma_wait3A_670 = tpu.memref_squeeze %dma_wait3A_669 : memref<1x4x1024xf32, #tpu.memory_space<hbm>> -> memref<4x1024xf32, #tpu.memory_space<hbm>>
      %dma_wait3A_671 = arith.constant 4 : i32
      %dma_wait3A_672 = arith.constant 0 : i32
      %dma_wait3A_673 = tpu.memref_slice %arg6[%run_scoped3A_631, %dma_wait3A_671, %dma_wait3A_672] : memref<6x16x1024xf32, #tpu.memory_space<vmem>> -> memref<1x4x1024xf32, #tpu.memory_space<vmem>>
      %dma_wait3A_674 = tpu.memref_squeeze %dma_wait3A_673 : memref<1x4x1024xf32, #tpu.memory_space<vmem>> -> memref<4x1024xf32, #tpu.memory_space<vmem>>
      tpu.wait_dma2 semaphore(%run_scoped3A_642 : memref<!tpu.dma_semaphore, #tpu.memory_space<semaphore_mem>>) src(%dma_wait3A_674 : memref<4x1024xf32, #tpu.memory_space<vmem>>) dst(%dma_wait3A_670 : memref<4x1024xf32, #tpu.memory_space<hbm>>)
      tpu.yield
    }) : () -> ()
    %add3A_632 = arith.constant 60 : i32
    %add3A_633 = arith.addi %mul3A_4, %add3A_632 : i32
    %add3A_634 = arith.constant 2 : i32
    %add3A_635 = arith.addi %add3A_633, %add3A_634 : i32
    %run_scoped3A_636 = arith.constant 3 : i32
    "tpu.region"() ({
      %run_scoped3A_642 = tpu.sem_alloc : memref<!tpu.dma_semaphore, #tpu.memory_space<semaphore_mem>>
      %dma_start3A_643 = arith.constant 8 : i32
      %dma_start3A_644 = arith.constant 0 : i32
      %dma_start3A_645 = tpu.memref_slice %arg6[%run_scoped3A_636, %dma_start3A_643, %dma_start3A_644] : memref<6x16x1024xf32, #tpu.memory_space<vmem>> -> memref<1x4x1024xf32, #tpu.memory_space<vmem>>
      %dma_start3A_646 = tpu.memref_squeeze %dma_start3A_645 : memref<1x4x1024xf32, #tpu.memory_space<vmem>> -> memref<4x1024xf32, #tpu.memory_space<vmem>>
      %dma_start3A_647 = arith.constant 0 : i32
      %dma_start3A_648 = arith.constant 0 : i32
      %dma_start3A_649 = tpu.memref_slice %arg4[%add3A_635, %dma_start3A_647, %dma_start3A_648] : memref<2048x4x1024xf32, #tpu.memory_space<hbm>> -> memref<1x4x1024xf32, #tpu.memory_space<hbm>>
      %dma_start3A_650 = tpu.memref_squeeze %dma_start3A_649 : memref<1x4x1024xf32, #tpu.memory_space<hbm>> -> memref<4x1024xf32, #tpu.memory_space<hbm>>
      %dma_start3A_651 = arith.constant 0 : i32
      %dma_start3A_652 = arith.constant 0 : i32
      %dma_start3A_653 = tpu.memref_slice %arg4[%add3A_635, %dma_start3A_651, %dma_start3A_652] : memref<2048x4x1024xf32, #tpu.memory_space<hbm>> -> memref<1x4x1024xf32, #tpu.memory_space<hbm>>
      %dma_start3A_654 = tpu.memref_squeeze %dma_start3A_653 : memref<1x4x1024xf32, #tpu.memory_space<hbm>> -> memref<4x1024xf32, #tpu.memory_space<hbm>>
      %dma_start3A_655 = arith.constant 8 : i32
      %dma_start3A_656 = arith.constant 0 : i32
      %dma_start3A_657 = tpu.memref_slice %arg6[%run_scoped3A_636, %dma_start3A_655, %dma_start3A_656] : memref<6x16x1024xf32, #tpu.memory_space<vmem>> -> memref<1x4x1024xf32, #tpu.memory_space<vmem>>
      %dma_start3A_658 = tpu.memref_squeeze %dma_start3A_657 : memref<1x4x1024xf32, #tpu.memory_space<vmem>> -> memref<4x1024xf32, #tpu.memory_space<vmem>>
      tpu.enqueue_dma source(%dma_start3A_658 : memref<4x1024xf32, #tpu.memory_space<vmem>>) target(%dma_start3A_654 : memref<4x1024xf32, #tpu.memory_space<hbm>>) target_semaphore(%run_scoped3A_642 : memref<!tpu.dma_semaphore, #tpu.memory_space<semaphore_mem>>)
      %dma_wait3A_659 = arith.constant 8 : i32
      %dma_wait3A_660 = arith.constant 0 : i32
      %dma_wait3A_661 = tpu.memref_slice %arg6[%run_scoped3A_636, %dma_wait3A_659, %dma_wait3A_660] : memref<6x16x1024xf32, #tpu.memory_space<vmem>> -> memref<1x4x1024xf32, #tpu.memory_space<vmem>>
      %dma_wait3A_662 = tpu.memref_squeeze %dma_wait3A_661 : memref<1x4x1024xf32, #tpu.memory_space<vmem>> -> memref<4x1024xf32, #tpu.memory_space<vmem>>
      %dma_wait3A_663 = arith.constant 0 : i32
      %dma_wait3A_664 = arith.constant 0 : i32
      %dma_wait3A_665 = tpu.memref_slice %arg4[%add3A_635, %dma_wait3A_663, %dma_wait3A_664] : memref<2048x4x1024xf32, #tpu.memory_space<hbm>> -> memref<1x4x1024xf32, #tpu.memory_space<hbm>>
      %dma_wait3A_666 = tpu.memref_squeeze %dma_wait3A_665 : memref<1x4x1024xf32, #tpu.memory_space<hbm>> -> memref<4x1024xf32, #tpu.memory_space<hbm>>
      %dma_wait3A_667 = arith.constant 0 : i32
      %dma_wait3A_668 = arith.constant 0 : i32
      %dma_wait3A_669 = tpu.memref_slice %arg4[%add3A_635, %dma_wait3A_667, %dma_wait3A_668] : memref<2048x4x1024xf32, #tpu.memory_space<hbm>> -> memref<1x4x1024xf32, #tpu.memory_space<hbm>>
      %dma_wait3A_670 = tpu.memref_squeeze %dma_wait3A_669 : memref<1x4x1024xf32, #tpu.memory_space<hbm>> -> memref<4x1024xf32, #tpu.memory_space<hbm>>
      %dma_wait3A_671 = arith.constant 8 : i32
      %dma_wait3A_672 = arith.constant 0 : i32
      %dma_wait3A_673 = tpu.memref_slice %arg6[%run_scoped3A_636, %dma_wait3A_671, %dma_wait3A_672] : memref<6x16x1024xf32, #tpu.memory_space<vmem>> -> memref<1x4x1024xf32, #tpu.memory_space<vmem>>
      %dma_wait3A_674 = tpu.memref_squeeze %dma_wait3A_673 : memref<1x4x1024xf32, #tpu.memory_space<vmem>> -> memref<4x1024xf32, #tpu.memory_space<vmem>>
      tpu.wait_dma2 semaphore(%run_scoped3A_642 : memref<!tpu.dma_semaphore, #tpu.memory_space<semaphore_mem>>) src(%dma_wait3A_674 : memref<4x1024xf32, #tpu.memory_space<vmem>>) dst(%dma_wait3A_670 : memref<4x1024xf32, #tpu.memory_space<hbm>>)
      tpu.yield
    }) : () -> ()
    %add3A_637 = arith.constant 60 : i32
    %add3A_638 = arith.addi %mul3A_4, %add3A_637 : i32
    %add3A_639 = arith.constant 3 : i32
    %add3A_640 = arith.addi %add3A_638, %add3A_639 : i32
    %run_scoped3A_641 = arith.constant 3 : i32
    "tpu.region"() ({
      %run_scoped3A_642 = tpu.sem_alloc : memref<!tpu.dma_semaphore, #tpu.memory_space<semaphore_mem>>
      %dma_start3A_643 = arith.constant 12 : i32
      %dma_start3A_644 = arith.constant 0 : i32
      %dma_start3A_645 = tpu.memref_slice %arg6[%run_scoped3A_641, %dma_start3A_643, %dma_start3A_644] : memref<6x16x1024xf32, #tpu.memory_space<vmem>> -> memref<1x4x1024xf32, #tpu.memory_space<vmem>>
      %dma_start3A_646 = tpu.memref_squeeze %dma_start3A_645 : memref<1x4x1024xf32, #tpu.memory_space<vmem>> -> memref<4x1024xf32, #tpu.memory_space<vmem>>
      %dma_start3A_647 = arith.constant 0 : i32
      %dma_start3A_648 = arith.constant 0 : i32
      %dma_start3A_649 = tpu.memref_slice %arg4[%add3A_640, %dma_start3A_647, %dma_start3A_648] : memref<2048x4x1024xf32, #tpu.memory_space<hbm>> -> memref<1x4x1024xf32, #tpu.memory_space<hbm>>
      %dma_start3A_650 = tpu.memref_squeeze %dma_start3A_649 : memref<1x4x1024xf32, #tpu.memory_space<hbm>> -> memref<4x1024xf32, #tpu.memory_space<hbm>>
      %dma_start3A_651 = arith.constant 0 : i32
      %dma_start3A_652 = arith.constant 0 : i32
      %dma_start3A_653 = tpu.memref_slice %arg4[%add3A_640, %dma_start3A_651, %dma_start3A_652] : memref<2048x4x1024xf32, #tpu.memory_space<hbm>> -> memref<1x4x1024xf32, #tpu.memory_space<hbm>>
      %dma_start3A_654 = tpu.memref_squeeze %dma_start3A_653 : memref<1x4x1024xf32, #tpu.memory_space<hbm>> -> memref<4x1024xf32, #tpu.memory_space<hbm>>
      %dma_start3A_655 = arith.constant 12 : i32
      %dma_start3A_656 = arith.constant 0 : i32
      %dma_start3A_657 = tpu.memref_slice %arg6[%run_scoped3A_641, %dma_start3A_655, %dma_start3A_656] : memref<6x16x1024xf32, #tpu.memory_space<vmem>> -> memref<1x4x1024xf32, #tpu.memory_space<vmem>>
      %dma_start3A_658 = tpu.memref_squeeze %dma_start3A_657 : memref<1x4x1024xf32, #tpu.memory_space<vmem>> -> memref<4x1024xf32, #tpu.memory_space<vmem>>
      tpu.enqueue_dma source(%dma_start3A_658 : memref<4x1024xf32, #tpu.memory_space<vmem>>) target(%dma_start3A_654 : memref<4x1024xf32, #tpu.memory_space<hbm>>) target_semaphore(%run_scoped3A_642 : memref<!tpu.dma_semaphore, #tpu.memory_space<semaphore_mem>>)
      %dma_wait3A_659 = arith.constant 12 : i32
      %dma_wait3A_660 = arith.constant 0 : i32
      %dma_wait3A_661 = tpu.memref_slice %arg6[%run_scoped3A_641, %dma_wait3A_659, %dma_wait3A_660] : memref<6x16x1024xf32, #tpu.memory_space<vmem>> -> memref<1x4x1024xf32, #tpu.memory_space<vmem>>
      %dma_wait3A_662 = tpu.memref_squeeze %dma_wait3A_661 : memref<1x4x1024xf32, #tpu.memory_space<vmem>> -> memref<4x1024xf32, #tpu.memory_space<vmem>>
      %dma_wait3A_663 = arith.constant 0 : i32
      %dma_wait3A_664 = arith.constant 0 : i32
      %dma_wait3A_665 = tpu.memref_slice %arg4[%add3A_640, %dma_wait3A_663, %dma_wait3A_664] : memref<2048x4x1024xf32, #tpu.memory_space<hbm>> -> memref<1x4x1024xf32, #tpu.memory_space<hbm>>
      %dma_wait3A_666 = tpu.memref_squeeze %dma_wait3A_665 : memref<1x4x1024xf32, #tpu.memory_space<hbm>> -> memref<4x1024xf32, #tpu.memory_space<hbm>>
      %dma_wait3A_667 = arith.constant 0 : i32
      %dma_wait3A_668 = arith.constant 0 : i32
      %dma_wait3A_669 = tpu.memref_slice %arg4[%add3A_640, %dma_wait3A_667, %dma_wait3A_668] : memref<2048x4x1024xf32, #tpu.memory_space<hbm>> -> memref<1x4x1024xf32, #tpu.memory_space<hbm>>
      %dma_wait3A_670 = tpu.memref_squeeze %dma_wait3A_669 : memref<1x4x1024xf32, #tpu.memory_space<hbm>> -> memref<4x1024xf32, #tpu.memory_space<hbm>>
      %dma_wait3A_671 = arith.constant 12 : i32
      %dma_wait3A_672 = arith.constant 0 : i32
      %dma_wait3A_673 = tpu.memref_slice %arg6[%run_scoped3A_641, %dma_wait3A_671, %dma_wait3A_672] : memref<6x16x1024xf32, #tpu.memory_space<vmem>> -> memref<1x4x1024xf32, #tpu.memory_space<vmem>>
      %dma_wait3A_674 = tpu.memref_squeeze %dma_wait3A_673 : memref<1x4x1024xf32, #tpu.memory_space<vmem>> -> memref<4x1024xf32, #tpu.memory_space<vmem>>
      tpu.wait_dma2 semaphore(%run_scoped3A_642 : memref<!tpu.dma_semaphore, #tpu.memory_space<semaphore_mem>>) src(%dma_wait3A_674 : memref<4x1024xf32, #tpu.memory_space<vmem>>) dst(%dma_wait3A_670 : memref<4x1024xf32, #tpu.memory_space<hbm>>)
      tpu.yield
    }) : () -> ()
    return
  }
}

module attributes {stable_mosaic.version = 14 : i64} {
  func.func @_mask_body(%arg0: i32, %arg1: i32, %arg2: memref<1x1x2048xi32, #tpu.memory_space<vmem>>, %arg3: memref<1x2x2048xi32, #tpu.memory_space<vmem>>, %arg4: memref<1x1x512x2048xi8, #tpu.memory_space<vmem>>) attributes {dimension_semantics = [#tpu.dimension_semantics<arbitrary>, #tpu.dimension_semantics<arbitrary>], iteration_bounds = array<i64: 4, 4>, scalar_prefetch = 0 : i64, scratch_operands = 0 : i64, tpu.core_type = #tpu.core_type<tc>, window_params = [{transform_indices = @transform_0, window_bounds = array<i64: 1, 1, 2048>}, {transform_indices = @transform_1, window_bounds = array<i64: 1, 2, 2048>}, {transform_indices = @transform_2, window_bounds = array<i64: 1, 1, 512, 2048>}]} {
    %get3A = arith.constant 0 : index
    %get3A_0 = arith.constant 0 : index
    %get3A_1 = arith.constant 0 : index
    %get3A_2 = vector.load %arg2[%get3A, %get3A_0, %get3A_1] : memref<1x1x2048xi32, #tpu.memory_space<vmem>>, vector<1x1x2048xi32>
    %get3A_3 = vector.shape_cast %get3A_2 : vector<1x1x2048xi32> to vector<1x2048xi32>
    %iota3A = tpu.iota {dimensions = array<i32: 1>} : vector<1x2048xi32>
    %eq3A = arith.constant 150004 : i32
    %eq3A_4 = vector.broadcast %eq3A : i32 to vector<1x2048xi32>
    %eq3A_5 = arith.cmpi eq, %get3A_3, %eq3A_4 : vector<1x2048xi32>
    %jit3A = arith.constant 2048 : i32
    %broadcast_in_dim3A = vector.broadcast %jit3A : i32 to vector<1x2048xi32>
    %select_n3A = arith.select %eq3A_5, %iota3A, %broadcast_in_dim3A : vector<1x2048xi1>, vector<1x2048xi32>
    %reduce_min3A = vector.shape_cast %select_n3A : vector<1x2048xi32> to vector<1x1x2048xi32>
    %reduce_min3A_6 = arith.constant dense<2147483647> : vector<1xi32>
    %reduce_min3A_7 = vector.multi_reduction <minsi>, %reduce_min3A, %reduce_min3A_6 [1, 2] : vector<1x1x2048xi32> to vector<1xi32>
    %reduce_min3A_8 = vector.shape_cast %reduce_min3A_7 : vector<1xi32> to vector<1x1x1xi32>
    %reduce_min3A_9 = vector.extract %reduce_min3A_8[0, 0, 0] : i32 from vector<1x1x1xi32>
    %eq3A_10 = arith.constant 150001 : i32
    %eq3A_11 = vector.broadcast %eq3A_10 : i32 to vector<1x2048xi32>
    %eq3A_12 = arith.cmpi eq, %get3A_3, %eq3A_11 : vector<1x2048xi32>
    %jit3A_13 = arith.constant 2048 : i32
    %broadcast_in_dim3A_14 = vector.broadcast %jit3A_13 : i32 to vector<1x2048xi32>
    %select_n3A_15 = arith.select %eq3A_12, %iota3A, %broadcast_in_dim3A_14 : vector<1x2048xi1>, vector<1x2048xi32>
    %reduce_min3A_16 = vector.shape_cast %select_n3A_15 : vector<1x2048xi32> to vector<1x1x2048xi32>
    %reduce_min3A_17 = arith.constant dense<2147483647> : vector<1xi32>
    %reduce_min3A_18 = vector.multi_reduction <minsi>, %reduce_min3A_16, %reduce_min3A_17 [1, 2] : vector<1x1x2048xi32> to vector<1xi32>
    %reduce_min3A_19 = vector.shape_cast %reduce_min3A_18 : vector<1xi32> to vector<1x1x1xi32>
    %reduce_min3A_20 = vector.extract %reduce_min3A_19[0, 0, 0] : i32 from vector<1x1x1xi32>
    %mul3A = arith.constant 512 : i32
    %mul3A_21 = arith.muli %arg1, %mul3A : i32
    %iota3A_22 = tpu.iota {dimensions = array<i32: 0>} : vector<512x1xi32>
    %add3A = arith.constant 1 : i32
    %add3A_23 = arith.addi %mul3A_21, %add3A : i32
    %add3A_24 = vector.broadcast %add3A_23 : i32 to vector<512x1xi32>
    %add3A_25 = arith.addi %iota3A_22, %add3A_24 : vector<512x1xi32>
    %max3A = vector.broadcast %reduce_min3A_9 : i32 to vector<512x1xi32>
    %max3A_26 = arith.maxsi %add3A_25, %max3A : vector<512x1xi32>
    %convert_element_type3A = arith.trunci %max3A_26 : vector<512x1xi32> to vector<512x1xi16>
    %iota3A_27 = tpu.iota {dimensions = array<i32: 1>} : vector<512x2048xi16>
    %ge3A = vector.broadcast %convert_element_type3A : vector<512x1xi16> to vector<512x2048xi16>
    %ge3A_28 = arith.cmpi sge, %iota3A_27, %ge3A : vector<512x2048xi16>
    %convert_element_type3A_29 = arith.extui %ge3A_28 : vector<512x2048xi1> to vector<512x2048xi8>
    %swap3A = arith.constant 0 : index
    %swap3A_30 = arith.constant 0 : index
    %swap3A_31 = arith.constant 0 : index
    %swap3A_32 = arith.constant 0 : index
    %swap3A_33 = vector.load %arg4[%swap3A, %swap3A_30, %swap3A_31, %swap3A_32] : memref<1x1x512x2048xi8, #tpu.memory_space<vmem>>, vector<1x1x512x2048xi8>
    %swap3A_34 = vector.shape_cast %swap3A_33 : vector<1x1x512x2048xi8> to vector<512x2048xi8>
    %swap3A_35 = vector.shape_cast %convert_element_type3A_29 : vector<512x2048xi8> to vector<1x1x512x2048xi8>
    tpu.vector_store %arg4[%swap3A, %swap3A_30, %swap3A_31, %swap3A_32], %swap3A_35 {strides = array<i32>} : memref<1x1x512x2048xi8, #tpu.memory_space<vmem>>, vector<1x1x512x2048xi8>,
    %ge3A_36 = vector.broadcast %reduce_min3A_9 : i32 to vector<1x2048xi32>
    %ge3A_37 = arith.cmpi sge, %iota3A, %ge3A_36 : vector<1x2048xi32>
    %broadcast_in_dim3A_38 = vector.broadcast %reduce_min3A_20 : i32 to vector<1x2048xi32>
    %select_n3A_39 = arith.select %ge3A_37, %broadcast_in_dim3A_38, %iota3A : vector<1x2048xi1>, vector<1x2048xi32>
    %lt3A = vector.broadcast %reduce_min3A_9 : i32 to vector<1x2048xi32>
    %lt3A_40 = arith.cmpi slt, %iota3A, %lt3A : vector<1x2048xi32>
    %sub3A = vector.broadcast %reduce_min3A_9 : i32 to vector<1x2048xi32>
    %sub3A_41 = arith.subi %iota3A, %sub3A : vector<1x2048xi32>
    %add3A_42 = arith.constant 1 : i32
    %add3A_43 = vector.broadcast %add3A_42 : i32 to vector<1x2048xi32>
    %add3A_44 = arith.addi %sub3A_41, %add3A_43 : vector<1x2048xi32>
    %jit3A_45 = arith.constant 0 : i32
    %broadcast_in_dim3A_46 = vector.broadcast %jit3A_45 : i32 to vector<1x2048xi32>
    %select_n3A_47 = arith.select %lt3A_40, %broadcast_in_dim3A_46, %add3A_44 : vector<1x2048xi1>, vector<1x2048xi32>
    %concatenate3A = tpu.concatenate %select_n3A_39, %select_n3A_47 in 0 : vector<1x2048xi32>, vector<1x2048xi32> -> vector<2x2048xi32>
    %swap3A_48 = arith.constant 0 : index
    %swap3A_49 = arith.constant 0 : index
    %swap3A_50 = arith.constant 0 : index
    %swap3A_51 = vector.load %arg3[%swap3A_48, %swap3A_49, %swap3A_50] : memref<1x2x2048xi32, #tpu.memory_space<vmem>>, vector<1x2x2048xi32>
    %swap3A_52 = vector.shape_cast %swap3A_51 : vector<1x2x2048xi32> to vector<2x2048xi32>
    %swap3A_53 = vector.shape_cast %concatenate3A : vector<2x2048xi32> to vector<1x2x2048xi32>
    tpu.vector_store %arg3[%swap3A_48, %swap3A_49, %swap3A_50], %swap3A_53 {strides = array<i32>} : memref<1x2x2048xi32, #tpu.memory_space<vmem>>, vector<1x2x2048xi32>,
    return
  }
  func.func @transform_0(%arg0: i32, %arg1: i32) -> (i32, i32, i32) {
    %c0_i32 = arith.constant 0 : i32
    %c0_i32_0 = arith.constant 0 : i32
    %c0_i32_1 = arith.constant 0 : i32
    return %arg0, %c0_i32, %c0_i32_0 : i32, i32, i32
  }
  func.func @transform_1(%arg0: i32, %arg1: i32) -> (i32, i32, i32) {
    %c0_i32 = arith.constant 0 : i32
    %c0_i32_0 = arith.constant 0 : i32
    %c0_i32_1 = arith.constant 0 : i32
    return %arg0, %c0_i32, %c0_i32_0 : i32, i32, i32
  }
  func.func @transform_2(%arg0: i32, %arg1: i32) -> (i32, i32, i32, i32) {
    %c0_i32 = arith.constant 0 : i32
    %c0_i32_0 = arith.constant 0 : i32
    %c0_i32_1 = arith.constant 0 : i32
    return %arg0, %c0_i32, %arg1, %c0_i32_0 : i32, i32, i32, i32
  }
}

</mosaic_0001>

<sc_bundles>
// kernel: kernel.4.cloned.1.call-start
scs
__scs_entry_jumppad:
0x0: {  	(pc) =	sbr.rel $0x88, $3  }
0x1: {  	(tag) =	ssettag $0x0;
	lr =	simm.s32 $0x1  }
0x2: {  	[smem:$0x3F9E] =	sst lr;
	_ =	strace $0xD0000000  }
0x3: {  	_ = 	snop  }
0x4: {  	_ = 	snop  }
0x5: {  	_ = 	snop  }
0x6: {  	_ = 	snop  }
0x7: {  	_ = 	snop  }
__scs_overlays_trampoline_lowered:
0x8: {  	[smem:$0x3FAD] =	sst s0  }
0x9: {  	[smem:$0x3FAE] =	sst s1  }
0xa: {  	[smem:$0x3FAF] =	sst s2  }
0xb: {  	[smem:$0x3FB0] =	sst s3  }
0xc: {  	[smem:$0x3FB1] =	sst s4  }
0xd: {  	[smem:$0x3FB2] =	sst s5  }
0xe: {  	[smem:$0x3FB3] =	sst s6  }
0xf: {  	[smem:$0x3FB4] =	sst s7  }
0x10: {  	[smem:$0x3FB5] =	sst s8  }
0x11: {  	[smem:$0x3FB6] =	sst s9;
	s0 =	simm.s32 @!p0 $0x0  }
0x12: {  	s1 =	sld [smem:$0x3F9C];
	s0 =	simm.s32 @p0 $0x1  }
0x13: {  	[smem:$0x3FB7] =	sst s0;
	s0 =	simm.s32 @!p1 $0x0  }
0x14: {  	s2 =	sld [smem:$0x3F9B];
	s0 =	simm.s32 @p1 $0x1  }
0x15: {  	[smem:$0x3FB8] =	sst s0;
	s0 =	simm.s32 @!p2 $0x0  }
0x16: {  	s3 =	sld [smem:$0x3FDB];
	s0 =	simm.s32 @p2 $0x1  }
0x17: {  	s4 =	simm.s32 $0x1BF5;
	[smem:$0x3FBA] =	sst s0  }
0x18: {  	s0 =	sld [smem:$0x3F9D];
	_ =	swait.ge [sflag:s4], $0x0  }
0x19: {  	s7 =	sld [smem:$0x3F9E]  }
0x1a: {  	s8 =	sadd.s32 $0xFFFFE003, lr  }
0x1b: {  	s9 =	sadd.s32 $0xFFFFFEF7, lr;
	s5 =	simm.s32 $0xFFFFFFFF;
	p2 =	slt.u32 s8, $0xFFFFF086  }
0x1c: {  	p1 =	slt.u32 s9, $0xF7A;
	s5 =	simm.s32 @!p2 $0x0  }
0x1d: {  	s5 =	simm.s32 @p1 $0x1;
	p0 =	seq.s32 s7, s2  }
0x1e: {  	s7 =	smul.u32 @!p0 $0xF7A, s2;
	p2 =	seq.s32 @!p0 s5, $0x0  }
0x1f: {  	s9 =	smul.u32 $0xF7A, s1;
	s8 =	simm.s32 @!p0 $0x1BF5;
	p2 =	por !p2, p0  }
0x20: {  	[sflag:s8] =	ssyncset.s32 @!p0 $0xFFFFF086;
	s6 =	sadd.s32 @!p0 s3, s7;
	s7 =	simm.s32 @!p0 $0x108  }
0x21: {  	s3 =	sadd.s32 s3, s9;
	s6 =	sadd.s32 @!p0 $0x88, s6;
	s7 =	simm.s32 @p2 $0x1082  }
0x22: {  	[simem:s7], [sflag:s8] =	dma.local @!p0 [hbm:s6], $0xF7A  }
0x23: {  	s9 =	sor.u32 $0xD0000000, s2;
	s6 =	simm.s32 $0x108;
	_ =	swait.ge @!p0 [sflag:s8], $0x0  }
0x24: {  	s3 =	sadd.s32 $0x88, s3;
	s6 =	simm.s32 @!p1 $0x1082;
	[sflag:s4] =	ssyncset.s32 $0xFFFFF086  }
0x25: {  	[simem:s6], [sflag:s4] =	dma.local [hbm:s3], $0xF7A  }
0x26: {  	[smem:$0x3F9E] =	sst s1;
	(tag) =	ssettag s2;
	_ =	strace s9  }
0x27: {  	s1 =	sld [smem:$0x3FAE]  }
0x28: {  	s2 =	sld [smem:$0x3FAF]  }
0x29: {  	s4 =	sld [smem:$0x3FB1]  }
0x2a: {  	p0 =	seq.s32 s5, $0x0;
	s5 =	sld [smem:$0x3FB2]  }
0x2b: {  	s6 =	sld [smem:$0x3FB3]  }
0x2c: {  	s7 =	sld [smem:$0x3FB4]  }
0x2d: {  	s3 =	simm.s32 $0x108;
	s8 =	sld [smem:$0x3FB5]  }
0x2e: {  	s3 =	simm.s32 @!p0 $0x1082;
	s9 =	sld [smem:$0x3FB6]  }
0x2f: {  	lr =	sadd.s32 s0, s3;
	s0 =	sld [smem:$0x3FAD]  }
0x30: {  	s3 =	sld [smem:$0x3FB0]  }
0x31: {  	[smem:$0x3FB9] =	sst s10  }
0x32: {  	s10 =	sld [smem:$0x3FB7];
	_ =	sdelay $0x3  }
0x33: {  	p0 =	seq.s32 s10, $0x1;
	s10 =	sld [smem:$0x3FB9];
	_ =	sdelay $0x3  }
0x34: {  	[smem:$0x3FB9] =	sst s10  }
0x35: {  	s10 =	sld [smem:$0x3FB8];
	_ =	sdelay $0x3  }
0x36: {  	p1 =	seq.s32 s10, $0x1;
	s10 =	sld [smem:$0x3FB9];
	_ =	sdelay $0x3  }
0x37: {  	[smem:$0x3FB9] =	sst s10  }
0x38: {  	s10 =	sld [smem:$0x3FBA]  }
0x39: {  	_ = 	snop;
	(pc) =	sbr.ind lr, $3  }
0x3a: {  	_ = 	snop  }
0x3b: {  	_ = 	snop  }
0x3c: {  	p2 =	seq.s32 s10, $0x1;
	s10 =	sld [smem:$0x3FB9]  }
0x3d: {  	_ =	shalt  }
0x3e: {  	_ =	shalt  }
0x3f: {  	_ =	shalt  }
0x40: {  	_ =	shalt  }
0x41: {  	_ =	shalt  }
0x42: {  	_ =	shalt  }
0x43: {  	_ =	shalt  }
0x44: {  	_ =	shalt  }
0x45: {  	_ =	shalt  }
0x46: {  	_ =	shalt  }
0x47: {  	_ =	shalt  }
0x48: {  	_ =	shalt  }
0x49: {  	_ =	shalt  }
0x4a: {  	_ =	shalt  }
0x4b: {  	_ =	shalt  }
0x4c: {  	_ =	shalt  }
0x4d: {  	_ =	shalt  }
0x4e: {  	_ =	shalt  }
0x4f: {  	_ =	shalt  }
0x50: {  	_ =	shalt  }
0x51: {  	_ =	shalt  }
0x52: {  	_ =	shalt  }
0x53: {  	_ =	shalt  }
0x54: {  	_ =	shalt  }
0x55: {  	_ =	shalt  }
0x56: {  	_ =	shalt  }
0x57: {  	_ =	shalt  }
0x58: {  	_ =	shalt  }
0x59: {  	_ =	shalt  }
0x5a: {  	_ =	shalt  }
0x5b: {  	_ =	shalt  }
0x5c: {  	_ =	shalt  }
0x5d: {  	_ =	shalt  }
0x5e: {  	_ =	shalt  }
0x5f: {  	_ =	shalt  }
0x60: {  	_ =	shalt  }
0x61: {  	_ =	shalt  }
0x62: {  	_ =	shalt  }
0x63: {  	_ =	shalt  }
0x64: {  	_ =	shalt  }
0x65: {  	_ =	shalt  }
0x66: {  	_ =	shalt  }
0x67: {  	_ =	shalt  }
0x68: {  	_ =	shalt  }
0x69: {  	_ =	shalt  }
0x6a: {  	_ =	shalt  }
0x6b: {  	_ =	shalt  }
0x6c: {  	_ =	shalt  }
0x6d: {  	_ =	shalt  }
0x6e: {  	_ =	shalt  }
0x6f: {  	_ =	shalt  }
0x70: {  	_ =	shalt  }
0x71: {  	_ =	shalt  }
0x72: {  	_ =	shalt  }
0x73: {  	_ =	shalt  }
0x74: {  	_ =	shalt  }
0x75: {  	_ =	shalt  }
0x76: {  	_ =	shalt  }
0x77: {  	_ =	shalt  }
0x78: {  	_ =	shalt  }
0x79: {  	_ =	shalt  }
0x7a: {  	_ =	shalt  }
0x7b: {  	_ =	shalt  }
0x7c: {  	_ =	shalt  }
0x7d: {  	_ =	shalt  }
0x7e: {  	_ =	shalt  }
0x7f: {  	_ =	shalt  }
0x80: {  	_ =	shalt  }
0x81: {  	_ =	shalt  }
0x82: {  	_ =	shalt  }
0x83: {  	_ =	shalt  }
0x84: {  	_ =	shalt  }
0x85: {  	_ =	shalt  }
0x86: {  	_ =	shalt  }
0x87: {  	_ =	shalt  }
.Lfunc_end0:
.L_simem_size_0:
called_computation_lowered:
.L_overlay_start_0:
0x88: {  	s2 =	sld [smem:$0x3FD9]  }
0x89: {  	s3 =	sld [smem:$0x3FFE];
	_ =	sdelay $0x1  }
0x8a: {  	s1 =	srdreg.scid  }
0x8b: {  	s0 =	sand.u32 $0x1, s1  }
0x8c: {  	s15 =	sshll.u32 s0, $0xA;
	s2 =	sadd.s32 s3, s2  }
0x8d: {  	s2 =	sadd.s32 s2, s15  }
0x8e: {  	[smem:$0x3FC5] =	sst s2  }
0x8f: {  	_ = 	snop  }
0x90: {  	s2 =	sld [smem:$0x3FD0];
	_ =	sdelay $0x2  }
0x91: {  	s4 =	simm.s32 $0xA;
	s5 =	simm.s32 $0x10;
	s16 =	sld [smem:$0x3FC7]  }
0x92: {  	[smem:s5], [sflag:s4] =	dma.local [hbm:s2], $0x1  }
0x93: {  	_ =	swait.eq [sflag:s4], $0x1  }
0x94: {  	[sflag:s4] =	ssyncset.done $0x0  }
0x95: {  	s17 =	sld [smem:$0x10];
	[sflag:s4] =	ssyncadd.s32 $0xFFFFFFFF  }
0x96: {  	s18 =	sld [smem:$0x13];
	(tm) =	ssettm $0x1  }
0x97: {  	s19 =	sld [smem:$0x3FFB];
	_ =	sdelay $0x3  }
0x98: {  	_ =	strace s19  }
0x99: {  	s5 =	sld [smem:$0x3FFC];
	_ =	sdelay $0x3  }
0x9a: {  	_ =	strace s5  }
0x9b: {  	s5 =	sld [smem:$0x3FFD];
	_ =	sdelay $0x3  }
0x9c: {  	_ =	strace s5  }
0x9d: {  	_ =	strace $0x8FFFFFFF  }
0x9e: {  	s20 =	sld [smem:$0x3FDB];
	_ =	sdelay $0x1  }
0x9f: {  	s6 =	simm.s32 $_scs_section_size  }
0xa0: {  	s7 =	simm.s32 $_size__tile_overlayer_lowered;
	s8 =	simm.s32 $_tile_overlayer_lowered  }
0xa1: {  	s23 =	simm.s32 $0x1BFF;
	s22 =	sshll.u32 s8, $0x1;
	s5 =	sadd.s32 s6, s20  }
0xa2: {  	s9 =	simm.s32 $0x0;
	s21 =	sshll.u32 s7, $0x1;
	s7 =	sadd.s32 s22, s5  }
0xa3: {  	[timem:s9], [sflag:s23] =	dma.local [hbm:s7], s21  }
0xa4: {  	_ =	swait.ge [sflag:s23], s21  }
0xa5: {  	s6 =	ssub.s32 $0x0, s21;
	[sflag:s23] =	ssyncset.done $0x0  }
0xa6: {  	[sflag:s23] =	ssyncadd.s32 s6;
	_ =	sdelay $0x1  }
0xa7: {  	s24 =	simm.s32 $0x1B8B  }
0xa8: {  	_ =	swait.ge [sflag:s24], $0x1  }
0xa9: {  	[sflag:s24] =	ssyncset.done $0x0  }
0xaa: {  	s25 =	simm.s32 $0x1B8E;
	[sflag:s24] =	ssyncadd.s32 $0xFFFFFFFF  }
0xab: {  	s26 =	simm.s32 $execute0_lowered;
	[smem:$0x3FD2] =	sst s25  }
0xac: {  	s6 =	sshll.u32 s26, $0x1;
	_ =	strace $0x80000046;
	[dreg:$0x1] =	wrdreg $0xFFFFFFFF  }
0xad: {  	s28 =	simm.s32 $_size_execute0_lowered;
	s5 =	sadd.s32 s5, s6;
	[dreg:$0x0] =	wrdreg $0x0  }
0xae: {  	s6 =	sshll.u32 s28, $0x1;
	[dreg:$0x2] =	wrdreg s5  }
0xaf: {  	[dreg:$0x3] =	wrdreg s6  }
0xb0: {  	[dreg:$0x4] =	wrdreg $0xC0  }
0xb1: {  	_ =	task [dreg:s9], $0x5FFFF  }
0xb2: {  	[dreg:$0x1] =	wrdreg $0xFFFFFFFF  }
0xb3: {  	[dreg:$0x0] =	wrdreg $0x60  }
0xb4: {  	[dreg:$0x2] =	wrdreg s16  }
0xb5: {  	[dreg:$0x3] =	wrdreg s18  }
0xb6: {  	[dreg:$0x4] =	wrdreg s17  }
0xb7: {  	[dreg:$0x5] =	wrdreg $0x9  }
0xb8: {  	_ =	task.clear_ibuf [dreg:s9], $0x6FFFF;
	_ =	strace $0x90000046  }
0xb9: {  	s29 =	simm.s32 $0x9;
	_ =	strace $0x80000048  }
0xba: {  	_ =	swait.ge [sflag:s29], $0x1  }
0xbb: {  	[sflag:s29] =	ssyncadd.s32 $0xFFFFFFFF  }
0xbc: {  	_ =	strace $0x90000048  }
0xbd: {  	_ =	sfence  }
0xbe: {  	s30 =	sld [smem:$0x0];
	_ =	sdelay $0x2  }
0xbf: {  	s31 =	sshll.u32 s1, $0xD;
	s1 =	sshrl.u32 s1, $0x2  }
0xc0: {  	s3 =	sand.u32 $0x4000, s31;
	s1 =	sadd.s32 s1, s30  }
0xc1: {  	s0 =	sor.u32 s3, s0;
	s1 =	sshll.u32 s1, $0x11  }
0xc2: {  	s0 =	sor.u32 s1, s0  }
0xc3: {  	s0 =	sadd.s32 $0x8F2B, s0  }
0xc4: {  	[sflag:s0] =	ssyncadd.remote.s32 $0x1  }
0xc5: {  	_ =	sfence.sel $0xFFFF  }
0xc6: {  	[dreg:$0x0] =	wrdreg $0xFFFFFFFF;
	(pc) =	sbr.abs _section_cstart, $3  }
0xc7: {  	[dreg:$0x1] =	wrdreg $0xFFFFFFFF  }
0xc8: {  	_ =	task.clear_ibuf [dreg:s9], $0x2FFFF;
	_ =	strace $0x9FFFFFFF  }
0xc9: {  	(tm) =	ssettm $0x7FFFFFFF  }
tec
execute0_lowered:
.L_overlay_start_1:
0x0: {  	(tag) =	ssettag $0x1  }
0x1: {  	s2 =	srdreg.scid;
	s3 =	stileid.u32  }
0x2: {  	s28 =	rddreg [dreg:$0x0];
	s2 =	sand.u32 $0x1, s2;
	s4 =	sshll.u32 s3, $0x1  }
0x3: {  	s0 =	rddreg [dreg:$0x1];
	s4 =	sor.u32 s2, s4  }
0x4: {  	s6 =	rddreg [dreg:$0x2];
	s3 =	simm.s32 $0x0;
	s5 =	sshll.u32 s4, $0x5  }
0x5: {  	[smem:$0x7FF] =	sst s3;
	s13 =	sshll.u32 s4, $0xF;
	s0 =	sadd.s32 s0, s5  }
0x6: {  	_ =	strace $0x80000047;
	s6 =	sadd.s32 s6, s13;
	[dreg:$0x4] =	wrdreg s0  }
0x7: {  	s0 =	sadd.s32 $0x200, s6;
	[smem:$0x7FC] =	sst s6  }
0x8: {  	s14 =	sadd.s32 $0x400, s6;
	[dreg:$0x5] =	wrdreg s0  }
0x9: {  	s15 =	sadd.s32 $0x600, s6;
	[dreg:$0x6] =	wrdreg s14  }
0xa: {  	s16 =	sadd.s32 $0x800, s6;
	[dreg:$0x7] =	wrdreg s15  }
0xb: {  	s17 =	sadd.s32 $0xA00, s6;
	[dreg:$0x8] =	wrdreg s16  }
0xc: {  	s18 =	sadd.s32 $0xC00, s6;
	[dreg:$0x9] =	wrdreg s17  }
0xd: {  	s19 =	sadd.s32 $0xE00, s6;
	[dreg:$0xa] =	wrdreg s18  }
0xe: {  	s20 =	sadd.s32 $0x1000, s6;
	[dreg:$0xb] =	wrdreg s19  }
0xf: {  	s21 =	sadd.s32 $0x1200, s6;
	[dreg:$0xc] =	wrdreg s20  }
0x10: {  	s22 =	sadd.s32 $0x1400, s6;
	[dreg:$0xd] =	wrdreg s21  }
0x11: {  	s23 =	sadd.s32 $0x1600, s6;
	[dreg:$0xe] =	wrdreg s22  }
0x12: {  	s24 =	sadd.s32 $0x1800, s6;
	[dreg:$0xf] =	wrdreg s23  }
0x13: {  	s25 =	sadd.s32 $0x1A00, s6;
	[dreg:$0x10] =	wrdreg s24  }
0x14: {  	s26 =	sadd.s32 $0x1C00, s6;
	[dreg:$0x11] =	wrdreg s25  }
0x15: {  	s29 =	sadd.s32 $0x1E00, s6;
	[dreg:$0x12] =	wrdreg s26  }
0x16: {  	s30 =	sadd.s32 $0x2000, s6;
	[dreg:$0x13] =	wrdreg s29  }
0x17: {  	s31 =	sadd.s32 $0x2200, s6;
	[dreg:$0x14] =	wrdreg s30  }
0x18: {  	s1 =	sadd.s32 $0x2400, s6;
	[dreg:$0x15] =	wrdreg s31  }
0x19: {  	s8 =	sadd.s32 $0x2800, s6;
	[dreg:$0x17] =	wrdreg s1  }
0x1a: {  	s9 =	sadd.s32 $0x2A00, s6;
	[dreg:$0x19] =	wrdreg s8  }
0x1b: {  	s10 =	sadd.s32 $0x2C00, s6;
	[dreg:$0x1a] =	wrdreg s9  }
0x1c: {  	s2 =	ssub.s32 $0x2, s2;
	s11 =	sadd.s32 $0x2E00, s6;
	[dreg:$0x1b] =	wrdreg s10  }
0x1d: {  	s7 =	sshrl.u32 s2, $0x1;
	s12 =	sadd.s32 $0x3000, s6;
	[dreg:$0x1c] =	wrdreg s11  }
0x1e: {  	s2 =	ssub.s32 s2, s7;
	s13 =	sadd.s32 $0x3200, s6;
	[dreg:$0x1d] =	wrdreg s12  }
0x1f: {  	s22 =	smax.u32 s2, $0x1;
	s2 =	sadd.s32 $0x2600, s6;
	[dreg:$0x1e] =	wrdreg s13  }
0x20: {  	s14 =	sadd.s32 $0x3400, s6;
	[dreg:$0x18] =	wrdreg s2  }
0x21: {  	s15 =	sadd.s32 $0x3600, s6;
	[dreg:$0x1f] =	wrdreg s14  }
0x22: {  	s16 =	sadd.s32 $0x3800, s6;
	[smem:$0x7D8] =	sst s15  }
0x23: {  	s17 =	sadd.s32 $0x3A00, s6;
	[smem:$0x7D9] =	sst s16  }
0x24: {  	s18 =	sadd.s32 $0x3C00, s6;
	[smem:$0x7DA] =	sst s17  }
0x25: {  	s19 =	sadd.s32 $0x3E00, s6;
	[smem:$0x7DB] =	sst s18  }
0x26: {  	s20 =	sadd.s32 $0x4000, s6;
	[smem:$0x7DC] =	sst s19  }
0x27: {  	s21 =	sadd.s32 $0x4200, s6;
	[smem:$0x7DD] =	sst s20  }
0x28: {  	s23 =	sadd.s32 $0x4400, s6;
	[smem:$0x7DE] =	sst s21  }
0x29: {  	s24 =	sadd.s32 $0x4600, s6;
	[smem:$0x7DF] =	sst s23  }
0x2a: {  	s25 =	sadd.s32 $0x4800, s6;
	[smem:$0x7E0] =	sst s24  }
0x2b: {  	s26 =	sadd.s32 $0x4A00, s6;
	[smem:$0x7E1] =	sst s25  }
0x2c: {  	s29 =	sadd.s32 $0x4C00, s6;
	[smem:$0x7E2] =	sst s26  }
0x2d: {  	s30 =	sadd.s32 $0x4E00, s6;
	[smem:$0x7E3] =	sst s29  }
0x2e: {  	s31 =	sadd.s32 $0x5000, s6;
	[smem:$0x7E4] =	sst s30  }
0x2f: {  	s1 =	sadd.s32 $0x5200, s6;
	[smem:$0x7E5] =	sst s31  }
0x30: {  	s8 =	sadd.s32 $0x5600, s6;
	[smem:$0x7E6] =	sst s1  }
0x31: {  	s9 =	sadd.s32 $0x5800, s6;
	[smem:$0x7E8] =	sst s8  }
0x32: {  	s10 =	sadd.s32 $0x5A00, s6;
	[smem:$0x7E9] =	sst s9  }
0x33: {  	s11 =	sadd.s32 $0x5C00, s6;
	[smem:$0x7EA] =	sst s10  }
0x34: {  	s12 =	sadd.s32 $0x5E00, s6;
	[smem:$0x7EB] =	sst s11  }
0x35: {  	s13 =	sadd.s32 $0x6000, s6;
	[smem:$0x7EC] =	sst s12  }
0x36: {  	s2 =	sadd.s32 $0x5400, s6;
	[smem:$0x7ED] =	sst s13  }
0x37: {  	s14 =	sadd.s32 $0x6200, s6;
	[smem:$0x7E7] =	sst s2  }
0x38: {  	s15 =	sadd.s32 $0x6400, s6;
	[smem:$0x7EE] =	sst s14  }
0x39: {  	s16 =	sadd.s32 $0x6600, s6;
	[smem:$0x7EF] =	sst s15  }
0x3a: {  	s17 =	sadd.s32 $0x6800, s6;
	[smem:$0x7F0] =	sst s16  }
0x3b: {  	s18 =	sadd.s32 $0x6A00, s6;
	[smem:$0x7F1] =	sst s17  }
0x3c: {  	s19 =	sadd.s32 $0x6C00, s6;
	[smem:$0x7F2] =	sst s18  }
0x3d: {  	s20 =	sadd.s32 $0x6E00, s6;
	[smem:$0x7F3] =	sst s19  }
0x3e: {  	s21 =	sadd.s32 $0x7000, s6;
	[smem:$0x7F4] =	sst s20  }
0x3f: {  	s23 =	sadd.s32 $0x7200, s6;
	[smem:$0x7F5] =	sst s21  }
0x40: {  	s24 =	sadd.s32 $0x7400, s6;
	[smem:$0x7F6] =	sst s23  }
0x41: {  	s25 =	sadd.s32 $0x7600, s6;
	[smem:$0x7F7] =	sst s24  }
0x42: {  	s26 =	sadd.s32 $0x7800, s6;
	[smem:$0x7F8] =	sst s25  }
0x43: {  	s29 =	sadd.s32 $0x7A00, s6;
	[smem:$0x7F9] =	sst s26  }
0x44: {  	v2 =	vlaneseq.u32;
	s4 =	sadd.s32 $0x100, s28;
	s30 =	sadd.s32 $0x7C00, s6;
	[smem:$0x7FA] =	sst s29  }
0x45: {  	vm0 =	vmmov $0xffff;
	v1 =	vshrl.u32 v2, $0x3;
	s5 =	sadd.s32 $0x200, s28;
	s31 =	sadd.s32 $0x7E00, s6;
	[smem:$0x7FB] =	sst s30  }
0x46: {  	v0 =	vand.u32 $0x7, v2;
	v2 =	vor.u32 $0x8, v2;
	v1 =	vmul.u32 $0x8, v1;
	s7 =	sadd.s32 $0x300, s28;
	[smem:$0x7FD] =	sst s31;
	s21 =	simm.s32 $0x7  }
.LBB2_1:
0x47: {  	[dreg:$0x16] =	wrdreg s22  }
0x48: {  	s0 =	rddreg [dreg:$0x4]  }
0x49: {  	[tilespmem:s3], [sflag:$0x7] =	stream.linear.gather [hbm4b:s0+s3], $0x100, $0x38;
	[tilespmem:$0x18100] =	vst v63  }
0x4a: {  	_ =	swait.ge [sflag:s21], $0x100  }
0x4b: {  	[sflag:s21] =	ssyncset.done $0x0  }
0x4c: {  	[sflag:s21] =	ssyncadd.s32 $0xFFFFFF00  }
0x4d: {  	v3 =	vld [tilespmem:$0x0];
	_ =	sdelay $0x4  }
0x4e: {  	v4 =	vshll.u32 v3, $0x3  }
0x4f: {  	v3 =	vand.u32 $0x7, v3;
	v4 =	vand.u32 $0xFFFFFFC0, v4  }
0x50: {  	v3 =	vor.u32 v3, v4  }
0x51: {  	v4 =	vperm.xlane v3, v0;
	_ =	sdelay $0x1  }
0x52: {  	v4 =	vadd.s32 v1, v4;
	_ =	sdelay $0x3  }
0x53: {  	s0 =	simm.s32 $0x100  }
0x54: {  	[tilespmem:s0], [sflag:$0x1] =	stream.indirect_vreg.gather [hbm4b:s28+s3], $0x80, v4, vm0, $0xb8;
	[tilespmem:$0x18100] =	vst v63  }
0x55: {  	s1 =	simm.s32 $0x900;
	v3 =	vperm.xlane v3, v2  }
0x56: {  	[tilespmem:s1], [sflag:$0x1] =	stream.indirect_vreg.gather [hbm4b:s4+s3], $0x80, v4, vm0, $0xb8;
	[tilespmem:$0x18100] =	vst v63  }
0x57: {  	s2 =	simm.s32 $0x1100;
	v3 =	vadd.s32 v1, v3  }
0x58: {  	[tilespmem:s2], [sflag:$0x1] =	stream.indirect_vreg.gather [hbm4b:s5+s3], $0x80, v4, vm0, $0xb8;
	[tilespmem:$0x18100] =	vst v63  }
0x59: {  	s9 =	simm.s32 $0x1900  }
0x5a: {  	[tilespmem:s9], [sflag:$0x1] =	stream.indirect_vreg.gather [hbm4b:s7+s3], $0x80, v4, vm0, $0xb8;
	[tilespmem:$0x18100] =	vst v63  }
0x5b: {  	s10 =	simm.s32 $0x2100  }
0x5c: {  	[tilespmem:s10], [sflag:$0x1] =	stream.indirect_vreg.gather [hbm4b:s28+s3], $0x80, v3, vm0, $0xb8;
	[tilespmem:$0x18100] =	vst v63  }
0x5d: {  	s11 =	simm.s32 $0x2900  }
0x5e: {  	[tilespmem:s11], [sflag:$0x1] =	stream.indirect_vreg.gather [hbm4b:s4+s3], $0x80, v3, vm0, $0xb8;
	[tilespmem:$0x18100] =	vst v63  }
0x5f: {  	s12 =	simm.s32 $0x3100  }
0x60: {  	[tilespmem:s12], [sflag:$0x1] =	stream.indirect_vreg.gather [hbm4b:s5+s3], $0x80, v3, vm0, $0xb8;
	[tilespmem:$0x18100] =	vst v63  }
0x61: {  	s13 =	simm.s32 $0x3900  }
0x62: {  	[tilespmem:s13], [sflag:$0x1] =	stream.indirect_vreg.gather [hbm4b:s7+s3], $0x80, v3, vm0, $0xb8;
	[tilespmem:$0x18100] =	vst v63  }
0x63: {  	v3 =	vld [tilespmem:$0x10];
	_ =	sdelay $0x4  }
0x64: {  	v49 =	vshll.u32 v3, $0x3  }
0x65: {  	v3 =	vand.u32 $0x7, v3;
	v4 =	vand.u32 $0xFFFFFFC0, v49  }
0x66: {  	v3 =	vor.u32 v3, v4  }
0x67: {  	v4 =	vperm.xlane v3, v0;
	_ =	sdelay $0x1  }
0x68: {  	v4 =	vadd.s32 v1, v4;
	_ =	sdelay $0x3  }
0x69: {  	s14 =	simm.s32 $0x4100  }
0x6a: {  	[tilespmem:s14], [sflag:$0x2] =	stream.indirect_vreg.gather [hbm4b:s28+s3], $0x80, v4, vm0, $0xb8;
	[tilespmem:$0x18100] =	vst v63  }
0x6b: {  	s22 =	simm.s32 $0x4900;
	v3 =	vperm.xlane v3, v2  }
0x6c: {  	[tilespmem:s22], [sflag:$0x2] =	stream.indirect_vreg.gather [hbm4b:s4+s3], $0x80, v4, vm0, $0xb8;
	[tilespmem:$0x18100] =	vst v63  }
0x6d: {  	s23 =	simm.s32 $0x5100;
	v3 =	vadd.s32 v1, v3  }
0x6e: {  	[tilespmem:s23], [sflag:$0x2] =	stream.indirect_vreg.gather [hbm4b:s5+s3], $0x80, v4, vm0, $0xb8;
	[tilespmem:$0x18100] =	vst v63  }
0x6f: {  	s24 =	simm.s32 $0x5900  }
0x70: {  	[tilespmem:s24], [sflag:$0x2] =	stream.indirect_vreg.gather [hbm4b:s7+s3], $0x80, v4, vm0, $0xb8;
	[tilespmem:$0x18100] =	vst v63  }
0x71: {  	s25 =	simm.s32 $0x6100  }
0x72: {  	[tilespmem:s25], [sflag:$0x2] =	stream.indirect_vreg.gather [hbm4b:s28+s3], $0x80, v3, vm0, $0xb8;
	[tilespmem:$0x18100] =	vst v63  }
0x73: {  	s26 =	simm.s32 $0x6900  }
0x74: {  	[tilespmem:s26], [sflag:$0x2] =	stream.indirect_vreg.gather [hbm4b:s4+s3], $0x80, v3, vm0, $0xb8;
	[tilespmem:$0x18100] =	vst v63  }
0x75: {  	s29 =	simm.s32 $0x7100  }
0x76: {  	[tilespmem:s29], [sflag:$0x2] =	stream.indirect_vreg.gather [hbm4b:s5+s3], $0x80, v3, vm0, $0xb8;
	[tilespmem:$0x18100] =	vst v63  }
0x77: {  	s30 =	simm.s32 $0x7900  }
0x78: {  	[tilespmem:s30], [sflag:$0x2] =	stream.indirect_vreg.gather [hbm4b:s7+s3], $0x80, v3, vm0, $0xb8;
	[tilespmem:$0x18100] =	vst v63  }
0x79: {  	v3 =	vld [tilespmem:$0x20];
	_ =	sdelay $0x4  }
0x7a: {  	v50 =	vshll.u32 v3, $0x3  }
0x7b: {  	v3 =	vand.u32 $0x7, v3;
	v4 =	vand.u32 $0xFFFFFFC0, v50  }
0x7c: {  	v3 =	vor.u32 v3, v4  }
0x7d: {  	v4 =	vperm.xlane v3, v0;
	_ =	sdelay $0x1  }
0x7e: {  	v4 =	vadd.s32 v1, v4;
	_ =	sdelay $0x3  }
0x7f: {  	s31 =	simm.s32 $0x8100  }
0x80: {  	[tilespmem:s31], [sflag:$0x3] =	stream.indirect_vreg.gather [hbm4b:s28+s3], $0x80, v4, vm0, $0xb8;
	[tilespmem:$0x18100] =	vst v63  }
0x81: {  	s1 =	simm.s32 $0x8900;
	v3 =	vperm.xlane v3, v2  }
0x82: {  	[tilespmem:s1], [sflag:$0x3] =	stream.indirect_vreg.gather [hbm4b:s4+s3], $0x80, v4, vm0, $0xb8;
	[tilespmem:$0x18100] =	vst v63  }
0x83: {  	s2 =	simm.s32 $0x9100;
	v3 =	vadd.s32 v1, v3  }
0x84: {  	[tilespmem:s2], [sflag:$0x3] =	stream.indirect_vreg.gather [hbm4b:s5+s3], $0x80, v4, vm0, $0xb8;
	[tilespmem:$0x18100] =	vst v63  }
0x85: {  	s22 =	simm.s32 $0x9900  }
0x86: {  	[tilespmem:s22], [sflag:$0x3] =	stream.indirect_vreg.gather [hbm4b:s7+s3], $0x80, v4, vm0, $0xb8;
	[tilespmem:$0x18100] =	vst v63  }
0x87: {  	s23 =	simm.s32 $0xA100  }
0x88: {  	[tilespmem:s23], [sflag:$0x3] =	stream.indirect_vreg.gather [hbm4b:s28+s3], $0x80, v3, vm0, $0xb8;
	[tilespmem:$0x18100] =	vst v63  }
0x89: {  	s26 =	simm.s32 $0xA900  }
0x8a: {  	[tilespmem:s26], [sflag:$0x3] =	stream.indirect_vreg.gather [hbm4b:s4+s3], $0x80, v3, vm0, $0xb8;
	[tilespmem:$0x18100] =	vst v63  }
0x8b: {  	s29 =	simm.s32 $0xB100  }
0x8c: {  	[tilespmem:s29], [sflag:$0x3] =	stream.indirect_vreg.gather [hbm4b:s5+s3], $0x80, v3, vm0, $0xb8;
	[tilespmem:$0x18100] =	vst v63  }
0x8d: {  	s1 =	simm.s32 $0xB900  }
0x8e: {  	[tilespmem:s1], [sflag:$0x3] =	stream.indirect_vreg.gather [hbm4b:s7+s3], $0x80, v3, vm0, $0xb8;
	[tilespmem:$0x18100] =	vst v63  }
0x8f: {  	v3 =	vld [tilespmem:$0x30];
	_ =	sdelay $0x4  }
0x90: {  	v51 =	vshll.u32 v3, $0x3  }
0x91: {  	v3 =	vand.u32 $0x7, v3;
	v4 =	vand.u32 $0xFFFFFFC0, v51  }
0x92: {  	v3 =	vor.u32 v3, v4  }
0x93: {  	v4 =	vperm.xlane v3, v0;
	_ =	sdelay $0x1  }
0x94: {  	v4 =	vadd.s32 v1, v4;
	_ =	sdelay $0x3  }
0x95: {  	s2 =	simm.s32 $0xC100  }
0x96: {  	[tilespmem:s2], [sflag:$0x4] =	stream.indirect_vreg.gather [hbm4b:s28+s3], $0x80, v4, vm0, $0xb8;
	[tilespmem:$0x18100] =	vst v63  }
0x97: {  	s22 =	simm.s32 $0xC900;
	v3 =	vperm.xlane v3, v2  }
0x98: {  	[tilespmem:s22], [sflag:$0x4] =	stream.indirect_vreg.gather [hbm4b:s4+s3], $0x80, v4, vm0, $0xb8;
	[tilespmem:$0x18100] =	vst v63  }
0x99: {  	s23 =	simm.s32 $0xD100;
	v3 =	vadd.s32 v1, v3  }
0x9a: {  	[tilespmem:s23], [sflag:$0x4] =	stream.indirect_vreg.gather [hbm4b:s5+s3], $0x80, v4, vm0, $0xb8;
	[tilespmem:$0x18100] =	vst v63  }
0x9b: {  	s26 =	simm.s32 $0xD900  }
0x9c: {  	[tilespmem:s26], [sflag:$0x4] =	stream.indirect_vreg.gather [hbm4b:s7+s3], $0x80, v4, vm0, $0xb8;
	[tilespmem:$0x18100] =	vst v63  }
0x9d: {  	s2 =	simm.s32 $0xE100  }
0x9e: {  	[tilespmem:s2], [sflag:$0x4] =	stream.indirect_vreg.gather [hbm4b:s28+s3], $0x80, v3, vm0, $0xb8;
	[tilespmem:$0x18100] =	vst v63  }
0x9f: {  	s1 =	simm.s32 $0xE900  }
0xa0: {  	[tilespmem:s1], [sflag:$0x4] =	stream.indirect_vreg.gather [hbm4b:s4+s3], $0x80, v3, vm0, $0xb8;
	[tilespmem:$0x18100] =	vst v63  }
0xa1: {  	s2 =	simm.s32 $0xF100  }
0xa2: {  	[tilespmem:s2], [sflag:$0x4] =	stream.indirect_vreg.gather [hbm4b:s5+s3], $0x80, v3, vm0, $0xb8;
	[tilespmem:$0x18100] =	vst v63  }
0xa3: {  	s23 =	simm.s32 $0xF900  }
0xa4: {  	[tilespmem:s23], [sflag:$0x4] =	stream.indirect_vreg.gather [hbm4b:s7+s3], $0x80, v3, vm0, $0xb8;
	[tilespmem:$0x18100] =	vst v63  }
0xa5: {  	v3 =	vld [tilespmem:$0x40];
	_ =	sdelay $0x4  }
0xa6: {  	v52 =	vshll.u32 v3, $0x3  }
0xa7: {  	v3 =	vand.u32 $0x7, v3;
	v4 =	vand.u32 $0xFFFFFFC0, v52  }
0xa8: {  	v3 =	vor.u32 v3, v4  }
0xa9: {  	v4 =	vperm.xlane v3, v0;
	_ =	sdelay $0x1  }
0xaa: {  	v4 =	vadd.s32 v1, v4;
	_ =	sdelay $0x3  }
0xab: {  	s26 =	simm.s32 $0x10100  }
0xac: {  	[tilespmem:s26], [sflag:$0x5] =	stream.indirect_vreg.gather [hbm4b:s28+s3], $0x80, v4, vm0, $0xb8;
	[tilespmem:$0x18100] =	vst v63  }
0xad: {  	s1 =	simm.s32 $0x10900;
	v3 =	vperm.xlane v3, v2  }
0xae: {  	[tilespmem:s1], [sflag:$0x5] =	stream.indirect_vreg.gather [hbm4b:s4+s3], $0x80, v4, vm0, $0xb8;
	[tilespmem:$0x18100] =	vst v63  }
0xaf: {  	s22 =	simm.s32 $0x11100;
	v3 =	vadd.s32 v1, v3  }
0xb0: {  	[tilespmem:s22], [sflag:$0x5] =	stream.indirect_vreg.gather [hbm4b:s5+s3], $0x80, v4, vm0, $0xb8;
	[tilespmem:$0x18100] =	vst v63  }
0xb1: {  	s23 =	simm.s32 $0x11900  }
0xb2: {  	[tilespmem:s23], [sflag:$0x5] =	stream.indirect_vreg.gather [hbm4b:s7+s3], $0x80, v4, vm0, $0xb8;
	[tilespmem:$0x18100] =	vst v63  }
0xb3: {  	s26 =	simm.s32 $0x12100  }
0xb4: {  	[tilespmem:s26], [sflag:$0x5] =	stream.indirect_vreg.gather [hbm4b:s28+s3], $0x80, v3, vm0, $0xb8;
	[tilespmem:$0x18100] =	vst v63  }
0xb5: {  	s1 =	simm.s32 $0x12900  }
0xb6: {  	[tilespmem:s1], [sflag:$0x5] =	stream.indirect_vreg.gather [hbm4b:s4+s3], $0x80, v3, vm0, $0xb8;
	[tilespmem:$0x18100] =	vst v63  }
0xb7: {  	s22 =	simm.s32 $0x13100  }
0xb8: {  	[tilespmem:s22], [sflag:$0x5] =	stream.indirect_vreg.gather [hbm4b:s5+s3], $0x80, v3, vm0, $0xb8;
	[tilespmem:$0x18100] =	vst v63  }
0xb9: {  	s23 =	simm.s32 $0x13900  }
0xba: {  	[tilespmem:s23], [sflag:$0x5] =	stream.indirect_vreg.gather [hbm4b:s7+s3], $0x80, v3, vm0, $0xb8;
	[tilespmem:$0x18100] =	vst v63  }
0xbb: {  	v3 =	vld [tilespmem:$0x50];
	_ =	sdelay $0x4  }
0xbc: {  	v53 =	vshll.u32 v3, $0x3  }
0xbd: {  	v3 =	vand.u32 $0x7, v3;
	v4 =	vand.u32 $0xFFFFFFC0, v53  }
0xbe: {  	v3 =	vor.u32 v3, v4  }
0xbf: {  	v4 =	vperm.xlane v3, v0;
	_ =	sdelay $0x1  }
0xc0: {  	v4 =	vadd.s32 v1, v4;
	_ =	sdelay $0x3  }
0xc1: {  	s26 =	simm.s32 $0x14100  }
0xc2: {  	[tilespmem:s26], [sflag:$0x6] =	stream.indirect_vreg.gather [hbm4b:s28+s3], $0x80, v4, vm0, $0xb8;
	[tilespmem:$0x18100] =	vst v63  }
0xc3: {  	s1 =	simm.s32 $0x14900;
	v3 =	vperm.xlane v3, v2  }
0xc4: {  	[tilespmem:s1], [sflag:$0x6] =	stream.indirect_vreg.gather [hbm4b:s4+s3], $0x80, v4, vm0, $0xb8;
	[tilespmem:$0x18100] =	vst v63  }
0xc5: {  	s22 =	simm.s32 $0x15100;
	v3 =	vadd.s32 v1, v3  }
0xc6: {  	[tilespmem:s22], [sflag:$0x6] =	stream.indirect_vreg.gather [hbm4b:s5+s3], $0x80, v4, vm0, $0xb8;
	[tilespmem:$0x18100] =	vst v63  }
0xc7: {  	s23 =	simm.s32 $0x15900  }
0xc8: {  	[tilespmem:s23], [sflag:$0x6] =	stream.indirect_vreg.gather [hbm4b:s7+s3], $0x80, v4, vm0, $0xb8;
	[tilespmem:$0x18100] =	vst v63  }
0xc9: {  	s26 =	simm.s32 $0x16100  }
0xca: {  	[tilespmem:s26], [sflag:$0x6] =	stream.indirect_vreg.gather [hbm4b:s28+s3], $0x80, v3, vm0, $0xb8;
	[tilespmem:$0x18100] =	vst v63  }
0xcb: {  	s1 =	simm.s32 $0x16900  }
0xcc: {  	[tilespmem:s1], [sflag:$0x6] =	stream.indirect_vreg.gather [hbm4b:s4+s3], $0x80, v3, vm0, $0xb8;
	[tilespmem:$0x18100] =	vst v63  }
0xcd: {  	s22 =	simm.s32 $0x17100  }
0xce: {  	[tilespmem:s22], [sflag:$0x6] =	stream.indirect_vreg.gather [hbm4b:s5+s3], $0x80, v3, vm0, $0xb8;
	[tilespmem:$0x18100] =	vst v63  }
0xcf: {  	s23 =	simm.s32 $0x17900;
	s26 =	simm.s32 $0x1  }
0xd0: {  	[tilespmem:s23], [sflag:$0x6] =	stream.indirect_vreg.gather [hbm4b:s7+s3], $0x80, v3, vm0, $0xb8;
	[tilespmem:$0x18100] =	vst v63  }
0xd1: {  	_ =	swait.ge [sflag:s26], $0x4000  }
0xd2: {  	s23 =	sld [smem:$0x7FC]  }
0xd3: {  	[sflag:s26] =	ssyncset.done $0x0  }
0xd4: {  	s8 =	simm.s32 $0x100;
	[sflag:s26] =	ssyncadd.s32 $0xFFFFC000  }
0xd5: {  	[hbm4b:s23+s3] =	stream.linear.scatter [tilespmem:s8], [sflag:$0x7], $0x200, $0x38;
	[tilespmem:$0x18100] =	vst v63  }
0xd6: {  	s26 =	simm.s32 $0x500;
	s1 =	sadd.s32 $0x40, s23  }
0xd7: {  	[hbm4b:s1+s3] =	stream.linear.scatter [tilespmem:s26], [sflag:$0x7], $0x200, $0x38;
	[tilespmem:$0x18100] =	vst v63  }
0xd8: {  	s6 =	simm.s32 $0x900;
	s0 =	sadd.s32 $0x80, s23  }
0xd9: {  	[hbm4b:s0+s3] =	stream.linear.scatter [tilespmem:s6], [sflag:$0x7], $0x200, $0x38;
	[tilespmem:$0x18100] =	vst v63  }
0xda: {  	s1 =	sadd.s32 $0xC0, s23;
	s26 =	simm.s32 $0xD00  }
0xdb: {  	[hbm4b:s1+s3] =	stream.linear.scatter [tilespmem:s26], [sflag:$0x7], $0x200, $0x38;
	[tilespmem:$0x18100] =	vst v63  }
0xdc: {  	s20 =	simm.s32 $0x1100;
	s0 =	sadd.s32 $0x100, s23  }
0xdd: {  	[hbm4b:s0+s3] =	stream.linear.scatter [tilespmem:s20], [sflag:$0x7], $0x200, $0x38;
	[tilespmem:$0x18100] =	vst v63  }
0xde: {  	s1 =	sadd.s32 $0x140, s23;
	s26 =	simm.s32 $0x1500  }
0xdf: {  	[hbm4b:s1+s3] =	stream.linear.scatter [tilespmem:s26], [sflag:$0x7], $0x200, $0x38;
	[tilespmem:$0x18100] =	vst v63  }
0xe0: {  	s19 =	simm.s32 $0x1900;
	s0 =	sadd.s32 $0x180, s23  }
0xe1: {  	[hbm4b:s0+s3] =	stream.linear.scatter [tilespmem:s19], [sflag:$0x7], $0x200, $0x38;
	[tilespmem:$0x18100] =	vst v63  }
0xe2: {  	s1 =	sadd.s32 $0x1C0, s23;
	s23 =	simm.s32 $0x1D00  }
0xe3: {  	[hbm4b:s1+s3] =	stream.linear.scatter [tilespmem:s23], [sflag:$0x7], $0x200, $0x38;
	[tilespmem:$0x18100] =	vst v63  }
0xe4: {  	_ =	swait.ge [sflag:s21], $0x1000  }
0xe5: {  	[sflag:s21] =	ssyncset.done $0x0  }
0xe6: {  	s26 =	simm.s32 $0x300;
	s23 =	rddreg [dreg:$0x5];
	[sflag:s21] =	ssyncadd.s32 $0xFFFFF000  }
0xe7: {  	[hbm4b:s23+s3] =	stream.linear.scatter [tilespmem:s26], [sflag:$0x7], $0x200, $0x38;
	[tilespmem:$0x18100] =	vst v63  }
0xe8: {  	s1 =	sadd.s32 $0x40, s23;
	s26 =	simm.s32 $0x700  }
0xe9: {  	[hbm4b:s1+s3] =	stream.linear.scatter [tilespmem:s26], [sflag:$0x7], $0x200, $0x38;
	[tilespmem:$0x18100] =	vst v63  }
0xea: {  	s1 =	sadd.s32 $0x80, s23;
	s26 =	simm.s32 $0xB00  }
0xeb: {  	[hbm4b:s1+s3] =	stream.linear.scatter [tilespmem:s26], [sflag:$0x7], $0x200, $0x38;
	[tilespmem:$0x18100] =	vst v63  }
0xec: {  	s1 =	sadd.s32 $0xC0, s23;
	s26 =	simm.s32 $0xF00  }
0xed: {  	[hbm4b:s1+s3] =	stream.linear.scatter [tilespmem:s26], [sflag:$0x7], $0x200, $0x38;
	[tilespmem:$0x18100] =	vst v63  }
0xee: {  	s1 =	sadd.s32 $0x100, s23;
	s26 =	simm.s32 $0x1300  }
0xef: {  	[hbm4b:s1+s3] =	stream.linear.scatter [tilespmem:s26], [sflag:$0x7], $0x200, $0x38;
	[tilespmem:$0x18100] =	vst v63  }
0xf0: {  	s1 =	sadd.s32 $0x140, s23;
	s26 =	simm.s32 $0x1700  }
0xf1: {  	[hbm4b:s1+s3] =	stream.linear.scatter [tilespmem:s26], [sflag:$0x7], $0x200, $0x38;
	[tilespmem:$0x18100] =	vst v63  }
0xf2: {  	s0 =	sadd.s32 $0x180, s23;
	s1 =	simm.s32 $0x1B00  }
0xf3: {  	[hbm4b:s0+s3] =	stream.linear.scatter [tilespmem:s1], [sflag:$0x7], $0x200, $0x38;
	[tilespmem:$0x18100] =	vst v63  }
0xf4: {  	s23 =	sadd.s32 $0x1C0, s23;
	s26 =	simm.s32 $0x1F00  }
0xf5: {  	[hbm4b:s23+s3] =	stream.linear.scatter [tilespmem:s26], [sflag:$0x7], $0x200, $0x38;
	[tilespmem:$0x18100] =	vst v63  }
0xf6: {  	_ =	swait.ge [sflag:s21], $0x1000  }
0xf7: {  	[sflag:s21] =	ssyncset.done $0x0  }
0xf8: {  	s18 =	simm.s32 $0x2100;
	s23 =	rddreg [dreg:$0x6];
	[sflag:s21] =	ssyncadd.s32 $0xFFFFF000  }
0xf9: {  	[hbm4b:s23+s3] =	stream.linear.scatter [tilespmem:s18], [sflag:$0x7], $0x200, $0x38;
	[tilespmem:$0x18100] =	vst v63  }
0xfa: {  	s26 =	simm.s32 $0x2500;
	s1 =	sadd.s32 $0x40, s23  }
0xfb: {  	[hbm4b:s1+s3] =	stream.linear.scatter [tilespmem:s26], [sflag:$0x7], $0x200, $0x38;
	[tilespmem:$0x18100] =	vst v63  }
0xfc: {  	s17 =	simm.s32 $0x2900;
	s0 =	sadd.s32 $0x80, s23  }
0xfd: {  	[hbm4b:s0+s3] =	stream.linear.scatter [tilespmem:s17], [sflag:$0x7], $0x200, $0x38;
	[tilespmem:$0x18100] =	vst v63  }
0xfe: {  	s1 =	sadd.s32 $0xC0, s23;
	s26 =	simm.s32 $0x2D00  }
0xff: {  	[hbm4b:s1+s3] =	stream.linear.scatter [tilespmem:s26], [sflag:$0x7], $0x200, $0x38;
	[tilespmem:$0x18100] =	vst v63  }
0x100: {  	s16 =	simm.s32 $0x3100;
	s0 =	sadd.s32 $0x100, s23  }
0x101: {  	[hbm4b:s0+s3] =	stream.linear.scatter [tilespmem:s16], [sflag:$0x7], $0x200, $0x38;
	[tilespmem:$0x18100] =	vst v63  }
0x102: {  	s1 =	sadd.s32 $0x140, s23;
	s26 =	simm.s32 $0x3500  }
0x103: {  	[hbm4b:s1+s3] =	stream.linear.scatter [tilespmem:s26], [sflag:$0x7], $0x200, $0x38;
	[tilespmem:$0x18100] =	vst v63  }
0x104: {  	s15 =	simm.s32 $0x3900;
	s0 =	sadd.s32 $0x180, s23  }
0x105: {  	[hbm4b:s0+s3] =	stream.linear.scatter [tilespmem:s15], [sflag:$0x7], $0x200, $0x38;
	[tilespmem:$0x18100] =	vst v63  }
0x106: {  	s1 =	sadd.s32 $0x1C0, s23;
	s23 =	simm.s32 $0x3D00  }
0x107: {  	[hbm4b:s1+s3] =	stream.linear.scatter [tilespmem:s23], [sflag:$0x7], $0x200, $0x38;
	[tilespmem:$0x18100] =	vst v63  }
0x108: {  	_ =	swait.ge [sflag:s21], $0x1000  }
0x109: {  	[sflag:s21] =	ssyncset.done $0x0  }
0x10a: {  	s26 =	simm.s32 $0x2300;
	s23 =	rddreg [dreg:$0x7];
	[sflag:s21] =	ssyncadd.s32 $0xFFFFF000  }
0x10b: {  	[hbm4b:s23+s3] =	stream.linear.scatter [tilespmem:s26], [sflag:$0x7], $0x200, $0x38;
	[tilespmem:$0x18100] =	vst v63  }
0x10c: {  	s1 =	sadd.s32 $0x40, s23;
	s26 =	simm.s32 $0x2700  }
0x10d: {  	[hbm4b:s1+s3] =	stream.linear.scatter [tilespmem:s26], [sflag:$0x7], $0x200, $0x38;
	[tilespmem:$0x18100] =	vst v63  }
0x10e: {  	s1 =	sadd.s32 $0x80, s23;
	s26 =	simm.s32 $0x2B00  }
0x10f: {  	[hbm4b:s1+s3] =	stream.linear.scatter [tilespmem:s26], [sflag:$0x7], $0x200, $0x38;
	[tilespmem:$0x18100] =	vst v63  }
0x110: {  	s1 =	sadd.s32 $0xC0, s23;
	s26 =	simm.s32 $0x2F00  }
0x111: {  	[hbm4b:s1+s3] =	stream.linear.scatter [tilespmem:s26], [sflag:$0x7], $0x200, $0x38;
	[tilespmem:$0x18100] =	vst v63  }
0x112: {  	s1 =	sadd.s32 $0x100, s23;
	s26 =	simm.s32 $0x3300  }
0x113: {  	[hbm4b:s1+s3] =	stream.linear.scatter [tilespmem:s26], [sflag:$0x7], $0x200, $0x38;
	[tilespmem:$0x18100] =	vst v63  }
0x114: {  	s1 =	sadd.s32 $0x140, s23;
	s26 =	simm.s32 $0x3700  }
0x115: {  	[hbm4b:s1+s3] =	stream.linear.scatter [tilespmem:s26], [sflag:$0x7], $0x200, $0x38;
	[tilespmem:$0x18100] =	vst v63  }
0x116: {  	s1 =	sadd.s32 $0x180, s23;
	s26 =	simm.s32 $0x3B00  }
0x117: {  	[hbm4b:s1+s3] =	stream.linear.scatter [tilespmem:s26], [sflag:$0x7], $0x200, $0x38;
	[tilespmem:$0x18100] =	vst v63  }
0x118: {  	s0 =	sadd.s32 $0x1C0, s23;
	s1 =	simm.s32 $0x3F00  }
0x119: {  	[hbm4b:s0+s3] =	stream.linear.scatter [tilespmem:s1], [sflag:$0x7], $0x200, $0x38;
	[tilespmem:$0x18100] =	vst v63  }
0x11a: {  	_ =	swait.ge [sflag:s21], $0x1000  }
0x11b: {  	[sflag:s21] =	ssyncset.done $0x0  }
0x11c: {  	[sflag:s21] =	ssyncadd.s32 $0xFFFFF000  }
0x11d: {  	v3 =	vld [tilespmem:$0x60];
	_ =	sdelay $0x4  }
0x11e: {  	v54 =	vshll.u32 v3, $0x3  }
0x11f: {  	v3 =	vand.u32 $0x7, v3;
	v4 =	vand.u32 $0xFFFFFFC0, v54  }
0x120: {  	v3 =	vor.u32 v3, v4  }
0x121: {  	v4 =	vperm.xlane v3, v0;
	_ =	sdelay $0x1  }
0x122: {  	v4 =	vadd.s32 v1, v4;
	_ =	sdelay $0x4  }
0x123: {  	[tilespmem:s8], [sflag:$0x1] =	stream.indirect_vreg.gather [hbm4b:s28+s3], $0x80, v4, vm0, $0xb8;
	[tilespmem:$0x18100] =	vst v63  }
0x124: {  	v3 =	vperm.xlane v3, v2  }
0x125: {  	[tilespmem:s6], [sflag:$0x1] =	stream.indirect_vreg.gather [hbm4b:s4+s3], $0x80, v4, vm0, $0xb8;
	[tilespmem:$0x18100] =	vst v63  }
0x126: {  	v3 =	vadd.s32 v1, v3  }
0x127: {  	[tilespmem:s20], [sflag:$0x1] =	stream.indirect_vreg.gather [hbm4b:s5+s3], $0x80, v4, vm0, $0xb8;
	[tilespmem:$0x18100] =	vst v63  }
0x128: {  	_ = 	snop  }
0x129: {  	[tilespmem:s19], [sflag:$0x1] =	stream.indirect_vreg.gather [hbm4b:s7+s3], $0x80, v4, vm0, $0xb8;
	[tilespmem:$0x18100] =	vst v63  }
0x12a: {  	_ = 	snop  }
0x12b: {  	[tilespmem:s18], [sflag:$0x1] =	stream.indirect_vreg.gather [hbm4b:s28+s3], $0x80, v3, vm0, $0xb8;
	[tilespmem:$0x18100] =	vst v63  }
0x12c: {  	_ = 	snop  }
0x12d: {  	[tilespmem:s17], [sflag:$0x1] =	stream.indirect_vreg.gather [hbm4b:s4+s3], $0x80, v3, vm0, $0xb8;
	[tilespmem:$0x18100] =	vst v63  }
0x12e: {  	_ = 	snop  }
0x12f: {  	[tilespmem:s16], [sflag:$0x1] =	stream.indirect_vreg.gather [hbm4b:s5+s3], $0x80, v3, vm0, $0xb8;
	[tilespmem:$0x18100] =	vst v63  }
0x130: {  	s19 =	simm.s32 $0x2  }
0x131: {  	[tilespmem:s15], [sflag:$0x1] =	stream.indirect_vreg.gather [hbm4b:s7+s3], $0x80, v3, vm0, $0xb8;
	[tilespmem:$0x18100] =	vst v63  }
0x132: {  	_ =	swait.ge [sflag:s19], $0x4000  }
0x133: {  	[sflag:s19] =	ssyncset.done $0x0  }
0x134: {  	s14 =	simm.s32 $0x4100;
	s23 =	rddreg [dreg:$0x8];
	[sflag:s19] =	ssyncadd.s32 $0xFFFFC000  }
0x135: {  	[hbm4b:s23+s3] =	stream.linear.scatter [tilespmem:s14], [sflag:$0x7], $0x200, $0x38;
	[tilespmem:$0x18100] =	vst v63  }
0x136: {  	s26 =	simm.s32 $0x4500;
	s20 =	sadd.s32 $0x40, s23  }
0x137: {  	[hbm4b:s20+s3] =	stream.linear.scatter [tilespmem:s26], [sflag:$0x7], $0x200, $0x38;
	[tilespmem:$0x18100] =	vst v63  }
0x138: {  	s13 =	simm.s32 $0x4900;
	s1 =	sadd.s32 $0x80, s23  }
0x139: {  	[hbm4b:s1+s3] =	stream.linear.scatter [tilespmem:s13], [sflag:$0x7], $0x200, $0x38;
	[tilespmem:$0x18100] =	vst v63  }
0x13a: {  	s8 =	simm.s32 $0x4D00;
	s6 =	sadd.s32 $0xC0, s23  }
0x13b: {  	[hbm4b:s6+s3] =	stream.linear.scatter [tilespmem:s8], [sflag:$0x7], $0x200, $0x38;
	[tilespmem:$0x18100] =	vst v63  }
0x13c: {  	s12 =	simm.s32 $0x5100;
	s15 =	sadd.s32 $0x100, s23  }
0x13d: {  	[hbm4b:s15+s3] =	stream.linear.scatter [tilespmem:s12], [sflag:$0x7], $0x200, $0x38;
	[tilespmem:$0x18100] =	vst v63  }
0x13e: {  	s18 =	simm.s32 $0x5500;
	s16 =	sadd.s32 $0x140, s23  }
0x13f: {  	[hbm4b:s16+s3] =	stream.linear.scatter [tilespmem:s18], [sflag:$0x7], $0x200, $0x38;
	[tilespmem:$0x18100] =	vst v63  }
0x140: {  	s11 =	simm.s32 $0x5900;
	s19 =	sadd.s32 $0x180, s23  }
0x141: {  	[hbm4b:s19+s3] =	stream.linear.scatter [tilespmem:s11], [sflag:$0x7], $0x200, $0x38;
	[tilespmem:$0x18100] =	vst v63  }
0x142: {  	s20 =	sadd.s32 $0x1C0, s23;
	s23 =	simm.s32 $0x5D00  }
0x143: {  	[hbm4b:s20+s3] =	stream.linear.scatter [tilespmem:s23], [sflag:$0x7], $0x200, $0x38;
	[tilespmem:$0x18100] =	vst v63  }
0x144: {  	_ =	swait.ge [sflag:s21], $0x1000  }
0x145: {  	[sflag:s21] =	ssyncset.done $0x0  }
0x146: {  	s26 =	simm.s32 $0x4300;
	s23 =	rddreg [dreg:$0x9];
	[sflag:s21] =	ssyncadd.s32 $0xFFFFF000  }
0x147: {  	[hbm4b:s23+s3] =	stream.linear.scatter [tilespmem:s26], [sflag:$0x7], $0x200, $0x38;
	[tilespmem:$0x18100] =	vst v63  }
0x148: {  	s6 =	simm.s32 $0x4700;
	s1 =	sadd.s32 $0x40, s23  }
0x149: {  	[hbm4b:s1+s3] =	stream.linear.scatter [tilespmem:s6], [sflag:$0x7], $0x200, $0x38;
	[tilespmem:$0x18100] =	vst v63  }
0x14a: {  	s15 =	simm.s32 $0x4B00;
	s8 =	sadd.s32 $0x80, s23  }
0x14b: {  	[hbm4b:s8+s3] =	stream.linear.scatter [tilespmem:s15], [sflag:$0x7], $0x200, $0x38;
	[tilespmem:$0x18100] =	vst v63  }
0x14c: {  	s18 =	simm.s32 $0x4F00;
	s16 =	sadd.s32 $0xC0, s23  }
0x14d: {  	[hbm4b:s16+s3] =	stream.linear.scatter [tilespmem:s18], [sflag:$0x7], $0x200, $0x38;
	[tilespmem:$0x18100] =	vst v63  }
0x14e: {  	s20 =	simm.s32 $0x5300;
	s19 =	sadd.s32 $0x100, s23  }
0x14f: {  	[hbm4b:s19+s3] =	stream.linear.scatter [tilespmem:s20], [sflag:$0x7], $0x200, $0x38;
	[tilespmem:$0x18100] =	vst v63  }
0x150: {  	s1 =	sadd.s32 $0x140, s23;
	s6 =	simm.s32 $0x5700  }
0x151: {  	[hbm4b:s1+s3] =	stream.linear.scatter [tilespmem:s6], [sflag:$0x7], $0x200, $0x38;
	[tilespmem:$0x18100] =	vst v63  }
0x152: {  	s8 =	sadd.s32 $0x180, s23;
	s15 =	simm.s32 $0x5B00  }
0x153: {  	[hbm4b:s8+s3] =	stream.linear.scatter [tilespmem:s15], [sflag:$0x7], $0x200, $0x38;
	[tilespmem:$0x18100] =	vst v63  }
0x154: {  	s16 =	sadd.s32 $0x1C0, s23;
	s18 =	simm.s32 $0x5F00  }
0x155: {  	[hbm4b:s16+s3] =	stream.linear.scatter [tilespmem:s18], [sflag:$0x7], $0x200, $0x38;
	[tilespmem:$0x18100] =	vst v63  }
0x156: {  	_ =	swait.ge [sflag:s21], $0x1000  }
0x157: {  	[sflag:s21] =	ssyncset.done $0x0  }
0x158: {  	s10 =	simm.s32 $0x6100;
	s23 =	rddreg [dreg:$0xa];
	[sflag:s21] =	ssyncadd.s32 $0xFFFFF000  }
0x159: {  	[hbm4b:s23+s3] =	stream.linear.scatter [tilespmem:s10], [sflag:$0x7], $0x200, $0x38;
	[tilespmem:$0x18100] =	vst v63  }
0x15a: {  	s20 =	simm.s32 $0x6500;
	s19 =	sadd.s32 $0x40, s23  }
0x15b: {  	[hbm4b:s19+s3] =	stream.linear.scatter [tilespmem:s20], [sflag:$0x7], $0x200, $0x38;
	[tilespmem:$0x18100] =	vst v63  }
0x15c: {  	s25 =	simm.s32 $0x6900;
	s0 =	sadd.s32 $0x80, s23  }
0x15d: {  	[hbm4b:s0+s3] =	stream.linear.scatter [tilespmem:s25], [sflag:$0x7], $0x200, $0x38;
	[tilespmem:$0x18100] =	vst v63  }
0x15e: {  	s6 =	simm.s32 $0x6D00;
	s1 =	sadd.s32 $0xC0, s23  }
0x15f: {  	[hbm4b:s1+s3] =	stream.linear.scatter [tilespmem:s6], [sflag:$0x7], $0x200, $0x38;
	[tilespmem:$0x18100] =	vst v63  }
0x160: {  	s24 =	simm.s32 $0x7100;
	s8 =	sadd.s32 $0x100, s23  }
0x161: {  	[hbm4b:s8+s3] =	stream.linear.scatter [tilespmem:s24], [sflag:$0x7], $0x200, $0x38;
	[tilespmem:$0x18100] =	vst v63  }
0x162: {  	s16 =	simm.s32 $0x7500;
	s15 =	sadd.s32 $0x140, s23  }
0x163: {  	[hbm4b:s15+s3] =	stream.linear.scatter [tilespmem:s16], [sflag:$0x7], $0x200, $0x38;
	[tilespmem:$0x18100] =	vst v63  }
0x164: {  	s9 =	simm.s32 $0x7900;
	s18 =	sadd.s32 $0x180, s23  }
0x165: {  	[hbm4b:s18+s3] =	stream.linear.scatter [tilespmem:s9], [sflag:$0x7], $0x200, $0x38;
	[tilespmem:$0x18100] =	vst v63  }
0x166: {  	s19 =	sadd.s32 $0x1C0, s23;
	s20 =	simm.s32 $0x7D00  }
0x167: {  	[hbm4b:s19+s3] =	stream.linear.scatter [tilespmem:s20], [sflag:$0x7], $0x200, $0x38;
	[tilespmem:$0x18100] =	vst v63  }
0x168: {  	_ =	swait.ge [sflag:s21], $0x1000  }
0x169: {  	[sflag:s21] =	ssyncset.done $0x0  }
0x16a: {  	s22 =	simm.s32 $0x6300;
	s23 =	rddreg [dreg:$0xb];
	[sflag:s21] =	ssyncadd.s32 $0xFFFFF000  }
0x16b: {  	[hbm4b:s23+s3] =	stream.linear.scatter [tilespmem:s22], [sflag:$0x7], $0x200, $0x38;
	[tilespmem:$0x18100] =	vst v63  }
0x16c: {  	s6 =	simm.s32 $0x6700;
	s0 =	sadd.s32 $0x40, s23  }
0x16d: {  	[hbm4b:s0+s3] =	stream.linear.scatter [tilespmem:s6], [sflag:$0x7], $0x200, $0x38;
	[tilespmem:$0x18100] =	vst v63  }
0x16e: {  	s15 =	simm.s32 $0x6B00;
	s8 =	sadd.s32 $0x80, s23  }
0x16f: {  	[hbm4b:s8+s3] =	stream.linear.scatter [tilespmem:s15], [sflag:$0x7], $0x200, $0x38;
	[tilespmem:$0x18100] =	vst v63  }
0x170: {  	s18 =	simm.s32 $0x6F00;
	s16 =	sadd.s32 $0xC0, s23  }
0x171: {  	[hbm4b:s16+s3] =	stream.linear.scatter [tilespmem:s18], [sflag:$0x7], $0x200, $0x38;
	[tilespmem:$0x18100] =	vst v63  }
0x172: {  	s20 =	simm.s32 $0x7300;
	s19 =	sadd.s32 $0x100, s23  }
0x173: {  	[hbm4b:s19+s3] =	stream.linear.scatter [tilespmem:s20], [sflag:$0x7], $0x200, $0x38;
	[tilespmem:$0x18100] =	vst v63  }
0x174: {  	s0 =	sadd.s32 $0x140, s23;
	s6 =	simm.s32 $0x7700  }
0x175: {  	[hbm4b:s0+s3] =	stream.linear.scatter [tilespmem:s6], [sflag:$0x7], $0x200, $0x38;
	[tilespmem:$0x18100] =	vst v63  }
0x176: {  	s8 =	sadd.s32 $0x180, s23;
	s15 =	simm.s32 $0x7B00  }
0x177: {  	[hbm4b:s8+s3] =	stream.linear.scatter [tilespmem:s15], [sflag:$0x7], $0x200, $0x38;
	[tilespmem:$0x18100] =	vst v63  }
0x178: {  	s16 =	sadd.s32 $0x1C0, s23;
	s18 =	simm.s32 $0x7F00  }
0x179: {  	[hbm4b:s16+s3] =	stream.linear.scatter [tilespmem:s18], [sflag:$0x7], $0x200, $0x38;
	[tilespmem:$0x18100] =	vst v63  }
0x17a: {  	_ =	swait.ge [sflag:s21], $0x1000  }
0x17b: {  	[sflag:s21] =	ssyncset.done $0x0  }
0x17c: {  	[sflag:s21] =	ssyncadd.s32 $0xFFFFF000  }
0x17d: {  	v3 =	vld [tilespmem:$0x70];
	_ =	sdelay $0x4  }
0x17e: {  	v55 =	vshll.u32 v3, $0x3  }
0x17f: {  	v3 =	vand.u32 $0x7, v3;
	v4 =	vand.u32 $0xFFFFFFC0, v55  }
0x180: {  	v3 =	vor.u32 v3, v4  }
0x181: {  	v4 =	vperm.xlane v3, v0;
	_ =	sdelay $0x1  }
0x182: {  	v4 =	vadd.s32 v1, v4;
	_ =	sdelay $0x4  }
0x183: {  	[tilespmem:s14], [sflag:$0x2] =	stream.indirect_vreg.gather [hbm4b:s28+s3], $0x80, v4, vm0, $0xb8;
	[tilespmem:$0x18100] =	vst v63  }
0x184: {  	v3 =	vperm.xlane v3, v2  }
0x185: {  	[tilespmem:s13], [sflag:$0x2] =	stream.indirect_vreg.gather [hbm4b:s4+s3], $0x80, v4, vm0, $0xb8;
	[tilespmem:$0x18100] =	vst v63  }
0x186: {  	v3 =	vadd.s32 v1, v3  }
0x187: {  	[tilespmem:s12], [sflag:$0x2] =	stream.indirect_vreg.gather [hbm4b:s5+s3], $0x80, v4, vm0, $0xb8;
	[tilespmem:$0x18100] =	vst v63  }
0x188: {  	_ = 	snop  }
0x189: {  	[tilespmem:s11], [sflag:$0x2] =	stream.indirect_vreg.gather [hbm4b:s7+s3], $0x80, v4, vm0, $0xb8;
	[tilespmem:$0x18100] =	vst v63  }
0x18a: {  	_ = 	snop  }
0x18b: {  	[tilespmem:s10], [sflag:$0x2] =	stream.indirect_vreg.gather [hbm4b:s28+s3], $0x80, v3, vm0, $0xb8;
	[tilespmem:$0x18100] =	vst v63  }
0x18c: {  	_ = 	snop  }
0x18d: {  	[tilespmem:s25], [sflag:$0x2] =	stream.indirect_vreg.gather [hbm4b:s4+s3], $0x80, v3, vm0, $0xb8;
	[tilespmem:$0x18100] =	vst v63  }
0x18e: {  	_ = 	snop  }
0x18f: {  	[tilespmem:s24], [sflag:$0x2] =	stream.indirect_vreg.gather [hbm4b:s5+s3], $0x80, v3, vm0, $0xb8;
	[tilespmem:$0x18100] =	vst v63  }
0x190: {  	s18 =	simm.s32 $0x3  }
0x191: {  	[tilespmem:s9], [sflag:$0x2] =	stream.indirect_vreg.gather [hbm4b:s7+s3], $0x80, v3, vm0, $0xb8;
	[tilespmem:$0x18100] =	vst v63  }
0x192: {  	_ =	swait.ge [sflag:s18], $0x4000  }
0x193: {  	[sflag:s18] =	ssyncset.done $0x0  }
0x194: {  	s30 =	simm.s32 $0x8100;
	s19 =	rddreg [dreg:$0xc];
	[sflag:s18] =	ssyncadd.s32 $0xFFFFC000  }
0x195: {  	[hbm4b:s19+s3] =	stream.linear.scatter [tilespmem:s30], [sflag:$0x7], $0x200, $0x38;
	[tilespmem:$0x18100] =	vst v63  }
0x196: {  	s24 =	simm.s32 $0x8500;
	s20 =	sadd.s32 $0x40, s19  }
0x197: {  	[hbm4b:s20+s3] =	stream.linear.scatter [tilespmem:s24], [sflag:$0x7], $0x200, $0x38;
	[tilespmem:$0x18100] =	vst v63  }
0x198: {  	s8 =	simm.s32 $0x8900;
	s25 =	sadd.s32 $0x80, s19  }
0x199: {  	[hbm4b:s25+s3] =	stream.linear.scatter [tilespmem:s8], [sflag:$0x7], $0x200, $0x38;
	[tilespmem:$0x18100] =	vst v63  }
0x19a: {  	s6 =	simm.s32 $0x8D00;
	s0 =	sadd.s32 $0xC0, s19  }
0x19b: {  	[hbm4b:s0+s3] =	stream.linear.scatter [tilespmem:s6], [sflag:$0x7], $0x200, $0x38;
	[tilespmem:$0x18100] =	vst v63  }
0x19c: {  	s9 =	sadd.s32 $0x100, s19;
	s0 =	simm.s32 $0x9100  }
0x19d: {  	[hbm4b:s9+s3] =	stream.linear.scatter [tilespmem:s0], [sflag:$0x7], $0x200, $0x38;
	[tilespmem:$0x18100] =	vst v63  }
0x19e: {  	s11 =	simm.s32 $0x9500;
	s10 =	sadd.s32 $0x140, s19  }
0x19f: {  	[hbm4b:s10+s3] =	stream.linear.scatter [tilespmem:s11], [sflag:$0x7], $0x200, $0x38;
	[tilespmem:$0x18100] =	vst v63  }
0x1a0: {  	s12 =	sadd.s32 $0x180, s19;
	s11 =	simm.s32 $0x9900  }
0x1a1: {  	[hbm4b:s12+s3] =	stream.linear.scatter [tilespmem:s11], [sflag:$0x7], $0x200, $0x38;
	[tilespmem:$0x18100] =	vst v63  }
0x1a2: {  	s14 =	simm.s32 $0x9D00;
	s13 =	sadd.s32 $0x1C0, s19  }
0x1a3: {  	[hbm4b:s13+s3] =	stream.linear.scatter [tilespmem:s14], [sflag:$0x7], $0x200, $0x38;
	[tilespmem:$0x18100] =	vst v63  }
0x1a4: {  	_ =	swait.ge [sflag:s21], $0x1000  }
0x1a5: {  	[sflag:s21] =	ssyncset.done $0x0  }
0x1a6: {  	s15 =	simm.s32 $0x8300;
	s23 =	rddreg [dreg:$0xd];
	[sflag:s21] =	ssyncadd.s32 $0xFFFFF000  }
0x1a7: {  	[hbm4b:s23+s3] =	stream.linear.scatter [tilespmem:s15], [sflag:$0x7], $0x200, $0x38;
	[tilespmem:$0x18100] =	vst v63  }
0x1a8: {  	s19 =	simm.s32 $0x8700;
	s16 =	sadd.s32 $0x40, s23  }
0x1a9: {  	[hbm4b:s16+s3] =	stream.linear.scatter [tilespmem:s19], [sflag:$0x7], $0x200, $0x38;
	[tilespmem:$0x18100] =	vst v63  }
0x1aa: {  	s25 =	simm.s32 $0x8B00;
	s24 =	sadd.s32 $0x80, s23  }
0x1ab: {  	[hbm4b:s24+s3] =	stream.linear.scatter [tilespmem:s25], [sflag:$0x7], $0x200, $0x38;
	[tilespmem:$0x18100] =	vst v63  }
0x1ac: {  	s10 =	simm.s32 $0x8F00;
	s9 =	sadd.s32 $0xC0, s23  }
0x1ad: {  	[hbm4b:s9+s3] =	stream.linear.scatter [tilespmem:s10], [sflag:$0x7], $0x200, $0x38;
	[tilespmem:$0x18100] =	vst v63  }
0x1ae: {  	s13 =	simm.s32 $0x9300;
	s12 =	sadd.s32 $0x100, s23  }
0x1af: {  	[hbm4b:s12+s3] =	stream.linear.scatter [tilespmem:s13], [sflag:$0x7], $0x200, $0x38;
	[tilespmem:$0x18100] =	vst v63  }
0x1b0: {  	s14 =	sadd.s32 $0x140, s23;
	s15 =	simm.s32 $0x9700  }
0x1b1: {  	[hbm4b:s14+s3] =	stream.linear.scatter [tilespmem:s15], [sflag:$0x7], $0x200, $0x38;
	[tilespmem:$0x18100] =	vst v63  }
0x1b2: {  	s16 =	sadd.s32 $0x180, s23;
	s19 =	simm.s32 $0x9B00  }
0x1b3: {  	[hbm4b:s16+s3] =	stream.linear.scatter [tilespmem:s19], [sflag:$0x7], $0x200, $0x38;
	[tilespmem:$0x18100] =	vst v63  }
0x1b4: {  	s24 =	sadd.s32 $0x1C0, s23;
	s25 =	simm.s32 $0x9F00  }
0x1b5: {  	[hbm4b:s24+s3] =	stream.linear.scatter [tilespmem:s25], [sflag:$0x7], $0x200, $0x38;
	[tilespmem:$0x18100] =	vst v63  }
0x1b6: {  	_ =	swait.ge [sflag:s21], $0x1000  }
0x1b7: {  	[sflag:s21] =	ssyncset.done $0x0  }
0x1b8: {  	s10 =	simm.s32 $0xA100;
	s23 =	rddreg [dreg:$0xe];
	[sflag:s21] =	ssyncadd.s32 $0xFFFFF000  }
0x1b9: {  	[hbm4b:s23+s3] =	stream.linear.scatter [tilespmem:s10], [sflag:$0x7], $0x200, $0x38;
	[tilespmem:$0x18100] =	vst v63  }
0x1ba: {  	s12 =	simm.s32 $0xA500;
	s9 =	sadd.s32 $0x40, s23  }
0x1bb: {  	[hbm4b:s9+s3] =	stream.linear.scatter [tilespmem:s12], [sflag:$0x7], $0x200, $0x38;
	[tilespmem:$0x18100] =	vst v63  }
0x1bc: {  	s31 =	simm.s32 $0xA900;
	s13 =	sadd.s32 $0x80, s23  }
0x1bd: {  	[hbm4b:s13+s3] =	stream.linear.scatter [tilespmem:s31], [sflag:$0x7], $0x200, $0x38;
	[tilespmem:$0x18100] =	vst v63  }
0x1be: {  	s15 =	simm.s32 $0xAD00;
	s14 =	sadd.s32 $0xC0, s23  }
0x1bf: {  	[hbm4b:s14+s3] =	stream.linear.scatter [tilespmem:s15], [sflag:$0x7], $0x200, $0x38;
	[tilespmem:$0x18100] =	vst v63  }
0x1c0: {  	s16 =	sadd.s32 $0x100, s23;
	s9 =	simm.s32 $0xB100  }
0x1c1: {  	[hbm4b:s16+s3] =	stream.linear.scatter [tilespmem:s9], [sflag:$0x7], $0x200, $0x38;
	[tilespmem:$0x18100] =	vst v63  }
0x1c2: {  	s24 =	simm.s32 $0xB500;
	s19 =	sadd.s32 $0x140, s23  }
0x1c3: {  	[hbm4b:s19+s3] =	stream.linear.scatter [tilespmem:s24], [sflag:$0x7], $0x200, $0x38;
	[tilespmem:$0x18100] =	vst v63  }
0x1c4: {  	s29 =	simm.s32 $0xB900;
	s25 =	sadd.s32 $0x180, s23  }
0x1c5: {  	[hbm4b:s25+s3] =	stream.linear.scatter [tilespmem:s29], [sflag:$0x7], $0x200, $0x38;
	[tilespmem:$0x18100] =	vst v63  }
0x1c6: {  	s6 =	sadd.s32 $0x1C0, s23;
	s12 =	simm.s32 $0xBD00  }
0x1c7: {  	[hbm4b:s6+s3] =	stream.linear.scatter [tilespmem:s12], [sflag:$0x7], $0x200, $0x38;
	[tilespmem:$0x18100] =	vst v63  }
0x1c8: {  	_ =	swait.ge [sflag:s21], $0x1000  }
0x1c9: {  	[sflag:s21] =	ssyncset.done $0x0  }
0x1ca: {  	s13 =	simm.s32 $0xA300;
	s23 =	rddreg [dreg:$0xf];
	[sflag:s21] =	ssyncadd.s32 $0xFFFFF000  }
0x1cb: {  	[hbm4b:s23+s3] =	stream.linear.scatter [tilespmem:s13], [sflag:$0x7], $0x200, $0x38;
	[tilespmem:$0x18100] =	vst v63  }
0x1cc: {  	s15 =	simm.s32 $0xA700;
	s14 =	sadd.s32 $0x40, s23  }
0x1cd: {  	[hbm4b:s14+s3] =	stream.linear.scatter [tilespmem:s15], [sflag:$0x7], $0x200, $0x38;
	[tilespmem:$0x18100] =	vst v63  }
0x1ce: {  	s19 =	simm.s32 $0xAB00;
	s16 =	sadd.s32 $0x80, s23  }
0x1cf: {  	[hbm4b:s16+s3] =	stream.linear.scatter [tilespmem:s19], [sflag:$0x7], $0x200, $0x38;
	[tilespmem:$0x18100] =	vst v63  }
0x1d0: {  	s25 =	simm.s32 $0xAF00;
	s24 =	sadd.s32 $0xC0, s23  }
0x1d1: {  	[hbm4b:s24+s3] =	stream.linear.scatter [tilespmem:s25], [sflag:$0x7], $0x200, $0x38;
	[tilespmem:$0x18100] =	vst v63  }
0x1d2: {  	s12 =	sadd.s32 $0x100, s23;
	s13 =	simm.s32 $0xB300  }
0x1d3: {  	[hbm4b:s12+s3] =	stream.linear.scatter [tilespmem:s13], [sflag:$0x7], $0x200, $0x38;
	[tilespmem:$0x18100] =	vst v63  }
0x1d4: {  	s14 =	sadd.s32 $0x140, s23;
	s15 =	simm.s32 $0xB700  }
0x1d5: {  	[hbm4b:s14+s3] =	stream.linear.scatter [tilespmem:s15], [sflag:$0x7], $0x200, $0x38;
	[tilespmem:$0x18100] =	vst v63  }
0x1d6: {  	s16 =	sadd.s32 $0x180, s23;
	s19 =	simm.s32 $0xBB00  }
0x1d7: {  	[hbm4b:s16+s3] =	stream.linear.scatter [tilespmem:s19], [sflag:$0x7], $0x200, $0x38;
	[tilespmem:$0x18100] =	vst v63  }
0x1d8: {  	s24 =	sadd.s32 $0x1C0, s23;
	s25 =	simm.s32 $0xBF00  }
0x1d9: {  	[hbm4b:s24+s3] =	stream.linear.scatter [tilespmem:s25], [sflag:$0x7], $0x200, $0x38;
	[tilespmem:$0x18100] =	vst v63  }
0x1da: {  	_ =	swait.ge [sflag:s21], $0x1000  }
0x1db: {  	[sflag:s21] =	ssyncset.done $0x0  }
0x1dc: {  	[sflag:s21] =	ssyncadd.s32 $0xFFFFF000  }
0x1dd: {  	v3 =	vld [tilespmem:$0x80];
	_ =	sdelay $0x4  }
0x1de: {  	v56 =	vshll.u32 v3, $0x3  }
0x1df: {  	v3 =	vand.u32 $0x7, v3;
	v4 =	vand.u32 $0xFFFFFFC0, v56  }
0x1e0: {  	v3 =	vor.u32 v3, v4  }
0x1e1: {  	v4 =	vperm.xlane v3, v0;
	_ =	sdelay $0x1  }
0x1e2: {  	v4 =	vadd.s32 v1, v4;
	_ =	sdelay $0x4  }
0x1e3: {  	[tilespmem:s30], [sflag:$0x3] =	stream.indirect_vreg.gather [hbm4b:s28+s3], $0x80, v4, vm0, $0xb8;
	[tilespmem:$0x18100] =	vst v63  }
0x1e4: {  	v3 =	vperm.xlane v3, v2  }
0x1e5: {  	[tilespmem:s8], [sflag:$0x3] =	stream.indirect_vreg.gather [hbm4b:s4+s3], $0x80, v4, vm0, $0xb8;
	[tilespmem:$0x18100] =	vst v63  }
0x1e6: {  	v3 =	vadd.s32 v1, v3  }
0x1e7: {  	[tilespmem:s0], [sflag:$0x3] =	stream.indirect_vreg.gather [hbm4b:s5+s3], $0x80, v4, vm0, $0xb8;
	[tilespmem:$0x18100] =	vst v63  }
0x1e8: {  	_ = 	snop  }
0x1e9: {  	[tilespmem:s11], [sflag:$0x3] =	stream.indirect_vreg.gather [hbm4b:s7+s3], $0x80, v4, vm0, $0xb8;
	[tilespmem:$0x18100] =	vst v63  }
0x1ea: {  	_ = 	snop  }
0x1eb: {  	[tilespmem:s10], [sflag:$0x3] =	stream.indirect_vreg.gather [hbm4b:s28+s3], $0x80, v3, vm0, $0xb8;
	[tilespmem:$0x18100] =	vst v63  }
0x1ec: {  	_ = 	snop  }
0x1ed: {  	[tilespmem:s31], [sflag:$0x3] =	stream.indirect_vreg.gather [hbm4b:s4+s3], $0x80, v3, vm0, $0xb8;
	[tilespmem:$0x18100] =	vst v63  }
0x1ee: {  	_ = 	snop  }
0x1ef: {  	[tilespmem:s9], [sflag:$0x3] =	stream.indirect_vreg.gather [hbm4b:s5+s3], $0x80, v3, vm0, $0xb8;
	[tilespmem:$0x18100] =	vst v63  }
0x1f0: {  	s15 =	simm.s32 $0x4  }
0x1f1: {  	[tilespmem:s29], [sflag:$0x3] =	stream.indirect_vreg.gather [hbm4b:s7+s3], $0x80, v3, vm0, $0xb8;
	[tilespmem:$0x18100] =	vst v63  }
0x1f2: {  	_ =	swait.ge [sflag:s15], $0x4000  }
0x1f3: {  	[sflag:s15] =	ssyncset.done $0x0  }
0x1f4: {  	s11 =	simm.s32 $0xC100;
	s30 =	rddreg [dreg:$0x10];
	[sflag:s15] =	ssyncadd.s32 $0xFFFFC000  }
0x1f5: {  	[hbm4b:s30+s3] =	stream.linear.scatter [tilespmem:s11], [sflag:$0x7], $0x200, $0x38;
	[tilespmem:$0x18100] =	vst v63  }
0x1f6: {  	s8 =	simm.s32 $0xC500;
	s6 =	sadd.s32 $0x40, s30  }
0x1f7: {  	[hbm4b:s6+s3] =	stream.linear.scatter [tilespmem:s8], [sflag:$0x7], $0x200, $0x38;
	[tilespmem:$0x18100] =	vst v63  }
0x1f8: {  	s25 =	simm.s32 $0xC900;
	s9 =	sadd.s32 $0x80, s30  }
0x1f9: {  	[hbm4b:s9+s3] =	stream.linear.scatter [tilespmem:s25], [sflag:$0x7], $0x200, $0x38;
	[tilespmem:$0x18100] =	vst v63  }
0x1fa: {  	s12 =	simm.s32 $0xCD00;
	s10 =	sadd.s32 $0xC0, s30  }
0x1fb: {  	[hbm4b:s10+s3] =	stream.linear.scatter [tilespmem:s12], [sflag:$0x7], $0x200, $0x38;
	[tilespmem:$0x18100] =	vst v63  }
0x1fc: {  	s31 =	simm.s32 $0xD100;
	s13 =	sadd.s32 $0x100, s30  }
0x1fd: {  	[hbm4b:s13+s3] =	stream.linear.scatter [tilespmem:s31], [sflag:$0x7], $0x200, $0x38;
	[tilespmem:$0x18100] =	vst v63  }
0x1fe: {  	s16 =	simm.s32 $0xD500;
	s14 =	sadd.s32 $0x140, s30  }
0x1ff: {  	[hbm4b:s14+s3] =	stream.linear.scatter [tilespmem:s16], [sflag:$0x7], $0x200, $0x38;
	[tilespmem:$0x18100] =	vst v63  }
0x200: {  	s0 =	simm.s32 $0xD900;
	s19 =	sadd.s32 $0x180, s30  }
0x201: {  	[hbm4b:s19+s3] =	stream.linear.scatter [tilespmem:s0], [sflag:$0x7], $0x200, $0x38;
	[tilespmem:$0x18100] =	vst v63  }
0x202: {  	s24 =	simm.s32 $0xDD00;
	s23 =	sadd.s32 $0x1C0, s30  }
0x203: {  	[hbm4b:s23+s3] =	stream.linear.scatter [tilespmem:s24], [sflag:$0x7], $0x200, $0x38;
	[tilespmem:$0x18100] =	vst v63  }
0x204: {  	_ =	swait.ge [sflag:s21], $0x1000  }
0x205: {  	[sflag:s21] =	ssyncset.done $0x0  }
0x206: {  	s29 =	simm.s32 $0xC300;
	s23 =	rddreg [dreg:$0x11];
	[sflag:s21] =	ssyncadd.s32 $0xFFFFF000  }
0x207: {  	[hbm4b:s23+s3] =	stream.linear.scatter [tilespmem:s29], [sflag:$0x7], $0x200, $0x38;
	[tilespmem:$0x18100] =	vst v63  }
0x208: {  	s6 =	simm.s32 $0xC700;
	s30 =	sadd.s32 $0x40, s23  }
0x209: {  	[hbm4b:s30+s3] =	stream.linear.scatter [tilespmem:s6], [sflag:$0x7], $0x200, $0x38;
	[tilespmem:$0x18100] =	vst v63  }
0x20a: {  	s9 =	simm.s32 $0xCB00;
	s8 =	sadd.s32 $0x80, s23  }
0x20b: {  	[hbm4b:s8+s3] =	stream.linear.scatter [tilespmem:s9], [sflag:$0x7], $0x200, $0x38;
	[tilespmem:$0x18100] =	vst v63  }
0x20c: {  	s12 =	simm.s32 $0xCF00;
	s10 =	sadd.s32 $0xC0, s23  }
0x20d: {  	[hbm4b:s10+s3] =	stream.linear.scatter [tilespmem:s12], [sflag:$0x7], $0x200, $0x38;
	[tilespmem:$0x18100] =	vst v63  }
0x20e: {  	s14 =	simm.s32 $0xD300;
	s13 =	sadd.s32 $0x100, s23  }
0x20f: {  	[hbm4b:s13+s3] =	stream.linear.scatter [tilespmem:s14], [sflag:$0x7], $0x200, $0x38;
	[tilespmem:$0x18100] =	vst v63  }
0x210: {  	s19 =	simm.s32 $0xD700;
	s16 =	sadd.s32 $0x140, s23  }
0x211: {  	[hbm4b:s16+s3] =	stream.linear.scatter [tilespmem:s19], [sflag:$0x7], $0x200, $0x38;
	[tilespmem:$0x18100] =	vst v63  }
0x212: {  	s24 =	sadd.s32 $0x180, s23;
	s29 =	simm.s32 $0xDB00  }
0x213: {  	[hbm4b:s24+s3] =	stream.linear.scatter [tilespmem:s29], [sflag:$0x7], $0x200, $0x38;
	[tilespmem:$0x18100] =	vst v63  }
0x214: {  	s30 =	sadd.s32 $0x1C0, s23;
	s6 =	simm.s32 $0xDF00  }
0x215: {  	[hbm4b:s30+s3] =	stream.linear.scatter [tilespmem:s6], [sflag:$0x7], $0x200, $0x38;
	[tilespmem:$0x18100] =	vst v63  }
0x216: {  	_ =	swait.ge [sflag:s21], $0x1000  }
0x217: {  	[sflag:s21] =	ssyncset.done $0x0  }
0x218: {  	s10 =	simm.s32 $0xE100;
	s23 =	rddreg [dreg:$0x12];
	[sflag:s21] =	ssyncadd.s32 $0xFFFFF000  }
0x219: {  	[hbm4b:s23+s3] =	stream.linear.scatter [tilespmem:s10], [sflag:$0x7], $0x200, $0x38;
	[tilespmem:$0x18100] =	vst v63  }
0x21a: {  	s12 =	simm.s32 $0xE500;
	s9 =	sadd.s32 $0x40, s23  }
0x21b: {  	[hbm4b:s9+s3] =	stream.linear.scatter [tilespmem:s12], [sflag:$0x7], $0x200, $0x38;
	[tilespmem:$0x18100] =	vst v63  }
0x21c: {  	s13 =	sadd.s32 $0x80, s23;
	s9 =	simm.s32 $0xE900  }
0x21d: {  	[hbm4b:s13+s3] =	stream.linear.scatter [tilespmem:s9], [sflag:$0x7], $0x200, $0x38;
	[tilespmem:$0x18100] =	vst v63  }
0x21e: {  	s16 =	simm.s32 $0xED00;
	s14 =	sadd.s32 $0xC0, s23  }
0x21f: {  	[hbm4b:s14+s3] =	stream.linear.scatter [tilespmem:s16], [sflag:$0x7], $0x200, $0x38;
	[tilespmem:$0x18100] =	vst v63  }
0x220: {  	s6 =	simm.s32 $0xF100;
	s19 =	sadd.s32 $0x100, s23  }
0x221: {  	[hbm4b:s19+s3] =	stream.linear.scatter [tilespmem:s6], [sflag:$0x7], $0x200, $0x38;
	[tilespmem:$0x18100] =	vst v63  }
0x222: {  	s29 =	simm.s32 $0xF500;
	s24 =	sadd.s32 $0x140, s23  }
0x223: {  	[hbm4b:s24+s3] =	stream.linear.scatter [tilespmem:s29], [sflag:$0x7], $0x200, $0x38;
	[tilespmem:$0x18100] =	vst v63  }
0x224: {  	s2 =	simm.s32 $0xF900;
	s30 =	sadd.s32 $0x180, s23  }
0x225: {  	[hbm4b:s30+s3] =	stream.linear.scatter [tilespmem:s2], [sflag:$0x7], $0x200, $0x38;
	[tilespmem:$0x18100] =	vst v63  }
0x226: {  	s8 =	sadd.s32 $0x1C0, s23;
	s12 =	simm.s32 $0xFD00  }
0x227: {  	[hbm4b:s8+s3] =	stream.linear.scatter [tilespmem:s12], [sflag:$0x7], $0x200, $0x38;
	[tilespmem:$0x18100] =	vst v63  }
0x228: {  	_ =	swait.ge [sflag:s21], $0x1000  }
0x229: {  	[sflag:s21] =	ssyncset.done $0x0  }
0x22a: {  	s13 =	simm.s32 $0xE300;
	s23 =	rddreg [dreg:$0x13];
	[sflag:s21] =	ssyncadd.s32 $0xFFFFF000  }
0x22b: {  	[hbm4b:s23+s3] =	stream.linear.scatter [tilespmem:s13], [sflag:$0x7], $0x200, $0x38;
	[tilespmem:$0x18100] =	vst v63  }
0x22c: {  	s16 =	simm.s32 $0xE700;
	s14 =	sadd.s32 $0x40, s23  }
0x22d: {  	[hbm4b:s14+s3] =	stream.linear.scatter [tilespmem:s16], [sflag:$0x7], $0x200, $0x38;
	[tilespmem:$0x18100] =	vst v63  }
0x22e: {  	s24 =	simm.s32 $0xEB00;
	s19 =	sadd.s32 $0x80, s23  }
0x22f: {  	[hbm4b:s19+s3] =	stream.linear.scatter [tilespmem:s24], [sflag:$0x7], $0x200, $0x38;
	[tilespmem:$0x18100] =	vst v63  }
0x230: {  	s30 =	simm.s32 $0xEF00;
	s29 =	sadd.s32 $0xC0, s23  }
0x231: {  	[hbm4b:s29+s3] =	stream.linear.scatter [tilespmem:s30], [sflag:$0x7], $0x200, $0x38;
	[tilespmem:$0x18100] =	vst v63  }
0x232: {  	s12 =	simm.s32 $0xF300;
	s8 =	sadd.s32 $0x100, s23  }
0x233: {  	[hbm4b:s8+s3] =	stream.linear.scatter [tilespmem:s12], [sflag:$0x7], $0x200, $0x38;
	[tilespmem:$0x18100] =	vst v63  }
0x234: {  	s13 =	sadd.s32 $0x140, s23;
	s14 =	simm.s32 $0xF700  }
0x235: {  	[hbm4b:s13+s3] =	stream.linear.scatter [tilespmem:s14], [sflag:$0x7], $0x200, $0x38;
	[tilespmem:$0x18100] =	vst v63  }
0x236: {  	s16 =	sadd.s32 $0x180, s23;
	s19 =	simm.s32 $0xFB00  }
0x237: {  	[hbm4b:s16+s3] =	stream.linear.scatter [tilespmem:s19], [sflag:$0x7], $0x200, $0x38;
	[tilespmem:$0x18100] =	vst v63  }
0x238: {  	s23 =	sadd.s32 $0x1C0, s23;
	s24 =	simm.s32 $0xFF00  }
0x239: {  	[hbm4b:s23+s3] =	stream.linear.scatter [tilespmem:s24], [sflag:$0x7], $0x200, $0x38;
	[tilespmem:$0x18100] =	vst v63  }
0x23a: {  	_ =	swait.ge [sflag:s21], $0x1000  }
0x23b: {  	[sflag:s21] =	ssyncset.done $0x0  }
0x23c: {  	[sflag:s21] =	ssyncadd.s32 $0xFFFFF000  }
0x23d: {  	v3 =	vld [tilespmem:$0x90];
	_ =	sdelay $0x4  }
0x23e: {  	v57 =	vshll.u32 v3, $0x3  }
0x23f: {  	v3 =	vand.u32 $0x7, v3;
	v4 =	vand.u32 $0xFFFFFFC0, v57  }
0x240: {  	v3 =	vor.u32 v3, v4  }
0x241: {  	v4 =	vperm.xlane v3, v0;
	_ =	sdelay $0x1  }
0x242: {  	v4 =	vadd.s32 v1, v4;
	_ =	sdelay $0x4  }
0x243: {  	[tilespmem:s11], [sflag:$0x4] =	stream.indirect_vreg.gather [hbm4b:s28+s3], $0x80, v4, vm0, $0xb8;
	[tilespmem:$0x18100] =	vst v63  }
0x244: {  	v3 =	vperm.xlane v3, v2  }
0x245: {  	[tilespmem:s25], [sflag:$0x4] =	stream.indirect_vreg.gather [hbm4b:s4+s3], $0x80, v4, vm0, $0xb8;
	[tilespmem:$0x18100] =	vst v63  }
0x246: {  	v3 =	vadd.s32 v1, v3  }
0x247: {  	[tilespmem:s31], [sflag:$0x4] =	stream.indirect_vreg.gather [hbm4b:s5+s3], $0x80, v4, vm0, $0xb8;
	[tilespmem:$0x18100] =	vst v63  }
0x248: {  	_ = 	snop  }
0x249: {  	[tilespmem:s0], [sflag:$0x4] =	stream.indirect_vreg.gather [hbm4b:s7+s3], $0x80, v4, vm0, $0xb8;
	[tilespmem:$0x18100] =	vst v63  }
0x24a: {  	_ = 	snop  }
0x24b: {  	[tilespmem:s10], [sflag:$0x4] =	stream.indirect_vreg.gather [hbm4b:s28+s3], $0x80, v3, vm0, $0xb8;
	[tilespmem:$0x18100] =	vst v63  }
0x24c: {  	_ = 	snop  }
0x24d: {  	[tilespmem:s9], [sflag:$0x4] =	stream.indirect_vreg.gather [hbm4b:s4+s3], $0x80, v3, vm0, $0xb8;
	[tilespmem:$0x18100] =	vst v63  }
0x24e: {  	_ = 	snop  }
0x24f: {  	[tilespmem:s6], [sflag:$0x4] =	stream.indirect_vreg.gather [hbm4b:s5+s3], $0x80, v3, vm0, $0xb8;
	[tilespmem:$0x18100] =	vst v63  }
0x250: {  	s6 =	simm.s32 $0x5  }
0x251: {  	[tilespmem:s2], [sflag:$0x4] =	stream.indirect_vreg.gather [hbm4b:s7+s3], $0x80, v3, vm0, $0xb8;
	[tilespmem:$0x18100] =	vst v63  }
0x252: {  	_ =	swait.ge [sflag:s6], $0x4000  }
0x253: {  	[sflag:s6] =	ssyncset.done $0x0  }
0x254: {  	s13 =	simm.s32 $0x10100;
	s29 =	rddreg [dreg:$0x14];
	[sflag:s6] =	ssyncadd.s32 $0xFFFFC000  }
0x255: {  	[hbm4b:s29+s3] =	stream.linear.scatter [tilespmem:s13], [sflag:$0x7], $0x200, $0x38;
	[tilespmem:$0x18100] =	vst v63  }
0x256: {  	s31 =	simm.s32 $0x10500;
	s30 =	sadd.s32 $0x40, s29  }
0x257: {  	[hbm4b:s30+s3] =	stream.linear.scatter [tilespmem:s31], [sflag:$0x7], $0x200, $0x38;
	[tilespmem:$0x18100] =	vst v63  }
0x258: {  	s12 =	simm.s32 $0x10900;
	s0 =	sadd.s32 $0x80, s29  }
0x259: {  	[hbm4b:s0+s3] =	stream.linear.scatter [tilespmem:s12], [sflag:$0x7], $0x200, $0x38;
	[tilespmem:$0x18100] =	vst v63  }
0x25a: {  	s8 =	simm.s32 $0x10D00;
	s2 =	sadd.s32 $0xC0, s29  }
0x25b: {  	[hbm4b:s2+s3] =	stream.linear.scatter [tilespmem:s8], [sflag:$0x7], $0x200, $0x38;
	[tilespmem:$0x18100] =	vst v63  }
0x25c: {  	s11 =	simm.s32 $0x11100;
	s9 =	sadd.s32 $0x100, s29  }
0x25d: {  	[hbm4b:s9+s3] =	stream.linear.scatter [tilespmem:s11], [sflag:$0x7], $0x200, $0x38;
	[tilespmem:$0x18100] =	vst v63  }
0x25e: {  	s14 =	simm.s32 $0x11500;
	s10 =	sadd.s32 $0x140, s29  }
0x25f: {  	[hbm4b:s10+s3] =	stream.linear.scatter [tilespmem:s14], [sflag:$0x7], $0x200, $0x38;
	[tilespmem:$0x18100] =	vst v63  }
0x260: {  	s16 =	sadd.s32 $0x180, s29;
	s10 =	simm.s32 $0x11900  }
0x261: {  	[hbm4b:s16+s3] =	stream.linear.scatter [tilespmem:s10], [sflag:$0x7], $0x200, $0x38;
	[tilespmem:$0x18100] =	vst v63  }
0x262: {  	s23 =	simm.s32 $0x11D00;
	s19 =	sadd.s32 $0x1C0, s29  }
0x263: {  	[hbm4b:s19+s3] =	stream.linear.scatter [tilespmem:s23], [sflag:$0x7], $0x200, $0x38;
	[tilespmem:$0x18100] =	vst v63  }
0x264: {  	_ =	swait.ge [sflag:s21], $0x1000  }
0x265: {  	[sflag:s21] =	ssyncset.done $0x0  }
0x266: {  	s24 =	simm.s32 $0x10300;
	s23 =	rddreg [dreg:$0x15];
	[sflag:s21] =	ssyncadd.s32 $0xFFFFF000  }
0x267: {  	[hbm4b:s23+s3] =	stream.linear.scatter [tilespmem:s24], [sflag:$0x7], $0x200, $0x38;
	[tilespmem:$0x18100] =	vst v63  }
0x268: {  	s29 =	simm.s32 $0x10700;
	s25 =	sadd.s32 $0x40, s23  }
0x269: {  	[hbm4b:s25+s3] =	stream.linear.scatter [tilespmem:s29], [sflag:$0x7], $0x200, $0x38;
	[tilespmem:$0x18100] =	vst v63  }
0x26a: {  	s31 =	simm.s32 $0x10B00;
	s30 =	sadd.s32 $0x80, s23  }
0x26b: {  	[hbm4b:s30+s3] =	stream.linear.scatter [tilespmem:s31], [sflag:$0x7], $0x200, $0x38;
	[tilespmem:$0x18100] =	vst v63  }
0x26c: {  	s2 =	simm.s32 $0x10F00;
	s0 =	sadd.s32 $0xC0, s23  }
0x26d: {  	[hbm4b:s0+s3] =	stream.linear.scatter [tilespmem:s2], [sflag:$0x7], $0x200, $0x38;
	[tilespmem:$0x18100] =	vst v63  }
0x26e: {  	s9 =	simm.s32 $0x11300;
	s8 =	sadd.s32 $0x100, s23  }
0x26f: {  	[hbm4b:s8+s3] =	stream.linear.scatter [tilespmem:s9], [sflag:$0x7], $0x200, $0x38;
	[tilespmem:$0x18100] =	vst v63  }
0x270: {  	s16 =	simm.s32 $0x11700;
	s14 =	sadd.s32 $0x140, s23  }
0x271: {  	[hbm4b:s14+s3] =	stream.linear.scatter [tilespmem:s16], [sflag:$0x7], $0x200, $0x38;
	[tilespmem:$0x18100] =	vst v63  }
0x272: {  	s19 =	sadd.s32 $0x180, s23;
	s24 =	simm.s32 $0x11B00  }
0x273: {  	[hbm4b:s19+s3] =	stream.linear.scatter [tilespmem:s24], [sflag:$0x7], $0x200, $0x38;
	[tilespmem:$0x18100] =	vst v63  }
0x274: {  	s25 =	sadd.s32 $0x1C0, s23;
	s29 =	simm.s32 $0x11F00  }
0x275: {  	[hbm4b:s25+s3] =	stream.linear.scatter [tilespmem:s29], [sflag:$0x7], $0x200, $0x38;
	[tilespmem:$0x18100] =	vst v63  }
0x276: {  	_ =	swait.ge [sflag:s21], $0x1000  }
0x277: {  	[sflag:s21] =	ssyncset.done $0x0  }
0x278: {  	s9 =	simm.s32 $0x12100;
	s23 =	rddreg [dreg:$0x17];
	[sflag:s21] =	ssyncadd.s32 $0xFFFFF000  }
0x279: {  	[hbm4b:s23+s3] =	stream.linear.scatter [tilespmem:s9], [sflag:$0x7], $0x200, $0x38;
	[tilespmem:$0x18100] =	vst v63  }
0x27a: {  	s31 =	simm.s32 $0x12500;
	s30 =	sadd.s32 $0x40, s23  }
0x27b: {  	[hbm4b:s30+s3] =	stream.linear.scatter [tilespmem:s31], [sflag:$0x7], $0x200, $0x38;
	[tilespmem:$0x18100] =	vst v63  }
0x27c: {  	s8 =	simm.s32 $0x12900;
	s2 =	sadd.s32 $0x80, s23  }
0x27d: {  	[hbm4b:s2+s3] =	stream.linear.scatter [tilespmem:s8], [sflag:$0x7], $0x200, $0x38;
	[tilespmem:$0x18100] =	vst v63  }
0x27e: {  	s16 =	simm.s32 $0x12D00;
	s14 =	sadd.s32 $0xC0, s23  }
0x27f: {  	[hbm4b:s14+s3] =	stream.linear.scatter [tilespmem:s16], [sflag:$0x7], $0x200, $0x38;
	[tilespmem:$0x18100] =	vst v63  }
0x280: {  	s19 =	sadd.s32 $0x100, s23;
	s2 =	simm.s32 $0x13100  }
0x281: {  	[hbm4b:s19+s3] =	stream.linear.scatter [tilespmem:s2], [sflag:$0x7], $0x200, $0x38;
	[tilespmem:$0x18100] =	vst v63  }
0x282: {  	s25 =	simm.s32 $0x13500;
	s24 =	sadd.s32 $0x140, s23  }
0x283: {  	[hbm4b:s24+s3] =	stream.linear.scatter [tilespmem:s25], [sflag:$0x7], $0x200, $0x38;
	[tilespmem:$0x18100] =	vst v63  }
0x284: {  	s0 =	simm.s32 $0x13900;
	s29 =	sadd.s32 $0x180, s23  }
0x285: {  	[hbm4b:s29+s3] =	stream.linear.scatter [tilespmem:s0], [sflag:$0x7], $0x200, $0x38;
	[tilespmem:$0x18100] =	vst v63  }
0x286: {  	s30 =	sadd.s32 $0x1C0, s23;
	s31 =	simm.s32 $0x13D00  }
0x287: {  	[hbm4b:s30+s3] =	stream.linear.scatter [tilespmem:s31], [sflag:$0x7], $0x200, $0x38;
	[tilespmem:$0x18100] =	vst v63  }
0x288: {  	_ =	swait.ge [sflag:s21], $0x1000  }
0x289: {  	[sflag:s21] =	ssyncset.done $0x0  }
0x28a: {  	s16 =	simm.s32 $0x12300;
	s23 =	rddreg [dreg:$0x18];
	[sflag:s21] =	ssyncadd.s32 $0xFFFFF000  }
0x28b: {  	[hbm4b:s23+s3] =	stream.linear.scatter [tilespmem:s16], [sflag:$0x7], $0x200, $0x38;
	[tilespmem:$0x18100] =	vst v63  }
0x28c: {  	s24 =	simm.s32 $0x12700;
	s19 =	sadd.s32 $0x40, s23  }
0x28d: {  	[hbm4b:s19+s3] =	stream.linear.scatter [tilespmem:s24], [sflag:$0x7], $0x200, $0x38;
	[tilespmem:$0x18100] =	vst v63  }
0x28e: {  	s29 =	simm.s32 $0x12B00;
	s25 =	sadd.s32 $0x80, s23  }
0x28f: {  	[hbm4b:s25+s3] =	stream.linear.scatter [tilespmem:s29], [sflag:$0x7], $0x200, $0x38;
	[tilespmem:$0x18100] =	vst v63  }
0x290: {  	s31 =	simm.s32 $0x12F00;
	s30 =	sadd.s32 $0xC0, s23  }
0x291: {  	[hbm4b:s30+s3] =	stream.linear.scatter [tilespmem:s31], [sflag:$0x7], $0x200, $0x38;
	[tilespmem:$0x18100] =	vst v63  }
0x292: {  	s14 =	sadd.s32 $0x100, s23;
	s16 =	simm.s32 $0x13300  }
0x293: {  	[hbm4b:s14+s3] =	stream.linear.scatter [tilespmem:s16], [sflag:$0x7], $0x200, $0x38;
	[tilespmem:$0x18100] =	vst v63  }
0x294: {  	s19 =	sadd.s32 $0x140, s23;
	s24 =	simm.s32 $0x13700  }
0x295: {  	[hbm4b:s19+s3] =	stream.linear.scatter [tilespmem:s24], [sflag:$0x7], $0x200, $0x38;
	[tilespmem:$0x18100] =	vst v63  }
0x296: {  	s25 =	sadd.s32 $0x180, s23;
	s29 =	simm.s32 $0x13B00  }
0x297: {  	[hbm4b:s25+s3] =	stream.linear.scatter [tilespmem:s29], [sflag:$0x7], $0x200, $0x38;
	[tilespmem:$0x18100] =	vst v63  }
0x298: {  	s30 =	sadd.s32 $0x1C0, s23;
	s31 =	simm.s32 $0x13F00  }
0x299: {  	[hbm4b:s30+s3] =	stream.linear.scatter [tilespmem:s31], [sflag:$0x7], $0x200, $0x38;
	[tilespmem:$0x18100] =	vst v63  }
0x29a: {  	_ =	swait.ge [sflag:s21], $0x1000  }
0x29b: {  	[sflag:s21] =	ssyncset.done $0x0  }
0x29c: {  	[sflag:s21] =	ssyncadd.s32 $0xFFFFF000  }
0x29d: {  	v3 =	vld [tilespmem:$0xA0];
	_ =	sdelay $0x4  }
0x29e: {  	v58 =	vshll.u32 v3, $0x3  }
0x29f: {  	v3 =	vand.u32 $0x7, v3;
	v4 =	vand.u32 $0xFFFFFFC0, v58  }
0x2a0: {  	v3 =	vor.u32 v3, v4  }
0x2a1: {  	v4 =	vperm.xlane v3, v0;
	_ =	sdelay $0x1  }
0x2a2: {  	v4 =	vadd.s32 v1, v4;
	_ =	sdelay $0x4  }
0x2a3: {  	[tilespmem:s13], [sflag:$0x5] =	stream.indirect_vreg.gather [hbm4b:s28+s3], $0x80, v4, vm0, $0xb8;
	[tilespmem:$0x18100] =	vst v63  }
0x2a4: {  	v3 =	vperm.xlane v3, v2  }
0x2a5: {  	[tilespmem:s12], [sflag:$0x5] =	stream.indirect_vreg.gather [hbm4b:s4+s3], $0x80, v4, vm0, $0xb8;
	[tilespmem:$0x18100] =	vst v63  }
0x2a6: {  	v3 =	vadd.s32 v1, v3  }
0x2a7: {  	[tilespmem:s11], [sflag:$0x5] =	stream.indirect_vreg.gather [hbm4b:s5+s3], $0x80, v4, vm0, $0xb8;
	[tilespmem:$0x18100] =	vst v63  }
0x2a8: {  	_ = 	snop  }
0x2a9: {  	[tilespmem:s10], [sflag:$0x5] =	stream.indirect_vreg.gather [hbm4b:s7+s3], $0x80, v4, vm0, $0xb8;
	[tilespmem:$0x18100] =	vst v63  }
0x2aa: {  	_ = 	snop  }
0x2ab: {  	[tilespmem:s9], [sflag:$0x5] =	stream.indirect_vreg.gather [hbm4b:s28+s3], $0x80, v3, vm0, $0xb8;
	[tilespmem:$0x18100] =	vst v63  }
0x2ac: {  	_ = 	snop  }
0x2ad: {  	[tilespmem:s8], [sflag:$0x5] =	stream.indirect_vreg.gather [hbm4b:s4+s3], $0x80, v3, vm0, $0xb8;
	[tilespmem:$0x18100] =	vst v63  }
0x2ae: {  	_ = 	snop  }
0x2af: {  	[tilespmem:s2], [sflag:$0x5] =	stream.indirect_vreg.gather [hbm4b:s5+s3], $0x80, v3, vm0, $0xb8;
	[tilespmem:$0x18100] =	vst v63  }
0x2b0: {  	s29 =	simm.s32 $0x6  }
0x2b1: {  	[tilespmem:s0], [sflag:$0x5] =	stream.indirect_vreg.gather [hbm4b:s7+s3], $0x80, v3, vm0, $0xb8;
	[tilespmem:$0x18100] =	vst v63  }
0x2b2: {  	_ =	swait.ge [sflag:s29], $0x4000  }
0x2b3: {  	[sflag:s29] =	ssyncset.done $0x0  }
0x2b4: {  	s13 =	simm.s32 $0x14100;
	s9 =	rddreg [dreg:$0x19];
	[sflag:s29] =	ssyncadd.s32 $0xFFFFC000  }
0x2b5: {  	[hbm4b:s9+s3] =	stream.linear.scatter [tilespmem:s13], [sflag:$0x7], $0x200, $0x38;
	[tilespmem:$0x18100] =	vst v63  }
0x2b6: {  	s12 =	simm.s32 $0x14500;
	s11 =	sadd.s32 $0x40, s9  }
0x2b7: {  	[hbm4b:s11+s3] =	stream.linear.scatter [tilespmem:s12], [sflag:$0x7], $0x200, $0x38;
	[tilespmem:$0x18100] =	vst v63  }
0x2b8: {  	s14 =	sadd.s32 $0x80, s9;
	s12 =	simm.s32 $0x14900  }
0x2b9: {  	[hbm4b:s14+s3] =	stream.linear.scatter [tilespmem:s12], [sflag:$0x7], $0x200, $0x38;
	[tilespmem:$0x18100] =	vst v63  }
0x2ba: {  	s19 =	simm.s32 $0x14D00;
	s16 =	sadd.s32 $0xC0, s9  }
0x2bb: {  	[hbm4b:s16+s3] =	stream.linear.scatter [tilespmem:s19], [sflag:$0x7], $0x200, $0x38;
	[tilespmem:$0x18100] =	vst v63  }
0x2bc: {  	s24 =	sadd.s32 $0x100, s9;
	s11 =	simm.s32 $0x15100  }
0x2bd: {  	[hbm4b:s24+s3] =	stream.linear.scatter [tilespmem:s11], [sflag:$0x7], $0x200, $0x38;
	[tilespmem:$0x18100] =	vst v63  }
0x2be: {  	s30 =	simm.s32 $0x15500;
	s25 =	sadd.s32 $0x140, s9  }
0x2bf: {  	[hbm4b:s25+s3] =	stream.linear.scatter [tilespmem:s30], [sflag:$0x7], $0x200, $0x38;
	[tilespmem:$0x18100] =	vst v63  }
0x2c0: {  	s10 =	simm.s32 $0x15900;
	s31 =	sadd.s32 $0x180, s9  }
0x2c1: {  	[hbm4b:s31+s3] =	stream.linear.scatter [tilespmem:s10], [sflag:$0x7], $0x200, $0x38;
	[tilespmem:$0x18100] =	vst v63  }
0x2c2: {  	s2 =	simm.s32 $0x15D00;
	s0 =	sadd.s32 $0x1C0, s9  }
0x2c3: {  	[hbm4b:s0+s3] =	stream.linear.scatter [tilespmem:s2], [sflag:$0x7], $0x200, $0x38;
	[tilespmem:$0x18100] =	vst v63  }
0x2c4: {  	_ =	swait.ge [sflag:s21], $0x1000  }
0x2c5: {  	[sflag:s21] =	ssyncset.done $0x0  }
0x2c6: {  	s8 =	simm.s32 $0x14300;
	s23 =	rddreg [dreg:$0x1a];
	[sflag:s21] =	ssyncadd.s32 $0xFFFFF000  }
0x2c7: {  	[hbm4b:s23+s3] =	stream.linear.scatter [tilespmem:s8], [sflag:$0x7], $0x200, $0x38;
	[tilespmem:$0x18100] =	vst v63  }
0x2c8: {  	s14 =	simm.s32 $0x14700;
	s9 =	sadd.s32 $0x40, s23  }
0x2c9: {  	[hbm4b:s9+s3] =	stream.linear.scatter [tilespmem:s14], [sflag:$0x7], $0x200, $0x38;
	[tilespmem:$0x18100] =	vst v63  }
0x2ca: {  	s19 =	simm.s32 $0x14B00;
	s16 =	sadd.s32 $0x80, s23  }
0x2cb: {  	[hbm4b:s16+s3] =	stream.linear.scatter [tilespmem:s19], [sflag:$0x7], $0x200, $0x38;
	[tilespmem:$0x18100] =	vst v63  }
0x2cc: {  	s25 =	simm.s32 $0x14F00;
	s24 =	sadd.s32 $0xC0, s23  }
0x2cd: {  	[hbm4b:s24+s3] =	stream.linear.scatter [tilespmem:s25], [sflag:$0x7], $0x200, $0x38;
	[tilespmem:$0x18100] =	vst v63  }
0x2ce: {  	s31 =	simm.s32 $0x15300;
	s30 =	sadd.s32 $0x100, s23  }
0x2cf: {  	[hbm4b:s30+s3] =	stream.linear.scatter [tilespmem:s31], [sflag:$0x7], $0x200, $0x38;
	[tilespmem:$0x18100] =	vst v63  }
0x2d0: {  	s2 =	simm.s32 $0x15700;
	s0 =	sadd.s32 $0x140, s23  }
0x2d1: {  	[hbm4b:s0+s3] =	stream.linear.scatter [tilespmem:s2], [sflag:$0x7], $0x200, $0x38;
	[tilespmem:$0x18100] =	vst v63  }
0x2d2: {  	s8 =	sadd.s32 $0x180, s23;
	s9 =	simm.s32 $0x15B00  }
0x2d3: {  	[hbm4b:s8+s3] =	stream.linear.scatter [tilespmem:s9], [sflag:$0x7], $0x200, $0x38;
	[tilespmem:$0x18100] =	vst v63  }
0x2d4: {  	s14 =	sadd.s32 $0x1C0, s23;
	s16 =	simm.s32 $0x15F00  }
0x2d5: {  	[hbm4b:s14+s3] =	stream.linear.scatter [tilespmem:s16], [sflag:$0x7], $0x200, $0x38;
	[tilespmem:$0x18100] =	vst v63  }
0x2d6: {  	_ =	swait.ge [sflag:s21], $0x1000  }
0x2d7: {  	[sflag:s21] =	ssyncset.done $0x0  }
0x2d8: {  	s9 =	simm.s32 $0x16100;
	s23 =	rddreg [dreg:$0x1b];
	[sflag:s21] =	ssyncadd.s32 $0xFFFFF000  }
0x2d9: {  	[hbm4b:s23+s3] =	stream.linear.scatter [tilespmem:s9], [sflag:$0x7], $0x200, $0x38;
	[tilespmem:$0x18100] =	vst v63  }
0x2da: {  	s24 =	simm.s32 $0x16500;
	s19 =	sadd.s32 $0x40, s23  }
0x2db: {  	[hbm4b:s19+s3] =	stream.linear.scatter [tilespmem:s24], [sflag:$0x7], $0x200, $0x38;
	[tilespmem:$0x18100] =	vst v63  }
0x2dc: {  	s8 =	simm.s32 $0x16900;
	s25 =	sadd.s32 $0x80, s23  }
0x2dd: {  	[hbm4b:s25+s3] =	stream.linear.scatter [tilespmem:s8], [sflag:$0x7], $0x200, $0x38;
	[tilespmem:$0x18100] =	vst v63  }
0x2de: {  	s31 =	simm.s32 $0x16D00;
	s30 =	sadd.s32 $0xC0, s23  }
0x2df: {  	[hbm4b:s30+s3] =	stream.linear.scatter [tilespmem:s31], [sflag:$0x7], $0x200, $0x38;
	[tilespmem:$0x18100] =	vst v63  }
0x2e0: {  	s2 =	simm.s32 $0x17100;
	s0 =	sadd.s32 $0x100, s23  }
0x2e1: {  	[hbm4b:s0+s3] =	stream.linear.scatter [tilespmem:s2], [sflag:$0x7], $0x200, $0x38;
	[tilespmem:$0x18100] =	vst v63  }
0x2e2: {  	s16 =	simm.s32 $0x17500;
	s14 =	sadd.s32 $0x140, s23  }
0x2e3: {  	[hbm4b:s14+s3] =	stream.linear.scatter [tilespmem:s16], [sflag:$0x7], $0x200, $0x38;
	[tilespmem:$0x18100] =	vst v63  }
0x2e4: {  	s19 =	sadd.s32 $0x180, s23;
	s0 =	simm.s32 $0x17900  }
0x2e5: {  	[hbm4b:s19+s3] =	stream.linear.scatter [tilespmem:s0], [sflag:$0x7], $0x200, $0x38;
	[tilespmem:$0x18100] =	vst v63  }
0x2e6: {  	s23 =	sadd.s32 $0x1C0, s23;
	s24 =	simm.s32 $0x17D00  }
0x2e7: {  	[hbm4b:s23+s3] =	stream.linear.scatter [tilespmem:s24], [sflag:$0x7], $0x200, $0x38;
	[tilespmem:$0x18100] =	vst v63  }
0x2e8: {  	_ =	swait.ge [sflag:s21], $0x1000  }
0x2e9: {  	[sflag:s21] =	ssyncset.done $0x0  }
0x2ea: {  	s25 =	simm.s32 $0x16300;
	s23 =	rddreg [dreg:$0x1c];
	[sflag:s21] =	ssyncadd.s32 $0xFFFFF000  }
0x2eb: {  	[hbm4b:s23+s3] =	stream.linear.scatter [tilespmem:s25], [sflag:$0x7], $0x200, $0x38;
	[tilespmem:$0x18100] =	vst v63  }
0x2ec: {  	s31 =	simm.s32 $0x16700;
	s30 =	sadd.s32 $0x40, s23  }
0x2ed: {  	[hbm4b:s30+s3] =	stream.linear.scatter [tilespmem:s31], [sflag:$0x7], $0x200, $0x38;
	[tilespmem:$0x18100] =	vst v63  }
0x2ee: {  	s19 =	simm.s32 $0x16B00;
	s16 =	sadd.s32 $0x80, s23  }
0x2ef: {  	[hbm4b:s16+s3] =	stream.linear.scatter [tilespmem:s19], [sflag:$0x7], $0x200, $0x38;
	[tilespmem:$0x18100] =	vst v63  }
0x2f0: {  	s24 =	sadd.s32 $0xC0, s23;
	s25 =	simm.s32 $0x16F00  }
0x2f1: {  	[hbm4b:s24+s3] =	stream.linear.scatter [tilespmem:s25], [sflag:$0x7], $0x200, $0x38;
	[tilespmem:$0x18100] =	vst v63  }
0x2f2: {  	s30 =	sadd.s32 $0x100, s23;
	s31 =	simm.s32 $0x17300  }
0x2f3: {  	[hbm4b:s30+s3] =	stream.linear.scatter [tilespmem:s31], [sflag:$0x7], $0x200, $0x38;
	[tilespmem:$0x18100] =	vst v63  }
0x2f4: {  	s16 =	sadd.s32 $0x140, s23;
	s19 =	simm.s32 $0x17700  }
0x2f5: {  	[hbm4b:s16+s3] =	stream.linear.scatter [tilespmem:s19], [sflag:$0x7], $0x200, $0x38;
	[tilespmem:$0x18100] =	vst v63  }
0x2f6: {  	s24 =	sadd.s32 $0x180, s23;
	s25 =	simm.s32 $0x17B00  }
0x2f7: {  	[hbm4b:s24+s3] =	stream.linear.scatter [tilespmem:s25], [sflag:$0x7], $0x200, $0x38;
	[tilespmem:$0x18100] =	vst v63  }
0x2f8: {  	s30 =	sadd.s32 $0x1C0, s23;
	s31 =	simm.s32 $0x17F00  }
0x2f9: {  	[hbm4b:s30+s3] =	stream.linear.scatter [tilespmem:s31], [sflag:$0x7], $0x200, $0x38;
	[tilespmem:$0x18100] =	vst v63  }
0x2fa: {  	_ =	swait.ge [sflag:s21], $0x1000  }
0x2fb: {  	[sflag:s21] =	ssyncset.done $0x0  }
0x2fc: {  	[sflag:s21] =	ssyncadd.s32 $0xFFFFF000  }
0x2fd: {  	v3 =	vld [tilespmem:$0xB0];
	_ =	sdelay $0x4  }
0x2fe: {  	v59 =	vshll.u32 v3, $0x3  }
0x2ff: {  	v3 =	vand.u32 $0x7, v3;
	v4 =	vand.u32 $0xFFFFFFC0, v59  }
0x300: {  	v3 =	vor.u32 v3, v4  }
0x301: {  	v4 =	vperm.xlane v3, v0;
	_ =	sdelay $0x1  }
0x302: {  	v4 =	vadd.s32 v1, v4;
	_ =	sdelay $0x4  }
0x303: {  	[tilespmem:s13], [sflag:$0x6] =	stream.indirect_vreg.gather [hbm4b:s28+s3], $0x80, v4, vm0, $0xb8;
	[tilespmem:$0x18100] =	vst v63  }
0x304: {  	v3 =	vperm.xlane v3, v2  }
0x305: {  	[tilespmem:s12], [sflag:$0x6] =	stream.indirect_vreg.gather [hbm4b:s4+s3], $0x80, v4, vm0, $0xb8;
	[tilespmem:$0x18100] =	vst v63  }
0x306: {  	v3 =	vadd.s32 v1, v3  }
0x307: {  	[tilespmem:s11], [sflag:$0x6] =	stream.indirect_vreg.gather [hbm4b:s5+s3], $0x80, v4, vm0, $0xb8;
	[tilespmem:$0x18100] =	vst v63  }
0x308: {  	_ = 	snop  }
0x309: {  	[tilespmem:s10], [sflag:$0x6] =	stream.indirect_vreg.gather [hbm4b:s7+s3], $0x80, v4, vm0, $0xb8;
	[tilespmem:$0x18100] =	vst v63  }
0x30a: {  	_ = 	snop  }
0x30b: {  	[tilespmem:s9], [sflag:$0x6] =	stream.indirect_vreg.gather [hbm4b:s28+s3], $0x80, v3, vm0, $0xb8;
	[tilespmem:$0x18100] =	vst v63  }
0x30c: {  	_ = 	snop  }
0x30d: {  	[tilespmem:s8], [sflag:$0x6] =	stream.indirect_vreg.gather [hbm4b:s4+s3], $0x80, v3, vm0, $0xb8;
	[tilespmem:$0x18100] =	vst v63  }
0x30e: {  	_ = 	snop  }
0x30f: {  	[tilespmem:s2], [sflag:$0x6] =	stream.indirect_vreg.gather [hbm4b:s5+s3], $0x80, v3, vm0, $0xb8;
	[tilespmem:$0x18100] =	vst v63  }
0x310: {  	s13 =	simm.s32 $0x1  }
0x311: {  	[tilespmem:s0], [sflag:$0x6] =	stream.indirect_vreg.gather [hbm4b:s7+s3], $0x80, v3, vm0, $0xb8;
	[tilespmem:$0x18100] =	vst v63  }
0x312: {  	_ =	swait.ge [sflag:s13], $0x4000  }
0x313: {  	[sflag:s13] =	ssyncset.done $0x0  }
0x314: {  	s14 =	rddreg [dreg:$0x1d];
	[sflag:s13] =	ssyncadd.s32 $0xFFFFC000;
	s13 =	simm.s32 $0x100  }
0x315: {  	[hbm4b:s14+s3] =	stream.linear.scatter [tilespmem:s13], [sflag:$0x7], $0x200, $0x38;
	[tilespmem:$0x18100] =	vst v63  }
0x316: {  	s24 =	simm.s32 $0x500;
	s16 =	sadd.s32 $0x40, s14  }
0x317: {  	[hbm4b:s16+s3] =	stream.linear.scatter [tilespmem:s24], [sflag:$0x7], $0x200, $0x38;
	[tilespmem:$0x18100] =	vst v63  }
0x318: {  	s12 =	simm.s32 $0x900;
	s25 =	sadd.s32 $0x80, s14  }
0x319: {  	[hbm4b:s25+s3] =	stream.linear.scatter [tilespmem:s12], [sflag:$0x7], $0x200, $0x38;
	[tilespmem:$0x18100] =	vst v63  }
0x31a: {  	s31 =	simm.s32 $0xD00;
	s30 =	sadd.s32 $0xC0, s14  }
0x31b: {  	[hbm4b:s30+s3] =	stream.linear.scatter [tilespmem:s31], [sflag:$0x7], $0x200, $0x38;
	[tilespmem:$0x18100] =	vst v63  }
0x31c: {  	s11 =	simm.s32 $0x1100;
	s0 =	sadd.s32 $0x100, s14  }
0x31d: {  	[hbm4b:s0+s3] =	stream.linear.scatter [tilespmem:s11], [sflag:$0x7], $0x200, $0x38;
	[tilespmem:$0x18100] =	vst v63  }
0x31e: {  	s8 =	simm.s32 $0x1500;
	s2 =	sadd.s32 $0x140, s14  }
0x31f: {  	[hbm4b:s2+s3] =	stream.linear.scatter [tilespmem:s8], [sflag:$0x7], $0x200, $0x38;
	[tilespmem:$0x18100] =	vst v63  }
0x320: {  	s10 =	simm.s32 $0x1900;
	s9 =	sadd.s32 $0x180, s14  }
0x321: {  	[hbm4b:s9+s3] =	stream.linear.scatter [tilespmem:s10], [sflag:$0x7], $0x200, $0x38;
	[tilespmem:$0x18100] =	vst v63  }
0x322: {  	s14 =	sadd.s32 $0x1C0, s14;
	s16 =	simm.s32 $0x1D00  }
0x323: {  	[hbm4b:s14+s3] =	stream.linear.scatter [tilespmem:s16], [sflag:$0x7], $0x200, $0x38;
	[tilespmem:$0x18100] =	vst v63  }
0x324: {  	_ =	swait.ge [sflag:s21], $0x1000  }
0x325: {  	[sflag:s21] =	ssyncset.done $0x0  }
0x326: {  	s22 =	simm.s32 $0x300;
	s23 =	rddreg [dreg:$0x1e];
	[sflag:s21] =	ssyncadd.s32 $0xFFFFF000  }
0x327: {  	[hbm4b:s23+s3] =	stream.linear.scatter [tilespmem:s22], [sflag:$0x7], $0x200, $0x38;
	[tilespmem:$0x18100] =	vst v63  }
0x328: {  	s25 =	simm.s32 $0x700;
	s24 =	sadd.s32 $0x40, s23  }
0x329: {  	[hbm4b:s24+s3] =	stream.linear.scatter [tilespmem:s25], [sflag:$0x7], $0x200, $0x38;
	[tilespmem:$0x18100] =	vst v63  }
0x32a: {  	s31 =	simm.s32 $0xB00;
	s30 =	sadd.s32 $0x80, s23  }
0x32b: {  	[hbm4b:s30+s3] =	stream.linear.scatter [tilespmem:s31], [sflag:$0x7], $0x200, $0x38;
	[tilespmem:$0x18100] =	vst v63  }
0x32c: {  	s2 =	simm.s32 $0xF00;
	s0 =	sadd.s32 $0xC0, s23  }
0x32d: {  	[hbm4b:s0+s3] =	stream.linear.scatter [tilespmem:s2], [sflag:$0x7], $0x200, $0x38;
	[tilespmem:$0x18100] =	vst v63  }
0x32e: {  	s9 =	simm.s32 $0x1300;
	s8 =	sadd.s32 $0x100, s23  }
0x32f: {  	[hbm4b:s8+s3] =	stream.linear.scatter [tilespmem:s9], [sflag:$0x7], $0x200, $0x38;
	[tilespmem:$0x18100] =	vst v63  }
0x330: {  	s16 =	simm.s32 $0x1700;
	s14 =	sadd.s32 $0x140, s23  }
0x331: {  	[hbm4b:s14+s3] =	stream.linear.scatter [tilespmem:s16], [sflag:$0x7], $0x200, $0x38;
	[tilespmem:$0x18100] =	vst v63  }
0x332: {  	s24 =	sadd.s32 $0x180, s23;
	s25 =	simm.s32 $0x1B00  }
0x333: {  	[hbm4b:s24+s3] =	stream.linear.scatter [tilespmem:s25], [sflag:$0x7], $0x200, $0x38;
	[tilespmem:$0x18100] =	vst v63  }
0x334: {  	s30 =	sadd.s32 $0x1C0, s23;
	s31 =	simm.s32 $0x1F00  }
0x335: {  	[hbm4b:s30+s3] =	stream.linear.scatter [tilespmem:s31], [sflag:$0x7], $0x200, $0x38;
	[tilespmem:$0x18100] =	vst v63  }
0x336: {  	_ =	swait.ge [sflag:s21], $0x1000  }
0x337: {  	[sflag:s21] =	ssyncset.done $0x0  }
0x338: {  	s9 =	simm.s32 $0x2100;
	s23 =	rddreg [dreg:$0x1f];
	[sflag:s21] =	ssyncadd.s32 $0xFFFFF000  }
0x339: {  	[hbm4b:s23+s3] =	stream.linear.scatter [tilespmem:s9], [sflag:$0x7], $0x200, $0x38;
	[tilespmem:$0x18100] =	vst v63  }
0x33a: {  	s8 =	simm.s32 $0x2500;
	s2 =	sadd.s32 $0x40, s23  }
0x33b: {  	[hbm4b:s2+s3] =	stream.linear.scatter [tilespmem:s8], [sflag:$0x7], $0x200, $0x38;
	[tilespmem:$0x18100] =	vst v63  }
0x33c: {  	s14 =	sadd.s32 $0x80, s23;
	s8 =	simm.s32 $0x2900  }
0x33d: {  	[hbm4b:s14+s3] =	stream.linear.scatter [tilespmem:s8], [sflag:$0x7], $0x200, $0x38;
	[tilespmem:$0x18100] =	vst v63  }
0x33e: {  	s24 =	simm.s32 $0x2D00;
	s16 =	sadd.s32 $0xC0, s23  }
0x33f: {  	[hbm4b:s16+s3] =	stream.linear.scatter [tilespmem:s24], [sflag:$0x7], $0x200, $0x38;
	[tilespmem:$0x18100] =	vst v63  }
0x340: {  	s25 =	sadd.s32 $0x100, s23;
	s2 =	simm.s32 $0x3100  }
0x341: {  	[hbm4b:s25+s3] =	stream.linear.scatter [tilespmem:s2], [sflag:$0x7], $0x200, $0x38;
	[tilespmem:$0x18100] =	vst v63  }
0x342: {  	s31 =	simm.s32 $0x3500;
	s30 =	sadd.s32 $0x140, s23  }
0x343: {  	[hbm4b:s30+s3] =	stream.linear.scatter [tilespmem:s31], [sflag:$0x7], $0x200, $0x38;
	[tilespmem:$0x18100] =	vst v63  }
0x344: {  	s0 =	simm.s32 $0x3900;
	s14 =	sadd.s32 $0x180, s23  }
0x345: {  	[hbm4b:s14+s3] =	stream.linear.scatter [tilespmem:s0], [sflag:$0x7], $0x200, $0x38;
	[tilespmem:$0x18100] =	vst v63  }
0x346: {  	s16 =	sadd.s32 $0x1C0, s23;
	s23 =	simm.s32 $0x3D00  }
0x347: {  	[hbm4b:s16+s3] =	stream.linear.scatter [tilespmem:s23], [sflag:$0x7], $0x200, $0x38;
	[tilespmem:$0x18100] =	vst v63  }
0x348: {  	_ =	swait.ge [sflag:s21], $0x1000  }
0x349: {  	s23 =	sld [smem:$0x7D8]  }
0x34a: {  	[sflag:s21] =	ssyncset.done $0x0  }
0x34b: {  	s24 =	simm.s32 $0x2300;
	[sflag:s21] =	ssyncadd.s32 $0xFFFFF000  }
0x34c: {  	[hbm4b:s23+s3] =	stream.linear.scatter [tilespmem:s24], [sflag:$0x7], $0x200, $0x38;
	[tilespmem:$0x18100] =	vst v63  }
0x34d: {  	s30 =	simm.s32 $0x2700;
	s25 =	sadd.s32 $0x40, s23  }
0x34e: {  	[hbm4b:s25+s3] =	stream.linear.scatter [tilespmem:s30], [sflag:$0x7], $0x200, $0x38;
	[tilespmem:$0x18100] =	vst v63  }
0x34f: {  	s14 =	simm.s32 $0x2B00;
	s31 =	sadd.s32 $0x80, s23  }
0x350: {  	[hbm4b:s31+s3] =	stream.linear.scatter [tilespmem:s14], [sflag:$0x7], $0x200, $0x38;
	[tilespmem:$0x18100] =	vst v63  }
0x351: {  	s16 =	sadd.s32 $0xC0, s23;
	s24 =	simm.s32 $0x2F00  }
0x352: {  	[hbm4b:s16+s3] =	stream.linear.scatter [tilespmem:s24], [sflag:$0x7], $0x200, $0x38;
	[tilespmem:$0x18100] =	vst v63  }
0x353: {  	s25 =	sadd.s32 $0x100, s23;
	s30 =	simm.s32 $0x3300  }
0x354: {  	[hbm4b:s25+s3] =	stream.linear.scatter [tilespmem:s30], [sflag:$0x7], $0x200, $0x38;
	[tilespmem:$0x18100] =	vst v63  }
0x355: {  	s31 =	sadd.s32 $0x140, s23;
	s14 =	simm.s32 $0x3700  }
0x356: {  	[hbm4b:s31+s3] =	stream.linear.scatter [tilespmem:s14], [sflag:$0x7], $0x200, $0x38;
	[tilespmem:$0x18100] =	vst v63  }
0x357: {  	s24 =	sadd.s32 $0x180, s23;
	s25 =	simm.s32 $0x3B00  }
0x358: {  	[hbm4b:s24+s3] =	stream.linear.scatter [tilespmem:s25], [sflag:$0x7], $0x200, $0x38;
	[tilespmem:$0x18100] =	vst v63  }
0x359: {  	s30 =	sadd.s32 $0x1C0, s23;
	s31 =	simm.s32 $0x3F00  }
0x35a: {  	[hbm4b:s30+s3] =	stream.linear.scatter [tilespmem:s31], [sflag:$0x7], $0x200, $0x38;
	[tilespmem:$0x18100] =	vst v63  }
0x35b: {  	_ =	swait.ge [sflag:s21], $0x1000  }
0x35c: {  	[sflag:s21] =	ssyncset.done $0x0  }
0x35d: {  	[sflag:s21] =	ssyncadd.s32 $0xFFFFF000  }
0x35e: {  	v3 =	vld [tilespmem:$0xC0];
	_ =	sdelay $0x4  }
0x35f: {  	v60 =	vshll.u32 v3, $0x3  }
0x360: {  	v3 =	vand.u32 $0x7, v3;
	v4 =	vand.u32 $0xFFFFFFC0, v60  }
0x361: {  	v3 =	vor.u32 v3, v4  }
0x362: {  	v4 =	vperm.xlane v3, v0;
	_ =	sdelay $0x1  }
0x363: {  	v4 =	vadd.s32 v1, v4;
	_ =	sdelay $0x4  }
0x364: {  	[tilespmem:s13], [sflag:$0x1] =	stream.indirect_vreg.gather [hbm4b:s28+s3], $0x80, v4, vm0, $0xb8;
	[tilespmem:$0x18100] =	vst v63  }
0x365: {  	v3 =	vperm.xlane v3, v2  }
0x366: {  	[tilespmem:s12], [sflag:$0x1] =	stream.indirect_vreg.gather [hbm4b:s4+s3], $0x80, v4, vm0, $0xb8;
	[tilespmem:$0x18100] =	vst v63  }
0x367: {  	v3 =	vadd.s32 v1, v3  }
0x368: {  	[tilespmem:s11], [sflag:$0x1] =	stream.indirect_vreg.gather [hbm4b:s5+s3], $0x80, v4, vm0, $0xb8;
	[tilespmem:$0x18100] =	vst v63  }
0x369: {  	_ = 	snop  }
0x36a: {  	[tilespmem:s10], [sflag:$0x1] =	stream.indirect_vreg.gather [hbm4b:s7+s3], $0x80, v4, vm0, $0xb8;
	[tilespmem:$0x18100] =	vst v63  }
0x36b: {  	_ = 	snop  }
0x36c: {  	[tilespmem:s9], [sflag:$0x1] =	stream.indirect_vreg.gather [hbm4b:s28+s3], $0x80, v3, vm0, $0xb8;
	[tilespmem:$0x18100] =	vst v63  }
0x36d: {  	_ = 	snop  }
0x36e: {  	[tilespmem:s8], [sflag:$0x1] =	stream.indirect_vreg.gather [hbm4b:s4+s3], $0x80, v3, vm0, $0xb8;
	[tilespmem:$0x18100] =	vst v63  }
0x36f: {  	_ = 	snop  }
0x370: {  	[tilespmem:s2], [sflag:$0x1] =	stream.indirect_vreg.gather [hbm4b:s5+s3], $0x80, v3, vm0, $0xb8;
	[tilespmem:$0x18100] =	vst v63  }
0x371: {  	s8 =	simm.s32 $0x2  }
0x372: {  	[tilespmem:s0], [sflag:$0x1] =	stream.indirect_vreg.gather [hbm4b:s7+s3], $0x80, v3, vm0, $0xb8;
	[tilespmem:$0x18100] =	vst v63  }
0x373: {  	_ =	swait.ge [sflag:s8], $0x4000  }
0x374: {  	s9 =	sld [smem:$0x7D9]  }
0x375: {  	[sflag:s8] =	ssyncset.done $0x0  }
0x376: {  	s13 =	simm.s32 $0x4100;
	[sflag:s8] =	ssyncadd.s32 $0xFFFFC000  }
0x377: {  	[hbm4b:s9+s3] =	stream.linear.scatter [tilespmem:s13], [sflag:$0x7], $0x200, $0x38;
	[tilespmem:$0x18100] =	vst v63  }
0x378: {  	s17 =	simm.s32 $0x4500;
	s16 =	sadd.s32 $0x40, s9  }
0x379: {  	[hbm4b:s16+s3] =	stream.linear.scatter [tilespmem:s17], [sflag:$0x7], $0x200, $0x38;
	[tilespmem:$0x18100] =	vst v63  }
0x37a: {  	s12 =	simm.s32 $0x4900;
	s24 =	sadd.s32 $0x80, s9  }
0x37b: {  	[hbm4b:s24+s3] =	stream.linear.scatter [tilespmem:s12], [sflag:$0x7], $0x200, $0x38;
	[tilespmem:$0x18100] =	vst v63  }
0x37c: {  	s30 =	simm.s32 $0x4D00;
	s25 =	sadd.s32 $0xC0, s9  }
0x37d: {  	[hbm4b:s25+s3] =	stream.linear.scatter [tilespmem:s30], [sflag:$0x7], $0x200, $0x38;
	[tilespmem:$0x18100] =	vst v63  }
0x37e: {  	s11 =	simm.s32 $0x5100;
	s31 =	sadd.s32 $0x100, s9  }
0x37f: {  	[hbm4b:s31+s3] =	stream.linear.scatter [tilespmem:s11], [sflag:$0x7], $0x200, $0x38;
	[tilespmem:$0x18100] =	vst v63  }
0x380: {  	s2 =	simm.s32 $0x5500;
	s0 =	sadd.s32 $0x140, s9  }
0x381: {  	[hbm4b:s0+s3] =	stream.linear.scatter [tilespmem:s2], [sflag:$0x7], $0x200, $0x38;
	[tilespmem:$0x18100] =	vst v63  }
0x382: {  	s10 =	simm.s32 $0x5900;
	s8 =	sadd.s32 $0x180, s9  }
0x383: {  	[hbm4b:s8+s3] =	stream.linear.scatter [tilespmem:s10], [sflag:$0x7], $0x200, $0x38;
	[tilespmem:$0x18100] =	vst v63  }
0x384: {  	s9 =	sadd.s32 $0x1C0, s9;
	s16 =	simm.s32 $0x5D00  }
0x385: {  	[hbm4b:s9+s3] =	stream.linear.scatter [tilespmem:s16], [sflag:$0x7], $0x200, $0x38;
	[tilespmem:$0x18100] =	vst v63  }
0x386: {  	_ =	swait.ge [sflag:s21], $0x1000  }
0x387: {  	s23 =	sld [smem:$0x7DA]  }
0x388: {  	[sflag:s21] =	ssyncset.done $0x0  }
0x389: {  	s26 =	simm.s32 $0x4300;
	[sflag:s21] =	ssyncadd.s32 $0xFFFFF000  }
0x38a: {  	[hbm4b:s23+s3] =	stream.linear.scatter [tilespmem:s26], [sflag:$0x7], $0x200, $0x38;
	[tilespmem:$0x18100] =	vst v63  }
0x38b: {  	s24 =	simm.s32 $0x4700;
	s17 =	sadd.s32 $0x40, s23  }
0x38c: {  	[hbm4b:s17+s3] =	stream.linear.scatter [tilespmem:s24], [sflag:$0x7], $0x200, $0x38;
	[tilespmem:$0x18100] =	vst v63  }
0x38d: {  	s25 =	sadd.s32 $0x80, s23;
	s26 =	simm.s32 $0x4B00  }
0x38e: {  	[hbm4b:s25+s3] =	stream.linear.scatter [tilespmem:s26], [sflag:$0x7], $0x200, $0x38;
	[tilespmem:$0x18100] =	vst v63  }
0x38f: {  	s31 =	simm.s32 $0x4F00;
	s30 =	sadd.s32 $0xC0, s23  }
0x390: {  	[hbm4b:s30+s3] =	stream.linear.scatter [tilespmem:s31], [sflag:$0x7], $0x200, $0x38;
	[tilespmem:$0x18100] =	vst v63  }
0x391: {  	s2 =	simm.s32 $0x5300;
	s0 =	sadd.s32 $0x100, s23  }
0x392: {  	[hbm4b:s0+s3] =	stream.linear.scatter [tilespmem:s2], [sflag:$0x7], $0x200, $0x38;
	[tilespmem:$0x18100] =	vst v63  }
0x393: {  	s9 =	simm.s32 $0x5700;
	s8 =	sadd.s32 $0x140, s23  }
0x394: {  	[hbm4b:s8+s3] =	stream.linear.scatter [tilespmem:s9], [sflag:$0x7], $0x200, $0x38;
	[tilespmem:$0x18100] =	vst v63  }
0x395: {  	s16 =	sadd.s32 $0x180, s23;
	s17 =	simm.s32 $0x5B00  }
0x396: {  	[hbm4b:s16+s3] =	stream.linear.scatter [tilespmem:s17], [sflag:$0x7], $0x200, $0x38;
	[tilespmem:$0x18100] =	vst v63  }
0x397: {  	s24 =	sadd.s32 $0x1C0, s23;
	s25 =	simm.s32 $0x5F00  }
0x398: {  	[hbm4b:s24+s3] =	stream.linear.scatter [tilespmem:s25], [sflag:$0x7], $0x200, $0x38;
	[tilespmem:$0x18100] =	vst v63  }
0x399: {  	_ =	swait.ge [sflag:s21], $0x1000  }
0x39a: {  	s23 =	sld [smem:$0x7DB]  }
0x39b: {  	[sflag:s21] =	ssyncset.done $0x0  }
0x39c: {  	s9 =	simm.s32 $0x6100;
	[sflag:s21] =	ssyncadd.s32 $0xFFFFF000  }
0x39d: {  	[hbm4b:s23+s3] =	stream.linear.scatter [tilespmem:s9], [sflag:$0x7], $0x200, $0x38;
	[tilespmem:$0x18100] =	vst v63  }
0x39e: {  	s30 =	simm.s32 $0x6500;
	s26 =	sadd.s32 $0x40, s23  }
0x39f: {  	[hbm4b:s26+s3] =	stream.linear.scatter [tilespmem:s30], [sflag:$0x7], $0x200, $0x38;
	[tilespmem:$0x18100] =	vst v63  }
0x3a0: {  	s8 =	simm.s32 $0x6900;
	s31 =	sadd.s32 $0x80, s23  }
0x3a1: {  	[hbm4b:s31+s3] =	stream.linear.scatter [tilespmem:s8], [sflag:$0x7], $0x200, $0x38;
	[tilespmem:$0x18100] =	vst v63  }
0x3a2: {  	s2 =	simm.s32 $0x6D00;
	s0 =	sadd.s32 $0xC0, s23  }
0x3a3: {  	[hbm4b:s0+s3] =	stream.linear.scatter [tilespmem:s2], [sflag:$0x7], $0x200, $0x38;
	[tilespmem:$0x18100] =	vst v63  }
0x3a4: {  	s16 =	sadd.s32 $0x100, s23;
	s2 =	simm.s32 $0x7100  }
0x3a5: {  	[hbm4b:s16+s3] =	stream.linear.scatter [tilespmem:s2], [sflag:$0x7], $0x200, $0x38;
	[tilespmem:$0x18100] =	vst v63  }
0x3a6: {  	s24 =	simm.s32 $0x7500;
	s17 =	sadd.s32 $0x140, s23  }
0x3a7: {  	[hbm4b:s17+s3] =	stream.linear.scatter [tilespmem:s24], [sflag:$0x7], $0x200, $0x38;
	[tilespmem:$0x18100] =	vst v63  }
0x3a8: {  	s25 =	sadd.s32 $0x180, s23;
	s0 =	simm.s32 $0x7900  }
0x3a9: {  	[hbm4b:s25+s3] =	stream.linear.scatter [tilespmem:s0], [sflag:$0x7], $0x200, $0x38;
	[tilespmem:$0x18100] =	vst v63  }
0x3aa: {  	s26 =	sadd.s32 $0x1C0, s23;
	s30 =	simm.s32 $0x7D00  }
0x3ab: {  	[hbm4b:s26+s3] =	stream.linear.scatter [tilespmem:s30], [sflag:$0x7], $0x200, $0x38;
	[tilespmem:$0x18100] =	vst v63  }
0x3ac: {  	_ =	swait.ge [sflag:s21], $0x1000  }
0x3ad: {  	s23 =	sld [smem:$0x7DC]  }
0x3ae: {  	[sflag:s21] =	ssyncset.done $0x0  }
0x3af: {  	s1 =	simm.s32 $0x6300;
	[sflag:s21] =	ssyncadd.s32 $0xFFFFF000  }
0x3b0: {  	[hbm4b:s23+s3] =	stream.linear.scatter [tilespmem:s1], [sflag:$0x7], $0x200, $0x38;
	[tilespmem:$0x18100] =	vst v63  }
0x3b1: {  	s31 =	sadd.s32 $0x40, s23;
	s1 =	simm.s32 $0x6700  }
0x3b2: {  	[hbm4b:s31+s3] =	stream.linear.scatter [tilespmem:s1], [sflag:$0x7], $0x200, $0x38;
	[tilespmem:$0x18100] =	vst v63  }
0x3b3: {  	s17 =	simm.s32 $0x6B00;
	s16 =	sadd.s32 $0x80, s23  }
0x3b4: {  	[hbm4b:s16+s3] =	stream.linear.scatter [tilespmem:s17], [sflag:$0x7], $0x200, $0x38;
	[tilespmem:$0x18100] =	vst v63  }
0x3b5: {  	s25 =	simm.s32 $0x6F00;
	s24 =	sadd.s32 $0xC0, s23  }
0x3b6: {  	[hbm4b:s24+s3] =	stream.linear.scatter [tilespmem:s25], [sflag:$0x7], $0x200, $0x38;
	[tilespmem:$0x18100] =	vst v63  }
0x3b7: {  	s30 =	simm.s32 $0x7300;
	s26 =	sadd.s32 $0x100, s23  }
0x3b8: {  	[hbm4b:s26+s3] =	stream.linear.scatter [tilespmem:s30], [sflag:$0x7], $0x200, $0x38;
	[tilespmem:$0x18100] =	vst v63  }
0x3b9: {  	s31 =	sadd.s32 $0x140, s23;
	s1 =	simm.s32 $0x7700  }
0x3ba: {  	[hbm4b:s31+s3] =	stream.linear.scatter [tilespmem:s1], [sflag:$0x7], $0x200, $0x38;
	[tilespmem:$0x18100] =	vst v63  }
0x3bb: {  	s16 =	sadd.s32 $0x180, s23;
	s17 =	simm.s32 $0x7B00  }
0x3bc: {  	[hbm4b:s16+s3] =	stream.linear.scatter [tilespmem:s17], [sflag:$0x7], $0x200, $0x38;
	[tilespmem:$0x18100] =	vst v63  }
0x3bd: {  	s24 =	sadd.s32 $0x1C0, s23;
	s25 =	simm.s32 $0x7F00  }
0x3be: {  	[hbm4b:s24+s3] =	stream.linear.scatter [tilespmem:s25], [sflag:$0x7], $0x200, $0x38;
	[tilespmem:$0x18100] =	vst v63  }
0x3bf: {  	_ =	swait.ge [sflag:s21], $0x1000  }
0x3c0: {  	[sflag:s21] =	ssyncset.done $0x0  }
0x3c1: {  	[sflag:s21] =	ssyncadd.s32 $0xFFFFF000  }
0x3c2: {  	v3 =	vld [tilespmem:$0xD0];
	_ =	sdelay $0x4  }
0x3c3: {  	v61 =	vshll.u32 v3, $0x3  }
0x3c4: {  	v3 =	vand.u32 $0x7, v3;
	v4 =	vand.u32 $0xFFFFFFC0, v61  }
0x3c5: {  	v3 =	vor.u32 v3, v4  }
0x3c6: {  	v4 =	vperm.xlane v3, v0;
	_ =	sdelay $0x1  }
0x3c7: {  	v4 =	vadd.s32 v1, v4;
	_ =	sdelay $0x4  }
0x3c8: {  	[tilespmem:s13], [sflag:$0x2] =	stream.indirect_vreg.gather [hbm4b:s28+s3], $0x80, v4, vm0, $0xb8;
	[tilespmem:$0x18100] =	vst v63  }
0x3c9: {  	v3 =	vperm.xlane v3, v2  }
0x3ca: {  	[tilespmem:s12], [sflag:$0x2] =	stream.indirect_vreg.gather [hbm4b:s4+s3], $0x80, v4, vm0, $0xb8;
	[tilespmem:$0x18100] =	vst v63  }
0x3cb: {  	v3 =	vadd.s32 v1, v3  }
0x3cc: {  	[tilespmem:s11], [sflag:$0x2] =	stream.indirect_vreg.gather [hbm4b:s5+s3], $0x80, v4, vm0, $0xb8;
	[tilespmem:$0x18100] =	vst v63  }
0x3cd: {  	_ = 	snop  }
0x3ce: {  	[tilespmem:s10], [sflag:$0x2] =	stream.indirect_vreg.gather [hbm4b:s7+s3], $0x80, v4, vm0, $0xb8;
	[tilespmem:$0x18100] =	vst v63  }
0x3cf: {  	_ = 	snop  }
0x3d0: {  	[tilespmem:s9], [sflag:$0x2] =	stream.indirect_vreg.gather [hbm4b:s28+s3], $0x80, v3, vm0, $0xb8;
	[tilespmem:$0x18100] =	vst v63  }
0x3d1: {  	_ = 	snop  }
0x3d2: {  	[tilespmem:s8], [sflag:$0x2] =	stream.indirect_vreg.gather [hbm4b:s4+s3], $0x80, v3, vm0, $0xb8;
	[tilespmem:$0x18100] =	vst v63  }
0x3d3: {  	_ = 	snop  }
0x3d4: {  	[tilespmem:s2], [sflag:$0x2] =	stream.indirect_vreg.gather [hbm4b:s5+s3], $0x80, v3, vm0, $0xb8;
	[tilespmem:$0x18100] =	vst v63  }
0x3d5: {  	_ = 	snop  }
0x3d6: {  	[tilespmem:s0], [sflag:$0x2] =	stream.indirect_vreg.gather [hbm4b:s7+s3], $0x80, v3, vm0, $0xb8;
	[tilespmem:$0x18100] =	vst v63  }
0x3d7: {  	_ =	swait.ge [sflag:s18], $0x4000  }
0x3d8: {  	s26 =	sld [smem:$0x7DD]  }
0x3d9: {  	[sflag:s18] =	ssyncset.done $0x0  }
0x3da: {  	s8 =	simm.s32 $0x8100;
	[sflag:s18] =	ssyncadd.s32 $0xFFFFC000  }
0x3db: {  	[hbm4b:s26+s3] =	stream.linear.scatter [tilespmem:s8], [sflag:$0x7], $0x200, $0x38;
	[tilespmem:$0x18100] =	vst v63  }
0x3dc: {  	s31 =	simm.s32 $0x8500;
	s30 =	sadd.s32 $0x40, s26  }
0x3dd: {  	[hbm4b:s30+s3] =	stream.linear.scatter [tilespmem:s31], [sflag:$0x7], $0x200, $0x38;
	[tilespmem:$0x18100] =	vst v63  }
0x3de: {  	s12 =	simm.s32 $0x8900;
	s0 =	sadd.s32 $0x80, s26  }
0x3df: {  	[hbm4b:s0+s3] =	stream.linear.scatter [tilespmem:s12], [sflag:$0x7], $0x200, $0x38;
	[tilespmem:$0x18100] =	vst v63  }
0x3e0: {  	s2 =	simm.s32 $0x8D00;
	s1 =	sadd.s32 $0xC0, s26  }
0x3e1: {  	[hbm4b:s1+s3] =	stream.linear.scatter [tilespmem:s2], [sflag:$0x7], $0x200, $0x38;
	[tilespmem:$0x18100] =	vst v63  }
0x3e2: {  	s11 =	simm.s32 $0x9100;
	s9 =	sadd.s32 $0x100, s26  }
0x3e3: {  	[hbm4b:s9+s3] =	stream.linear.scatter [tilespmem:s11], [sflag:$0x7], $0x200, $0x38;
	[tilespmem:$0x18100] =	vst v63  }
0x3e4: {  	s13 =	simm.s32 $0x9500;
	s10 =	sadd.s32 $0x140, s26  }
0x3e5: {  	[hbm4b:s10+s3] =	stream.linear.scatter [tilespmem:s13], [sflag:$0x7], $0x200, $0x38;
	[tilespmem:$0x18100] =	vst v63  }
0x3e6: {  	s16 =	sadd.s32 $0x180, s26;
	s31 =	simm.s32 $0x9900  }
0x3e7: {  	[hbm4b:s16+s3] =	stream.linear.scatter [tilespmem:s31], [sflag:$0x7], $0x200, $0x38;
	[tilespmem:$0x18100] =	vst v63  }
0x3e8: {  	s23 =	simm.s32 $0x9D00;
	s17 =	sadd.s32 $0x1C0, s26  }
0x3e9: {  	[hbm4b:s17+s3] =	stream.linear.scatter [tilespmem:s23], [sflag:$0x7], $0x200, $0x38;
	[tilespmem:$0x18100] =	vst v63  }
0x3ea: {  	_ =	swait.ge [sflag:s21], $0x1000  }
0x3eb: {  	s23 =	sld [smem:$0x7DE]  }
0x3ec: {  	[sflag:s21] =	ssyncset.done $0x0  }
0x3ed: {  	s20 =	simm.s32 $0x8300;
	[sflag:s21] =	ssyncadd.s32 $0xFFFFF000  }
0x3ee: {  	[hbm4b:s23+s3] =	stream.linear.scatter [tilespmem:s20], [sflag:$0x7], $0x200, $0x38;
	[tilespmem:$0x18100] =	vst v63  }
0x3ef: {  	s25 =	simm.s32 $0x8700;
	s24 =	sadd.s32 $0x40, s23  }
0x3f0: {  	[hbm4b:s24+s3] =	stream.linear.scatter [tilespmem:s25], [sflag:$0x7], $0x200, $0x38;
	[tilespmem:$0x18100] =	vst v63  }
0x3f1: {  	s30 =	simm.s32 $0x8B00;
	s26 =	sadd.s32 $0x80, s23  }
0x3f2: {  	[hbm4b:s26+s3] =	stream.linear.scatter [tilespmem:s30], [sflag:$0x7], $0x200, $0x38;
	[tilespmem:$0x18100] =	vst v63  }
0x3f3: {  	s2 =	simm.s32 $0x8F00;
	s1 =	sadd.s32 $0xC0, s23  }
0x3f4: {  	[hbm4b:s1+s3] =	stream.linear.scatter [tilespmem:s2], [sflag:$0x7], $0x200, $0x38;
	[tilespmem:$0x18100] =	vst v63  }
0x3f5: {  	s10 =	simm.s32 $0x9300;
	s9 =	sadd.s32 $0x100, s23  }
0x3f6: {  	[hbm4b:s9+s3] =	stream.linear.scatter [tilespmem:s10], [sflag:$0x7], $0x200, $0x38;
	[tilespmem:$0x18100] =	vst v63  }
0x3f7: {  	s16 =	simm.s32 $0x9700;
	s13 =	sadd.s32 $0x140, s23  }
0x3f8: {  	[hbm4b:s13+s3] =	stream.linear.scatter [tilespmem:s16], [sflag:$0x7], $0x200, $0x38;
	[tilespmem:$0x18100] =	vst v63  }
0x3f9: {  	s17 =	sadd.s32 $0x180, s23;
	s20 =	simm.s32 $0x9B00  }
0x3fa: {  	[hbm4b:s17+s3] =	stream.linear.scatter [tilespmem:s20], [sflag:$0x7], $0x200, $0x38;
	[tilespmem:$0x18100] =	vst v63  }
0x3fb: {  	s24 =	sadd.s32 $0x1C0, s23;
	s25 =	simm.s32 $0x9F00  }
0x3fc: {  	[hbm4b:s24+s3] =	stream.linear.scatter [tilespmem:s25], [sflag:$0x7], $0x200, $0x38;
	[tilespmem:$0x18100] =	vst v63  }
0x3fd: {  	_ =	swait.ge [sflag:s21], $0x1000  }
0x3fe: {  	s26 =	sld [smem:$0x7DF]  }
0x3ff: {  	[sflag:s21] =	ssyncset.done $0x0  }
0x400: {  	s30 =	simm.s32 $0xA100;
	[sflag:s21] =	ssyncadd.s32 $0xFFFFF000  }
0x401: {  	[hbm4b:s26+s3] =	stream.linear.scatter [tilespmem:s30], [sflag:$0x7], $0x200, $0x38;
	[tilespmem:$0x18100] =	vst v63  }
0x402: {  	s1 =	simm.s32 $0xA500;
	s0 =	sadd.s32 $0x40, s26  }
0x403: {  	[hbm4b:s0+s3] =	stream.linear.scatter [tilespmem:s1], [sflag:$0x7], $0x200, $0x38;
	[tilespmem:$0x18100] =	vst v63  }
0x404: {  	s25 =	simm.s32 $0xA900;
	s2 =	sadd.s32 $0x80, s26  }
0x405: {  	[hbm4b:s2+s3] =	stream.linear.scatter [tilespmem:s25], [sflag:$0x7], $0x200, $0x38;
	[tilespmem:$0x18100] =	vst v63  }
0x406: {  	s10 =	simm.s32 $0xAD00;
	s9 =	sadd.s32 $0xC0, s26  }
0x407: {  	[hbm4b:s9+s3] =	stream.linear.scatter [tilespmem:s10], [sflag:$0x7], $0x200, $0x38;
	[tilespmem:$0x18100] =	vst v63  }
0x408: {  	s13 =	sadd.s32 $0x100, s26;
	s2 =	simm.s32 $0xB100  }
0x409: {  	[hbm4b:s13+s3] =	stream.linear.scatter [tilespmem:s2], [sflag:$0x7], $0x200, $0x38;
	[tilespmem:$0x18100] =	vst v63  }
0x40a: {  	s17 =	simm.s32 $0xB500;
	s16 =	sadd.s32 $0x140, s26  }
0x40b: {  	[hbm4b:s16+s3] =	stream.linear.scatter [tilespmem:s17], [sflag:$0x7], $0x200, $0x38;
	[tilespmem:$0x18100] =	vst v63  }
0x40c: {  	s20 =	sadd.s32 $0x180, s26;
	s0 =	simm.s32 $0xB900  }
0x40d: {  	[hbm4b:s20+s3] =	stream.linear.scatter [tilespmem:s0], [sflag:$0x7], $0x200, $0x38;
	[tilespmem:$0x18100] =	vst v63  }
0x40e: {  	s24 =	simm.s32 $0xBD00;
	s23 =	sadd.s32 $0x1C0, s26  }
0x40f: {  	[hbm4b:s23+s3] =	stream.linear.scatter [tilespmem:s24], [sflag:$0x7], $0x200, $0x38;
	[tilespmem:$0x18100] =	vst v63  }
0x410: {  	_ =	swait.ge [sflag:s21], $0x1000  }
0x411: {  	s23 =	sld [smem:$0x7E0]  }
0x412: {  	[sflag:s21] =	ssyncset.done $0x0  }
0x413: {  	s26 =	simm.s32 $0xA300;
	[sflag:s21] =	ssyncadd.s32 $0xFFFFF000  }
0x414: {  	[hbm4b:s23+s3] =	stream.linear.scatter [tilespmem:s26], [sflag:$0x7], $0x200, $0x38;
	[tilespmem:$0x18100] =	vst v63  }
0x415: {  	s9 =	simm.s32 $0xA700;
	s1 =	sadd.s32 $0x40, s23  }
0x416: {  	[hbm4b:s1+s3] =	stream.linear.scatter [tilespmem:s9], [sflag:$0x7], $0x200, $0x38;
	[tilespmem:$0x18100] =	vst v63  }
0x417: {  	s16 =	simm.s32 $0xAB00;
	s13 =	sadd.s32 $0x80, s23  }
0x418: {  	[hbm4b:s13+s3] =	stream.linear.scatter [tilespmem:s16], [sflag:$0x7], $0x200, $0x38;
	[tilespmem:$0x18100] =	vst v63  }
0x419: {  	s20 =	simm.s32 $0xAF00;
	s17 =	sadd.s32 $0xC0, s23  }
0x41a: {  	[hbm4b:s17+s3] =	stream.linear.scatter [tilespmem:s20], [sflag:$0x7], $0x200, $0x38;
	[tilespmem:$0x18100] =	vst v63  }
0x41b: {  	s24 =	sadd.s32 $0x100, s23;
	s26 =	simm.s32 $0xB300  }
0x41c: {  	[hbm4b:s24+s3] =	stream.linear.scatter [tilespmem:s26], [sflag:$0x7], $0x200, $0x38;
	[tilespmem:$0x18100] =	vst v63  }
0x41d: {  	s1 =	sadd.s32 $0x140, s23;
	s9 =	simm.s32 $0xB700  }
0x41e: {  	[hbm4b:s1+s3] =	stream.linear.scatter [tilespmem:s9], [sflag:$0x7], $0x200, $0x38;
	[tilespmem:$0x18100] =	vst v63  }
0x41f: {  	s10 =	sadd.s32 $0x180, s23;
	s13 =	simm.s32 $0xBB00  }
0x420: {  	[hbm4b:s10+s3] =	stream.linear.scatter [tilespmem:s13], [sflag:$0x7], $0x200, $0x38;
	[tilespmem:$0x18100] =	vst v63  }
0x421: {  	s16 =	sadd.s32 $0x1C0, s23;
	s17 =	simm.s32 $0xBF00  }
0x422: {  	[hbm4b:s16+s3] =	stream.linear.scatter [tilespmem:s17], [sflag:$0x7], $0x200, $0x38;
	[tilespmem:$0x18100] =	vst v63  }
0x423: {  	_ =	swait.ge [sflag:s21], $0x1000  }
0x424: {  	[sflag:s21] =	ssyncset.done $0x0  }
0x425: {  	[sflag:s21] =	ssyncadd.s32 $0xFFFFF000  }
0x426: {  	v3 =	vld [tilespmem:$0xE0];
	_ =	sdelay $0x4  }
0x427: {  	v62 =	vshll.u32 v3, $0x3  }
0x428: {  	v3 =	vand.u32 $0x7, v3;
	v4 =	vand.u32 $0xFFFFFFC0, v62  }
0x429: {  	v3 =	vor.u32 v3, v4  }
0x42a: {  	v4 =	vperm.xlane v3, v0;
	_ =	sdelay $0x1  }
0x42b: {  	v4 =	vadd.s32 v1, v4;
	_ =	sdelay $0x4  }
0x42c: {  	[tilespmem:s8], [sflag:$0x3] =	stream.indirect_vreg.gather [hbm4b:s28+s3], $0x80, v4, vm0, $0xb8;
	[tilespmem:$0x18100] =	vst v63  }
0x42d: {  	v3 =	vperm.xlane v3, v2  }
0x42e: {  	[tilespmem:s12], [sflag:$0x3] =	stream.indirect_vreg.gather [hbm4b:s4+s3], $0x80, v4, vm0, $0xb8;
	[tilespmem:$0x18100] =	vst v63  }
0x42f: {  	v3 =	vadd.s32 v1, v3  }
0x430: {  	[tilespmem:s11], [sflag:$0x3] =	stream.indirect_vreg.gather [hbm4b:s5+s3], $0x80, v4, vm0, $0xb8;
	[tilespmem:$0x18100] =	vst v63  }
0x431: {  	_ = 	snop  }
0x432: {  	[tilespmem:s31], [sflag:$0x3] =	stream.indirect_vreg.gather [hbm4b:s7+s3], $0x80, v4, vm0, $0xb8;
	[tilespmem:$0x18100] =	vst v63  }
0x433: {  	_ = 	snop  }
0x434: {  	[tilespmem:s30], [sflag:$0x3] =	stream.indirect_vreg.gather [hbm4b:s28+s3], $0x80, v3, vm0, $0xb8;
	[tilespmem:$0x18100] =	vst v63  }
0x435: {  	_ = 	snop  }
0x436: {  	[tilespmem:s25], [sflag:$0x3] =	stream.indirect_vreg.gather [hbm4b:s4+s3], $0x80, v3, vm0, $0xb8;
	[tilespmem:$0x18100] =	vst v63  }
0x437: {  	_ = 	snop  }
0x438: {  	[tilespmem:s2], [sflag:$0x3] =	stream.indirect_vreg.gather [hbm4b:s5+s3], $0x80, v3, vm0, $0xb8;
	[tilespmem:$0x18100] =	vst v63  }
0x439: {  	_ = 	snop  }
0x43a: {  	[tilespmem:s0], [sflag:$0x3] =	stream.indirect_vreg.gather [hbm4b:s7+s3], $0x80, v3, vm0, $0xb8;
	[tilespmem:$0x18100] =	vst v63  }
0x43b: {  	_ =	swait.ge [sflag:s15], $0x4000  }
0x43c: {  	s20 =	sld [smem:$0x7E1]  }
0x43d: {  	[sflag:s15] =	ssyncset.done $0x0  }
0x43e: {  	s25 =	simm.s32 $0xC100;
	[sflag:s15] =	ssyncadd.s32 $0xFFFFC000  }
0x43f: {  	[hbm4b:s20+s3] =	stream.linear.scatter [tilespmem:s25], [sflag:$0x7], $0x200, $0x38;
	[tilespmem:$0x18100] =	vst v63  }
0x440: {  	s10 =	simm.s32 $0xC500;
	s26 =	sadd.s32 $0x40, s20  }
0x441: {  	[hbm4b:s26+s3] =	stream.linear.scatter [tilespmem:s10], [sflag:$0x7], $0x200, $0x38;
	[tilespmem:$0x18100] =	vst v63  }
0x442: {  	s1 =	simm.s32 $0xC900;
	s30 =	sadd.s32 $0x80, s20  }
0x443: {  	[hbm4b:s30+s3] =	stream.linear.scatter [tilespmem:s1], [sflag:$0x7], $0x200, $0x38;
	[tilespmem:$0x18100] =	vst v63  }
0x444: {  	s11 =	simm.s32 $0xCD00;
	s31 =	sadd.s32 $0xC0, s20  }
0x445: {  	[hbm4b:s31+s3] =	stream.linear.scatter [tilespmem:s11], [sflag:$0x7], $0x200, $0x38;
	[tilespmem:$0x18100] =	vst v63  }
0x446: {  	s24 =	simm.s32 $0xD100;
	s0 =	sadd.s32 $0x100, s20  }
0x447: {  	[hbm4b:s0+s3] =	stream.linear.scatter [tilespmem:s24], [sflag:$0x7], $0x200, $0x38;
	[tilespmem:$0x18100] =	vst v63  }
0x448: {  	s12 =	simm.s32 $0xD500;
	s2 =	sadd.s32 $0x140, s20  }
0x449: {  	[hbm4b:s2+s3] =	stream.linear.scatter [tilespmem:s12], [sflag:$0x7], $0x200, $0x38;
	[tilespmem:$0x18100] =	vst v63  }
0x44a: {  	s8 =	sadd.s32 $0x180, s20;
	s26 =	simm.s32 $0xD900  }
0x44b: {  	[hbm4b:s8+s3] =	stream.linear.scatter [tilespmem:s26], [sflag:$0x7], $0x200, $0x38;
	[tilespmem:$0x18100] =	vst v63  }
0x44c: {  	s13 =	simm.s32 $0xDD00;
	s9 =	sadd.s32 $0x1C0, s20  }
0x44d: {  	[hbm4b:s9+s3] =	stream.linear.scatter [tilespmem:s13], [sflag:$0x7], $0x200, $0x38;
	[tilespmem:$0x18100] =	vst v63  }
0x44e: {  	_ =	swait.ge [sflag:s21], $0x1000  }
0x44f: {  	s23 =	sld [smem:$0x7E2]  }
0x450: {  	[sflag:s21] =	ssyncset.done $0x0  }
0x451: {  	s16 =	simm.s32 $0xC300;
	[sflag:s21] =	ssyncadd.s32 $0xFFFFF000  }
0x452: {  	[hbm4b:s23+s3] =	stream.linear.scatter [tilespmem:s16], [sflag:$0x7], $0x200, $0x38;
	[tilespmem:$0x18100] =	vst v63  }
0x453: {  	s17 =	sadd.s32 $0x40, s23;
	s16 =	simm.s32 $0xC700  }
0x454: {  	[hbm4b:s17+s3] =	stream.linear.scatter [tilespmem:s16], [sflag:$0x7], $0x200, $0x38;
	[tilespmem:$0x18100] =	vst v63  }
0x455: {  	s20 =	sadd.s32 $0x80, s23;
	s17 =	simm.s32 $0xCB00  }
0x456: {  	[hbm4b:s20+s3] =	stream.linear.scatter [tilespmem:s17], [sflag:$0x7], $0x200, $0x38;
	[tilespmem:$0x18100] =	vst v63  }
0x457: {  	s31 =	simm.s32 $0xCF00;
	s30 =	sadd.s32 $0xC0, s23  }
0x458: {  	[hbm4b:s30+s3] =	stream.linear.scatter [tilespmem:s31], [sflag:$0x7], $0x200, $0x38;
	[tilespmem:$0x18100] =	vst v63  }
0x459: {  	s8 =	simm.s32 $0xD300;
	s2 =	sadd.s32 $0x100, s23  }
0x45a: {  	[hbm4b:s2+s3] =	stream.linear.scatter [tilespmem:s8], [sflag:$0x7], $0x200, $0x38;
	[tilespmem:$0x18100] =	vst v63  }
0x45b: {  	s9 =	sadd.s32 $0x140, s23;
	s20 =	simm.s32 $0xD700  }
0x45c: {  	[hbm4b:s9+s3] =	stream.linear.scatter [tilespmem:s20], [sflag:$0x7], $0x200, $0x38;
	[tilespmem:$0x18100] =	vst v63  }
0x45d: {  	s30 =	sadd.s32 $0x180, s23;
	s31 =	simm.s32 $0xDB00  }
0x45e: {  	[hbm4b:s30+s3] =	stream.linear.scatter [tilespmem:s31], [sflag:$0x7], $0x200, $0x38;
	[tilespmem:$0x18100] =	vst v63  }
0x45f: {  	s0 =	sadd.s32 $0x1C0, s23;
	s2 =	simm.s32 $0xDF00  }
0x460: {  	[hbm4b:s0+s3] =	stream.linear.scatter [tilespmem:s2], [sflag:$0x7], $0x200, $0x38;
	[tilespmem:$0x18100] =	vst v63  }
0x461: {  	_ =	swait.ge [sflag:s21], $0x1000  }
0x462: {  	s23 =	sld [smem:$0x7E3]  }
0x463: {  	[sflag:s21] =	ssyncset.done $0x0  }
0x464: {  	s0 =	simm.s32 $0xE100;
	[sflag:s21] =	ssyncadd.s32 $0xFFFFF000  }
0x465: {  	[hbm4b:s23+s3] =	stream.linear.scatter [tilespmem:s0], [sflag:$0x7], $0x200, $0x38;
	[tilespmem:$0x18100] =	vst v63  }
0x466: {  	s9 =	simm.s32 $0xE500;
	s8 =	sadd.s32 $0x40, s23  }
0x467: {  	[hbm4b:s8+s3] =	stream.linear.scatter [tilespmem:s9], [sflag:$0x7], $0x200, $0x38;
	[tilespmem:$0x18100] =	vst v63  }
0x468: {  	s2 =	simm.s32 $0xE900;
	s30 =	sadd.s32 $0x80, s23  }
0x469: {  	[hbm4b:s30+s3] =	stream.linear.scatter [tilespmem:s2], [sflag:$0x7], $0x200, $0x38;
	[tilespmem:$0x18100] =	vst v63  }
0x46a: {  	s31 =	sadd.s32 $0xC0, s23;
	s8 =	simm.s32 $0xED00  }
0x46b: {  	[hbm4b:s31+s3] =	stream.linear.scatter [tilespmem:s8], [sflag:$0x7], $0x200, $0x38;
	[tilespmem:$0x18100] =	vst v63  }
0x46c: {  	s9 =	sadd.s32 $0x100, s23;
	s31 =	simm.s32 $0xF100  }
0x46d: {  	[hbm4b:s9+s3] =	stream.linear.scatter [tilespmem:s31], [sflag:$0x7], $0x200, $0x38;
	[tilespmem:$0x18100] =	vst v63  }
0x46e: {  	s30 =	sadd.s32 $0x140, s23;
	s8 =	simm.s32 $0xF500  }
0x46f: {  	[hbm4b:s30+s3] =	stream.linear.scatter [tilespmem:s8], [sflag:$0x7], $0x200, $0x38;
	[tilespmem:$0x18100] =	vst v63  }
0x470: {  	s9 =	sadd.s32 $0x180, s23;
	s30 =	simm.s32 $0xF900  }
0x471: {  	[hbm4b:s9+s3] =	stream.linear.scatter [tilespmem:s30], [sflag:$0x7], $0x200, $0x38;
	[tilespmem:$0x18100] =	vst v63  }
0x472: {  	s23 =	sadd.s32 $0x1C0, s23;
	s8 =	simm.s32 $0xFD00  }
0x473: {  	[hbm4b:s23+s3] =	stream.linear.scatter [tilespmem:s8], [sflag:$0x7], $0x200, $0x38;
	[tilespmem:$0x18100] =	vst v63  }
0x474: {  	_ =	swait.ge [sflag:s21], $0x1000  }
0x475: {  	s23 =	sld [smem:$0x7E4]  }
0x476: {  	[sflag:s21] =	ssyncset.done $0x0  }
0x477: {  	s8 =	simm.s32 $0xE300;
	[sflag:s21] =	ssyncadd.s32 $0xFFFFF000  }
0x478: {  	[hbm4b:s23+s3] =	stream.linear.scatter [tilespmem:s8], [sflag:$0x7], $0x200, $0x38;
	[tilespmem:$0x18100] =	vst v63  }
0x479: {  	s9 =	simm.s32 $0xE700;
	s22 =	sadd.s32 $0x40, s23  }
0x47a: {  	[hbm4b:s22+s3] =	stream.linear.scatter [tilespmem:s9], [sflag:$0x7], $0x200, $0x38;
	[tilespmem:$0x18100] =	vst v63  }
0x47b: {  	s22 =	sadd.s32 $0x80, s23;
	s9 =	simm.s32 $0xEB00  }
0x47c: {  	[hbm4b:s22+s3] =	stream.linear.scatter [tilespmem:s9], [sflag:$0x7], $0x200, $0x38;
	[tilespmem:$0x18100] =	vst v63  }
0x47d: {  	s22 =	sadd.s32 $0xC0, s23;
	s9 =	simm.s32 $0xEF00  }
0x47e: {  	[hbm4b:s22+s3] =	stream.linear.scatter [tilespmem:s9], [sflag:$0x7], $0x200, $0x38;
	[tilespmem:$0x18100] =	vst v63  }
0x47f: {  	s22 =	sadd.s32 $0x100, s23;
	s9 =	simm.s32 $0xF300  }
0x480: {  	[hbm4b:s22+s3] =	stream.linear.scatter [tilespmem:s9], [sflag:$0x7], $0x200, $0x38;
	[tilespmem:$0x18100] =	vst v63  }
0x481: {  	s22 =	sadd.s32 $0x140, s23;
	s9 =	simm.s32 $0xF700  }
0x482: {  	[hbm4b:s22+s3] =	stream.linear.scatter [tilespmem:s9], [sflag:$0x7], $0x200, $0x38;
	[tilespmem:$0x18100] =	vst v63  }
0x483: {  	s22 =	sadd.s32 $0x180, s23;
	s9 =	simm.s32 $0xFB00  }
0x484: {  	[hbm4b:s22+s3] =	stream.linear.scatter [tilespmem:s9], [sflag:$0x7], $0x200, $0x38;
	[tilespmem:$0x18100] =	vst v63  }
0x485: {  	s22 =	sadd.s32 $0x1C0, s23;
	s23 =	simm.s32 $0xFF00  }
0x486: {  	[hbm4b:s22+s3] =	stream.linear.scatter [tilespmem:s23], [sflag:$0x7], $0x200, $0x38;
	[tilespmem:$0x18100] =	vst v63  }
0x487: {  	_ =	swait.ge [sflag:s21], $0x1000  }
0x488: {  	[sflag:s21] =	ssyncset.done $0x0  }
0x489: {  	[sflag:s21] =	ssyncadd.s32 $0xFFFFF000  }
0x48a: {  	v3 =	vld [tilespmem:$0xF0];
	_ =	sdelay $0x4  }
0x48b: {  	v63 =	vshll.u32 v3, $0x3  }
0x48c: {  	v3 =	vand.u32 $0x7, v3;
	v4 =	vand.u32 $0xFFFFFFC0, v63  }
0x48d: {  	v3 =	vor.u32 v3, v4  }
0x48e: {  	v4 =	vperm.xlane v3, v0;
	_ =	sdelay $0x1  }
0x48f: {  	v4 =	vadd.s32 v1, v4;
	_ =	sdelay $0x4  }
0x490: {  	[tilespmem:s25], [sflag:$0x4] =	stream.indirect_vreg.gather [hbm4b:s28+s3], $0x80, v4, vm0, $0xb8;
	[tilespmem:$0x18100] =	vst v63  }
0x491: {  	v3 =	vperm.xlane v3, v2  }
0x492: {  	[tilespmem:s1], [sflag:$0x4] =	stream.indirect_vreg.gather [hbm4b:s4+s3], $0x80, v4, vm0, $0xb8;
	[tilespmem:$0x18100] =	vst v63  }
0x493: {  	v3 =	vadd.s32 v1, v3  }
0x494: {  	[tilespmem:s24], [sflag:$0x4] =	stream.indirect_vreg.gather [hbm4b:s5+s3], $0x80, v4, vm0, $0xb8;
	[tilespmem:$0x18100] =	vst v63  }
0x495: {  	_ = 	snop  }
0x496: {  	[tilespmem:s26], [sflag:$0x4] =	stream.indirect_vreg.gather [hbm4b:s7+s3], $0x80, v4, vm0, $0xb8;
	[tilespmem:$0x18100] =	vst v63  }
0x497: {  	_ = 	snop  }
0x498: {  	[tilespmem:s0], [sflag:$0x4] =	stream.indirect_vreg.gather [hbm4b:s28+s3], $0x80, v3, vm0, $0xb8;
	[tilespmem:$0x18100] =	vst v63  }
0x499: {  	_ = 	snop  }
0x49a: {  	[tilespmem:s2], [sflag:$0x4] =	stream.indirect_vreg.gather [hbm4b:s4+s3], $0x80, v3, vm0, $0xb8;
	[tilespmem:$0x18100] =	vst v63  }
0x49b: {  	_ = 	snop  }
0x49c: {  	[tilespmem:s31], [sflag:$0x4] =	stream.indirect_vreg.gather [hbm4b:s5+s3], $0x80, v3, vm0, $0xb8;
	[tilespmem:$0x18100] =	vst v63  }
0x49d: {  	_ = 	snop  }
0x49e: {  	[tilespmem:s30], [sflag:$0x4] =	stream.indirect_vreg.gather [hbm4b:s7+s3], $0x80, v3, vm0, $0xb8;
	[tilespmem:$0x18100] =	vst v63  }
0x49f: {  	_ =	swait.ge [sflag:s6], $0x4000  }
0x4a0: {  	s23 =	sld [smem:$0x7E5]  }
0x4a1: {  	[sflag:s6] =	ssyncset.done $0x0  }
0x4a2: {  	s22 =	simm.s32 $0x10100;
	[sflag:s6] =	ssyncadd.s32 $0xFFFFC000  }
0x4a3: {  	[hbm4b:s23+s3] =	stream.linear.scatter [tilespmem:s22], [sflag:$0x7], $0x200, $0x38;
	[tilespmem:$0x18100] =	vst v63  }
0x4a4: {  	s31 =	simm.s32 $0x10500;
	s30 =	sadd.s32 $0x40, s23  }
0x4a5: {  	[hbm4b:s30+s3] =	stream.linear.scatter [tilespmem:s31], [sflag:$0x7], $0x200, $0x38;
	[tilespmem:$0x18100] =	vst v63  }
0x4a6: {  	s1 =	simm.s32 $0x10900;
	s0 =	sadd.s32 $0x80, s23  }
0x4a7: {  	[hbm4b:s0+s3] =	stream.linear.scatter [tilespmem:s1], [sflag:$0x7], $0x200, $0x38;
	[tilespmem:$0x18100] =	vst v63  }
0x4a8: {  	s6 =	simm.s32 $0x10D00;
	s2 =	sadd.s32 $0xC0, s23  }
0x4a9: {  	[hbm4b:s2+s3] =	stream.linear.scatter [tilespmem:s6], [sflag:$0x7], $0x200, $0x38;
	[tilespmem:$0x18100] =	vst v63  }
0x4aa: {  	s30 =	sadd.s32 $0x100, s23;
	s31 =	simm.s32 $0x11100  }
0x4ab: {  	[hbm4b:s30+s3] =	stream.linear.scatter [tilespmem:s31], [sflag:$0x7], $0x200, $0x38;
	[tilespmem:$0x18100] =	vst v63  }
0x4ac: {  	s0 =	sadd.s32 $0x140, s23;
	s1 =	simm.s32 $0x11500  }
0x4ad: {  	[hbm4b:s0+s3] =	stream.linear.scatter [tilespmem:s1], [sflag:$0x7], $0x200, $0x38;
	[tilespmem:$0x18100] =	vst v63  }
0x4ae: {  	s2 =	sadd.s32 $0x180, s23;
	s6 =	simm.s32 $0x11900  }
0x4af: {  	[hbm4b:s2+s3] =	stream.linear.scatter [tilespmem:s6], [sflag:$0x7], $0x200, $0x38;
	[tilespmem:$0x18100] =	vst v63  }
0x4b0: {  	s30 =	sadd.s32 $0x1C0, s23;
	s31 =	simm.s32 $0x11D00  }
0x4b1: {  	[hbm4b:s30+s3] =	stream.linear.scatter [tilespmem:s31], [sflag:$0x7], $0x200, $0x38;
	[tilespmem:$0x18100] =	vst v63  }
0x4b2: {  	_ =	swait.ge [sflag:s21], $0x1000  }
0x4b3: {  	s23 =	sld [smem:$0x7E6]  }
0x4b4: {  	[sflag:s21] =	ssyncset.done $0x0  }
0x4b5: {  	s1 =	simm.s32 $0x10300;
	[sflag:s21] =	ssyncadd.s32 $0xFFFFF000  }
0x4b6: {  	[hbm4b:s23+s3] =	stream.linear.scatter [tilespmem:s1], [sflag:$0x7], $0x200, $0x38;
	[tilespmem:$0x18100] =	vst v63  }
0x4b7: {  	s6 =	simm.s32 $0x10700;
	s2 =	sadd.s32 $0x40, s23  }
0x4b8: {  	[hbm4b:s2+s3] =	stream.linear.scatter [tilespmem:s6], [sflag:$0x7], $0x200, $0x38;
	[tilespmem:$0x18100] =	vst v63  }
0x4b9: {  	s31 =	simm.s32 $0x10B00;
	s30 =	sadd.s32 $0x80, s23  }
0x4ba: {  	[hbm4b:s30+s3] =	stream.linear.scatter [tilespmem:s31], [sflag:$0x7], $0x200, $0x38;
	[tilespmem:$0x18100] =	vst v63  }
0x4bb: {  	s0 =	sadd.s32 $0xC0, s23;
	s1 =	simm.s32 $0x10F00  }
0x4bc: {  	[hbm4b:s0+s3] =	stream.linear.scatter [tilespmem:s1], [sflag:$0x7], $0x200, $0x38;
	[tilespmem:$0x18100] =	vst v63  }
0x4bd: {  	s2 =	sadd.s32 $0x100, s23;
	s6 =	simm.s32 $0x11300  }
0x4be: {  	[hbm4b:s2+s3] =	stream.linear.scatter [tilespmem:s6], [sflag:$0x7], $0x200, $0x38;
	[tilespmem:$0x18100] =	vst v63  }
0x4bf: {  	s30 =	sadd.s32 $0x140, s23;
	s31 =	simm.s32 $0x11700  }
0x4c0: {  	[hbm4b:s30+s3] =	stream.linear.scatter [tilespmem:s31], [sflag:$0x7], $0x200, $0x38;
	[tilespmem:$0x18100] =	vst v63  }
0x4c1: {  	s0 =	sadd.s32 $0x180, s23;
	s1 =	simm.s32 $0x11B00  }
0x4c2: {  	[hbm4b:s0+s3] =	stream.linear.scatter [tilespmem:s1], [sflag:$0x7], $0x200, $0x38;
	[tilespmem:$0x18100] =	vst v63  }
0x4c3: {  	s2 =	sadd.s32 $0x1C0, s23;
	s6 =	simm.s32 $0x11F00  }
0x4c4: {  	[hbm4b:s2+s3] =	stream.linear.scatter [tilespmem:s6], [sflag:$0x7], $0x200, $0x38;
	[tilespmem:$0x18100] =	vst v63  }
0x4c5: {  	_ =	swait.ge [sflag:s21], $0x1000  }
0x4c6: {  	s23 =	sld [smem:$0x7E7]  }
0x4c7: {  	[sflag:s21] =	ssyncset.done $0x0  }
0x4c8: {  	s22 =	simm.s32 $0x12100;
	[sflag:s21] =	ssyncadd.s32 $0xFFFFF000  }
0x4c9: {  	[hbm4b:s23+s3] =	stream.linear.scatter [tilespmem:s22], [sflag:$0x7], $0x200, $0x38;
	[tilespmem:$0x18100] =	vst v63  }
0x4ca: {  	s31 =	simm.s32 $0x12500;
	s30 =	sadd.s32 $0x40, s23  }
0x4cb: {  	[hbm4b:s30+s3] =	stream.linear.scatter [tilespmem:s31], [sflag:$0x7], $0x200, $0x38;
	[tilespmem:$0x18100] =	vst v63  }
0x4cc: {  	s1 =	simm.s32 $0x12900;
	s0 =	sadd.s32 $0x80, s23  }
0x4cd: {  	[hbm4b:s0+s3] =	stream.linear.scatter [tilespmem:s1], [sflag:$0x7], $0x200, $0x38;
	[tilespmem:$0x18100] =	vst v63  }
0x4ce: {  	s6 =	simm.s32 $0x12D00;
	s2 =	sadd.s32 $0xC0, s23  }
0x4cf: {  	[hbm4b:s2+s3] =	stream.linear.scatter [tilespmem:s6], [sflag:$0x7], $0x200, $0x38;
	[tilespmem:$0x18100] =	vst v63  }
0x4d0: {  	s30 =	sadd.s32 $0x100, s23;
	s31 =	simm.s32 $0x13100  }
0x4d1: {  	[hbm4b:s30+s3] =	stream.linear.scatter [tilespmem:s31], [sflag:$0x7], $0x200, $0x38;
	[tilespmem:$0x18100] =	vst v63  }
0x4d2: {  	s0 =	sadd.s32 $0x140, s23;
	s1 =	simm.s32 $0x13500  }
0x4d3: {  	[hbm4b:s0+s3] =	stream.linear.scatter [tilespmem:s1], [sflag:$0x7], $0x200, $0x38;
	[tilespmem:$0x18100] =	vst v63  }
0x4d4: {  	s2 =	sadd.s32 $0x180, s23;
	s6 =	simm.s32 $0x13900  }
0x4d5: {  	[hbm4b:s2+s3] =	stream.linear.scatter [tilespmem:s6], [sflag:$0x7], $0x200, $0x38;
	[tilespmem:$0x18100] =	vst v63  }
0x4d6: {  	s30 =	sadd.s32 $0x1C0, s23;
	s31 =	simm.s32 $0x13D00  }
0x4d7: {  	[hbm4b:s30+s3] =	stream.linear.scatter [tilespmem:s31], [sflag:$0x7], $0x200, $0x38;
	[tilespmem:$0x18100] =	vst v63  }
0x4d8: {  	_ =	swait.ge [sflag:s21], $0x1000  }
0x4d9: {  	s23 =	sld [smem:$0x7E8]  }
0x4da: {  	[sflag:s21] =	ssyncset.done $0x0  }
0x4db: {  	s1 =	simm.s32 $0x12300;
	[sflag:s21] =	ssyncadd.s32 $0xFFFFF000  }
0x4dc: {  	[hbm4b:s23+s3] =	stream.linear.scatter [tilespmem:s1], [sflag:$0x7], $0x200, $0x38;
	[tilespmem:$0x18100] =	vst v63  }
0x4dd: {  	s6 =	simm.s32 $0x12700;
	s2 =	sadd.s32 $0x40, s23  }
0x4de: {  	[hbm4b:s2+s3] =	stream.linear.scatter [tilespmem:s6], [sflag:$0x7], $0x200, $0x38;
	[tilespmem:$0x18100] =	vst v63  }
0x4df: {  	s31 =	simm.s32 $0x12B00;
	s30 =	sadd.s32 $0x80, s23  }
0x4e0: {  	[hbm4b:s30+s3] =	stream.linear.scatter [tilespmem:s31], [sflag:$0x7], $0x200, $0x38;
	[tilespmem:$0x18100] =	vst v63  }
0x4e1: {  	s0 =	sadd.s32 $0xC0, s23;
	s1 =	simm.s32 $0x12F00  }
0x4e2: {  	[hbm4b:s0+s3] =	stream.linear.scatter [tilespmem:s1], [sflag:$0x7], $0x200, $0x38;
	[tilespmem:$0x18100] =	vst v63  }
0x4e3: {  	s2 =	sadd.s32 $0x100, s23;
	s6 =	simm.s32 $0x13300  }
0x4e4: {  	[hbm4b:s2+s3] =	stream.linear.scatter [tilespmem:s6], [sflag:$0x7], $0x200, $0x38;
	[tilespmem:$0x18100] =	vst v63  }
0x4e5: {  	s30 =	sadd.s32 $0x140, s23;
	s31 =	simm.s32 $0x13700  }
0x4e6: {  	[hbm4b:s30+s3] =	stream.linear.scatter [tilespmem:s31], [sflag:$0x7], $0x200, $0x38;
	[tilespmem:$0x18100] =	vst v63  }
0x4e7: {  	s1 =	sadd.s32 $0x180, s23;
	s2 =	simm.s32 $0x13B00  }
0x4e8: {  	[hbm4b:s1+s3] =	stream.linear.scatter [tilespmem:s2], [sflag:$0x7], $0x200, $0x38;
	[tilespmem:$0x18100] =	vst v63  }
0x4e9: {  	s6 =	sadd.s32 $0x1C0, s23;
	s23 =	simm.s32 $0x13F00  }
0x4ea: {  	[hbm4b:s6+s3] =	stream.linear.scatter [tilespmem:s23], [sflag:$0x7], $0x200, $0x38;
	[tilespmem:$0x18100] =	vst v63  }
0x4eb: {  	_ =	swait.ge [sflag:s21], $0x1000  }
0x4ec: {  	[sflag:s21] =	ssyncset.done $0x0  }
0x4ed: {  	[sflag:s21] =	ssyncadd.s32 $0xFFFFF000  }
0x4ee: {  	_ =	swait.ge [sflag:s29], $0x4000  }
0x4ef: {  	s23 =	sld [smem:$0x7E9]  }
0x4f0: {  	[sflag:s29] =	ssyncset.done $0x0  }
0x4f1: {  	[sflag:s29] =	ssyncadd.s32 $0xFFFFC000;
	s29 =	simm.s32 $0x14100  }
0x4f2: {  	[hbm4b:s23+s3] =	stream.linear.scatter [tilespmem:s29], [sflag:$0x7], $0x200, $0x38;
	[tilespmem:$0x18100] =	vst v63  }
0x4f3: {  	s31 =	simm.s32 $0x14500;
	s30 =	sadd.s32 $0x40, s23  }
0x4f4: {  	[hbm4b:s30+s3] =	stream.linear.scatter [tilespmem:s31], [sflag:$0x7], $0x200, $0x38;
	[tilespmem:$0x18100] =	vst v63  }
0x4f5: {  	s2 =	simm.s32 $0x14900;
	s1 =	sadd.s32 $0x80, s23  }
0x4f6: {  	[hbm4b:s1+s3] =	stream.linear.scatter [tilespmem:s2], [sflag:$0x7], $0x200, $0x38;
	[tilespmem:$0x18100] =	vst v63  }
0x4f7: {  	s6 =	sadd.s32 $0xC0, s23;
	s29 =	simm.s32 $0x14D00  }
0x4f8: {  	[hbm4b:s6+s3] =	stream.linear.scatter [tilespmem:s29], [sflag:$0x7], $0x200, $0x38;
	[tilespmem:$0x18100] =	vst v63  }
0x4f9: {  	s30 =	sadd.s32 $0x100, s23;
	s31 =	simm.s32 $0x15100  }
0x4fa: {  	[hbm4b:s30+s3] =	stream.linear.scatter [tilespmem:s31], [sflag:$0x7], $0x200, $0x38;
	[tilespmem:$0x18100] =	vst v63  }
0x4fb: {  	s0 =	sadd.s32 $0x140, s23;
	s1 =	simm.s32 $0x15500  }
0x4fc: {  	[hbm4b:s0+s3] =	stream.linear.scatter [tilespmem:s1], [sflag:$0x7], $0x200, $0x38;
	[tilespmem:$0x18100] =	vst v63  }
0x4fd: {  	s2 =	sadd.s32 $0x180, s23;
	s6 =	simm.s32 $0x15900  }
0x4fe: {  	[hbm4b:s2+s3] =	stream.linear.scatter [tilespmem:s6], [sflag:$0x7], $0x200, $0x38;
	[tilespmem:$0x18100] =	vst v63  }
0x4ff: {  	s29 =	sadd.s32 $0x1C0, s23;
	s30 =	simm.s32 $0x15D00  }
0x500: {  	[hbm4b:s29+s3] =	stream.linear.scatter [tilespmem:s30], [sflag:$0x7], $0x200, $0x38;
	[tilespmem:$0x18100] =	vst v63  }
0x501: {  	_ =	swait.ge [sflag:s21], $0x1000  }
0x502: {  	s23 =	sld [smem:$0x7EA]  }
0x503: {  	[sflag:s21] =	ssyncset.done $0x0  }
0x504: {  	s31 =	simm.s32 $0x14300;
	[sflag:s21] =	ssyncadd.s32 $0xFFFFF000  }
0x505: {  	[hbm4b:s23+s3] =	stream.linear.scatter [tilespmem:s31], [sflag:$0x7], $0x200, $0x38;
	[tilespmem:$0x18100] =	vst v63  }
0x506: {  	s2 =	simm.s32 $0x14700;
	s1 =	sadd.s32 $0x40, s23  }
0x507: {  	[hbm4b:s1+s3] =	stream.linear.scatter [tilespmem:s2], [sflag:$0x7], $0x200, $0x38;
	[tilespmem:$0x18100] =	vst v63  }
0x508: {  	s29 =	simm.s32 $0x14B00;
	s6 =	sadd.s32 $0x80, s23  }
0x509: {  	[hbm4b:s6+s3] =	stream.linear.scatter [tilespmem:s29], [sflag:$0x7], $0x200, $0x38;
	[tilespmem:$0x18100] =	vst v63  }
0x50a: {  	s30 =	sadd.s32 $0xC0, s23;
	s31 =	simm.s32 $0x14F00  }
0x50b: {  	[hbm4b:s30+s3] =	stream.linear.scatter [tilespmem:s31], [sflag:$0x7], $0x200, $0x38;
	[tilespmem:$0x18100] =	vst v63  }
0x50c: {  	s1 =	sadd.s32 $0x100, s23;
	s2 =	simm.s32 $0x15300  }
0x50d: {  	[hbm4b:s1+s3] =	stream.linear.scatter [tilespmem:s2], [sflag:$0x7], $0x200, $0x38;
	[tilespmem:$0x18100] =	vst v63  }
0x50e: {  	s6 =	sadd.s32 $0x140, s23;
	s29 =	simm.s32 $0x15700  }
0x50f: {  	[hbm4b:s6+s3] =	stream.linear.scatter [tilespmem:s29], [sflag:$0x7], $0x200, $0x38;
	[tilespmem:$0x18100] =	vst v63  }
0x510: {  	s30 =	sadd.s32 $0x180, s23;
	s31 =	simm.s32 $0x15B00  }
0x511: {  	[hbm4b:s30+s3] =	stream.linear.scatter [tilespmem:s31], [sflag:$0x7], $0x200, $0x38;
	[tilespmem:$0x18100] =	vst v63  }
0x512: {  	s0 =	sadd.s32 $0x1C0, s23;
	s1 =	simm.s32 $0x15F00  }
0x513: {  	[hbm4b:s0+s3] =	stream.linear.scatter [tilespmem:s1], [sflag:$0x7], $0x200, $0x38;
	[tilespmem:$0x18100] =	vst v63  }
0x514: {  	_ =	swait.ge [sflag:s21], $0x1000  }
0x515: {  	s23 =	sld [smem:$0x7EB]  }
0x516: {  	[sflag:s21] =	ssyncset.done $0x0  }
0x517: {  	s2 =	simm.s32 $0x16100;
	[sflag:s21] =	ssyncadd.s32 $0xFFFFF000  }
0x518: {  	[hbm4b:s23+s3] =	stream.linear.scatter [tilespmem:s2], [sflag:$0x7], $0x200, $0x38;
	[tilespmem:$0x18100] =	vst v63  }
0x519: {  	s29 =	simm.s32 $0x16500;
	s6 =	sadd.s32 $0x40, s23  }
0x51a: {  	[hbm4b:s6+s3] =	stream.linear.scatter [tilespmem:s29], [sflag:$0x7], $0x200, $0x38;
	[tilespmem:$0x18100] =	vst v63  }
0x51b: {  	s31 =	simm.s32 $0x16900;
	s30 =	sadd.s32 $0x80, s23  }
0x51c: {  	[hbm4b:s30+s3] =	stream.linear.scatter [tilespmem:s31], [sflag:$0x7], $0x200, $0x38;
	[tilespmem:$0x18100] =	vst v63  }
0x51d: {  	s1 =	sadd.s32 $0xC0, s23;
	s2 =	simm.s32 $0x16D00  }
0x51e: {  	[hbm4b:s1+s3] =	stream.linear.scatter [tilespmem:s2], [sflag:$0x7], $0x200, $0x38;
	[tilespmem:$0x18100] =	vst v63  }
0x51f: {  	s6 =	sadd.s32 $0x100, s23;
	s29 =	simm.s32 $0x17100  }
0x520: {  	[hbm4b:s6+s3] =	stream.linear.scatter [tilespmem:s29], [sflag:$0x7], $0x200, $0x38;
	[tilespmem:$0x18100] =	vst v63  }
0x521: {  	s30 =	sadd.s32 $0x140, s23;
	s31 =	simm.s32 $0x17500  }
0x522: {  	[hbm4b:s30+s3] =	stream.linear.scatter [tilespmem:s31], [sflag:$0x7], $0x200, $0x38;
	[tilespmem:$0x18100] =	vst v63  }
0x523: {  	s1 =	sadd.s32 $0x180, s23;
	s2 =	simm.s32 $0x17900  }
0x524: {  	[hbm4b:s1+s3] =	stream.linear.scatter [tilespmem:s2], [sflag:$0x7], $0x200, $0x38;
	[tilespmem:$0x18100] =	vst v63  }
0x525: {  	s6 =	sadd.s32 $0x1C0, s23;
	s23 =	simm.s32 $0x17D00  }
0x526: {  	[hbm4b:s6+s3] =	stream.linear.scatter [tilespmem:s23], [sflag:$0x7], $0x200, $0x38;
	[tilespmem:$0x18100] =	vst v63  }
0x527: {  	_ =	swait.ge [sflag:s21], $0x1000  }
0x528: {  	s23 =	sld [smem:$0x7EC]  }
0x529: {  	[sflag:s21] =	ssyncset.done $0x0  }
0x52a: {  	s29 =	simm.s32 $0x16300;
	[sflag:s21] =	ssyncadd.s32 $0xFFFFF000  }
0x52b: {  	[hbm4b:s23+s3] =	stream.linear.scatter [tilespmem:s29], [sflag:$0x7], $0x200, $0x38;
	[tilespmem:$0x18100] =	vst v63  }
0x52c: {  	s31 =	simm.s32 $0x16700;
	s30 =	sadd.s32 $0x40, s23  }
0x52d: {  	[hbm4b:s30+s3] =	stream.linear.scatter [tilespmem:s31], [sflag:$0x7], $0x200, $0x38;
	[tilespmem:$0x18100] =	vst v63  }
0x52e: {  	s2 =	simm.s32 $0x16B00;
	s1 =	sadd.s32 $0x80, s23  }
0x52f: {  	[hbm4b:s1+s3] =	stream.linear.scatter [tilespmem:s2], [sflag:$0x7], $0x200, $0x38;
	[tilespmem:$0x18100] =	vst v63  }
0x530: {  	s6 =	sadd.s32 $0xC0, s23;
	s29 =	simm.s32 $0x16F00  }
0x531: {  	[hbm4b:s6+s3] =	stream.linear.scatter [tilespmem:s29], [sflag:$0x7], $0x200, $0x38;
	[tilespmem:$0x18100] =	vst v63  }
0x532: {  	s30 =	sadd.s32 $0x100, s23;
	s31 =	simm.s32 $0x17300  }
0x533: {  	[hbm4b:s30+s3] =	stream.linear.scatter [tilespmem:s31], [sflag:$0x7], $0x200, $0x38;
	[tilespmem:$0x18100] =	vst v63  }
0x534: {  	s0 =	sadd.s32 $0x140, s23;
	s1 =	simm.s32 $0x17700  }
0x535: {  	[hbm4b:s0+s3] =	stream.linear.scatter [tilespmem:s1], [sflag:$0x7], $0x200, $0x38;
	[tilespmem:$0x18100] =	vst v63  }
0x536: {  	s2 =	sadd.s32 $0x180, s23;
	s6 =	simm.s32 $0x17B00  }
0x537: {  	[hbm4b:s2+s3] =	stream.linear.scatter [tilespmem:s6], [sflag:$0x7], $0x200, $0x38;
	[tilespmem:$0x18100] =	vst v63  }
0x538: {  	s29 =	sadd.s32 $0x1C0, s23;
	s30 =	simm.s32 $0x17F00  }
0x539: {  	[hbm4b:s29+s3] =	stream.linear.scatter [tilespmem:s30], [sflag:$0x7], $0x200, $0x38;
	[tilespmem:$0x18100] =	vst v63  }
0x53a: {  	_ =	swait.ge [sflag:s21], $0x1000  }
0x53b: {  	[sflag:s21] =	ssyncset.done $0x0  }
0x53c: {  	s19 =	simm.s32 $0x1;
	[sflag:s21] =	ssyncadd.s32 $0xFFFFF000  }
0x53d: {  	_ =	swait.ge [sflag:s19], $0x4000  }
0x53e: {  	s2 =	sld [smem:$0x7ED]  }
0x53f: {  	[sflag:s19] =	ssyncset.done $0x0  }
0x540: {  	s31 =	simm.s32 $0x100;
	[sflag:s19] =	ssyncadd.s32 $0xFFFFC000  }
0x541: {  	[hbm4b:s2+s3] =	stream.linear.scatter [tilespmem:s31], [sflag:$0x7], $0x200, $0x38;
	[tilespmem:$0x18100] =	vst v63  }
0x542: {  	s1 =	simm.s32 $0x500;
	s0 =	sadd.s32 $0x40, s2  }
0x543: {  	[hbm4b:s0+s3] =	stream.linear.scatter [tilespmem:s1], [sflag:$0x7], $0x200, $0x38;
	[tilespmem:$0x18100] =	vst v63  }
0x544: {  	s19 =	simm.s32 $0x900;
	s6 =	sadd.s32 $0x80, s2  }
0x545: {  	[hbm4b:s6+s3] =	stream.linear.scatter [tilespmem:s19], [sflag:$0x7], $0x200, $0x38;
	[tilespmem:$0x18100] =	vst v63  }
0x546: {  	s29 =	simm.s32 $0xD00;
	s23 =	sadd.s32 $0xC0, s2  }
0x547: {  	[hbm4b:s23+s3] =	stream.linear.scatter [tilespmem:s29], [sflag:$0x7], $0x200, $0x38;
	[tilespmem:$0x18100] =	vst v63  }
0x548: {  	s30 =	sadd.s32 $0x100, s2;
	s31 =	simm.s32 $0x1100  }
0x549: {  	[hbm4b:s30+s3] =	stream.linear.scatter [tilespmem:s31], [sflag:$0x7], $0x200, $0x38;
	[tilespmem:$0x18100] =	vst v63  }
0x54a: {  	s0 =	sadd.s32 $0x140, s2;
	s1 =	simm.s32 $0x1500  }
0x54b: {  	[hbm4b:s0+s3] =	stream.linear.scatter [tilespmem:s1], [sflag:$0x7], $0x200, $0x38;
	[tilespmem:$0x18100] =	vst v63  }
0x54c: {  	s6 =	sadd.s32 $0x180, s2;
	s19 =	simm.s32 $0x1900  }
0x54d: {  	[hbm4b:s6+s3] =	stream.linear.scatter [tilespmem:s19], [sflag:$0x7], $0x200, $0x38;
	[tilespmem:$0x18100] =	vst v63  }
0x54e: {  	s23 =	sadd.s32 $0x1C0, s2;
	s29 =	simm.s32 $0x1D00  }
0x54f: {  	[hbm4b:s23+s3] =	stream.linear.scatter [tilespmem:s29], [sflag:$0x7], $0x200, $0x38;
	[tilespmem:$0x18100] =	vst v63  }
0x550: {  	_ =	swait.ge [sflag:s21], $0x1000  }
0x551: {  	s0 =	sld [smem:$0x7EE]  }
0x552: {  	[sflag:s21] =	ssyncset.done $0x0  }
0x553: {  	s30 =	simm.s32 $0x300;
	[sflag:s21] =	ssyncadd.s32 $0xFFFFF000  }
0x554: {  	[hbm4b:s0+s3] =	stream.linear.scatter [tilespmem:s30], [sflag:$0x7], $0x200, $0x38;
	[tilespmem:$0x18100] =	vst v63  }
0x555: {  	s1 =	simm.s32 $0x700;
	s31 =	sadd.s32 $0x40, s0  }
0x556: {  	[hbm4b:s31+s3] =	stream.linear.scatter [tilespmem:s1], [sflag:$0x7], $0x200, $0x38;
	[tilespmem:$0x18100] =	vst v63  }
0x557: {  	s6 =	simm.s32 $0xB00;
	s2 =	sadd.s32 $0x80, s0  }
0x558: {  	[hbm4b:s2+s3] =	stream.linear.scatter [tilespmem:s6], [sflag:$0x7], $0x200, $0x38;
	[tilespmem:$0x18100] =	vst v63  }
0x559: {  	s23 =	simm.s32 $0xF00;
	s19 =	sadd.s32 $0xC0, s0  }
0x55a: {  	[hbm4b:s19+s3] =	stream.linear.scatter [tilespmem:s23], [sflag:$0x7], $0x200, $0x38;
	[tilespmem:$0x18100] =	vst v63  }
0x55b: {  	s29 =	sadd.s32 $0x100, s0;
	s30 =	simm.s32 $0x1300  }
0x55c: {  	[hbm4b:s29+s3] =	stream.linear.scatter [tilespmem:s30], [sflag:$0x7], $0x200, $0x38;
	[tilespmem:$0x18100] =	vst v63  }
0x55d: {  	s31 =	sadd.s32 $0x140, s0;
	s1 =	simm.s32 $0x1700  }
0x55e: {  	[hbm4b:s31+s3] =	stream.linear.scatter [tilespmem:s1], [sflag:$0x7], $0x200, $0x38;
	[tilespmem:$0x18100] =	vst v63  }
0x55f: {  	s2 =	sadd.s32 $0x180, s0;
	s6 =	simm.s32 $0x1B00  }
0x560: {  	[hbm4b:s2+s3] =	stream.linear.scatter [tilespmem:s6], [sflag:$0x7], $0x200, $0x38;
	[tilespmem:$0x18100] =	vst v63  }
0x561: {  	s19 =	sadd.s32 $0x1C0, s0;
	s23 =	simm.s32 $0x1F00  }
0x562: {  	[hbm4b:s19+s3] =	stream.linear.scatter [tilespmem:s23], [sflag:$0x7], $0x200, $0x38;
	[tilespmem:$0x18100] =	vst v63  }
0x563: {  	_ =	swait.ge [sflag:s21], $0x1000  }
0x564: {  	s0 =	sld [smem:$0x7EF]  }
0x565: {  	[sflag:s21] =	ssyncset.done $0x0  }
0x566: {  	s29 =	simm.s32 $0x2100;
	[sflag:s21] =	ssyncadd.s32 $0xFFFFF000  }
0x567: {  	[hbm4b:s0+s3] =	stream.linear.scatter [tilespmem:s29], [sflag:$0x7], $0x200, $0x38;
	[tilespmem:$0x18100] =	vst v63  }
0x568: {  	s31 =	simm.s32 $0x2500;
	s30 =	sadd.s32 $0x40, s0  }
0x569: {  	[hbm4b:s30+s3] =	stream.linear.scatter [tilespmem:s31], [sflag:$0x7], $0x200, $0x38;
	[tilespmem:$0x18100] =	vst v63  }
0x56a: {  	s2 =	simm.s32 $0x2900;
	s1 =	sadd.s32 $0x80, s0  }
0x56b: {  	[hbm4b:s1+s3] =	stream.linear.scatter [tilespmem:s2], [sflag:$0x7], $0x200, $0x38;
	[tilespmem:$0x18100] =	vst v63  }
0x56c: {  	s19 =	simm.s32 $0x2D00;
	s6 =	sadd.s32 $0xC0, s0  }
0x56d: {  	[hbm4b:s6+s3] =	stream.linear.scatter [tilespmem:s19], [sflag:$0x7], $0x200, $0x38;
	[tilespmem:$0x18100] =	vst v63  }
0x56e: {  	s23 =	sadd.s32 $0x100, s0;
	s29 =	simm.s32 $0x3100  }
0x56f: {  	[hbm4b:s23+s3] =	stream.linear.scatter [tilespmem:s29], [sflag:$0x7], $0x200, $0x38;
	[tilespmem:$0x18100] =	vst v63  }
0x570: {  	s30 =	sadd.s32 $0x140, s0;
	s31 =	simm.s32 $0x3500  }
0x571: {  	[hbm4b:s30+s3] =	stream.linear.scatter [tilespmem:s31], [sflag:$0x7], $0x200, $0x38;
	[tilespmem:$0x18100] =	vst v63  }
0x572: {  	s1 =	sadd.s32 $0x180, s0;
	s2 =	simm.s32 $0x3900  }
0x573: {  	[hbm4b:s1+s3] =	stream.linear.scatter [tilespmem:s2], [sflag:$0x7], $0x200, $0x38;
	[tilespmem:$0x18100] =	vst v63  }
0x574: {  	s6 =	sadd.s32 $0x1C0, s0;
	s19 =	simm.s32 $0x3D00  }
0x575: {  	[hbm4b:s6+s3] =	stream.linear.scatter [tilespmem:s19], [sflag:$0x7], $0x200, $0x38;
	[tilespmem:$0x18100] =	vst v63  }
0x576: {  	_ =	swait.ge [sflag:s21], $0x1000  }
0x577: {  	s0 =	sld [smem:$0x7F0]  }
0x578: {  	[sflag:s21] =	ssyncset.done $0x0  }
0x579: {  	s23 =	simm.s32 $0x2300;
	[sflag:s21] =	ssyncadd.s32 $0xFFFFF000  }
0x57a: {  	[hbm4b:s0+s3] =	stream.linear.scatter [tilespmem:s23], [sflag:$0x7], $0x200, $0x38;
	[tilespmem:$0x18100] =	vst v63  }
0x57b: {  	s30 =	simm.s32 $0x2700;
	s29 =	sadd.s32 $0x40, s0  }
0x57c: {  	[hbm4b:s29+s3] =	stream.linear.scatter [tilespmem:s30], [sflag:$0x7], $0x200, $0x38;
	[tilespmem:$0x18100] =	vst v63  }
0x57d: {  	s1 =	simm.s32 $0x2B00;
	s31 =	sadd.s32 $0x80, s0  }
0x57e: {  	[hbm4b:s31+s3] =	stream.linear.scatter [tilespmem:s1], [sflag:$0x7], $0x200, $0x38;
	[tilespmem:$0x18100] =	vst v63  }
0x57f: {  	s6 =	simm.s32 $0x2F00;
	s2 =	sadd.s32 $0xC0, s0  }
0x580: {  	[hbm4b:s2+s3] =	stream.linear.scatter [tilespmem:s6], [sflag:$0x7], $0x200, $0x38;
	[tilespmem:$0x18100] =	vst v63  }
0x581: {  	s19 =	sadd.s32 $0x100, s0;
	s23 =	simm.s32 $0x3300  }
0x582: {  	[hbm4b:s19+s3] =	stream.linear.scatter [tilespmem:s23], [sflag:$0x7], $0x200, $0x38;
	[tilespmem:$0x18100] =	vst v63  }
0x583: {  	s29 =	sadd.s32 $0x140, s0;
	s30 =	simm.s32 $0x3700  }
0x584: {  	[hbm4b:s29+s3] =	stream.linear.scatter [tilespmem:s30], [sflag:$0x7], $0x200, $0x38;
	[tilespmem:$0x18100] =	vst v63  }
0x585: {  	s31 =	sadd.s32 $0x180, s0;
	s1 =	simm.s32 $0x3B00  }
0x586: {  	[hbm4b:s31+s3] =	stream.linear.scatter [tilespmem:s1], [sflag:$0x7], $0x200, $0x38;
	[tilespmem:$0x18100] =	vst v63  }
0x587: {  	s6 =	sadd.s32 $0x1C0, s0;
	s19 =	simm.s32 $0x3F00  }
0x588: {  	[hbm4b:s6+s3] =	stream.linear.scatter [tilespmem:s19], [sflag:$0x7], $0x200, $0x38;
	[tilespmem:$0x18100] =	vst v63  }
0x589: {  	_ =	swait.ge [sflag:s21], $0x1000  }
0x58a: {  	[sflag:s21] =	ssyncset.done $0x0  }
0x58b: {  	s14 =	simm.s32 $0x2;
	[sflag:s21] =	ssyncadd.s32 $0xFFFFF000  }
0x58c: {  	_ =	swait.ge [sflag:s14], $0x4000  }
0x58d: {  	s0 =	sld [smem:$0x7F1]  }
0x58e: {  	[sflag:s14] =	ssyncset.done $0x0  }
0x58f: {  	s22 =	simm.s32 $0x4100;
	[sflag:s14] =	ssyncadd.s32 $0xFFFFC000  }
0x590: {  	[hbm4b:s0+s3] =	stream.linear.scatter [tilespmem:s22], [sflag:$0x7], $0x200, $0x38;
	[tilespmem:$0x18100] =	vst v63  }
0x591: {  	s29 =	simm.s32 $0x4500;
	s23 =	sadd.s32 $0x40, s0  }
0x592: {  	[hbm4b:s23+s3] =	stream.linear.scatter [tilespmem:s29], [sflag:$0x7], $0x200, $0x38;
	[tilespmem:$0x18100] =	vst v63  }
0x593: {  	s31 =	simm.s32 $0x4900;
	s30 =	sadd.s32 $0x80, s0  }
0x594: {  	[hbm4b:s30+s3] =	stream.linear.scatter [tilespmem:s31], [sflag:$0x7], $0x200, $0x38;
	[tilespmem:$0x18100] =	vst v63  }
0x595: {  	s6 =	simm.s32 $0x4D00;
	s2 =	sadd.s32 $0xC0, s0  }
0x596: {  	[hbm4b:s2+s3] =	stream.linear.scatter [tilespmem:s6], [sflag:$0x7], $0x200, $0x38;
	[tilespmem:$0x18100] =	vst v63  }
0x597: {  	s19 =	simm.s32 $0x5100;
	s14 =	sadd.s32 $0x100, s0  }
0x598: {  	[hbm4b:s14+s3] =	stream.linear.scatter [tilespmem:s19], [sflag:$0x7], $0x200, $0x38;
	[tilespmem:$0x18100] =	vst v63  }
0x599: {  	s23 =	sadd.s32 $0x140, s0;
	s29 =	simm.s32 $0x5500  }
0x59a: {  	[hbm4b:s23+s3] =	stream.linear.scatter [tilespmem:s29], [sflag:$0x7], $0x200, $0x38;
	[tilespmem:$0x18100] =	vst v63  }
0x59b: {  	s30 =	sadd.s32 $0x180, s0;
	s31 =	simm.s32 $0x5900  }
0x59c: {  	[hbm4b:s30+s3] =	stream.linear.scatter [tilespmem:s31], [sflag:$0x7], $0x200, $0x38;
	[tilespmem:$0x18100] =	vst v63  }
0x59d: {  	s1 =	sadd.s32 $0x1C0, s0;
	s2 =	simm.s32 $0x5D00  }
0x59e: {  	[hbm4b:s1+s3] =	stream.linear.scatter [tilespmem:s2], [sflag:$0x7], $0x200, $0x38;
	[tilespmem:$0x18100] =	vst v63  }
0x59f: {  	_ =	swait.ge [sflag:s21], $0x1000  }
0x5a0: {  	s0 =	sld [smem:$0x7F2]  }
0x5a1: {  	[sflag:s21] =	ssyncset.done $0x0  }
0x5a2: {  	s6 =	simm.s32 $0x4300;
	[sflag:s21] =	ssyncadd.s32 $0xFFFFF000  }
0x5a3: {  	[hbm4b:s0+s3] =	stream.linear.scatter [tilespmem:s6], [sflag:$0x7], $0x200, $0x38;
	[tilespmem:$0x18100] =	vst v63  }
0x5a4: {  	s19 =	simm.s32 $0x4700;
	s14 =	sadd.s32 $0x40, s0  }
0x5a5: {  	[hbm4b:s14+s3] =	stream.linear.scatter [tilespmem:s19], [sflag:$0x7], $0x200, $0x38;
	[tilespmem:$0x18100] =	vst v63  }
0x5a6: {  	s29 =	simm.s32 $0x4B00;
	s23 =	sadd.s32 $0x80, s0  }
0x5a7: {  	[hbm4b:s23+s3] =	stream.linear.scatter [tilespmem:s29], [sflag:$0x7], $0x200, $0x38;
	[tilespmem:$0x18100] =	vst v63  }
0x5a8: {  	s31 =	simm.s32 $0x4F00;
	s30 =	sadd.s32 $0xC0, s0  }
0x5a9: {  	[hbm4b:s30+s3] =	stream.linear.scatter [tilespmem:s31], [sflag:$0x7], $0x200, $0x38;
	[tilespmem:$0x18100] =	vst v63  }
0x5aa: {  	s2 =	simm.s32 $0x5300;
	s1 =	sadd.s32 $0x100, s0  }
0x5ab: {  	[hbm4b:s1+s3] =	stream.linear.scatter [tilespmem:s2], [sflag:$0x7], $0x200, $0x38;
	[tilespmem:$0x18100] =	vst v63  }
0x5ac: {  	s6 =	sadd.s32 $0x140, s0;
	s14 =	simm.s32 $0x5700  }
0x5ad: {  	[hbm4b:s6+s3] =	stream.linear.scatter [tilespmem:s14], [sflag:$0x7], $0x200, $0x38;
	[tilespmem:$0x18100] =	vst v63  }
0x5ae: {  	s19 =	sadd.s32 $0x180, s0;
	s23 =	simm.s32 $0x5B00  }
0x5af: {  	[hbm4b:s19+s3] =	stream.linear.scatter [tilespmem:s23], [sflag:$0x7], $0x200, $0x38;
	[tilespmem:$0x18100] =	vst v63  }
0x5b0: {  	s29 =	sadd.s32 $0x1C0, s0;
	s30 =	simm.s32 $0x5F00  }
0x5b1: {  	[hbm4b:s29+s3] =	stream.linear.scatter [tilespmem:s30], [sflag:$0x7], $0x200, $0x38;
	[tilespmem:$0x18100] =	vst v63  }
0x5b2: {  	_ =	swait.ge [sflag:s21], $0x1000  }
0x5b3: {  	s0 =	sld [smem:$0x7F3]  }
0x5b4: {  	[sflag:s21] =	ssyncset.done $0x0  }
0x5b5: {  	s31 =	simm.s32 $0x6100;
	[sflag:s21] =	ssyncadd.s32 $0xFFFFF000  }
0x5b6: {  	[hbm4b:s0+s3] =	stream.linear.scatter [tilespmem:s31], [sflag:$0x7], $0x200, $0x38;
	[tilespmem:$0x18100] =	vst v63  }
0x5b7: {  	s6 =	simm.s32 $0x6500;
	s2 =	sadd.s32 $0x40, s0  }
0x5b8: {  	[hbm4b:s2+s3] =	stream.linear.scatter [tilespmem:s6], [sflag:$0x7], $0x200, $0x38;
	[tilespmem:$0x18100] =	vst v63  }
0x5b9: {  	s19 =	simm.s32 $0x6900;
	s14 =	sadd.s32 $0x80, s0  }
0x5ba: {  	[hbm4b:s14+s3] =	stream.linear.scatter [tilespmem:s19], [sflag:$0x7], $0x200, $0x38;
	[tilespmem:$0x18100] =	vst v63  }
0x5bb: {  	s29 =	simm.s32 $0x6D00;
	s23 =	sadd.s32 $0xC0, s0  }
0x5bc: {  	[hbm4b:s23+s3] =	stream.linear.scatter [tilespmem:s29], [sflag:$0x7], $0x200, $0x38;
	[tilespmem:$0x18100] =	vst v63  }
0x5bd: {  	s30 =	sadd.s32 $0x100, s0;
	s31 =	simm.s32 $0x7100  }
0x5be: {  	[hbm4b:s30+s3] =	stream.linear.scatter [tilespmem:s31], [sflag:$0x7], $0x200, $0x38;
	[tilespmem:$0x18100] =	vst v63  }
0x5bf: {  	s2 =	sadd.s32 $0x140, s0;
	s6 =	simm.s32 $0x7500  }
0x5c0: {  	[hbm4b:s2+s3] =	stream.linear.scatter [tilespmem:s6], [sflag:$0x7], $0x200, $0x38;
	[tilespmem:$0x18100] =	vst v63  }
0x5c1: {  	s14 =	sadd.s32 $0x180, s0;
	s19 =	simm.s32 $0x7900  }
0x5c2: {  	[hbm4b:s14+s3] =	stream.linear.scatter [tilespmem:s19], [sflag:$0x7], $0x200, $0x38;
	[tilespmem:$0x18100] =	vst v63  }
0x5c3: {  	s23 =	sadd.s32 $0x1C0, s0;
	s29 =	simm.s32 $0x7D00  }
0x5c4: {  	[hbm4b:s23+s3] =	stream.linear.scatter [tilespmem:s29], [sflag:$0x7], $0x200, $0x38;
	[tilespmem:$0x18100] =	vst v63  }
0x5c5: {  	_ =	swait.ge [sflag:s21], $0x1000  }
0x5c6: {  	s0 =	sld [smem:$0x7F4]  }
0x5c7: {  	[sflag:s21] =	ssyncset.done $0x0  }
0x5c8: {  	s30 =	simm.s32 $0x6300;
	[sflag:s21] =	ssyncadd.s32 $0xFFFFF000  }
0x5c9: {  	[hbm4b:s0+s3] =	stream.linear.scatter [tilespmem:s30], [sflag:$0x7], $0x200, $0x38;
	[tilespmem:$0x18100] =	vst v63  }
0x5ca: {  	s1 =	simm.s32 $0x6700;
	s31 =	sadd.s32 $0x40, s0  }
0x5cb: {  	[hbm4b:s31+s3] =	stream.linear.scatter [tilespmem:s1], [sflag:$0x7], $0x200, $0x38;
	[tilespmem:$0x18100] =	vst v63  }
0x5cc: {  	s14 =	simm.s32 $0x6B00;
	s6 =	sadd.s32 $0x80, s0  }
0x5cd: {  	[hbm4b:s6+s3] =	stream.linear.scatter [tilespmem:s14], [sflag:$0x7], $0x200, $0x38;
	[tilespmem:$0x18100] =	vst v63  }
0x5ce: {  	s23 =	simm.s32 $0x6F00;
	s19 =	sadd.s32 $0xC0, s0  }
0x5cf: {  	[hbm4b:s19+s3] =	stream.linear.scatter [tilespmem:s23], [sflag:$0x7], $0x200, $0x38;
	[tilespmem:$0x18100] =	vst v63  }
0x5d0: {  	s29 =	sadd.s32 $0x100, s0;
	s30 =	simm.s32 $0x7300  }
0x5d1: {  	[hbm4b:s29+s3] =	stream.linear.scatter [tilespmem:s30], [sflag:$0x7], $0x200, $0x38;
	[tilespmem:$0x18100] =	vst v63  }
0x5d2: {  	s31 =	sadd.s32 $0x140, s0;
	s1 =	simm.s32 $0x7700  }
0x5d3: {  	[hbm4b:s31+s3] =	stream.linear.scatter [tilespmem:s1], [sflag:$0x7], $0x200, $0x38;
	[tilespmem:$0x18100] =	vst v63  }
0x5d4: {  	s6 =	sadd.s32 $0x180, s0;
	s14 =	simm.s32 $0x7B00  }
0x5d5: {  	[hbm4b:s6+s3] =	stream.linear.scatter [tilespmem:s14], [sflag:$0x7], $0x200, $0x38;
	[tilespmem:$0x18100] =	vst v63  }
0x5d6: {  	s19 =	sadd.s32 $0x1C0, s0;
	s23 =	simm.s32 $0x7F00  }
0x5d7: {  	[hbm4b:s19+s3] =	stream.linear.scatter [tilespmem:s23], [sflag:$0x7], $0x200, $0x38;
	[tilespmem:$0x18100] =	vst v63  }
0x5d8: {  	_ =	swait.ge [sflag:s21], $0x1000  }
0x5d9: {  	[sflag:s21] =	ssyncset.done $0x0  }
0x5da: {  	[sflag:s21] =	ssyncadd.s32 $0xFFFFF000  }
0x5db: {  	_ =	swait.ge [sflag:s18], $0x4000  }
0x5dc: {  	s0 =	sld [smem:$0x7F5]  }
0x5dd: {  	[sflag:s18] =	ssyncset.done $0x0  }
0x5de: {  	s29 =	simm.s32 $0x8100;
	[sflag:s18] =	ssyncadd.s32 $0xFFFFC000  }
0x5df: {  	[hbm4b:s0+s3] =	stream.linear.scatter [tilespmem:s29], [sflag:$0x7], $0x200, $0x38;
	[tilespmem:$0x18100] =	vst v63  }
0x5e0: {  	s31 =	simm.s32 $0x8500;
	s30 =	sadd.s32 $0x40, s0  }
0x5e1: {  	[hbm4b:s30+s3] =	stream.linear.scatter [tilespmem:s31], [sflag:$0x7], $0x200, $0x38;
	[tilespmem:$0x18100] =	vst v63  }
0x5e2: {  	s2 =	simm.s32 $0x8900;
	s1 =	sadd.s32 $0x80, s0  }
0x5e3: {  	[hbm4b:s1+s3] =	stream.linear.scatter [tilespmem:s2], [sflag:$0x7], $0x200, $0x38;
	[tilespmem:$0x18100] =	vst v63  }
0x5e4: {  	s14 =	simm.s32 $0x8D00;
	s6 =	sadd.s32 $0xC0, s0  }
0x5e5: {  	[hbm4b:s6+s3] =	stream.linear.scatter [tilespmem:s14], [sflag:$0x7], $0x200, $0x38;
	[tilespmem:$0x18100] =	vst v63  }
0x5e6: {  	s19 =	simm.s32 $0x9100;
	s18 =	sadd.s32 $0x100, s0  }
0x5e7: {  	[hbm4b:s18+s3] =	stream.linear.scatter [tilespmem:s19], [sflag:$0x7], $0x200, $0x38;
	[tilespmem:$0x18100] =	vst v63  }
0x5e8: {  	s23 =	sadd.s32 $0x140, s0;
	s29 =	simm.s32 $0x9500  }
0x5e9: {  	[hbm4b:s23+s3] =	stream.linear.scatter [tilespmem:s29], [sflag:$0x7], $0x200, $0x38;
	[tilespmem:$0x18100] =	vst v63  }
0x5ea: {  	s30 =	sadd.s32 $0x180, s0;
	s31 =	simm.s32 $0x9900  }
0x5eb: {  	[hbm4b:s30+s3] =	stream.linear.scatter [tilespmem:s31], [sflag:$0x7], $0x200, $0x38;
	[tilespmem:$0x18100] =	vst v63  }
0x5ec: {  	s1 =	sadd.s32 $0x1C0, s0;
	s2 =	simm.s32 $0x9D00  }
0x5ed: {  	[hbm4b:s1+s3] =	stream.linear.scatter [tilespmem:s2], [sflag:$0x7], $0x200, $0x38;
	[tilespmem:$0x18100] =	vst v63  }
0x5ee: {  	_ =	swait.ge [sflag:s21], $0x1000  }
0x5ef: {  	s0 =	sld [smem:$0x7F6]  }
0x5f0: {  	[sflag:s21] =	ssyncset.done $0x0  }
0x5f1: {  	s6 =	simm.s32 $0x8300;
	[sflag:s21] =	ssyncadd.s32 $0xFFFFF000  }
0x5f2: {  	[hbm4b:s0+s3] =	stream.linear.scatter [tilespmem:s6], [sflag:$0x7], $0x200, $0x38;
	[tilespmem:$0x18100] =	vst v63  }
0x5f3: {  	s18 =	simm.s32 $0x8700;
	s14 =	sadd.s32 $0x40, s0  }
0x5f4: {  	[hbm4b:s14+s3] =	stream.linear.scatter [tilespmem:s18], [sflag:$0x7], $0x200, $0x38;
	[tilespmem:$0x18100] =	vst v63  }
0x5f5: {  	s23 =	simm.s32 $0x8B00;
	s19 =	sadd.s32 $0x80, s0  }
0x5f6: {  	[hbm4b:s19+s3] =	stream.linear.scatter [tilespmem:s23], [sflag:$0x7], $0x200, $0x38;
	[tilespmem:$0x18100] =	vst v63  }
0x5f7: {  	s30 =	simm.s32 $0x8F00;
	s29 =	sadd.s32 $0xC0, s0  }
0x5f8: {  	[hbm4b:s29+s3] =	stream.linear.scatter [tilespmem:s30], [sflag:$0x7], $0x200, $0x38;
	[tilespmem:$0x18100] =	vst v63  }
0x5f9: {  	s1 =	simm.s32 $0x9300;
	s31 =	sadd.s32 $0x100, s0  }
0x5fa: {  	[hbm4b:s31+s3] =	stream.linear.scatter [tilespmem:s1], [sflag:$0x7], $0x200, $0x38;
	[tilespmem:$0x18100] =	vst v63  }
0x5fb: {  	s6 =	sadd.s32 $0x140, s0;
	s14 =	simm.s32 $0x9700  }
0x5fc: {  	[hbm4b:s6+s3] =	stream.linear.scatter [tilespmem:s14], [sflag:$0x7], $0x200, $0x38;
	[tilespmem:$0x18100] =	vst v63  }
0x5fd: {  	s18 =	sadd.s32 $0x180, s0;
	s19 =	simm.s32 $0x9B00  }
0x5fe: {  	[hbm4b:s18+s3] =	stream.linear.scatter [tilespmem:s19], [sflag:$0x7], $0x200, $0x38;
	[tilespmem:$0x18100] =	vst v63  }
0x5ff: {  	s23 =	sadd.s32 $0x1C0, s0;
	s29 =	simm.s32 $0x9F00  }
0x600: {  	[hbm4b:s23+s3] =	stream.linear.scatter [tilespmem:s29], [sflag:$0x7], $0x200, $0x38;
	[tilespmem:$0x18100] =	vst v63  }
0x601: {  	_ =	swait.ge [sflag:s21], $0x1000  }
0x602: {  	s0 =	sld [smem:$0x7F7]  }
0x603: {  	[sflag:s21] =	ssyncset.done $0x0  }
0x604: {  	s30 =	simm.s32 $0xA100;
	[sflag:s21] =	ssyncadd.s32 $0xFFFFF000  }
0x605: {  	[hbm4b:s0+s3] =	stream.linear.scatter [tilespmem:s30], [sflag:$0x7], $0x200, $0x38;
	[tilespmem:$0x18100] =	vst v63  }
0x606: {  	s1 =	simm.s32 $0xA500;
	s31 =	sadd.s32 $0x40, s0  }
0x607: {  	[hbm4b:s31+s3] =	stream.linear.scatter [tilespmem:s1], [sflag:$0x7], $0x200, $0x38;
	[tilespmem:$0x18100] =	vst v63  }
0x608: {  	s14 =	simm.s32 $0xA900;
	s6 =	sadd.s32 $0x80, s0  }
0x609: {  	[hbm4b:s6+s3] =	stream.linear.scatter [tilespmem:s14], [sflag:$0x7], $0x200, $0x38;
	[tilespmem:$0x18100] =	vst v63  }
0x60a: {  	s19 =	simm.s32 $0xAD00;
	s18 =	sadd.s32 $0xC0, s0  }
0x60b: {  	[hbm4b:s18+s3] =	stream.linear.scatter [tilespmem:s19], [sflag:$0x7], $0x200, $0x38;
	[tilespmem:$0x18100] =	vst v63  }
0x60c: {  	s29 =	simm.s32 $0xB100;
	s23 =	sadd.s32 $0x100, s0  }
0x60d: {  	[hbm4b:s23+s3] =	stream.linear.scatter [tilespmem:s29], [sflag:$0x7], $0x200, $0x38;
	[tilespmem:$0x18100] =	vst v63  }
0x60e: {  	s30 =	sadd.s32 $0x140, s0;
	s31 =	simm.s32 $0xB500  }
0x60f: {  	[hbm4b:s30+s3] =	stream.linear.scatter [tilespmem:s31], [sflag:$0x7], $0x200, $0x38;
	[tilespmem:$0x18100] =	vst v63  }
0x610: {  	s2 =	simm.s32 $0xB900;
	s1 =	sadd.s32 $0x180, s0  }
0x611: {  	[hbm4b:s1+s3] =	stream.linear.scatter [tilespmem:s2], [sflag:$0x7], $0x200, $0x38;
	[tilespmem:$0x18100] =	vst v63  }
0x612: {  	s6 =	sadd.s32 $0x1C0, s0;
	s14 =	simm.s32 $0xBD00  }
0x613: {  	[hbm4b:s6+s3] =	stream.linear.scatter [tilespmem:s14], [sflag:$0x7], $0x200, $0x38;
	[tilespmem:$0x18100] =	vst v63  }
0x614: {  	_ =	swait.ge [sflag:s21], $0x1000  }
0x615: {  	s0 =	sld [smem:$0x7F8]  }
0x616: {  	[sflag:s21] =	ssyncset.done $0x0  }
0x617: {  	s18 =	simm.s32 $0xA300;
	[sflag:s21] =	ssyncadd.s32 $0xFFFFF000  }
0x618: {  	[hbm4b:s0+s3] =	stream.linear.scatter [tilespmem:s18], [sflag:$0x7], $0x200, $0x38;
	[tilespmem:$0x18100] =	vst v63  }
0x619: {  	s23 =	simm.s32 $0xA700;
	s19 =	sadd.s32 $0x40, s0  }
0x61a: {  	[hbm4b:s19+s3] =	stream.linear.scatter [tilespmem:s23], [sflag:$0x7], $0x200, $0x38;
	[tilespmem:$0x18100] =	vst v63  }
0x61b: {  	s30 =	simm.s32 $0xAB00;
	s29 =	sadd.s32 $0x80, s0  }
0x61c: {  	[hbm4b:s29+s3] =	stream.linear.scatter [tilespmem:s30], [sflag:$0x7], $0x200, $0x38;
	[tilespmem:$0x18100] =	vst v63  }
0x61d: {  	s1 =	simm.s32 $0xAF00;
	s31 =	sadd.s32 $0xC0, s0  }
0x61e: {  	[hbm4b:s31+s3] =	stream.linear.scatter [tilespmem:s1], [sflag:$0x7], $0x200, $0x38;
	[tilespmem:$0x18100] =	vst v63  }
0x61f: {  	s6 =	simm.s32 $0xB300;
	s2 =	sadd.s32 $0x100, s0  }
0x620: {  	[hbm4b:s2+s3] =	stream.linear.scatter [tilespmem:s6], [sflag:$0x7], $0x200, $0x38;
	[tilespmem:$0x18100] =	vst v63  }
0x621: {  	s14 =	sadd.s32 $0x140, s0;
	s18 =	simm.s32 $0xB700  }
0x622: {  	[hbm4b:s14+s3] =	stream.linear.scatter [tilespmem:s18], [sflag:$0x7], $0x200, $0x38;
	[tilespmem:$0x18100] =	vst v63  }
0x623: {  	s19 =	sadd.s32 $0x180, s0;
	s23 =	simm.s32 $0xBB00  }
0x624: {  	[hbm4b:s19+s3] =	stream.linear.scatter [tilespmem:s23], [sflag:$0x7], $0x200, $0x38;
	[tilespmem:$0x18100] =	vst v63  }
0x625: {  	s29 =	sadd.s32 $0x1C0, s0;
	s30 =	simm.s32 $0xBF00  }
0x626: {  	[hbm4b:s29+s3] =	stream.linear.scatter [tilespmem:s30], [sflag:$0x7], $0x200, $0x38;
	[tilespmem:$0x18100] =	vst v63  }
0x627: {  	_ =	swait.ge [sflag:s21], $0x1000  }
0x628: {  	[sflag:s21] =	ssyncset.done $0x0  }
0x629: {  	[sflag:s21] =	ssyncadd.s32 $0xFFFFF000  }
0x62a: {  	_ =	swait.ge [sflag:s15], $0x4000  }
0x62b: {  	s31 =	sld [smem:$0x7F9]  }
0x62c: {  	[sflag:s15] =	ssyncset.done $0x0  }
0x62d: {  	s25 =	simm.s32 $0xC100;
	[sflag:s15] =	ssyncadd.s32 $0xFFFFC000  }
0x62e: {  	[hbm4b:s31+s3] =	stream.linear.scatter [tilespmem:s25], [sflag:$0x7], $0x200, $0x38;
	[tilespmem:$0x18100] =	vst v63  }
0x62f: {  	s2 =	sadd.s32 $0x40, s31  }
0x630: {  	[hbm4b:s2+s3] =	stream.linear.scatter [tilespmem:s10], [sflag:$0x7], $0x200, $0x38;
	[tilespmem:$0x18100] =	vst v63  }
0x631: {  	s6 =	sadd.s32 $0x80, s31;
	s10 =	simm.s32 $0xC900  }
0x632: {  	[hbm4b:s6+s3] =	stream.linear.scatter [tilespmem:s10], [sflag:$0x7], $0x200, $0x38;
	[tilespmem:$0x18100] =	vst v63  }
0x633: {  	s14 =	sadd.s32 $0xC0, s31  }
0x634: {  	[hbm4b:s14+s3] =	stream.linear.scatter [tilespmem:s11], [sflag:$0x7], $0x200, $0x38;
	[tilespmem:$0x18100] =	vst v63  }
0x635: {  	s18 =	simm.s32 $0xD100;
	s15 =	sadd.s32 $0x100, s31  }
0x636: {  	[hbm4b:s15+s3] =	stream.linear.scatter [tilespmem:s18], [sflag:$0x7], $0x200, $0x38;
	[tilespmem:$0x18100] =	vst v63  }
0x637: {  	s19 =	sadd.s32 $0x140, s31  }
0x638: {  	[hbm4b:s19+s3] =	stream.linear.scatter [tilespmem:s12], [sflag:$0x7], $0x200, $0x38;
	[tilespmem:$0x18100] =	vst v63  }
0x639: {  	s23 =	sadd.s32 $0x180, s31;
	s25 =	simm.s32 $0xD900  }
0x63a: {  	[hbm4b:s23+s3] =	stream.linear.scatter [tilespmem:s25], [sflag:$0x7], $0x200, $0x38;
	[tilespmem:$0x18100] =	vst v63  }
0x63b: {  	s29 =	sadd.s32 $0x1C0, s31  }
0x63c: {  	[hbm4b:s29+s3] =	stream.linear.scatter [tilespmem:s13], [sflag:$0x7], $0x200, $0x38;
	[tilespmem:$0x18100] =	vst v63  }
0x63d: {  	_ =	swait.ge [sflag:s21], $0x1000  }
0x63e: {  	s30 =	sld [smem:$0x7FA]  }
0x63f: {  	[sflag:s21] =	ssyncset.done $0x0  }
0x640: {  	s31 =	simm.s32 $0xC300;
	[sflag:s21] =	ssyncadd.s32 $0xFFFFF000  }
0x641: {  	[hbm4b:s30+s3] =	stream.linear.scatter [tilespmem:s31], [sflag:$0x7], $0x200, $0x38;
	[tilespmem:$0x18100] =	vst v63  }
0x642: {  	s1 =	sadd.s32 $0x40, s30  }
0x643: {  	[hbm4b:s1+s3] =	stream.linear.scatter [tilespmem:s16], [sflag:$0x7], $0x200, $0x38;
	[tilespmem:$0x18100] =	vst v63  }
0x644: {  	s2 =	sadd.s32 $0x80, s30  }
0x645: {  	[hbm4b:s2+s3] =	stream.linear.scatter [tilespmem:s17], [sflag:$0x7], $0x200, $0x38;
	[tilespmem:$0x18100] =	vst v63  }
0x646: {  	s10 =	simm.s32 $0xCF00;
	s6 =	sadd.s32 $0xC0, s30  }
0x647: {  	[hbm4b:s6+s3] =	stream.linear.scatter [tilespmem:s10], [sflag:$0x7], $0x200, $0x38;
	[tilespmem:$0x18100] =	vst v63  }
0x648: {  	s12 =	simm.s32 $0xD300;
	s11 =	sadd.s32 $0x100, s30  }
0x649: {  	[hbm4b:s11+s3] =	stream.linear.scatter [tilespmem:s12], [sflag:$0x7], $0x200, $0x38;
	[tilespmem:$0x18100] =	vst v63  }
0x64a: {  	s13 =	sadd.s32 $0x140, s30  }
0x64b: {  	[hbm4b:s13+s3] =	stream.linear.scatter [tilespmem:s20], [sflag:$0x7], $0x200, $0x38;
	[tilespmem:$0x18100] =	vst v63  }
0x64c: {  	s15 =	simm.s32 $0xDB00;
	s14 =	sadd.s32 $0x180, s30  }
0x64d: {  	[hbm4b:s14+s3] =	stream.linear.scatter [tilespmem:s15], [sflag:$0x7], $0x200, $0x38;
	[tilespmem:$0x18100] =	vst v63  }
0x64e: {  	s16 =	sadd.s32 $0x1C0, s30;
	s17 =	simm.s32 $0xDF00  }
0x64f: {  	[hbm4b:s16+s3] =	stream.linear.scatter [tilespmem:s17], [sflag:$0x7], $0x200, $0x38;
	[tilespmem:$0x18100] =	vst v63  }
0x650: {  	_ =	swait.ge [sflag:s21], $0x1000  }
0x651: {  	s18 =	sld [smem:$0x7FB]  }
0x652: {  	[sflag:s21] =	ssyncset.done $0x0  }
0x653: {  	s19 =	simm.s32 $0xE100;
	[sflag:s21] =	ssyncadd.s32 $0xFFFFF000  }
0x654: {  	[hbm4b:s18+s3] =	stream.linear.scatter [tilespmem:s19], [sflag:$0x7], $0x200, $0x38;
	[tilespmem:$0x18100] =	vst v63  }
0x655: {  	s23 =	simm.s32 $0xE500;
	s20 =	sadd.s32 $0x40, s18  }
0x656: {  	[hbm4b:s20+s3] =	stream.linear.scatter [tilespmem:s23], [sflag:$0x7], $0x200, $0x38;
	[tilespmem:$0x18100] =	vst v63  }
0x657: {  	s29 =	simm.s32 $0xE900;
	s25 =	sadd.s32 $0x80, s18  }
0x658: {  	[hbm4b:s25+s3] =	stream.linear.scatter [tilespmem:s29], [sflag:$0x7], $0x200, $0x38;
	[tilespmem:$0x18100] =	vst v63  }
0x659: {  	s31 =	simm.s32 $0xED00;
	s30 =	sadd.s32 $0xC0, s18  }
0x65a: {  	[hbm4b:s30+s3] =	stream.linear.scatter [tilespmem:s31], [sflag:$0x7], $0x200, $0x38;
	[tilespmem:$0x18100] =	vst v63  }
0x65b: {  	s26 =	simm.s32 $0xF100;
	s1 =	sadd.s32 $0x100, s18  }
0x65c: {  	[hbm4b:s1+s3] =	stream.linear.scatter [tilespmem:s26], [sflag:$0x7], $0x200, $0x38;
	[tilespmem:$0x18100] =	vst v63  }
0x65d: {  	s6 =	simm.s32 $0xF500;
	s2 =	sadd.s32 $0x140, s18  }
0x65e: {  	[hbm4b:s2+s3] =	stream.linear.scatter [tilespmem:s6], [sflag:$0x7], $0x200, $0x38;
	[tilespmem:$0x18100] =	vst v63  }
0x65f: {  	s24 =	simm.s32 $0xF900;
	s10 =	sadd.s32 $0x180, s18  }
0x660: {  	[hbm4b:s10+s3] =	stream.linear.scatter [tilespmem:s24], [sflag:$0x7], $0x200, $0x38;
	[tilespmem:$0x18100] =	vst v63  }
0x661: {  	s12 =	simm.s32 $0xFD00;
	s11 =	sadd.s32 $0x1C0, s18  }
0x662: {  	[hbm4b:s11+s3] =	stream.linear.scatter [tilespmem:s12], [sflag:$0x7], $0x200, $0x38;
	[tilespmem:$0x18100] =	vst v63  }
0x663: {  	_ =	swait.ge [sflag:s21], $0x1000  }
0x664: {  	s13 =	sld [smem:$0x7FD]  }
0x665: {  	[sflag:s21] =	ssyncset.done $0x0  }
0x666: {  	[sflag:s21] =	ssyncadd.s32 $0xFFFFF000  }
0x667: {  	[hbm4b:s13+s3] =	stream.linear.scatter [tilespmem:s8], [sflag:$0x7], $0x200, $0x38;
	[tilespmem:$0x18100] =	vst v63  }
0x668: {  	s15 =	simm.s32 $0xE700;
	s14 =	sadd.s32 $0x40, s13  }
0x669: {  	[hbm4b:s14+s3] =	stream.linear.scatter [tilespmem:s15], [sflag:$0x7], $0x200, $0x38;
	[tilespmem:$0x18100] =	vst v63  }
0x66a: {  	s17 =	simm.s32 $0xEB00;
	s16 =	sadd.s32 $0x80, s13  }
0x66b: {  	[hbm4b:s16+s3] =	stream.linear.scatter [tilespmem:s17], [sflag:$0x7], $0x200, $0x38;
	[tilespmem:$0x18100] =	vst v63  }
0x66c: {  	s19 =	simm.s32 $0xEF00;
	s18 =	sadd.s32 $0xC0, s13  }
0x66d: {  	[hbm4b:s18+s3] =	stream.linear.scatter [tilespmem:s19], [sflag:$0x7], $0x200, $0x38;
	[tilespmem:$0x18100] =	vst v63  }
0x66e: {  	s23 =	simm.s32 $0xF300;
	s20 =	sadd.s32 $0x100, s13  }
0x66f: {  	[hbm4b:s20+s3] =	stream.linear.scatter [tilespmem:s23], [sflag:$0x7], $0x200, $0x38;
	[tilespmem:$0x18100] =	vst v63  }
0x670: {  	s25 =	simm.s32 $0xF700;
	s31 =	rddreg [dreg:$0x16];
	s24 =	sadd.s32 $0x140, s13  }
0x671: {  	[hbm4b:s24+s3] =	stream.linear.scatter [tilespmem:s25], [sflag:$0x7], $0x200, $0x38;
	[tilespmem:$0x18100] =	vst v63  }
0x672: {  	p0 =	sne.s32 s31, $0x1;
	s26 =	sadd.s32 $0x180, s13  }
0x673: {  	[hbm4b:s26+s3] =	stream.linear.scatter [tilespmem:s9], [sflag:$0x7], $0x200, $0x38;
	[tilespmem:$0x18100] =	vst v63  }
.Ltmp0:
0x674: {  	s30 =	simm.s32 $0xFF00;
	s29 =	sadd.s32 $0x1C0, s13;
	(pc) =	sbr.rel @p0 .LBB2_1-.Ltmp0, $4  }
0x675: {  	[hbm4b:s29+s3] =	stream.linear.scatter [tilespmem:s30], [sflag:$0x7], $0x200, $0x38;
	[tilespmem:$0x18100] =	vst v63  }
0x676: {  	_ =	swait.ge [sflag:s21], $0x1000  }
0x677: {  	[sflag:s21] =	ssyncset.done $0x0  }
0x678: {  	s22 =	sadd.s32 $0xFFFFFFFF, s31;
	[sflag:s21] =	ssyncadd.s32 $0xFFFFF000  }
0x679: {  	_ =	sfence.sel $0x180000  }
0x67a: {  	[bflag:$0x0] =	sbarrier.arrive $0xFFFF  }
0x67b: {  	_ =	strace $0x90000047  }
0x67c: {  	s0 =	stileid.u32;
	[bflag:$0x2] =	sbarrier.arrive $0xFFFF  }
0x67d: {  	p0 =	sne.s32 s0, $0x0;
	s0 =	rddreg [dreg:$0x3]  }
0x67e: {  	s0 =	sadd.s32 @!p0 $0x100000, s0  }
0x67f: {  	[sflag:s0] =	ssyncadd.tile.s32 @!p0 $0x1;
	_ =	shalt  }
.Lfunc_end2:
_tile_overlayer_lowered:
.L_overlay_start_2:
0x680: {  	(tag) =	ssettag $0x2  }
0x681: {  	s0 =	rddreg [dreg:$0x0];
	s2 =	stileid.u32  }
0x682: {  	s1 =	rddreg [dreg:$0x1];
	p0 =	sne.s32 s2, $0x0  }
0x683: {  	s3 =	rddreg [dreg:$0x2];
	[bflag:$0x3] =	sbarrier.arrive $0xFFFF;
	s2 =	simm.s32 @!p0 $0x1C07  }
0x684: {  	[timem:s3], [sflag:s2] =	dma.local @!p0 [hbm:s0], s1  }
0x685: {  	s0 =	simm.s32 @!p0 $0x7  }
0x686: {  	_ =	swait.ge @!p0 [sflag:s0], s1  }
0x687: {  	s1 =	ssub.s32 @!p0 $0x0, s1;
	[sflag:s0] =	ssyncset.done @!p0 $0x0  }
0x688: {  	[sflag:s0] =	ssyncadd.s32 @!p0 s1  }
0x689: {  	[bflag:$0x3] =	sbarrier.arrive $0xFFFF  }
0x68a: {  	_ =	shalt  }

</sc_bundles>
